<compile_context>
chip_gen: v7x
topology: tpu7x:2x2x1
jax: 0.10.2.dev20260603
libtpu: 0.0.44.dev20260713+nightly
codegen_flags: <defaults>
</compile_context>

<pallas_src>
import functools

import jax
import jax.numpy as jnp
from jax import lax
from jax.experimental import pallas as pl
from jax.experimental.pallas import tpu as pltpu
from jax.experimental.pallas import tpu_sc as plsc

_N = 10000
_E = 320000
_D = 128
_G = 128
_C = 10

_NC = 2
_NS = 16
_NW = _NC * _NS
_CH = 128
_NCHP = 80
_EPWP = _CH * _NCHP
_EPW = _E // _NW
_NP = _N + 8
_NPAD = _NW * (_EPWP - _EPW)
_RB = 632
_GPS = _G // _NS
_PCH = 80
_PNCH = _EPW // _PCH
_ZB = 80
_NZB = _N // _ZB

_mesh_args = dict(core_axis_name="c", subcore_axis_name="s")




@functools.cache
def _sc_kernels():
    mesh = plsc.VectorSubcoreMesh(**_mesh_args)

    deg = functools.partial(
        pl.kernel,
        out_type=jax.ShapeDtypeStruct((_NC, _N, _D), jnp.float32),
        mesh=mesh,
        scratch_types=[
            pltpu.VMEM((_NCHP, _CH), jnp.int32),
            pltpu.VMEM((_CH, _D), jnp.float32),
            pltpu.VMEM_SHARED((_N, _D), jnp.float32),
            pltpu.SemaphoreType.DMA,
        ],
    )(_deg_body)
    prop = functools.partial(
        pl.kernel,
        out_type=jax.ShapeDtypeStruct((_NC, _N, _D), jnp.float32),
        mesh=mesh,
        scratch_types=(
            [pltpu.VMEM((_PCH,), jnp.int32)] * 8
            + [pltpu.VMEM((_PCH, _D), jnp.float32)] * 4
            + [pltpu.VMEM_SHARED((_N, _D), jnp.float32)]
            + [pltpu.SemaphoreType.DMA] * 8
        ),
    )(_prop_body)
    pool = functools.partial(
        pl.kernel,
        out_type=jax.ShapeDtypeStruct((_NC, _G, _D), jnp.float32),
        mesh=mesh,
        scratch_types=[
            pltpu.VMEM((_ZB,), jnp.int32),
            pltpu.VMEM((_ZB, _D), jnp.float32),
            pltpu.VMEM_SHARED((_G, _D), jnp.float32),
        ],
    )(_pool_body)
    return deg, prop, pool


def _zero_acc(s, zeros_hbm, acc):

    @pl.when(s < _NS - 1)
    def _():
        off = pl.multiple_of(s * _RB, 8)
        pltpu.sync_copy(zeros_hbm.at[pl.ds(off, _RB)], acc.at[pl.ds(off, _RB)])

    @pl.when(s == _NS - 1)
    def _():
        base = (_NS - 1) * _RB
        pltpu.sync_copy(zeros_hbm.at[pl.ds(base, _N - base)],
                        acc.at[pl.ds(base, _N - base)])


def _writeback(c, s, acc, out_hbm):

    @pl.loop(0, _NZB // _NS + 1)
    def _(j):
        bid = s + j * _NS

        @pl.when(bid < _NZB)
        def _():
            off = pl.multiple_of(bid * _ZB, 8)
            pltpu.sync_copy(acc.at[pl.ds(off, _ZB)],
                            out_hbm.at[c, pl.ds(off, _ZB)])


def _deg_body(dst_hbm, ones_hbm, zeros_hbm, out_hbm, didx, ones_v, acc, dsem):
    c = lax.axis_index("c")
    s = lax.axis_index("s")
    wid = c * _NS + s
    _zero_acc(s, zeros_hbm, acc)
    pltpu.sync_copy(dst_hbm.at[wid], didx)
    pltpu.sync_copy(ones_hbm, ones_v)
    plsc.subcore_barrier()

    @pl.loop(0, _NCHP)
    def _(i):
        pltpu.async_copy(ones_v, acc.at[didx.at[i]], dsem, add=True)

    @pl.loop(0, _NCHP)
    def _(i):
        pltpu.make_async_copy(ones_v, acc.at[didx.at[i]], dsem).wait()

    plsc.subcore_barrier()
    _writeback(c, s, acc, out_hbm)


_NBUF = 4
_PITER = (_PNCH - 1) // _NBUF


def _prop_body(t_hbm, src_hbm, dst_hbm, zeros_hbm, out_hbm, *scr):
    sidx = scr[0:4]
    didx = scr[4:8]
    rows = scr[8:12]
    acc = scr[12]
    gsem = scr[13:17]
    ssem = scr[17:21]
    c = lax.axis_index("c")
    s = lax.axis_index("s")
    wid = c * _NS + s
    _zero_acc(s, zeros_hbm, acc)
    plsc.subcore_barrier()
    base = wid * _EPW

    @pl.loop(0, _PITER)
    def _(k):
        i = k * _NBUF
        for p in range(_NBUF):
            @pl.when(k > 0)
            def _(p=p):
                pltpu.make_async_copy(rows[p], acc.at[didx[p]],
                                      ssem[p]).wait()

            off = pl.multiple_of(base + (i + p) * _PCH, 8)
            pltpu.sync_copy(src_hbm.at[pl.ds(off, _PCH)], sidx[p])
            pltpu.sync_copy(dst_hbm.at[pl.ds(off, _PCH)], didx[p])
            pltpu.async_copy(t_hbm.at[sidx[p]], rows[p], gsem[p])

        for p in range(_NBUF):
            pltpu.make_async_copy(t_hbm.at[sidx[p]], rows[p], gsem[p]).wait()
            pltpu.async_copy(rows[p], acc.at[didx[p]], ssem[p], add=True)

    for p in range(_NBUF):
        pltpu.make_async_copy(rows[p], acc.at[didx[p]], ssem[p]).wait()
    off = pl.multiple_of(base + _PITER * _NBUF * _PCH, 8)
    pltpu.sync_copy(src_hbm.at[pl.ds(off, _PCH)], sidx[0])
    pltpu.sync_copy(dst_hbm.at[pl.ds(off, _PCH)], didx[0])
    pltpu.async_copy(t_hbm.at[sidx[0]], rows[0], gsem[0]).wait()
    pltpu.sync_copy(rows[0], acc.at[didx[0]], add=True)

    plsc.subcore_barrier()
    _writeback(c, s, acc, out_hbm)


def _pool_body(h_hbm, batch_hbm, zeros_hbm, out_hbm, idx_v, rows, acc):
    c = lax.axis_index("c")
    s = lax.axis_index("s")
    wid = c * _NS + s
    pltpu.sync_copy(zeros_hbm.at[pl.ds(s * _GPS, _GPS)],
                    acc.at[pl.ds(s * _GPS, _GPS)])
    plsc.subcore_barrier()

    @pl.loop(0, _NZB // _NW + 1)
    def _(j):
        cid = wid + j * _NW

        @pl.when(cid < _NZB)
        def _():
            off = pl.multiple_of(cid * _ZB, 8)
            pltpu.sync_copy(batch_hbm.at[pl.ds(off, _ZB)], idx_v)
            pltpu.sync_copy(h_hbm.at[pl.ds(off, _ZB)], rows)
            pltpu.sync_copy(rows, acc.at[idx_v], add=True)

    plsc.subcore_barrier()
    pltpu.sync_copy(acc.at[pl.ds(s * _GPS, _GPS)],
                    out_hbm.at[c, pl.ds(s * _GPS, _GPS)])



def _dot(a, b):
    return jnp.dot(a, b, preferred_element_type=jnp.float32,
                   precision=lax.Precision.DEFAULT)


def _first_body(x_ref, w_ref, o_ref):
    o_ref[pl.ds(0, _N), :] = _dot(x_ref[...], w_ref[...])
    o_ref[pl.ds(_N, 8), :] = jnp.zeros((8, _D), jnp.float32)


_first_call = pl.pallas_call(
    _first_body, out_shape=jax.ShapeDtypeStruct((_NP, _D), jnp.float32))


def _dinv_scale_body(degacc_ref, t_ref, dinv_ref, o_ref):
    deg = degacc_ref[0][:, 0:1] + degacc_ref[1][:, 0:1] + 1.0
    row = lax.broadcasted_iota(jnp.int32, (_N, 1), 0)
    deg = deg - jnp.where(row == 0, float(_NPAD), 0.0)
    dinv = lax.rsqrt(jnp.maximum(deg, 1.0))
    dinv_ref[...] = dinv
    o_ref[pl.ds(0, _N), :] = t_ref[pl.ds(0, _N), :] * dinv
    o_ref[pl.ds(_N, 8), :] = jnp.zeros((8, _D), jnp.float32)


_dinv_scale_call = pl.pallas_call(
    _dinv_scale_body,
    out_shape=(jax.ShapeDtypeStruct((_N, 1), jnp.float32),
               jax.ShapeDtypeStruct((_NP, _D), jnp.float32)))


def _postbn(acc_ref, t_ref, dinv_ref, b_ref, g_ref, be_ref):
    t = t_ref[pl.ds(0, _N), :]
    u = (acc_ref[0] + acc_ref[1] + t) * dinv_ref[...] + b_ref[...]
    mean = jnp.mean(u, axis=0, keepdims=True)
    var = jnp.mean((u - mean) ** 2, axis=0, keepdims=True)
    return jnp.maximum(
        (u - mean) * lax.rsqrt(var + 1e-5) * g_ref[...] + be_ref[...], 0.0)


def _mid_body(acc_ref, t_ref, dinv_ref, b_ref, g_ref, be_ref, w_ref, o_ref):
    h = _postbn(acc_ref, t_ref, dinv_ref, b_ref, g_ref, be_ref)
    o_ref[pl.ds(0, _N), :] = _dot(h, w_ref[...]) * dinv_ref[...]
    o_ref[pl.ds(_N, 8), :] = jnp.zeros((8, _D), jnp.float32)


_mid_call = pl.pallas_call(
    _mid_body, out_shape=jax.ShapeDtypeStruct((_NP, _D), jnp.float32))


def _last_body(acc_ref, t_ref, dinv_ref, b_ref, g_ref, be_ref, o_ref):
    o_ref[...] = _postbn(acc_ref, t_ref, dinv_ref, b_ref, g_ref, be_ref)


_last_call = pl.pallas_call(
    _last_body, out_shape=jax.ShapeDtypeStruct((_N, _D), jnp.float32))


def _cls_body(p_ref, w_ref, b_ref, o_ref):
    o_ref[...] = _dot(p_ref[0] + p_ref[1], w_ref[...]) + b_ref[...]


_cls_call = pl.pallas_call(
    _cls_body, out_shape=jax.ShapeDtypeStruct((_G, _C), jnp.float32))



def _pad_edges(e, fill):
    e2 = e.reshape(_NW, _EPW)
    e2 = jnp.pad(e2, ((0, 0), (0, _EPWP - _EPW)), constant_values=fill)
    return e2.reshape(_NW, _NCHP, _CH)


def kernel(x, edge_index, batch, W0, b0, gamma0, beta0, W1, b1, gamma1,
           beta1, W2, b2, gamma2, beta2, cW, cb):
    src = edge_index[0]
    dst = edge_index[1]
    dst_blk = _pad_edges(edge_index[1], 0)
    zeros_np = jnp.zeros((_N, _D), jnp.float32)
    ones_ch = jnp.ones((_CH, _D), jnp.float32)

    deg_kernel, prop_kernel, pool_kernel = _sc_kernels()

    degacc = deg_kernel(dst_blk, ones_ch, zeros_np)
    xw0 = _first_call(x, W0)
    dinv, t = _dinv_scale_call(degacc, xw0)

    for (b, g, be, Wn) in ((b0, gamma0, beta0, W1), (b1, gamma1, beta1, W2)):
        acc = prop_kernel(t, src, dst, zeros_np)
        t = _mid_call(acc, t, dinv, b.reshape(1, _D), g.reshape(1, _D),
                      be.reshape(1, _D), Wn)
    acc = prop_kernel(t, src, dst, zeros_np)
    h = _last_call(acc, t, dinv, b2.reshape(1, _D), gamma2.reshape(1, _D),
                   beta2.reshape(1, _D))
    pacc = pool_kernel(h, batch, zeros_np)
    return _cls_call(pacc, cW, cb.reshape(1, _C))

# --- scband reference (transcript-rebuilt; emitter-appended) ---
"""Pipeline reference for scband-gcn-20942260536007 (READ-ONLY COPY).

The authoritative reference and input builder live on the scoring server;
editing this copy changes nothing except your own understanding.
"""

import jax, jax.numpy as jnp
import numpy as np

N = 10000
E = 320000
D = 128
H = 128
O = 128
C = 10
G = 128


def setup_inputs(seed: int = 0) -> dict:
    key = jax.random.key(seed)
    ks = jax.random.split(key, 20)
    inp = {}
    inp["x"] = jax.random.normal(ks[0], (N, D), dtype=jnp.float32)
    inp["edge_index"] = jax.random.randint(ks[1], (2, E), 0, N, dtype=jnp.int32)
    inp["batch"] = jnp.sort(jax.random.randint(ks[2], (N,), 0, G, dtype=jnp.int32))
    dims = [(D, H), (H, H), (H, O)]
    for i, (di, do) in enumerate(dims):
        inp[f"W{i}"] = jax.random.normal(ks[3 + i], (di, do), dtype=jnp.float32) * (1.0 / np.sqrt(di))
        inp[f"b{i}"] = jnp.zeros((do,), dtype=jnp.float32)
        inp[f"gamma{i}"] = jnp.ones((do,), dtype=jnp.float32)
        inp[f"beta{i}"] = jnp.zeros((do,), dtype=jnp.float32)
    inp["cW"] = jax.random.normal(ks[10], (O, C), dtype=jnp.float32) * (1.0 / np.sqrt(O))
    inp["cb"] = jnp.zeros((C,), dtype=jnp.float32)
    return inp


def _gcn_conv(x, W, b, src, dst, norm):
    # GCNConv: X' = D^{-1/2} (A + I) D^{-1/2} X W + b
    xw = x @ W
    msg = norm[:, None] * xw[src]
    out = jax.ops.segment_sum(msg, dst, num_segments=N)
    return out + b


def _bn(h, gamma, beta):
    # BatchNorm1d with batch statistics (training-mode forward)
    mean = jnp.mean(h, axis=0)
    var = jnp.var(h, axis=0)
    return (h - mean) / jnp.sqrt(var + 1e-5) * gamma + beta


def reference(x, edge_index, batch, W0, b0, gamma0, beta0, W1, b1, gamma1, beta1, W2, b2, gamma2, beta2, cW, cb):
    loops = jnp.arange(N, dtype=edge_index.dtype)
    src = jnp.concatenate([edge_index[0], loops])
    dst = jnp.concatenate([edge_index[1], loops])
    deg = jax.ops.segment_sum(jnp.ones_like(src, dtype=jnp.float32), dst, num_segments=N)
    dinv = jax.lax.rsqrt(jnp.maximum(deg, 1.0))
    norm = dinv[src] * dinv[dst]
    layers = [(W0, b0, gamma0, beta0), (W1, b1, gamma1, beta1), (W2, b2, gamma2, beta2)]
    h = x
    for (W, b, g, be) in layers:
        h = _gcn_conv(h, W, b, src, dst, norm)
        h = _bn(h, g, be)
        h = jax.nn.relu(h)
        # dropout p=0.0 -> identity
    pooled = jax.ops.segment_sum(h, batch, num_segments=G)  # global_add_pool
    return pooled @ cW + cb

if __name__ == "__main__":
    import jax
    _d = setup_inputs()
    print(jax.jit(kernel)(*tuple(_d.values())))

</pallas_src>

<mosaic_0001>
#map = affine_map<(d0, d1) -> (0, 0)>
#map1 = affine_map<(d0, d1) -> (0)>
#map2 = affine_map<(d0, d1) -> (0, 0, 0)>
module attributes {stable_mosaic.version = 14 : i64} {
  func.func @_prop_body(%arg0: i32, %arg1: i32, %arg2: memref<10008x128xf32, #tpu.memory_space<hbm>>, %arg3: memref<320000xi32, #tpu.memory_space<hbm>>, %arg4: memref<320000xi32, #tpu.memory_space<hbm>>, %arg5: memref<10000x128xf32, #tpu.memory_space<hbm>>, %arg6: memref<2x10000x128xf32, #tpu.memory_space<hbm>>, %arg7: memref<80xi32, #tpu.memory_space<vmem>>, %arg8: memref<80xi32, #tpu.memory_space<vmem>>, %arg9: memref<80xi32, #tpu.memory_space<vmem>>, %arg10: memref<80xi32, #tpu.memory_space<vmem>>, %arg11: memref<80xi32, #tpu.memory_space<vmem>>, %arg12: memref<80xi32, #tpu.memory_space<vmem>>, %arg13: memref<80xi32, #tpu.memory_space<vmem>>, %arg14: memref<80xi32, #tpu.memory_space<vmem>>, %arg15: memref<80x128xf32, #tpu.memory_space<vmem>>, %arg16: memref<80x128xf32, #tpu.memory_space<vmem>>, %arg17: memref<80x128xf32, #tpu.memory_space<vmem>>, %arg18: memref<80x128xf32, #tpu.memory_space<vmem>>, %arg19: memref<10000x128xf32, #tpu.memory_space<vmem_shared>>, %arg20: memref<!tpu.dma_semaphore, #tpu.memory_space<semaphore_mem>>, %arg21: memref<!tpu.dma_semaphore, #tpu.memory_space<semaphore_mem>>, %arg22: memref<!tpu.dma_semaphore, #tpu.memory_space<semaphore_mem>>, %arg23: memref<!tpu.dma_semaphore, #tpu.memory_space<semaphore_mem>>, %arg24: memref<!tpu.dma_semaphore, #tpu.memory_space<semaphore_mem>>, %arg25: memref<!tpu.dma_semaphore, #tpu.memory_space<semaphore_mem>>, %arg26: memref<!tpu.dma_semaphore, #tpu.memory_space<semaphore_mem>>, %arg27: memref<!tpu.dma_semaphore, #tpu.memory_space<semaphore_mem>>) attributes {dimension_semantics = [#tpu.dimension_semantics<core_parallel>, #tpu.dimension_semantics<subcore_parallel>], iteration_bounds = array<i64: 2, 16>, scalar_prefetch = 0 : i64, scratch_operands = 21 : i64, tpu.core_type = #tpu.core_type<sc_vector_subcore>, window_params = [{transform_indices = #map}, {transform_indices = #map1}, {transform_indices = #map1}, {transform_indices = #map}, {transform_indices = #map2}]} {
    %mul3A = arith.constant 16 : i32
    %mul3A_0 = arith.muli %arg0, %mul3A : i32
    %add3A = arith.addi %mul3A_0, %arg1 : i32
    %lt3A = arith.constant 15 : i32
    %lt3A_1 = arith.cmpi slt, %arg1, %lt3A : i32
    %convert_element_type3A = arith.extui %lt3A_1 : i1 to i32
    %cond3A = arith.constant 0 : i32
    %cond3A_2 = arith.cmpi ne, %convert_element_type3A, %cond3A : i32
    scf.if %cond3A_2 {
      %mul3A_37 = arith.constant 632 : i32
      %mul3A_38 = arith.muli %arg1, %mul3A_37 : i32
      %multiple_of3A_39 = tpu.assume_multiple %mul3A_38, 8 : i32
      "tpu.region"() ({
        %run_scoped3A = tpu.sem_alloc : memref<!tpu.dma_semaphore, #tpu.memory_space<semaphore_mem>>
        %dma_start3A_40 = arith.constant 0 : i32
        %dma_start3A_41 = tpu.memref_slice %arg19[%multiple_of3A_39, %dma_start3A_40] : memref<10000x128xf32, #tpu.memory_space<vmem_shared>> -> memref<632x128xf32, #tpu.memory_space<vmem_shared>>
        %dma_start3A_42 = arith.constant 0 : i32
        %dma_start3A_43 = tpu.memref_slice %arg5[%multiple_of3A_39, %dma_start3A_42] : memref<10000x128xf32, #tpu.memory_space<hbm>> -> memref<632x128xf32, #tpu.memory_space<hbm>>
        tpu.enqueue_dma source(%dma_start3A_43 : memref<632x128xf32, #tpu.memory_space<hbm>>) target(%dma_start3A_41 : memref<632x128xf32, #tpu.memory_space<vmem_shared>>) target_semaphore(%run_scoped3A : memref<!tpu.dma_semaphore, #tpu.memory_space<semaphore_mem>>)
        %dma_wait3A_44 = arith.constant 0 : i32
        %dma_wait3A_45 = tpu.memref_slice %arg19[%multiple_of3A_39, %dma_wait3A_44] : memref<10000x128xf32, #tpu.memory_space<vmem_shared>> -> memref<632x128xf32, #tpu.memory_space<vmem_shared>>
        %dma_wait3A_46 = arith.constant 0 : i32
        %dma_wait3A_47 = tpu.memref_slice %arg5[%multiple_of3A_39, %dma_wait3A_46] : memref<10000x128xf32, #tpu.memory_space<hbm>> -> memref<632x128xf32, #tpu.memory_space<hbm>>
        tpu.wait_dma2 semaphore(%run_scoped3A : memref<!tpu.dma_semaphore, #tpu.memory_space<semaphore_mem>>) src(%dma_wait3A_47 : memref<632x128xf32, #tpu.memory_space<hbm>>) dst(%dma_wait3A_45 : memref<632x128xf32, #tpu.memory_space<vmem_shared>>)
        tpu.yield
      }) : () -> ()
    } else {
    }
    %eq3A = arith.constant 15 : i32
    %eq3A_3 = arith.cmpi eq, %arg1, %eq3A : i32
    %convert_element_type3A_4 = arith.extui %eq3A_3 : i1 to i32
    %cond3A_5 = arith.constant 0 : i32
    %cond3A_6 = arith.cmpi ne, %convert_element_type3A_4, %cond3A_5 : i32
    scf.if %cond3A_6 {
      "tpu.region"() ({
        %run_scoped3A = tpu.sem_alloc : memref<!tpu.dma_semaphore, #tpu.memory_space<semaphore_mem>>
        %dma_start3A_37 = arith.constant 9480 : i32
        %dma_start3A_38 = arith.constant 0 : i32
        %dma_start3A_39 = tpu.memref_slice %arg19[%dma_start3A_37, %dma_start3A_38] : memref<10000x128xf32, #tpu.memory_space<vmem_shared>> -> memref<520x128xf32, #tpu.memory_space<vmem_shared>>
        %dma_start3A_40 = arith.constant 9480 : i32
        %dma_start3A_41 = arith.constant 0 : i32
        %dma_start3A_42 = tpu.memref_slice %arg5[%dma_start3A_40, %dma_start3A_41] : memref<10000x128xf32, #tpu.memory_space<hbm>> -> memref<520x128xf32, #tpu.memory_space<hbm>>
        tpu.enqueue_dma source(%dma_start3A_42 : memref<520x128xf32, #tpu.memory_space<hbm>>) target(%dma_start3A_39 : memref<520x128xf32, #tpu.memory_space<vmem_shared>>) target_semaphore(%run_scoped3A : memref<!tpu.dma_semaphore, #tpu.memory_space<semaphore_mem>>)
        %dma_wait3A_43 = arith.constant 9480 : i32
        %dma_wait3A_44 = arith.constant 0 : i32
        %dma_wait3A_45 = tpu.memref_slice %arg19[%dma_wait3A_43, %dma_wait3A_44] : memref<10000x128xf32, #tpu.memory_space<vmem_shared>> -> memref<520x128xf32, #tpu.memory_space<vmem_shared>>
        %dma_wait3A_46 = arith.constant 9480 : i32
        %dma_wait3A_47 = arith.constant 0 : i32
        %dma_wait3A_48 = tpu.memref_slice %arg5[%dma_wait3A_46, %dma_wait3A_47] : memref<10000x128xf32, #tpu.memory_space<hbm>> -> memref<520x128xf32, #tpu.memory_space<hbm>>
        tpu.wait_dma2 semaphore(%run_scoped3A : memref<!tpu.dma_semaphore, #tpu.memory_space<semaphore_mem>>) src(%dma_wait3A_48 : memref<520x128xf32, #tpu.memory_space<hbm>>) dst(%dma_wait3A_45 : memref<520x128xf32, #tpu.memory_space<vmem_shared>>)
        tpu.yield
      }) : () -> ()
    } else {
    }
    %barrier3A = arith.constant 0 : index
    tpu.barrier barrier_id(%barrier3A)
    %mul3A_7 = arith.constant 10000 : i32
    %mul3A_8 = arith.muli %add3A, %mul3A_7 : i32
    %scan3A = arith.constant 0 : i32
    %scan3A_9 = arith.constant 31 : i32
    %scan3A_10 = arith.addi %scan3A, %scan3A_9 : i32
    %scan3A_11 = arith.constant 1 : i32
    scf.for %scan3A_37 = %scan3A to %scan3A_10 step %scan3A_11  : i32 {
      %mul3A_38 = arith.constant 1 : i32
      %mul3A_39 = arith.muli %scan3A_37, %mul3A_38 : i32
      %add3A_40 = arith.constant 0 : i32
      %add3A_41 = arith.addi %add3A_40, %mul3A_39 : i32
      %mul3A_42 = arith.constant 4 : i32
      %mul3A_43 = arith.muli %add3A_41, %mul3A_42 : i32
      %gt3A = arith.constant 0 : i32
      %gt3A_44 = arith.cmpi sgt, %add3A_41, %gt3A : i32
      %convert_element_type3A_45 = arith.extui %gt3A_44 : i1 to i32
      %cond3A_46 = arith.constant 0 : i32
      %cond3A_47 = arith.cmpi ne, %convert_element_type3A_45, %cond3A_46 : i32
      scf.if %cond3A_47 {
        %dma_wait3A_123 = arith.constant 0 : i32
        %dma_wait3A_124 = arith.constant 0 : i32
        %dma_wait3A_125 = tpu.memref_slice %arg19[%dma_wait3A_123, %dma_wait3A_124] : memref<10000x128xf32, #tpu.memory_space<vmem_shared>> -> memref<10000x128xf32, #tpu.memory_space<vmem_shared>>
        tpu.wait_indirect_dma semaphore(%arg24 : memref<!tpu.dma_semaphore, #tpu.memory_space<semaphore_mem>>) src(%arg15 : memref<80x128xf32, #tpu.memory_space<vmem>>) dst(%dma_wait3A_125 : memref<10000x128xf32, #tpu.memory_space<vmem_shared>>)
      } else {
      }
      %add3A_48 = arith.constant 0 : i32
      %add3A_49 = arith.addi %mul3A_43, %add3A_48 : i32
      %mul3A_50 = arith.constant 80 : i32
      %mul3A_51 = arith.muli %add3A_49, %mul3A_50 : i32
      %add3A_52 = arith.addi %mul3A_8, %mul3A_51 : i32
      %multiple_of3A_53 = tpu.assume_multiple %add3A_52, 8 : i32
      "tpu.region"() ({
        %run_scoped3A = tpu.sem_alloc : memref<!tpu.dma_semaphore, #tpu.memory_space<semaphore_mem>>
        %dma_start3A_123 = tpu.memref_slice %arg3[%multiple_of3A_53] : memref<320000xi32, #tpu.memory_space<hbm>> -> memref<80xi32, #tpu.memory_space<hbm>>
        %dma_start3A_124 = tpu.memref_slice %arg3[%multiple_of3A_53] : memref<320000xi32, #tpu.memory_space<hbm>> -> memref<80xi32, #tpu.memory_space<hbm>>
        tpu.enqueue_dma source(%dma_start3A_124 : memref<80xi32, #tpu.memory_space<hbm>>) target(%arg7 : memref<80xi32, #tpu.memory_space<vmem>>) target_semaphore(%run_scoped3A : memref<!tpu.dma_semaphore, #tpu.memory_space<semaphore_mem>>)
        %dma_wait3A_125 = tpu.memref_slice %arg3[%multiple_of3A_53] : memref<320000xi32, #tpu.memory_space<hbm>> -> memref<80xi32, #tpu.memory_space<hbm>>
        %dma_wait3A_126 = tpu.memref_slice %arg3[%multiple_of3A_53] : memref<320000xi32, #tpu.memory_space<hbm>> -> memref<80xi32, #tpu.memory_space<hbm>>
        tpu.wait_dma2 semaphore(%run_scoped3A : memref<!tpu.dma_semaphore, #tpu.memory_space<semaphore_mem>>) src(%dma_wait3A_126 : memref<80xi32, #tpu.memory_space<hbm>>) dst(%arg7 : memref<80xi32, #tpu.memory_space<vmem>>)
        tpu.yield
      }) : () -> ()
      "tpu.region"() ({
        %run_scoped3A = tpu.sem_alloc : memref<!tpu.dma_semaphore, #tpu.memory_space<semaphore_mem>>
        %dma_start3A_123 = tpu.memref_slice %arg4[%multiple_of3A_53] : memref<320000xi32, #tpu.memory_space<hbm>> -> memref<80xi32, #tpu.memory_space<hbm>>
        %dma_start3A_124 = tpu.memref_slice %arg4[%multiple_of3A_53] : memref<320000xi32, #tpu.memory_space<hbm>> -> memref<80xi32, #tpu.memory_space<hbm>>
        tpu.enqueue_dma source(%dma_start3A_124 : memref<80xi32, #tpu.memory_space<hbm>>) target(%arg11 : memref<80xi32, #tpu.memory_space<vmem>>) target_semaphore(%run_scoped3A : memref<!tpu.dma_semaphore, #tpu.memory_space<semaphore_mem>>)
        %dma_wait3A_125 = tpu.memref_slice %arg4[%multiple_of3A_53] : memref<320000xi32, #tpu.memory_space<hbm>> -> memref<80xi32, #tpu.memory_space<hbm>>
        %dma_wait3A_126 = tpu.memref_slice %arg4[%multiple_of3A_53] : memref<320000xi32, #tpu.memory_space<hbm>> -> memref<80xi32, #tpu.memory_space<hbm>>
        tpu.wait_dma2 semaphore(%run_scoped3A : memref<!tpu.dma_semaphore, #tpu.memory_space<semaphore_mem>>) src(%dma_wait3A_126 : memref<80xi32, #tpu.memory_space<hbm>>) dst(%arg11 : memref<80xi32, #tpu.memory_space<vmem>>)
        tpu.yield
      }) : () -> ()
      %dma_start3A_54 = arith.constant 0 : i32
      %dma_start3A_55 = arith.constant 0 : i32
      %dma_start3A_56 = tpu.memref_slice %arg2[%dma_start3A_54, %dma_start3A_55] : memref<10008x128xf32, #tpu.memory_space<hbm>> -> memref<10008x128xf32, #tpu.memory_space<hbm>>
      tpu.enqueue_indirect_dma source(%dma_start3A_56 : memref<10008x128xf32, #tpu.memory_space<hbm>>) target(%arg15 : memref<80x128xf32, #tpu.memory_space<vmem>>) offsets(%arg7 : memref<80xi32, #tpu.memory_space<vmem>>) semaphore(%arg20 : memref<!tpu.dma_semaphore, #tpu.memory_space<semaphore_mem>>)
      %gt3A_57 = arith.constant 0 : i32
      %gt3A_58 = arith.cmpi sgt, %add3A_41, %gt3A_57 : i32
      %convert_element_type3A_59 = arith.extui %gt3A_58 : i1 to i32
      %cond3A_60 = arith.constant 0 : i32
      %cond3A_61 = arith.cmpi ne, %convert_element_type3A_59, %cond3A_60 : i32
      scf.if %cond3A_61 {
        %dma_wait3A_123 = arith.constant 0 : i32
        %dma_wait3A_124 = arith.constant 0 : i32
        %dma_wait3A_125 = tpu.memref_slice %arg19[%dma_wait3A_123, %dma_wait3A_124] : memref<10000x128xf32, #tpu.memory_space<vmem_shared>> -> memref<10000x128xf32, #tpu.memory_space<vmem_shared>>
        tpu.wait_indirect_dma semaphore(%arg25 : memref<!tpu.dma_semaphore, #tpu.memory_space<semaphore_mem>>) src(%arg16 : memref<80x128xf32, #tpu.memory_space<vmem>>) dst(%dma_wait3A_125 : memref<10000x128xf32, #tpu.memory_space<vmem_shared>>)
      } else {
      }
      %add3A_62 = arith.constant 1 : i32
      %add3A_63 = arith.addi %mul3A_43, %add3A_62 : i32
      %mul3A_64 = arith.constant 80 : i32
      %mul3A_65 = arith.muli %add3A_63, %mul3A_64 : i32
      %add3A_66 = arith.addi %mul3A_8, %mul3A_65 : i32
      %multiple_of3A_67 = tpu.assume_multiple %add3A_66, 8 : i32
      "tpu.region"() ({
        %run_scoped3A = tpu.sem_alloc : memref<!tpu.dma_semaphore, #tpu.memory_space<semaphore_mem>>
        %dma_start3A_123 = tpu.memref_slice %arg3[%multiple_of3A_67] : memref<320000xi32, #tpu.memory_space<hbm>> -> memref<80xi32, #tpu.memory_space<hbm>>
        %dma_start3A_124 = tpu.memref_slice %arg3[%multiple_of3A_67] : memref<320000xi32, #tpu.memory_space<hbm>> -> memref<80xi32, #tpu.memory_space<hbm>>
        tpu.enqueue_dma source(%dma_start3A_124 : memref<80xi32, #tpu.memory_space<hbm>>) target(%arg8 : memref<80xi32, #tpu.memory_space<vmem>>) target_semaphore(%run_scoped3A : memref<!tpu.dma_semaphore, #tpu.memory_space<semaphore_mem>>)
        %dma_wait3A_125 = tpu.memref_slice %arg3[%multiple_of3A_67] : memref<320000xi32, #tpu.memory_space<hbm>> -> memref<80xi32, #tpu.memory_space<hbm>>
        %dma_wait3A_126 = tpu.memref_slice %arg3[%multiple_of3A_67] : memref<320000xi32, #tpu.memory_space<hbm>> -> memref<80xi32, #tpu.memory_space<hbm>>
        tpu.wait_dma2 semaphore(%run_scoped3A : memref<!tpu.dma_semaphore, #tpu.memory_space<semaphore_mem>>) src(%dma_wait3A_126 : memref<80xi32, #tpu.memory_space<hbm>>) dst(%arg8 : memref<80xi32, #tpu.memory_space<vmem>>)
        tpu.yield
      }) : () -> ()
      "tpu.region"() ({
        %run_scoped3A = tpu.sem_alloc : memref<!tpu.dma_semaphore, #tpu.memory_space<semaphore_mem>>
        %dma_start3A_123 = tpu.memref_slice %arg4[%multiple_of3A_67] : memref<320000xi32, #tpu.memory_space<hbm>> -> memref<80xi32, #tpu.memory_space<hbm>>
        %dma_start3A_124 = tpu.memref_slice %arg4[%multiple_of3A_67] : memref<320000xi32, #tpu.memory_space<hbm>> -> memref<80xi32, #tpu.memory_space<hbm>>
        tpu.enqueue_dma source(%dma_start3A_124 : memref<80xi32, #tpu.memory_space<hbm>>) target(%arg12 : memref<80xi32, #tpu.memory_space<vmem>>) target_semaphore(%run_scoped3A : memref<!tpu.dma_semaphore, #tpu.memory_space<semaphore_mem>>)
        %dma_wait3A_125 = tpu.memref_slice %arg4[%multiple_of3A_67] : memref<320000xi32, #tpu.memory_space<hbm>> -> memref<80xi32, #tpu.memory_space<hbm>>
        %dma_wait3A_126 = tpu.memref_slice %arg4[%multiple_of3A_67] : memref<320000xi32, #tpu.memory_space<hbm>> -> memref<80xi32, #tpu.memory_space<hbm>>
        tpu.wait_dma2 semaphore(%run_scoped3A : memref<!tpu.dma_semaphore, #tpu.memory_space<semaphore_mem>>) src(%dma_wait3A_126 : memref<80xi32, #tpu.memory_space<hbm>>) dst(%arg12 : memref<80xi32, #tpu.memory_space<vmem>>)
        tpu.yield
      }) : () -> ()
      %dma_start3A_68 = arith.constant 0 : i32
      %dma_start3A_69 = arith.constant 0 : i32
      %dma_start3A_70 = tpu.memref_slice %arg2[%dma_start3A_68, %dma_start3A_69] : memref<10008x128xf32, #tpu.memory_space<hbm>> -> memref<10008x128xf32, #tpu.memory_space<hbm>>
      tpu.enqueue_indirect_dma source(%dma_start3A_70 : memref<10008x128xf32, #tpu.memory_space<hbm>>) target(%arg16 : memref<80x128xf32, #tpu.memory_space<vmem>>) offsets(%arg8 : memref<80xi32, #tpu.memory_space<vmem>>) semaphore(%arg21 : memref<!tpu.dma_semaphore, #tpu.memory_space<semaphore_mem>>)
      %gt3A_71 = arith.constant 0 : i32
      %gt3A_72 = arith.cmpi sgt, %add3A_41, %gt3A_71 : i32
      %convert_element_type3A_73 = arith.extui %gt3A_72 : i1 to i32
      %cond3A_74 = arith.constant 0 : i32
      %cond3A_75 = arith.cmpi ne, %convert_element_type3A_73, %cond3A_74 : i32
      scf.if %cond3A_75 {
        %dma_wait3A_123 = arith.constant 0 : i32
        %dma_wait3A_124 = arith.constant 0 : i32
        %dma_wait3A_125 = tpu.memref_slice %arg19[%dma_wait3A_123, %dma_wait3A_124] : memref<10000x128xf32, #tpu.memory_space<vmem_shared>> -> memref<10000x128xf32, #tpu.memory_space<vmem_shared>>
        tpu.wait_indirect_dma semaphore(%arg26 : memref<!tpu.dma_semaphore, #tpu.memory_space<semaphore_mem>>) src(%arg17 : memref<80x128xf32, #tpu.memory_space<vmem>>) dst(%dma_wait3A_125 : memref<10000x128xf32, #tpu.memory_space<vmem_shared>>)
      } else {
      }
      %add3A_76 = arith.constant 2 : i32
      %add3A_77 = arith.addi %mul3A_43, %add3A_76 : i32
      %mul3A_78 = arith.constant 80 : i32
      %mul3A_79 = arith.muli %add3A_77, %mul3A_78 : i32
      %add3A_80 = arith.addi %mul3A_8, %mul3A_79 : i32
      %multiple_of3A_81 = tpu.assume_multiple %add3A_80, 8 : i32
      "tpu.region"() ({
        %run_scoped3A = tpu.sem_alloc : memref<!tpu.dma_semaphore, #tpu.memory_space<semaphore_mem>>
        %dma_start3A_123 = tpu.memref_slice %arg3[%multiple_of3A_81] : memref<320000xi32, #tpu.memory_space<hbm>> -> memref<80xi32, #tpu.memory_space<hbm>>
        %dma_start3A_124 = tpu.memref_slice %arg3[%multiple_of3A_81] : memref<320000xi32, #tpu.memory_space<hbm>> -> memref<80xi32, #tpu.memory_space<hbm>>
        tpu.enqueue_dma source(%dma_start3A_124 : memref<80xi32, #tpu.memory_space<hbm>>) target(%arg9 : memref<80xi32, #tpu.memory_space<vmem>>) target_semaphore(%run_scoped3A : memref<!tpu.dma_semaphore, #tpu.memory_space<semaphore_mem>>)
        %dma_wait3A_125 = tpu.memref_slice %arg3[%multiple_of3A_81] : memref<320000xi32, #tpu.memory_space<hbm>> -> memref<80xi32, #tpu.memory_space<hbm>>
        %dma_wait3A_126 = tpu.memref_slice %arg3[%multiple_of3A_81] : memref<320000xi32, #tpu.memory_space<hbm>> -> memref<80xi32, #tpu.memory_space<hbm>>
        tpu.wait_dma2 semaphore(%run_scoped3A : memref<!tpu.dma_semaphore, #tpu.memory_space<semaphore_mem>>) src(%dma_wait3A_126 : memref<80xi32, #tpu.memory_space<hbm>>) dst(%arg9 : memref<80xi32, #tpu.memory_space<vmem>>)
        tpu.yield
      }) : () -> ()
      "tpu.region"() ({
        %run_scoped3A = tpu.sem_alloc : memref<!tpu.dma_semaphore, #tpu.memory_space<semaphore_mem>>
        %dma_start3A_123 = tpu.memref_slice %arg4[%multiple_of3A_81] : memref<320000xi32, #tpu.memory_space<hbm>> -> memref<80xi32, #tpu.memory_space<hbm>>
        %dma_start3A_124 = tpu.memref_slice %arg4[%multiple_of3A_81] : memref<320000xi32, #tpu.memory_space<hbm>> -> memref<80xi32, #tpu.memory_space<hbm>>
        tpu.enqueue_dma source(%dma_start3A_124 : memref<80xi32, #tpu.memory_space<hbm>>) target(%arg13 : memref<80xi32, #tpu.memory_space<vmem>>) target_semaphore(%run_scoped3A : memref<!tpu.dma_semaphore, #tpu.memory_space<semaphore_mem>>)
        %dma_wait3A_125 = tpu.memref_slice %arg4[%multiple_of3A_81] : memref<320000xi32, #tpu.memory_space<hbm>> -> memref<80xi32, #tpu.memory_space<hbm>>
        %dma_wait3A_126 = tpu.memref_slice %arg4[%multiple_of3A_81] : memref<320000xi32, #tpu.memory_space<hbm>> -> memref<80xi32, #tpu.memory_space<hbm>>
        tpu.wait_dma2 semaphore(%run_scoped3A : memref<!tpu.dma_semaphore, #tpu.memory_space<semaphore_mem>>) src(%dma_wait3A_126 : memref<80xi32, #tpu.memory_space<hbm>>) dst(%arg13 : memref<80xi32, #tpu.memory_space<vmem>>)
        tpu.yield
      }) : () -> ()
      %dma_start3A_82 = arith.constant 0 : i32
      %dma_start3A_83 = arith.constant 0 : i32
      %dma_start3A_84 = tpu.memref_slice %arg2[%dma_start3A_82, %dma_start3A_83] : memref<10008x128xf32, #tpu.memory_space<hbm>> -> memref<10008x128xf32, #tpu.memory_space<hbm>>
      tpu.enqueue_indirect_dma source(%dma_start3A_84 : memref<10008x128xf32, #tpu.memory_space<hbm>>) target(%arg17 : memref<80x128xf32, #tpu.memory_space<vmem>>) offsets(%arg9 : memref<80xi32, #tpu.memory_space<vmem>>) semaphore(%arg22 : memref<!tpu.dma_semaphore, #tpu.memory_space<semaphore_mem>>)
      %gt3A_85 = arith.constant 0 : i32
      %gt3A_86 = arith.cmpi sgt, %add3A_41, %gt3A_85 : i32
      %convert_element_type3A_87 = arith.extui %gt3A_86 : i1 to i32
      %cond3A_88 = arith.constant 0 : i32
      %cond3A_89 = arith.cmpi ne, %convert_element_type3A_87, %cond3A_88 : i32
      scf.if %cond3A_89 {
        %dma_wait3A_123 = arith.constant 0 : i32
        %dma_wait3A_124 = arith.constant 0 : i32
        %dma_wait3A_125 = tpu.memref_slice %arg19[%dma_wait3A_123, %dma_wait3A_124] : memref<10000x128xf32, #tpu.memory_space<vmem_shared>> -> memref<10000x128xf32, #tpu.memory_space<vmem_shared>>
        tpu.wait_indirect_dma semaphore(%arg27 : memref<!tpu.dma_semaphore, #tpu.memory_space<semaphore_mem>>) src(%arg18 : memref<80x128xf32, #tpu.memory_space<vmem>>) dst(%dma_wait3A_125 : memref<10000x128xf32, #tpu.memory_space<vmem_shared>>)
      } else {
      }
      %add3A_90 = arith.constant 3 : i32
      %add3A_91 = arith.addi %mul3A_43, %add3A_90 : i32
      %mul3A_92 = arith.constant 80 : i32
      %mul3A_93 = arith.muli %add3A_91, %mul3A_92 : i32
      %add3A_94 = arith.addi %mul3A_8, %mul3A_93 : i32
      %multiple_of3A_95 = tpu.assume_multiple %add3A_94, 8 : i32
      "tpu.region"() ({
        %run_scoped3A = tpu.sem_alloc : memref<!tpu.dma_semaphore, #tpu.memory_space<semaphore_mem>>
        %dma_start3A_123 = tpu.memref_slice %arg3[%multiple_of3A_95] : memref<320000xi32, #tpu.memory_space<hbm>> -> memref<80xi32, #tpu.memory_space<hbm>>
        %dma_start3A_124 = tpu.memref_slice %arg3[%multiple_of3A_95] : memref<320000xi32, #tpu.memory_space<hbm>> -> memref<80xi32, #tpu.memory_space<hbm>>
        tpu.enqueue_dma source(%dma_start3A_124 : memref<80xi32, #tpu.memory_space<hbm>>) target(%arg10 : memref<80xi32, #tpu.memory_space<vmem>>) target_semaphore(%run_scoped3A : memref<!tpu.dma_semaphore, #tpu.memory_space<semaphore_mem>>)
        %dma_wait3A_125 = tpu.memref_slice %arg3[%multiple_of3A_95] : memref<320000xi32, #tpu.memory_space<hbm>> -> memref<80xi32, #tpu.memory_space<hbm>>
        %dma_wait3A_126 = tpu.memref_slice %arg3[%multiple_of3A_95] : memref<320000xi32, #tpu.memory_space<hbm>> -> memref<80xi32, #tpu.memory_space<hbm>>
        tpu.wait_dma2 semaphore(%run_scoped3A : memref<!tpu.dma_semaphore, #tpu.memory_space<semaphore_mem>>) src(%dma_wait3A_126 : memref<80xi32, #tpu.memory_space<hbm>>) dst(%arg10 : memref<80xi32, #tpu.memory_space<vmem>>)
        tpu.yield
      }) : () -> ()
      "tpu.region"() ({
        %run_scoped3A = tpu.sem_alloc : memref<!tpu.dma_semaphore, #tpu.memory_space<semaphore_mem>>
        %dma_start3A_123 = tpu.memref_slice %arg4[%multiple_of3A_95] : memref<320000xi32, #tpu.memory_space<hbm>> -> memref<80xi32, #tpu.memory_space<hbm>>
        %dma_start3A_124 = tpu.memref_slice %arg4[%multiple_of3A_95] : memref<320000xi32, #tpu.memory_space<hbm>> -> memref<80xi32, #tpu.memory_space<hbm>>
        tpu.enqueue_dma source(%dma_start3A_124 : memref<80xi32, #tpu.memory_space<hbm>>) target(%arg14 : memref<80xi32, #tpu.memory_space<vmem>>) target_semaphore(%run_scoped3A : memref<!tpu.dma_semaphore, #tpu.memory_space<semaphore_mem>>)
        %dma_wait3A_125 = tpu.memref_slice %arg4[%multiple_of3A_95] : memref<320000xi32, #tpu.memory_space<hbm>> -> memref<80xi32, #tpu.memory_space<hbm>>
        %dma_wait3A_126 = tpu.memref_slice %arg4[%multiple_of3A_95] : memref<320000xi32, #tpu.memory_space<hbm>> -> memref<80xi32, #tpu.memory_space<hbm>>
        tpu.wait_dma2 semaphore(%run_scoped3A : memref<!tpu.dma_semaphore, #tpu.memory_space<semaphore_mem>>) src(%dma_wait3A_126 : memref<80xi32, #tpu.memory_space<hbm>>) dst(%arg14 : memref<80xi32, #tpu.memory_space<vmem>>)
        tpu.yield
      }) : () -> ()
      %dma_start3A_96 = arith.constant 0 : i32
      %dma_start3A_97 = arith.constant 0 : i32
      %dma_start3A_98 = tpu.memref_slice %arg2[%dma_start3A_96, %dma_start3A_97] : memref<10008x128xf32, #tpu.memory_space<hbm>> -> memref<10008x128xf32, #tpu.memory_space<hbm>>
      tpu.enqueue_indirect_dma source(%dma_start3A_98 : memref<10008x128xf32, #tpu.memory_space<hbm>>) target(%arg18 : memref<80x128xf32, #tpu.memory_space<vmem>>) offsets(%arg10 : memref<80xi32, #tpu.memory_space<vmem>>) semaphore(%arg23 : memref<!tpu.dma_semaphore, #tpu.memory_space<semaphore_mem>>)
      %dma_wait3A_99 = arith.constant 0 : i32
      %dma_wait3A_100 = arith.constant 0 : i32
      %dma_wait3A_101 = tpu.memref_slice %arg2[%dma_wait3A_99, %dma_wait3A_100] : memref<10008x128xf32, #tpu.memory_space<hbm>> -> memref<10008x128xf32, #tpu.memory_space<hbm>>
      tpu.wait_indirect_dma semaphore(%arg20 : memref<!tpu.dma_semaphore, #tpu.memory_space<semaphore_mem>>) src(%dma_wait3A_101 : memref<10008x128xf32, #tpu.memory_space<hbm>>) dst(%arg15 : memref<80x128xf32, #tpu.memory_space<vmem>>)
      %dma_start3A_102 = arith.constant 0 : i32
      %dma_start3A_103 = arith.constant 0 : i32
      %dma_start3A_104 = tpu.memref_slice %arg19[%dma_start3A_102, %dma_start3A_103] : memref<10000x128xf32, #tpu.memory_space<vmem_shared>> -> memref<10000x128xf32, #tpu.memory_space<vmem_shared>>
      tpu.enqueue_indirect_dma source(%arg15 : memref<80x128xf32, #tpu.memory_space<vmem>>) target(%dma_start3A_104 : memref<10000x128xf32, #tpu.memory_space<vmem_shared>>) offsets(%arg11 : memref<80xi32, #tpu.memory_space<vmem>>) semaphore(%arg24 : memref<!tpu.dma_semaphore, #tpu.memory_space<semaphore_mem>>) {add = true}
      %dma_wait3A_105 = arith.constant 0 : i32
      %dma_wait3A_106 = arith.constant 0 : i32
      %dma_wait3A_107 = tpu.memref_slice %arg2[%dma_wait3A_105, %dma_wait3A_106] : memref<10008x128xf32, #tpu.memory_space<hbm>> -> memref<10008x128xf32, #tpu.memory_space<hbm>>
      tpu.wait_indirect_dma semaphore(%arg21 : memref<!tpu.dma_semaphore, #tpu.memory_space<semaphore_mem>>) src(%dma_wait3A_107 : memref<10008x128xf32, #tpu.memory_space<hbm>>) dst(%arg16 : memref<80x128xf32, #tpu.memory_space<vmem>>)
      %dma_start3A_108 = arith.constant 0 : i32
      %dma_start3A_109 = arith.constant 0 : i32
      %dma_start3A_110 = tpu.memref_slice %arg19[%dma_start3A_108, %dma_start3A_109] : memref<10000x128xf32, #tpu.memory_space<vmem_shared>> -> memref<10000x128xf32, #tpu.memory_space<vmem_shared>>
      tpu.enqueue_indirect_dma source(%arg16 : memref<80x128xf32, #tpu.memory_space<vmem>>) target(%dma_start3A_110 : memref<10000x128xf32, #tpu.memory_space<vmem_shared>>) offsets(%arg12 : memref<80xi32, #tpu.memory_space<vmem>>) semaphore(%arg25 : memref<!tpu.dma_semaphore, #tpu.memory_space<semaphore_mem>>) {add = true}
      %dma_wait3A_111 = arith.constant 0 : i32
      %dma_wait3A_112 = arith.constant 0 : i32
      %dma_wait3A_113 = tpu.memref_slice %arg2[%dma_wait3A_111, %dma_wait3A_112] : memref<10008x128xf32, #tpu.memory_space<hbm>> -> memref<10008x128xf32, #tpu.memory_space<hbm>>
      tpu.wait_indirect_dma semaphore(%arg22 : memref<!tpu.dma_semaphore, #tpu.memory_space<semaphore_mem>>) src(%dma_wait3A_113 : memref<10008x128xf32, #tpu.memory_space<hbm>>) dst(%arg17 : memref<80x128xf32, #tpu.memory_space<vmem>>)
      %dma_start3A_114 = arith.constant 0 : i32
      %dma_start3A_115 = arith.constant 0 : i32
      %dma_start3A_116 = tpu.memref_slice %arg19[%dma_start3A_114, %dma_start3A_115] : memref<10000x128xf32, #tpu.memory_space<vmem_shared>> -> memref<10000x128xf32, #tpu.memory_space<vmem_shared>>
      tpu.enqueue_indirect_dma source(%arg17 : memref<80x128xf32, #tpu.memory_space<vmem>>) target(%dma_start3A_116 : memref<10000x128xf32, #tpu.memory_space<vmem_shared>>) offsets(%arg13 : memref<80xi32, #tpu.memory_space<vmem>>) semaphore(%arg26 : memref<!tpu.dma_semaphore, #tpu.memory_space<semaphore_mem>>) {add = true}
      %dma_wait3A_117 = arith.constant 0 : i32
      %dma_wait3A_118 = arith.constant 0 : i32
      %dma_wait3A_119 = tpu.memref_slice %arg2[%dma_wait3A_117, %dma_wait3A_118] : memref<10008x128xf32, #tpu.memory_space<hbm>> -> memref<10008x128xf32, #tpu.memory_space<hbm>>
      tpu.wait_indirect_dma semaphore(%arg23 : memref<!tpu.dma_semaphore, #tpu.memory_space<semaphore_mem>>) src(%dma_wait3A_119 : memref<10008x128xf32, #tpu.memory_space<hbm>>) dst(%arg18 : memref<80x128xf32, #tpu.memory_space<vmem>>)
      %dma_start3A_120 = arith.constant 0 : i32
      %dma_start3A_121 = arith.constant 0 : i32
      %dma_start3A_122 = tpu.memref_slice %arg19[%dma_start3A_120, %dma_start3A_121] : memref<10000x128xf32, #tpu.memory_space<vmem_shared>> -> memref<10000x128xf32, #tpu.memory_space<vmem_shared>>
      tpu.enqueue_indirect_dma source(%arg18 : memref<80x128xf32, #tpu.memory_space<vmem>>) target(%dma_start3A_122 : memref<10000x128xf32, #tpu.memory_space<vmem_shared>>) offsets(%arg14 : memref<80xi32, #tpu.memory_space<vmem>>) semaphore(%arg27 : memref<!tpu.dma_semaphore, #tpu.memory_space<semaphore_mem>>) {add = true}
    }
    %scan3A_12 = arith.constant 31 : i32
    %dma_wait3A = arith.constant 0 : i32
    %dma_wait3A_13 = arith.constant 0 : i32
    %dma_wait3A_14 = tpu.memref_slice %arg19[%dma_wait3A, %dma_wait3A_13] : memref<10000x128xf32, #tpu.memory_space<vmem_shared>> -> memref<10000x128xf32, #tpu.memory_space<vmem_shared>>
    tpu.wait_indirect_dma semaphore(%arg24 : memref<!tpu.dma_semaphore, #tpu.memory_space<semaphore_mem>>) src(%arg15 : memref<80x128xf32, #tpu.memory_space<vmem>>) dst(%dma_wait3A_14 : memref<10000x128xf32, #tpu.memory_space<vmem_shared>>)
    %dma_wait3A_15 = arith.constant 0 : i32
    %dma_wait3A_16 = arith.constant 0 : i32
    %dma_wait3A_17 = tpu.memref_slice %arg19[%dma_wait3A_15, %dma_wait3A_16] : memref<10000x128xf32, #tpu.memory_space<vmem_shared>> -> memref<10000x128xf32, #tpu.memory_space<vmem_shared>>
    tpu.wait_indirect_dma semaphore(%arg25 : memref<!tpu.dma_semaphore, #tpu.memory_space<semaphore_mem>>) src(%arg16 : memref<80x128xf32, #tpu.memory_space<vmem>>) dst(%dma_wait3A_17 : memref<10000x128xf32, #tpu.memory_space<vmem_shared>>)
    %dma_wait3A_18 = arith.constant 0 : i32
    %dma_wait3A_19 = arith.constant 0 : i32
    %dma_wait3A_20 = tpu.memref_slice %arg19[%dma_wait3A_18, %dma_wait3A_19] : memref<10000x128xf32, #tpu.memory_space<vmem_shared>> -> memref<10000x128xf32, #tpu.memory_space<vmem_shared>>
    tpu.wait_indirect_dma semaphore(%arg26 : memref<!tpu.dma_semaphore, #tpu.memory_space<semaphore_mem>>) src(%arg17 : memref<80x128xf32, #tpu.memory_space<vmem>>) dst(%dma_wait3A_20 : memref<10000x128xf32, #tpu.memory_space<vmem_shared>>)
    %dma_wait3A_21 = arith.constant 0 : i32
    %dma_wait3A_22 = arith.constant 0 : i32
    %dma_wait3A_23 = tpu.memref_slice %arg19[%dma_wait3A_21, %dma_wait3A_22] : memref<10000x128xf32, #tpu.memory_space<vmem_shared>> -> memref<10000x128xf32, #tpu.memory_space<vmem_shared>>
    tpu.wait_indirect_dma semaphore(%arg27 : memref<!tpu.dma_semaphore, #tpu.memory_space<semaphore_mem>>) src(%arg18 : memref<80x128xf32, #tpu.memory_space<vmem>>) dst(%dma_wait3A_23 : memref<10000x128xf32, #tpu.memory_space<vmem_shared>>)
    %add3A_24 = arith.constant 9920 : i32
    %add3A_25 = arith.addi %mul3A_8, %add3A_24 : i32
    %multiple_of3A = tpu.assume_multiple %add3A_25, 8 : i32
    "tpu.region"() ({
      %run_scoped3A = tpu.sem_alloc : memref<!tpu.dma_semaphore, #tpu.memory_space<semaphore_mem>>
      %dma_start3A_37 = tpu.memref_slice %arg3[%multiple_of3A] : memref<320000xi32, #tpu.memory_space<hbm>> -> memref<80xi32, #tpu.memory_space<hbm>>
      %dma_start3A_38 = tpu.memref_slice %arg3[%multiple_of3A] : memref<320000xi32, #tpu.memory_space<hbm>> -> memref<80xi32, #tpu.memory_space<hbm>>
      tpu.enqueue_dma source(%dma_start3A_38 : memref<80xi32, #tpu.memory_space<hbm>>) target(%arg7 : memref<80xi32, #tpu.memory_space<vmem>>) target_semaphore(%run_scoped3A : memref<!tpu.dma_semaphore, #tpu.memory_space<semaphore_mem>>)
      %dma_wait3A_39 = tpu.memref_slice %arg3[%multiple_of3A] : memref<320000xi32, #tpu.memory_space<hbm>> -> memref<80xi32, #tpu.memory_space<hbm>>
      %dma_wait3A_40 = tpu.memref_slice %arg3[%multiple_of3A] : memref<320000xi32, #tpu.memory_space<hbm>> -> memref<80xi32, #tpu.memory_space<hbm>>
      tpu.wait_dma2 semaphore(%run_scoped3A : memref<!tpu.dma_semaphore, #tpu.memory_space<semaphore_mem>>) src(%dma_wait3A_40 : memref<80xi32, #tpu.memory_space<hbm>>) dst(%arg7 : memref<80xi32, #tpu.memory_space<vmem>>)
      tpu.yield
    }) : () -> ()
    "tpu.region"() ({
      %run_scoped3A = tpu.sem_alloc : memref<!tpu.dma_semaphore, #tpu.memory_space<semaphore_mem>>
      %dma_start3A_37 = tpu.memref_slice %arg4[%multiple_of3A] : memref<320000xi32, #tpu.memory_space<hbm>> -> memref<80xi32, #tpu.memory_space<hbm>>
      %dma_start3A_38 = tpu.memref_slice %arg4[%multiple_of3A] : memref<320000xi32, #tpu.memory_space<hbm>> -> memref<80xi32, #tpu.memory_space<hbm>>
      tpu.enqueue_dma source(%dma_start3A_38 : memref<80xi32, #tpu.memory_space<hbm>>) target(%arg11 : memref<80xi32, #tpu.memory_space<vmem>>) target_semaphore(%run_scoped3A : memref<!tpu.dma_semaphore, #tpu.memory_space<semaphore_mem>>)
      %dma_wait3A_39 = tpu.memref_slice %arg4[%multiple_of3A] : memref<320000xi32, #tpu.memory_space<hbm>> -> memref<80xi32, #tpu.memory_space<hbm>>
      %dma_wait3A_40 = tpu.memref_slice %arg4[%multiple_of3A] : memref<320000xi32, #tpu.memory_space<hbm>> -> memref<80xi32, #tpu.memory_space<hbm>>
      tpu.wait_dma2 semaphore(%run_scoped3A : memref<!tpu.dma_semaphore, #tpu.memory_space<semaphore_mem>>) src(%dma_wait3A_40 : memref<80xi32, #tpu.memory_space<hbm>>) dst(%arg11 : memref<80xi32, #tpu.memory_space<vmem>>)
      tpu.yield
    }) : () -> ()
    %dma_start3A = arith.constant 0 : i32
    %dma_start3A_26 = arith.constant 0 : i32
    %dma_start3A_27 = tpu.memref_slice %arg2[%dma_start3A, %dma_start3A_26] : memref<10008x128xf32, #tpu.memory_space<hbm>> -> memref<10008x128xf32, #tpu.memory_space<hbm>>
    tpu.enqueue_indirect_dma source(%dma_start3A_27 : memref<10008x128xf32, #tpu.memory_space<hbm>>) target(%arg15 : memref<80x128xf32, #tpu.memory_space<vmem>>) offsets(%arg7 : memref<80xi32, #tpu.memory_space<vmem>>) semaphore(%arg20 : memref<!tpu.dma_semaphore, #tpu.memory_space<semaphore_mem>>)
    %dma_wait3A_28 = arith.constant 0 : i32
    %dma_wait3A_29 = arith.constant 0 : i32
    %dma_wait3A_30 = tpu.memref_slice %arg2[%dma_wait3A_28, %dma_wait3A_29] : memref<10008x128xf32, #tpu.memory_space<hbm>> -> memref<10008x128xf32, #tpu.memory_space<hbm>>
    tpu.wait_indirect_dma semaphore(%arg20 : memref<!tpu.dma_semaphore, #tpu.memory_space<semaphore_mem>>) src(%dma_wait3A_30 : memref<10008x128xf32, #tpu.memory_space<hbm>>) dst(%arg15 : memref<80x128xf32, #tpu.memory_space<vmem>>)
    "tpu.region"() ({
      %run_scoped3A = tpu.sem_alloc : memref<!tpu.dma_semaphore, #tpu.memory_space<semaphore_mem>>
      %dma_start3A_37 = arith.constant 0 : i32
      %dma_start3A_38 = arith.constant 0 : i32
      %dma_start3A_39 = tpu.memref_slice %arg19[%dma_start3A_37, %dma_start3A_38] : memref<10000x128xf32, #tpu.memory_space<vmem_shared>> -> memref<10000x128xf32, #tpu.memory_space<vmem_shared>>
      tpu.enqueue_indirect_dma source(%arg15 : memref<80x128xf32, #tpu.memory_space<vmem>>) target(%dma_start3A_39 : memref<10000x128xf32, #tpu.memory_space<vmem_shared>>) offsets(%arg11 : memref<80xi32, #tpu.memory_space<vmem>>) semaphore(%run_scoped3A : memref<!tpu.dma_semaphore, #tpu.memory_space<semaphore_mem>>) {add = true}
      %dma_wait3A_40 = arith.constant 0 : i32
      %dma_wait3A_41 = arith.constant 0 : i32
      %dma_wait3A_42 = tpu.memref_slice %arg19[%dma_wait3A_40, %dma_wait3A_41] : memref<10000x128xf32, #tpu.memory_space<vmem_shared>> -> memref<10000x128xf32, #tpu.memory_space<vmem_shared>>
      tpu.wait_indirect_dma semaphore(%run_scoped3A : memref<!tpu.dma_semaphore, #tpu.memory_space<semaphore_mem>>) src(%arg15 : memref<80x128xf32, #tpu.memory_space<vmem>>) dst(%dma_wait3A_42 : memref<10000x128xf32, #tpu.memory_space<vmem_shared>>)
      tpu.yield
    }) : () -> ()
    %barrier3A_31 = arith.constant 0 : index
    tpu.barrier barrier_id(%barrier3A_31)
    %scan3A_32 = arith.constant 0 : i32
    %scan3A_33 = arith.constant 8 : i32
    %scan3A_34 = arith.addi %scan3A_32, %scan3A_33 : i32
    %scan3A_35 = arith.constant 1 : i32
    scf.for %scan3A_37 = %scan3A_32 to %scan3A_34 step %scan3A_35  : i32 {
      %mul3A_38 = arith.constant 1 : i32
      %mul3A_39 = arith.muli %scan3A_37, %mul3A_38 : i32
      %add3A_40 = arith.constant 0 : i32
      %add3A_41 = arith.addi %add3A_40, %mul3A_39 : i32
      %mul3A_42 = arith.constant 16 : i32
      %mul3A_43 = arith.muli %add3A_41, %mul3A_42 : i32
      %add3A_44 = arith.addi %arg1, %mul3A_43 : i32
      %lt3A_45 = arith.constant 125 : i32
      %lt3A_46 = arith.cmpi slt, %add3A_44, %lt3A_45 : i32
      %convert_element_type3A_47 = arith.extui %lt3A_46 : i1 to i32
      %cond3A_48 = arith.constant 0 : i32
      %cond3A_49 = arith.cmpi ne, %convert_element_type3A_47, %cond3A_48 : i32
      scf.if %cond3A_49 {
        %mul3A_50 = arith.constant 80 : i32
        %mul3A_51 = arith.muli %add3A_44, %mul3A_50 : i32
        %multiple_of3A_52 = tpu.assume_multiple %mul3A_51, 8 : i32
        "tpu.region"() ({
          %run_scoped3A = tpu.sem_alloc : memref<!tpu.dma_semaphore, #tpu.memory_space<semaphore_mem>>
          %dma_start3A_53 = arith.constant 0 : i32
          %dma_start3A_54 = tpu.memref_slice %arg6[%arg0, %multiple_of3A_52, %dma_start3A_53] : memref<2x10000x128xf32, #tpu.memory_space<hbm>> -> memref<1x80x128xf32, #tpu.memory_space<hbm>>
          %dma_start3A_55 = tpu.memref_squeeze %dma_start3A_54 : memref<1x80x128xf32, #tpu.memory_space<hbm>> -> memref<80x128xf32, #tpu.memory_space<hbm>>
          %dma_start3A_56 = arith.constant 0 : i32
          %dma_start3A_57 = tpu.memref_slice %arg19[%multiple_of3A_52, %dma_start3A_56] : memref<10000x128xf32, #tpu.memory_space<vmem_shared>> -> memref<80x128xf32, #tpu.memory_space<vmem_shared>>
          tpu.enqueue_dma source(%dma_start3A_57 : memref<80x128xf32, #tpu.memory_space<vmem_shared>>) target(%dma_start3A_55 : memref<80x128xf32, #tpu.memory_space<hbm>>) target_semaphore(%run_scoped3A : memref<!tpu.dma_semaphore, #tpu.memory_space<semaphore_mem>>)
          %dma_wait3A_58 = arith.constant 0 : i32
          %dma_wait3A_59 = tpu.memref_slice %arg6[%arg0, %multiple_of3A_52, %dma_wait3A_58] : memref<2x10000x128xf32, #tpu.memory_space<hbm>> -> memref<1x80x128xf32, #tpu.memory_space<hbm>>
          %dma_wait3A_60 = tpu.memref_squeeze %dma_wait3A_59 : memref<1x80x128xf32, #tpu.memory_space<hbm>> -> memref<80x128xf32, #tpu.memory_space<hbm>>
          %dma_wait3A_61 = arith.constant 0 : i32
          %dma_wait3A_62 = tpu.memref_slice %arg19[%multiple_of3A_52, %dma_wait3A_61] : memref<10000x128xf32, #tpu.memory_space<vmem_shared>> -> memref<80x128xf32, #tpu.memory_space<vmem_shared>>
          tpu.wait_dma2 semaphore(%run_scoped3A : memref<!tpu.dma_semaphore, #tpu.memory_space<semaphore_mem>>) src(%dma_wait3A_62 : memref<80x128xf32, #tpu.memory_space<vmem_shared>>) dst(%dma_wait3A_60 : memref<80x128xf32, #tpu.memory_space<hbm>>)
          tpu.yield
        }) : () -> ()
      } else {
      }
    }
    %scan3A_36 = arith.constant 8 : i32
    return
  }
}

#map = affine_map<(d0, d1) -> (0, 0, 0)>
#map1 = affine_map<(d0, d1) -> (0, 0)>
module attributes {stable_mosaic.version = 14 : i64} {
  func.func @_deg_body(%arg0: i32, %arg1: i32, %arg2: memref<32x80x128xi32, #tpu.memory_space<hbm>>, %arg3: memref<128x128xf32, #tpu.memory_space<hbm>>, %arg4: memref<10000x128xf32, #tpu.memory_space<hbm>>, %arg5: memref<2x10000x128xf32, #tpu.memory_space<hbm>>, %arg6: memref<80x128xi32, #tpu.memory_space<vmem>>, %arg7: memref<128x128xf32, #tpu.memory_space<vmem>>, %arg8: memref<10000x128xf32, #tpu.memory_space<vmem_shared>>, %arg9: memref<!tpu.dma_semaphore, #tpu.memory_space<semaphore_mem>>) attributes {dimension_semantics = [#tpu.dimension_semantics<core_parallel>, #tpu.dimension_semantics<subcore_parallel>], iteration_bounds = array<i64: 2, 16>, scalar_prefetch = 0 : i64, scratch_operands = 4 : i64, tpu.core_type = #tpu.core_type<sc_vector_subcore>, window_params = [{transform_indices = #map}, {transform_indices = #map1}, {transform_indices = #map1}, {transform_indices = #map}]} {
    %mul3A = arith.constant 16 : i32
    %mul3A_0 = arith.muli %arg0, %mul3A : i32
    %add3A = arith.addi %mul3A_0, %arg1 : i32
    %lt3A = arith.constant 15 : i32
    %lt3A_1 = arith.cmpi slt, %arg1, %lt3A : i32
    %convert_element_type3A = arith.extui %lt3A_1 : i1 to i32
    %cond3A = arith.constant 0 : i32
    %cond3A_2 = arith.cmpi ne, %convert_element_type3A, %cond3A : i32
    scf.if %cond3A_2 {
      %mul3A_22 = arith.constant 632 : i32
      %mul3A_23 = arith.muli %arg1, %mul3A_22 : i32
      %multiple_of3A = tpu.assume_multiple %mul3A_23, 8 : i32
      "tpu.region"() ({
        %run_scoped3A = tpu.sem_alloc : memref<!tpu.dma_semaphore, #tpu.memory_space<semaphore_mem>>
        %dma_start3A = arith.constant 0 : i32
        %dma_start3A_24 = tpu.memref_slice %arg8[%multiple_of3A, %dma_start3A] : memref<10000x128xf32, #tpu.memory_space<vmem_shared>> -> memref<632x128xf32, #tpu.memory_space<vmem_shared>>
        %dma_start3A_25 = arith.constant 0 : i32
        %dma_start3A_26 = tpu.memref_slice %arg4[%multiple_of3A, %dma_start3A_25] : memref<10000x128xf32, #tpu.memory_space<hbm>> -> memref<632x128xf32, #tpu.memory_space<hbm>>
        tpu.enqueue_dma source(%dma_start3A_26 : memref<632x128xf32, #tpu.memory_space<hbm>>) target(%dma_start3A_24 : memref<632x128xf32, #tpu.memory_space<vmem_shared>>) target_semaphore(%run_scoped3A : memref<!tpu.dma_semaphore, #tpu.memory_space<semaphore_mem>>)
        %dma_wait3A = arith.constant 0 : i32
        %dma_wait3A_27 = tpu.memref_slice %arg8[%multiple_of3A, %dma_wait3A] : memref<10000x128xf32, #tpu.memory_space<vmem_shared>> -> memref<632x128xf32, #tpu.memory_space<vmem_shared>>
        %dma_wait3A_28 = arith.constant 0 : i32
        %dma_wait3A_29 = tpu.memref_slice %arg4[%multiple_of3A, %dma_wait3A_28] : memref<10000x128xf32, #tpu.memory_space<hbm>> -> memref<632x128xf32, #tpu.memory_space<hbm>>
        tpu.wait_dma2 semaphore(%run_scoped3A : memref<!tpu.dma_semaphore, #tpu.memory_space<semaphore_mem>>) src(%dma_wait3A_29 : memref<632x128xf32, #tpu.memory_space<hbm>>) dst(%dma_wait3A_27 : memref<632x128xf32, #tpu.memory_space<vmem_shared>>)
        tpu.yield
      }) : () -> ()
    } else {
    }
    %eq3A = arith.constant 15 : i32
    %eq3A_3 = arith.cmpi eq, %arg1, %eq3A : i32
    %convert_element_type3A_4 = arith.extui %eq3A_3 : i1 to i32
    %cond3A_5 = arith.constant 0 : i32
    %cond3A_6 = arith.cmpi ne, %convert_element_type3A_4, %cond3A_5 : i32
    scf.if %cond3A_6 {
      "tpu.region"() ({
        %run_scoped3A = tpu.sem_alloc : memref<!tpu.dma_semaphore, #tpu.memory_space<semaphore_mem>>
        %dma_start3A = arith.constant 9480 : i32
        %dma_start3A_22 = arith.constant 0 : i32
        %dma_start3A_23 = tpu.memref_slice %arg8[%dma_start3A, %dma_start3A_22] : memref<10000x128xf32, #tpu.memory_space<vmem_shared>> -> memref<520x128xf32, #tpu.memory_space<vmem_shared>>
        %dma_start3A_24 = arith.constant 9480 : i32
        %dma_start3A_25 = arith.constant 0 : i32
        %dma_start3A_26 = tpu.memref_slice %arg4[%dma_start3A_24, %dma_start3A_25] : memref<10000x128xf32, #tpu.memory_space<hbm>> -> memref<520x128xf32, #tpu.memory_space<hbm>>
        tpu.enqueue_dma source(%dma_start3A_26 : memref<520x128xf32, #tpu.memory_space<hbm>>) target(%dma_start3A_23 : memref<520x128xf32, #tpu.memory_space<vmem_shared>>) target_semaphore(%run_scoped3A : memref<!tpu.dma_semaphore, #tpu.memory_space<semaphore_mem>>)
        %dma_wait3A = arith.constant 9480 : i32
        %dma_wait3A_27 = arith.constant 0 : i32
        %dma_wait3A_28 = tpu.memref_slice %arg8[%dma_wait3A, %dma_wait3A_27] : memref<10000x128xf32, #tpu.memory_space<vmem_shared>> -> memref<520x128xf32, #tpu.memory_space<vmem_shared>>
        %dma_wait3A_29 = arith.constant 9480 : i32
        %dma_wait3A_30 = arith.constant 0 : i32
        %dma_wait3A_31 = tpu.memref_slice %arg4[%dma_wait3A_29, %dma_wait3A_30] : memref<10000x128xf32, #tpu.memory_space<hbm>> -> memref<520x128xf32, #tpu.memory_space<hbm>>
        tpu.wait_dma2 semaphore(%run_scoped3A : memref<!tpu.dma_semaphore, #tpu.memory_space<semaphore_mem>>) src(%dma_wait3A_31 : memref<520x128xf32, #tpu.memory_space<hbm>>) dst(%dma_wait3A_28 : memref<520x128xf32, #tpu.memory_space<vmem_shared>>)
        tpu.yield
      }) : () -> ()
    } else {
    }
    "tpu.region"() ({
      %run_scoped3A = tpu.sem_alloc : memref<!tpu.dma_semaphore, #tpu.memory_space<semaphore_mem>>
      %dma_start3A = arith.constant 0 : i32
      %dma_start3A_22 = arith.constant 0 : i32
      %dma_start3A_23 = tpu.memref_slice %arg2[%add3A, %dma_start3A, %dma_start3A_22] : memref<32x80x128xi32, #tpu.memory_space<hbm>> -> memref<1x80x128xi32, #tpu.memory_space<hbm>>
      %dma_start3A_24 = tpu.memref_squeeze %dma_start3A_23 : memref<1x80x128xi32, #tpu.memory_space<hbm>> -> memref<80x128xi32, #tpu.memory_space<hbm>>
      %dma_start3A_25 = arith.constant 0 : i32
      %dma_start3A_26 = arith.constant 0 : i32
      %dma_start3A_27 = tpu.memref_slice %arg2[%add3A, %dma_start3A_25, %dma_start3A_26] : memref<32x80x128xi32, #tpu.memory_space<hbm>> -> memref<1x80x128xi32, #tpu.memory_space<hbm>>
      %dma_start3A_28 = tpu.memref_squeeze %dma_start3A_27 : memref<1x80x128xi32, #tpu.memory_space<hbm>> -> memref<80x128xi32, #tpu.memory_space<hbm>>
      tpu.enqueue_dma source(%dma_start3A_28 : memref<80x128xi32, #tpu.memory_space<hbm>>) target(%arg6 : memref<80x128xi32, #tpu.memory_space<vmem>>) target_semaphore(%run_scoped3A : memref<!tpu.dma_semaphore, #tpu.memory_space<semaphore_mem>>)
      %dma_wait3A = arith.constant 0 : i32
      %dma_wait3A_29 = arith.constant 0 : i32
      %dma_wait3A_30 = tpu.memref_slice %arg2[%add3A, %dma_wait3A, %dma_wait3A_29] : memref<32x80x128xi32, #tpu.memory_space<hbm>> -> memref<1x80x128xi32, #tpu.memory_space<hbm>>
      %dma_wait3A_31 = tpu.memref_squeeze %dma_wait3A_30 : memref<1x80x128xi32, #tpu.memory_space<hbm>> -> memref<80x128xi32, #tpu.memory_space<hbm>>
      %dma_wait3A_32 = arith.constant 0 : i32
      %dma_wait3A_33 = arith.constant 0 : i32
      %dma_wait3A_34 = tpu.memref_slice %arg2[%add3A, %dma_wait3A_32, %dma_wait3A_33] : memref<32x80x128xi32, #tpu.memory_space<hbm>> -> memref<1x80x128xi32, #tpu.memory_space<hbm>>
      %dma_wait3A_35 = tpu.memref_squeeze %dma_wait3A_34 : memref<1x80x128xi32, #tpu.memory_space<hbm>> -> memref<80x128xi32, #tpu.memory_space<hbm>>
      tpu.wait_dma2 semaphore(%run_scoped3A : memref<!tpu.dma_semaphore, #tpu.memory_space<semaphore_mem>>) src(%dma_wait3A_35 : memref<80x128xi32, #tpu.memory_space<hbm>>) dst(%arg6 : memref<80x128xi32, #tpu.memory_space<vmem>>)
      tpu.yield
    }) : () -> ()
    "tpu.region"() ({
      %run_scoped3A = tpu.sem_alloc : memref<!tpu.dma_semaphore, #tpu.memory_space<semaphore_mem>>
      tpu.enqueue_dma source(%arg3 : memref<128x128xf32, #tpu.memory_space<hbm>>) target(%arg7 : memref<128x128xf32, #tpu.memory_space<vmem>>) target_semaphore(%run_scoped3A : memref<!tpu.dma_semaphore, #tpu.memory_space<semaphore_mem>>)
      tpu.wait_dma2 semaphore(%run_scoped3A : memref<!tpu.dma_semaphore, #tpu.memory_space<semaphore_mem>>) src(%arg3 : memref<128x128xf32, #tpu.memory_space<hbm>>) dst(%arg7 : memref<128x128xf32, #tpu.memory_space<vmem>>)
      tpu.yield
    }) : () -> ()
    %barrier3A = arith.constant 0 : index
    tpu.barrier barrier_id(%barrier3A)
    %scan3A = arith.constant 0 : i32
    %scan3A_7 = arith.constant 80 : i32
    %scan3A_8 = arith.addi %scan3A, %scan3A_7 : i32
    %scan3A_9 = arith.constant 1 : i32
    scf.for %scan3A_22 = %scan3A to %scan3A_8 step %scan3A_9  : i32 {
      %mul3A_23 = arith.constant 1 : i32
      %mul3A_24 = arith.muli %scan3A_22, %mul3A_23 : i32
      %add3A_25 = arith.constant 0 : i32
      %add3A_26 = arith.addi %add3A_25, %mul3A_24 : i32
      %dma_start3A = arith.constant 0 : i32
      %dma_start3A_27 = tpu.memref_slice %arg6[%add3A_26, %dma_start3A] : memref<80x128xi32, #tpu.memory_space<vmem>> -> memref<1x128xi32, #tpu.memory_space<vmem>>
      %dma_start3A_28 = tpu.memref_squeeze %dma_start3A_27 : memref<1x128xi32, #tpu.memory_space<vmem>> -> memref<128xi32, #tpu.memory_space<vmem>>
      %dma_start3A_29 = arith.constant 0 : i32
      %dma_start3A_30 = arith.constant 0 : i32
      %dma_start3A_31 = tpu.memref_slice %arg8[%dma_start3A_29, %dma_start3A_30] : memref<10000x128xf32, #tpu.memory_space<vmem_shared>> -> memref<10000x128xf32, #tpu.memory_space<vmem_shared>>
      tpu.enqueue_indirect_dma source(%arg7 : memref<128x128xf32, #tpu.memory_space<vmem>>) target(%dma_start3A_31 : memref<10000x128xf32, #tpu.memory_space<vmem_shared>>) offsets(%dma_start3A_28 : memref<128xi32, #tpu.memory_space<vmem>>) semaphore(%arg9 : memref<!tpu.dma_semaphore, #tpu.memory_space<semaphore_mem>>) {add = true}
    }
    %scan3A_10 = arith.constant 80 : i32
    %scan3A_11 = arith.constant 0 : i32
    %scan3A_12 = arith.constant 80 : i32
    %scan3A_13 = arith.addi %scan3A_11, %scan3A_12 : i32
    %scan3A_14 = arith.constant 1 : i32
    scf.for %scan3A_22 = %scan3A_11 to %scan3A_13 step %scan3A_14  : i32 {
      %mul3A_23 = arith.constant 1 : i32
      %mul3A_24 = arith.muli %scan3A_22, %mul3A_23 : i32
      %add3A_25 = arith.constant 0 : i32
      %add3A_26 = arith.addi %add3A_25, %mul3A_24 : i32
      %dma_wait3A = arith.constant 0 : i32
      %dma_wait3A_27 = tpu.memref_slice %arg6[%add3A_26, %dma_wait3A] : memref<80x128xi32, #tpu.memory_space<vmem>> -> memref<1x128xi32, #tpu.memory_space<vmem>>
      %dma_wait3A_28 = tpu.memref_squeeze %dma_wait3A_27 : memref<1x128xi32, #tpu.memory_space<vmem>> -> memref<128xi32, #tpu.memory_space<vmem>>
      %dma_wait3A_29 = arith.constant 0 : i32
      %dma_wait3A_30 = arith.constant 0 : i32
      %dma_wait3A_31 = tpu.memref_slice %arg8[%dma_wait3A_29, %dma_wait3A_30] : memref<10000x128xf32, #tpu.memory_space<vmem_shared>> -> memref<10000x128xf32, #tpu.memory_space<vmem_shared>>
      tpu.wait_indirect_dma semaphore(%arg9 : memref<!tpu.dma_semaphore, #tpu.memory_space<semaphore_mem>>) src(%arg7 : memref<128x128xf32, #tpu.memory_space<vmem>>) dst(%dma_wait3A_31 : memref<10000x128xf32, #tpu.memory_space<vmem_shared>>)
    }
    %scan3A_15 = arith.constant 80 : i32
    %barrier3A_16 = arith.constant 0 : index
    tpu.barrier barrier_id(%barrier3A_16)
    %scan3A_17 = arith.constant 0 : i32
    %scan3A_18 = arith.constant 8 : i32
    %scan3A_19 = arith.addi %scan3A_17, %scan3A_18 : i32
    %scan3A_20 = arith.constant 1 : i32
    scf.for %scan3A_22 = %scan3A_17 to %scan3A_19 step %scan3A_20  : i32 {
      %mul3A_23 = arith.constant 1 : i32
      %mul3A_24 = arith.muli %scan3A_22, %mul3A_23 : i32
      %add3A_25 = arith.constant 0 : i32
      %add3A_26 = arith.addi %add3A_25, %mul3A_24 : i32
      %mul3A_27 = arith.constant 16 : i32
      %mul3A_28 = arith.muli %add3A_26, %mul3A_27 : i32
      %add3A_29 = arith.addi %arg1, %mul3A_28 : i32
      %lt3A_30 = arith.constant 125 : i32
      %lt3A_31 = arith.cmpi slt, %add3A_29, %lt3A_30 : i32
      %convert_element_type3A_32 = arith.extui %lt3A_31 : i1 to i32
      %cond3A_33 = arith.constant 0 : i32
      %cond3A_34 = arith.cmpi ne, %convert_element_type3A_32, %cond3A_33 : i32
      scf.if %cond3A_34 {
        %mul3A_35 = arith.constant 80 : i32
        %mul3A_36 = arith.muli %add3A_29, %mul3A_35 : i32
        %multiple_of3A = tpu.assume_multiple %mul3A_36, 8 : i32
        "tpu.region"() ({
          %run_scoped3A = tpu.sem_alloc : memref<!tpu.dma_semaphore, #tpu.memory_space<semaphore_mem>>
          %dma_start3A = arith.constant 0 : i32
          %dma_start3A_37 = tpu.memref_slice %arg5[%arg0, %multiple_of3A, %dma_start3A] : memref<2x10000x128xf32, #tpu.memory_space<hbm>> -> memref<1x80x128xf32, #tpu.memory_space<hbm>>
          %dma_start3A_38 = tpu.memref_squeeze %dma_start3A_37 : memref<1x80x128xf32, #tpu.memory_space<hbm>> -> memref<80x128xf32, #tpu.memory_space<hbm>>
          %dma_start3A_39 = arith.constant 0 : i32
          %dma_start3A_40 = tpu.memref_slice %arg8[%multiple_of3A, %dma_start3A_39] : memref<10000x128xf32, #tpu.memory_space<vmem_shared>> -> memref<80x128xf32, #tpu.memory_space<vmem_shared>>
          tpu.enqueue_dma source(%dma_start3A_40 : memref<80x128xf32, #tpu.memory_space<vmem_shared>>) target(%dma_start3A_38 : memref<80x128xf32, #tpu.memory_space<hbm>>) target_semaphore(%run_scoped3A : memref<!tpu.dma_semaphore, #tpu.memory_space<semaphore_mem>>)
          %dma_wait3A = arith.constant 0 : i32
          %dma_wait3A_41 = tpu.memref_slice %arg5[%arg0, %multiple_of3A, %dma_wait3A] : memref<2x10000x128xf32, #tpu.memory_space<hbm>> -> memref<1x80x128xf32, #tpu.memory_space<hbm>>
          %dma_wait3A_42 = tpu.memref_squeeze %dma_wait3A_41 : memref<1x80x128xf32, #tpu.memory_space<hbm>> -> memref<80x128xf32, #tpu.memory_space<hbm>>
          %dma_wait3A_43 = arith.constant 0 : i32
          %dma_wait3A_44 = tpu.memref_slice %arg8[%multiple_of3A, %dma_wait3A_43] : memref<10000x128xf32, #tpu.memory_space<vmem_shared>> -> memref<80x128xf32, #tpu.memory_space<vmem_shared>>
          tpu.wait_dma2 semaphore(%run_scoped3A : memref<!tpu.dma_semaphore, #tpu.memory_space<semaphore_mem>>) src(%dma_wait3A_44 : memref<80x128xf32, #tpu.memory_space<vmem_shared>>) dst(%dma_wait3A_42 : memref<80x128xf32, #tpu.memory_space<hbm>>)
          tpu.yield
        }) : () -> ()
      } else {
      }
    }
    %scan3A_21 = arith.constant 8 : i32
    return
  }
}

#map = affine_map<(d0, d1) -> (0, 0)>
#map1 = affine_map<(d0, d1) -> (0)>
#map2 = affine_map<(d0, d1) -> (0, 0, 0)>
module attributes {stable_mosaic.version = 14 : i64} {
  func.func @_prop_body(%arg0: i32, %arg1: i32, %arg2: memref<10008x128xf32, #tpu.memory_space<hbm>>, %arg3: memref<320000xi32, #tpu.memory_space<hbm>>, %arg4: memref<320000xi32, #tpu.memory_space<hbm>>, %arg5: memref<10000x128xf32, #tpu.memory_space<hbm>>, %arg6: memref<2x10000x128xf32, #tpu.memory_space<hbm>>, %arg7: memref<80xi32, #tpu.memory_space<vmem>>, %arg8: memref<80xi32, #tpu.memory_space<vmem>>, %arg9: memref<80xi32, #tpu.memory_space<vmem>>, %arg10: memref<80xi32, #tpu.memory_space<vmem>>, %arg11: memref<80xi32, #tpu.memory_space<vmem>>, %arg12: memref<80xi32, #tpu.memory_space<vmem>>, %arg13: memref<80xi32, #tpu.memory_space<vmem>>, %arg14: memref<80xi32, #tpu.memory_space<vmem>>, %arg15: memref<80x128xf32, #tpu.memory_space<vmem>>, %arg16: memref<80x128xf32, #tpu.memory_space<vmem>>, %arg17: memref<80x128xf32, #tpu.memory_space<vmem>>, %arg18: memref<80x128xf32, #tpu.memory_space<vmem>>, %arg19: memref<10000x128xf32, #tpu.memory_space<vmem_shared>>, %arg20: memref<!tpu.dma_semaphore, #tpu.memory_space<semaphore_mem>>, %arg21: memref<!tpu.dma_semaphore, #tpu.memory_space<semaphore_mem>>, %arg22: memref<!tpu.dma_semaphore, #tpu.memory_space<semaphore_mem>>, %arg23: memref<!tpu.dma_semaphore, #tpu.memory_space<semaphore_mem>>, %arg24: memref<!tpu.dma_semaphore, #tpu.memory_space<semaphore_mem>>, %arg25: memref<!tpu.dma_semaphore, #tpu.memory_space<semaphore_mem>>, %arg26: memref<!tpu.dma_semaphore, #tpu.memory_space<semaphore_mem>>, %arg27: memref<!tpu.dma_semaphore, #tpu.memory_space<semaphore_mem>>) attributes {dimension_semantics = [#tpu.dimension_semantics<core_parallel>, #tpu.dimension_semantics<subcore_parallel>], iteration_bounds = array<i64: 2, 16>, scalar_prefetch = 0 : i64, scratch_operands = 21 : i64, tpu.core_type = #tpu.core_type<sc_vector_subcore>, window_params = [{transform_indices = #map}, {transform_indices = #map1}, {transform_indices = #map1}, {transform_indices = #map}, {transform_indices = #map2}]} {
    %mul3A = arith.constant 16 : i32
    %mul3A_0 = arith.muli %arg0, %mul3A : i32
    %add3A = arith.addi %mul3A_0, %arg1 : i32
    %lt3A = arith.constant 15 : i32
    %lt3A_1 = arith.cmpi slt, %arg1, %lt3A : i32
    %convert_element_type3A = arith.extui %lt3A_1 : i1 to i32
    %cond3A = arith.constant 0 : i32
    %cond3A_2 = arith.cmpi ne, %convert_element_type3A, %cond3A : i32
    scf.if %cond3A_2 {
      %mul3A_37 = arith.constant 632 : i32
      %mul3A_38 = arith.muli %arg1, %mul3A_37 : i32
      %multiple_of3A_39 = tpu.assume_multiple %mul3A_38, 8 : i32
      "tpu.region"() ({
        %run_scoped3A = tpu.sem_alloc : memref<!tpu.dma_semaphore, #tpu.memory_space<semaphore_mem>>
        %dma_start3A_40 = arith.constant 0 : i32
        %dma_start3A_41 = tpu.memref_slice %arg19[%multiple_of3A_39, %dma_start3A_40] : memref<10000x128xf32, #tpu.memory_space<vmem_shared>> -> memref<632x128xf32, #tpu.memory_space<vmem_shared>>
        %dma_start3A_42 = arith.constant 0 : i32
        %dma_start3A_43 = tpu.memref_slice %arg5[%multiple_of3A_39, %dma_start3A_42] : memref<10000x128xf32, #tpu.memory_space<hbm>> -> memref<632x128xf32, #tpu.memory_space<hbm>>
        tpu.enqueue_dma source(%dma_start3A_43 : memref<632x128xf32, #tpu.memory_space<hbm>>) target(%dma_start3A_41 : memref<632x128xf32, #tpu.memory_space<vmem_shared>>) target_semaphore(%run_scoped3A : memref<!tpu.dma_semaphore, #tpu.memory_space<semaphore_mem>>)
        %dma_wait3A_44 = arith.constant 0 : i32
        %dma_wait3A_45 = tpu.memref_slice %arg19[%multiple_of3A_39, %dma_wait3A_44] : memref<10000x128xf32, #tpu.memory_space<vmem_shared>> -> memref<632x128xf32, #tpu.memory_space<vmem_shared>>
        %dma_wait3A_46 = arith.constant 0 : i32
        %dma_wait3A_47 = tpu.memref_slice %arg5[%multiple_of3A_39, %dma_wait3A_46] : memref<10000x128xf32, #tpu.memory_space<hbm>> -> memref<632x128xf32, #tpu.memory_space<hbm>>
        tpu.wait_dma2 semaphore(%run_scoped3A : memref<!tpu.dma_semaphore, #tpu.memory_space<semaphore_mem>>) src(%dma_wait3A_47 : memref<632x128xf32, #tpu.memory_space<hbm>>) dst(%dma_wait3A_45 : memref<632x128xf32, #tpu.memory_space<vmem_shared>>)
        tpu.yield
      }) : () -> ()
    } else {
    }
    %eq3A = arith.constant 15 : i32
    %eq3A_3 = arith.cmpi eq, %arg1, %eq3A : i32
    %convert_element_type3A_4 = arith.extui %eq3A_3 : i1 to i32
    %cond3A_5 = arith.constant 0 : i32
    %cond3A_6 = arith.cmpi ne, %convert_element_type3A_4, %cond3A_5 : i32
    scf.if %cond3A_6 {
      "tpu.region"() ({
        %run_scoped3A = tpu.sem_alloc : memref<!tpu.dma_semaphore, #tpu.memory_space<semaphore_mem>>
        %dma_start3A_37 = arith.constant 9480 : i32
        %dma_start3A_38 = arith.constant 0 : i32
        %dma_start3A_39 = tpu.memref_slice %arg19[%dma_start3A_37, %dma_start3A_38] : memref<10000x128xf32, #tpu.memory_space<vmem_shared>> -> memref<520x128xf32, #tpu.memory_space<vmem_shared>>
        %dma_start3A_40 = arith.constant 9480 : i32
        %dma_start3A_41 = arith.constant 0 : i32
        %dma_start3A_42 = tpu.memref_slice %arg5[%dma_start3A_40, %dma_start3A_41] : memref<10000x128xf32, #tpu.memory_space<hbm>> -> memref<520x128xf32, #tpu.memory_space<hbm>>
        tpu.enqueue_dma source(%dma_start3A_42 : memref<520x128xf32, #tpu.memory_space<hbm>>) target(%dma_start3A_39 : memref<520x128xf32, #tpu.memory_space<vmem_shared>>) target_semaphore(%run_scoped3A : memref<!tpu.dma_semaphore, #tpu.memory_space<semaphore_mem>>)
        %dma_wait3A_43 = arith.constant 9480 : i32
        %dma_wait3A_44 = arith.constant 0 : i32
        %dma_wait3A_45 = tpu.memref_slice %arg19[%dma_wait3A_43, %dma_wait3A_44] : memref<10000x128xf32, #tpu.memory_space<vmem_shared>> -> memref<520x128xf32, #tpu.memory_space<vmem_shared>>
        %dma_wait3A_46 = arith.constant 9480 : i32
        %dma_wait3A_47 = arith.constant 0 : i32
        %dma_wait3A_48 = tpu.memref_slice %arg5[%dma_wait3A_46, %dma_wait3A_47] : memref<10000x128xf32, #tpu.memory_space<hbm>> -> memref<520x128xf32, #tpu.memory_space<hbm>>
        tpu.wait_dma2 semaphore(%run_scoped3A : memref<!tpu.dma_semaphore, #tpu.memory_space<semaphore_mem>>) src(%dma_wait3A_48 : memref<520x128xf32, #tpu.memory_space<hbm>>) dst(%dma_wait3A_45 : memref<520x128xf32, #tpu.memory_space<vmem_shared>>)
        tpu.yield
      }) : () -> ()
    } else {
    }
    %barrier3A = arith.constant 0 : index
    tpu.barrier barrier_id(%barrier3A)
    %mul3A_7 = arith.constant 10000 : i32
    %mul3A_8 = arith.muli %add3A, %mul3A_7 : i32
    %scan3A = arith.constant 0 : i32
    %scan3A_9 = arith.constant 31 : i32
    %scan3A_10 = arith.addi %scan3A, %scan3A_9 : i32
    %scan3A_11 = arith.constant 1 : i32
    scf.for %scan3A_37 = %scan3A to %scan3A_10 step %scan3A_11  : i32 {
      %mul3A_38 = arith.constant 1 : i32
      %mul3A_39 = arith.muli %scan3A_37, %mul3A_38 : i32
      %add3A_40 = arith.constant 0 : i32
      %add3A_41 = arith.addi %add3A_40, %mul3A_39 : i32
      %mul3A_42 = arith.constant 4 : i32
      %mul3A_43 = arith.muli %add3A_41, %mul3A_42 : i32
      %gt3A = arith.constant 0 : i32
      %gt3A_44 = arith.cmpi sgt, %add3A_41, %gt3A : i32
      %convert_element_type3A_45 = arith.extui %gt3A_44 : i1 to i32
      %cond3A_46 = arith.constant 0 : i32
      %cond3A_47 = arith.cmpi ne, %convert_element_type3A_45, %cond3A_46 : i32
      scf.if %cond3A_47 {
        %dma_wait3A_123 = arith.constant 0 : i32
        %dma_wait3A_124 = arith.constant 0 : i32
        %dma_wait3A_125 = tpu.memref_slice %arg19[%dma_wait3A_123, %dma_wait3A_124] : memref<10000x128xf32, #tpu.memory_space<vmem_shared>> -> memref<10000x128xf32, #tpu.memory_space<vmem_shared>>
        tpu.wait_indirect_dma semaphore(%arg24 : memref<!tpu.dma_semaphore, #tpu.memory_space<semaphore_mem>>) src(%arg15 : memref<80x128xf32, #tpu.memory_space<vmem>>) dst(%dma_wait3A_125 : memref<10000x128xf32, #tpu.memory_space<vmem_shared>>)
      } else {
      }
      %add3A_48 = arith.constant 0 : i32
      %add3A_49 = arith.addi %mul3A_43, %add3A_48 : i32
      %mul3A_50 = arith.constant 80 : i32
      %mul3A_51 = arith.muli %add3A_49, %mul3A_50 : i32
      %add3A_52 = arith.addi %mul3A_8, %mul3A_51 : i32
      %multiple_of3A_53 = tpu.assume_multiple %add3A_52, 8 : i32
      "tpu.region"() ({
        %run_scoped3A = tpu.sem_alloc : memref<!tpu.dma_semaphore, #tpu.memory_space<semaphore_mem>>
        %dma_start3A_123 = tpu.memref_slice %arg3[%multiple_of3A_53] : memref<320000xi32, #tpu.memory_space<hbm>> -> memref<80xi32, #tpu.memory_space<hbm>>
        %dma_start3A_124 = tpu.memref_slice %arg3[%multiple_of3A_53] : memref<320000xi32, #tpu.memory_space<hbm>> -> memref<80xi32, #tpu.memory_space<hbm>>
        tpu.enqueue_dma source(%dma_start3A_124 : memref<80xi32, #tpu.memory_space<hbm>>) target(%arg7 : memref<80xi32, #tpu.memory_space<vmem>>) target_semaphore(%run_scoped3A : memref<!tpu.dma_semaphore, #tpu.memory_space<semaphore_mem>>)
        %dma_wait3A_125 = tpu.memref_slice %arg3[%multiple_of3A_53] : memref<320000xi32, #tpu.memory_space<hbm>> -> memref<80xi32, #tpu.memory_space<hbm>>
        %dma_wait3A_126 = tpu.memref_slice %arg3[%multiple_of3A_53] : memref<320000xi32, #tpu.memory_space<hbm>> -> memref<80xi32, #tpu.memory_space<hbm>>
        tpu.wait_dma2 semaphore(%run_scoped3A : memref<!tpu.dma_semaphore, #tpu.memory_space<semaphore_mem>>) src(%dma_wait3A_126 : memref<80xi32, #tpu.memory_space<hbm>>) dst(%arg7 : memref<80xi32, #tpu.memory_space<vmem>>)
        tpu.yield
      }) : () -> ()
      "tpu.region"() ({
        %run_scoped3A = tpu.sem_alloc : memref<!tpu.dma_semaphore, #tpu.memory_space<semaphore_mem>>
        %dma_start3A_123 = tpu.memref_slice %arg4[%multiple_of3A_53] : memref<320000xi32, #tpu.memory_space<hbm>> -> memref<80xi32, #tpu.memory_space<hbm>>
        %dma_start3A_124 = tpu.memref_slice %arg4[%multiple_of3A_53] : memref<320000xi32, #tpu.memory_space<hbm>> -> memref<80xi32, #tpu.memory_space<hbm>>
        tpu.enqueue_dma source(%dma_start3A_124 : memref<80xi32, #tpu.memory_space<hbm>>) target(%arg11 : memref<80xi32, #tpu.memory_space<vmem>>) target_semaphore(%run_scoped3A : memref<!tpu.dma_semaphore, #tpu.memory_space<semaphore_mem>>)
        %dma_wait3A_125 = tpu.memref_slice %arg4[%multiple_of3A_53] : memref<320000xi32, #tpu.memory_space<hbm>> -> memref<80xi32, #tpu.memory_space<hbm>>
        %dma_wait3A_126 = tpu.memref_slice %arg4[%multiple_of3A_53] : memref<320000xi32, #tpu.memory_space<hbm>> -> memref<80xi32, #tpu.memory_space<hbm>>
        tpu.wait_dma2 semaphore(%run_scoped3A : memref<!tpu.dma_semaphore, #tpu.memory_space<semaphore_mem>>) src(%dma_wait3A_126 : memref<80xi32, #tpu.memory_space<hbm>>) dst(%arg11 : memref<80xi32, #tpu.memory_space<vmem>>)
        tpu.yield
      }) : () -> ()
      %dma_start3A_54 = arith.constant 0 : i32
      %dma_start3A_55 = arith.constant 0 : i32
      %dma_start3A_56 = tpu.memref_slice %arg2[%dma_start3A_54, %dma_start3A_55] : memref<10008x128xf32, #tpu.memory_space<hbm>> -> memref<10008x128xf32, #tpu.memory_space<hbm>>
      tpu.enqueue_indirect_dma source(%dma_start3A_56 : memref<10008x128xf32, #tpu.memory_space<hbm>>) target(%arg15 : memref<80x128xf32, #tpu.memory_space<vmem>>) offsets(%arg7 : memref<80xi32, #tpu.memory_space<vmem>>) semaphore(%arg20 : memref<!tpu.dma_semaphore, #tpu.memory_space<semaphore_mem>>)
      %gt3A_57 = arith.constant 0 : i32
      %gt3A_58 = arith.cmpi sgt, %add3A_41, %gt3A_57 : i32
      %convert_element_type3A_59 = arith.extui %gt3A_58 : i1 to i32
      %cond3A_60 = arith.constant 0 : i32
      %cond3A_61 = arith.cmpi ne, %convert_element_type3A_59, %cond3A_60 : i32
      scf.if %cond3A_61 {
        %dma_wait3A_123 = arith.constant 0 : i32
        %dma_wait3A_124 = arith.constant 0 : i32
        %dma_wait3A_125 = tpu.memref_slice %arg19[%dma_wait3A_123, %dma_wait3A_124] : memref<10000x128xf32, #tpu.memory_space<vmem_shared>> -> memref<10000x128xf32, #tpu.memory_space<vmem_shared>>
        tpu.wait_indirect_dma semaphore(%arg25 : memref<!tpu.dma_semaphore, #tpu.memory_space<semaphore_mem>>) src(%arg16 : memref<80x128xf32, #tpu.memory_space<vmem>>) dst(%dma_wait3A_125 : memref<10000x128xf32, #tpu.memory_space<vmem_shared>>)
      } else {
      }
      %add3A_62 = arith.constant 1 : i32
      %add3A_63 = arith.addi %mul3A_43, %add3A_62 : i32
      %mul3A_64 = arith.constant 80 : i32
      %mul3A_65 = arith.muli %add3A_63, %mul3A_64 : i32
      %add3A_66 = arith.addi %mul3A_8, %mul3A_65 : i32
      %multiple_of3A_67 = tpu.assume_multiple %add3A_66, 8 : i32
      "tpu.region"() ({
        %run_scoped3A = tpu.sem_alloc : memref<!tpu.dma_semaphore, #tpu.memory_space<semaphore_mem>>
        %dma_start3A_123 = tpu.memref_slice %arg3[%multiple_of3A_67] : memref<320000xi32, #tpu.memory_space<hbm>> -> memref<80xi32, #tpu.memory_space<hbm>>
        %dma_start3A_124 = tpu.memref_slice %arg3[%multiple_of3A_67] : memref<320000xi32, #tpu.memory_space<hbm>> -> memref<80xi32, #tpu.memory_space<hbm>>
        tpu.enqueue_dma source(%dma_start3A_124 : memref<80xi32, #tpu.memory_space<hbm>>) target(%arg8 : memref<80xi32, #tpu.memory_space<vmem>>) target_semaphore(%run_scoped3A : memref<!tpu.dma_semaphore, #tpu.memory_space<semaphore_mem>>)
        %dma_wait3A_125 = tpu.memref_slice %arg3[%multiple_of3A_67] : memref<320000xi32, #tpu.memory_space<hbm>> -> memref<80xi32, #tpu.memory_space<hbm>>
        %dma_wait3A_126 = tpu.memref_slice %arg3[%multiple_of3A_67] : memref<320000xi32, #tpu.memory_space<hbm>> -> memref<80xi32, #tpu.memory_space<hbm>>
        tpu.wait_dma2 semaphore(%run_scoped3A : memref<!tpu.dma_semaphore, #tpu.memory_space<semaphore_mem>>) src(%dma_wait3A_126 : memref<80xi32, #tpu.memory_space<hbm>>) dst(%arg8 : memref<80xi32, #tpu.memory_space<vmem>>)
        tpu.yield
      }) : () -> ()
      "tpu.region"() ({
        %run_scoped3A = tpu.sem_alloc : memref<!tpu.dma_semaphore, #tpu.memory_space<semaphore_mem>>
        %dma_start3A_123 = tpu.memref_slice %arg4[%multiple_of3A_67] : memref<320000xi32, #tpu.memory_space<hbm>> -> memref<80xi32, #tpu.memory_space<hbm>>
        %dma_start3A_124 = tpu.memref_slice %arg4[%multiple_of3A_67] : memref<320000xi32, #tpu.memory_space<hbm>> -> memref<80xi32, #tpu.memory_space<hbm>>
        tpu.enqueue_dma source(%dma_start3A_124 : memref<80xi32, #tpu.memory_space<hbm>>) target(%arg12 : memref<80xi32, #tpu.memory_space<vmem>>) target_semaphore(%run_scoped3A : memref<!tpu.dma_semaphore, #tpu.memory_space<semaphore_mem>>)
        %dma_wait3A_125 = tpu.memref_slice %arg4[%multiple_of3A_67] : memref<320000xi32, #tpu.memory_space<hbm>> -> memref<80xi32, #tpu.memory_space<hbm>>
        %dma_wait3A_126 = tpu.memref_slice %arg4[%multiple_of3A_67] : memref<320000xi32, #tpu.memory_space<hbm>> -> memref<80xi32, #tpu.memory_space<hbm>>
        tpu.wait_dma2 semaphore(%run_scoped3A : memref<!tpu.dma_semaphore, #tpu.memory_space<semaphore_mem>>) src(%dma_wait3A_126 : memref<80xi32, #tpu.memory_space<hbm>>) dst(%arg12 : memref<80xi32, #tpu.memory_space<vmem>>)
        tpu.yield
      }) : () -> ()
      %dma_start3A_68 = arith.constant 0 : i32
      %dma_start3A_69 = arith.constant 0 : i32
      %dma_start3A_70 = tpu.memref_slice %arg2[%dma_start3A_68, %dma_start3A_69] : memref<10008x128xf32, #tpu.memory_space<hbm>> -> memref<10008x128xf32, #tpu.memory_space<hbm>>
      tpu.enqueue_indirect_dma source(%dma_start3A_70 : memref<10008x128xf32, #tpu.memory_space<hbm>>) target(%arg16 : memref<80x128xf32, #tpu.memory_space<vmem>>) offsets(%arg8 : memref<80xi32, #tpu.memory_space<vmem>>) semaphore(%arg21 : memref<!tpu.dma_semaphore, #tpu.memory_space<semaphore_mem>>)
      %gt3A_71 = arith.constant 0 : i32
      %gt3A_72 = arith.cmpi sgt, %add3A_41, %gt3A_71 : i32
      %convert_element_type3A_73 = arith.extui %gt3A_72 : i1 to i32
      %cond3A_74 = arith.constant 0 : i32
      %cond3A_75 = arith.cmpi ne, %convert_element_type3A_73, %cond3A_74 : i32
      scf.if %cond3A_75 {
        %dma_wait3A_123 = arith.constant 0 : i32
        %dma_wait3A_124 = arith.constant 0 : i32
        %dma_wait3A_125 = tpu.memref_slice %arg19[%dma_wait3A_123, %dma_wait3A_124] : memref<10000x128xf32, #tpu.memory_space<vmem_shared>> -> memref<10000x128xf32, #tpu.memory_space<vmem_shared>>
        tpu.wait_indirect_dma semaphore(%arg26 : memref<!tpu.dma_semaphore, #tpu.memory_space<semaphore_mem>>) src(%arg17 : memref<80x128xf32, #tpu.memory_space<vmem>>) dst(%dma_wait3A_125 : memref<10000x128xf32, #tpu.memory_space<vmem_shared>>)
      } else {
      }
      %add3A_76 = arith.constant 2 : i32
      %add3A_77 = arith.addi %mul3A_43, %add3A_76 : i32
      %mul3A_78 = arith.constant 80 : i32
      %mul3A_79 = arith.muli %add3A_77, %mul3A_78 : i32
      %add3A_80 = arith.addi %mul3A_8, %mul3A_79 : i32
      %multiple_of3A_81 = tpu.assume_multiple %add3A_80, 8 : i32
      "tpu.region"() ({
        %run_scoped3A = tpu.sem_alloc : memref<!tpu.dma_semaphore, #tpu.memory_space<semaphore_mem>>
        %dma_start3A_123 = tpu.memref_slice %arg3[%multiple_of3A_81] : memref<320000xi32, #tpu.memory_space<hbm>> -> memref<80xi32, #tpu.memory_space<hbm>>
        %dma_start3A_124 = tpu.memref_slice %arg3[%multiple_of3A_81] : memref<320000xi32, #tpu.memory_space<hbm>> -> memref<80xi32, #tpu.memory_space<hbm>>
        tpu.enqueue_dma source(%dma_start3A_124 : memref<80xi32, #tpu.memory_space<hbm>>) target(%arg9 : memref<80xi32, #tpu.memory_space<vmem>>) target_semaphore(%run_scoped3A : memref<!tpu.dma_semaphore, #tpu.memory_space<semaphore_mem>>)
        %dma_wait3A_125 = tpu.memref_slice %arg3[%multiple_of3A_81] : memref<320000xi32, #tpu.memory_space<hbm>> -> memref<80xi32, #tpu.memory_space<hbm>>
        %dma_wait3A_126 = tpu.memref_slice %arg3[%multiple_of3A_81] : memref<320000xi32, #tpu.memory_space<hbm>> -> memref<80xi32, #tpu.memory_space<hbm>>
        tpu.wait_dma2 semaphore(%run_scoped3A : memref<!tpu.dma_semaphore, #tpu.memory_space<semaphore_mem>>) src(%dma_wait3A_126 : memref<80xi32, #tpu.memory_space<hbm>>) dst(%arg9 : memref<80xi32, #tpu.memory_space<vmem>>)
        tpu.yield
      }) : () -> ()
      "tpu.region"() ({
        %run_scoped3A = tpu.sem_alloc : memref<!tpu.dma_semaphore, #tpu.memory_space<semaphore_mem>>
        %dma_start3A_123 = tpu.memref_slice %arg4[%multiple_of3A_81] : memref<320000xi32, #tpu.memory_space<hbm>> -> memref<80xi32, #tpu.memory_space<hbm>>
        %dma_start3A_124 = tpu.memref_slice %arg4[%multiple_of3A_81] : memref<320000xi32, #tpu.memory_space<hbm>> -> memref<80xi32, #tpu.memory_space<hbm>>
        tpu.enqueue_dma source(%dma_start3A_124 : memref<80xi32, #tpu.memory_space<hbm>>) target(%arg13 : memref<80xi32, #tpu.memory_space<vmem>>) target_semaphore(%run_scoped3A : memref<!tpu.dma_semaphore, #tpu.memory_space<semaphore_mem>>)
        %dma_wait3A_125 = tpu.memref_slice %arg4[%multiple_of3A_81] : memref<320000xi32, #tpu.memory_space<hbm>> -> memref<80xi32, #tpu.memory_space<hbm>>
        %dma_wait3A_126 = tpu.memref_slice %arg4[%multiple_of3A_81] : memref<320000xi32, #tpu.memory_space<hbm>> -> memref<80xi32, #tpu.memory_space<hbm>>
        tpu.wait_dma2 semaphore(%run_scoped3A : memref<!tpu.dma_semaphore, #tpu.memory_space<semaphore_mem>>) src(%dma_wait3A_126 : memref<80xi32, #tpu.memory_space<hbm>>) dst(%arg13 : memref<80xi32, #tpu.memory_space<vmem>>)
        tpu.yield
      }) : () -> ()
      %dma_start3A_82 = arith.constant 0 : i32
      %dma_start3A_83 = arith.constant 0 : i32
      %dma_start3A_84 = tpu.memref_slice %arg2[%dma_start3A_82, %dma_start3A_83] : memref<10008x128xf32, #tpu.memory_space<hbm>> -> memref<10008x128xf32, #tpu.memory_space<hbm>>
      tpu.enqueue_indirect_dma source(%dma_start3A_84 : memref<10008x128xf32, #tpu.memory_space<hbm>>) target(%arg17 : memref<80x128xf32, #tpu.memory_space<vmem>>) offsets(%arg9 : memref<80xi32, #tpu.memory_space<vmem>>) semaphore(%arg22 : memref<!tpu.dma_semaphore, #tpu.memory_space<semaphore_mem>>)
      %gt3A_85 = arith.constant 0 : i32
      %gt3A_86 = arith.cmpi sgt, %add3A_41, %gt3A_85 : i32
      %convert_element_type3A_87 = arith.extui %gt3A_86 : i1 to i32
      %cond3A_88 = arith.constant 0 : i32
      %cond3A_89 = arith.cmpi ne, %convert_element_type3A_87, %cond3A_88 : i32
      scf.if %cond3A_89 {
        %dma_wait3A_123 = arith.constant 0 : i32
        %dma_wait3A_124 = arith.constant 0 : i32
        %dma_wait3A_125 = tpu.memref_slice %arg19[%dma_wait3A_123, %dma_wait3A_124] : memref<10000x128xf32, #tpu.memory_space<vmem_shared>> -> memref<10000x128xf32, #tpu.memory_space<vmem_shared>>
        tpu.wait_indirect_dma semaphore(%arg27 : memref<!tpu.dma_semaphore, #tpu.memory_space<semaphore_mem>>) src(%arg18 : memref<80x128xf32, #tpu.memory_space<vmem>>) dst(%dma_wait3A_125 : memref<10000x128xf32, #tpu.memory_space<vmem_shared>>)
      } else {
      }
      %add3A_90 = arith.constant 3 : i32
      %add3A_91 = arith.addi %mul3A_43, %add3A_90 : i32
      %mul3A_92 = arith.constant 80 : i32
      %mul3A_93 = arith.muli %add3A_91, %mul3A_92 : i32
      %add3A_94 = arith.addi %mul3A_8, %mul3A_93 : i32
      %multiple_of3A_95 = tpu.assume_multiple %add3A_94, 8 : i32
      "tpu.region"() ({
        %run_scoped3A = tpu.sem_alloc : memref<!tpu.dma_semaphore, #tpu.memory_space<semaphore_mem>>
        %dma_start3A_123 = tpu.memref_slice %arg3[%multiple_of3A_95] : memref<320000xi32, #tpu.memory_space<hbm>> -> memref<80xi32, #tpu.memory_space<hbm>>
        %dma_start3A_124 = tpu.memref_slice %arg3[%multiple_of3A_95] : memref<320000xi32, #tpu.memory_space<hbm>> -> memref<80xi32, #tpu.memory_space<hbm>>
        tpu.enqueue_dma source(%dma_start3A_124 : memref<80xi32, #tpu.memory_space<hbm>>) target(%arg10 : memref<80xi32, #tpu.memory_space<vmem>>) target_semaphore(%run_scoped3A : memref<!tpu.dma_semaphore, #tpu.memory_space<semaphore_mem>>)
        %dma_wait3A_125 = tpu.memref_slice %arg3[%multiple_of3A_95] : memref<320000xi32, #tpu.memory_space<hbm>> -> memref<80xi32, #tpu.memory_space<hbm>>
        %dma_wait3A_126 = tpu.memref_slice %arg3[%multiple_of3A_95] : memref<320000xi32, #tpu.memory_space<hbm>> -> memref<80xi32, #tpu.memory_space<hbm>>
        tpu.wait_dma2 semaphore(%run_scoped3A : memref<!tpu.dma_semaphore, #tpu.memory_space<semaphore_mem>>) src(%dma_wait3A_126 : memref<80xi32, #tpu.memory_space<hbm>>) dst(%arg10 : memref<80xi32, #tpu.memory_space<vmem>>)
        tpu.yield
      }) : () -> ()
      "tpu.region"() ({
        %run_scoped3A = tpu.sem_alloc : memref<!tpu.dma_semaphore, #tpu.memory_space<semaphore_mem>>
        %dma_start3A_123 = tpu.memref_slice %arg4[%multiple_of3A_95] : memref<320000xi32, #tpu.memory_space<hbm>> -> memref<80xi32, #tpu.memory_space<hbm>>
        %dma_start3A_124 = tpu.memref_slice %arg4[%multiple_of3A_95] : memref<320000xi32, #tpu.memory_space<hbm>> -> memref<80xi32, #tpu.memory_space<hbm>>
        tpu.enqueue_dma source(%dma_start3A_124 : memref<80xi32, #tpu.memory_space<hbm>>) target(%arg14 : memref<80xi32, #tpu.memory_space<vmem>>) target_semaphore(%run_scoped3A : memref<!tpu.dma_semaphore, #tpu.memory_space<semaphore_mem>>)
        %dma_wait3A_125 = tpu.memref_slice %arg4[%multiple_of3A_95] : memref<320000xi32, #tpu.memory_space<hbm>> -> memref<80xi32, #tpu.memory_space<hbm>>
        %dma_wait3A_126 = tpu.memref_slice %arg4[%multiple_of3A_95] : memref<320000xi32, #tpu.memory_space<hbm>> -> memref<80xi32, #tpu.memory_space<hbm>>
        tpu.wait_dma2 semaphore(%run_scoped3A : memref<!tpu.dma_semaphore, #tpu.memory_space<semaphore_mem>>) src(%dma_wait3A_126 : memref<80xi32, #tpu.memory_space<hbm>>) dst(%arg14 : memref<80xi32, #tpu.memory_space<vmem>>)
        tpu.yield
      }) : () -> ()
      %dma_start3A_96 = arith.constant 0 : i32
      %dma_start3A_97 = arith.constant 0 : i32
      %dma_start3A_98 = tpu.memref_slice %arg2[%dma_start3A_96, %dma_start3A_97] : memref<10008x128xf32, #tpu.memory_space<hbm>> -> memref<10008x128xf32, #tpu.memory_space<hbm>>
      tpu.enqueue_indirect_dma source(%dma_start3A_98 : memref<10008x128xf32, #tpu.memory_space<hbm>>) target(%arg18 : memref<80x128xf32, #tpu.memory_space<vmem>>) offsets(%arg10 : memref<80xi32, #tpu.memory_space<vmem>>) semaphore(%arg23 : memref<!tpu.dma_semaphore, #tpu.memory_space<semaphore_mem>>)
      %dma_wait3A_99 = arith.constant 0 : i32
      %dma_wait3A_100 = arith.constant 0 : i32
      %dma_wait3A_101 = tpu.memref_slice %arg2[%dma_wait3A_99, %dma_wait3A_100] : memref<10008x128xf32, #tpu.memory_space<hbm>> -> memref<10008x128xf32, #tpu.memory_space<hbm>>
      tpu.wait_indirect_dma semaphore(%arg20 : memref<!tpu.dma_semaphore, #tpu.memory_space<semaphore_mem>>) src(%dma_wait3A_101 : memref<10008x128xf32, #tpu.memory_space<hbm>>) dst(%arg15 : memref<80x128xf32, #tpu.memory_space<vmem>>)
      %dma_start3A_102 = arith.constant 0 : i32
      %dma_start3A_103 = arith.constant 0 : i32
      %dma_start3A_104 = tpu.memref_slice %arg19[%dma_start3A_102, %dma_start3A_103] : memref<10000x128xf32, #tpu.memory_space<vmem_shared>> -> memref<10000x128xf32, #tpu.memory_space<vmem_shared>>
      tpu.enqueue_indirect_dma source(%arg15 : memref<80x128xf32, #tpu.memory_space<vmem>>) target(%dma_start3A_104 : memref<10000x128xf32, #tpu.memory_space<vmem_shared>>) offsets(%arg11 : memref<80xi32, #tpu.memory_space<vmem>>) semaphore(%arg24 : memref<!tpu.dma_semaphore, #tpu.memory_space<semaphore_mem>>) {add = true}
      %dma_wait3A_105 = arith.constant 0 : i32
      %dma_wait3A_106 = arith.constant 0 : i32
      %dma_wait3A_107 = tpu.memref_slice %arg2[%dma_wait3A_105, %dma_wait3A_106] : memref<10008x128xf32, #tpu.memory_space<hbm>> -> memref<10008x128xf32, #tpu.memory_space<hbm>>
      tpu.wait_indirect_dma semaphore(%arg21 : memref<!tpu.dma_semaphore, #tpu.memory_space<semaphore_mem>>) src(%dma_wait3A_107 : memref<10008x128xf32, #tpu.memory_space<hbm>>) dst(%arg16 : memref<80x128xf32, #tpu.memory_space<vmem>>)
      %dma_start3A_108 = arith.constant 0 : i32
      %dma_start3A_109 = arith.constant 0 : i32
      %dma_start3A_110 = tpu.memref_slice %arg19[%dma_start3A_108, %dma_start3A_109] : memref<10000x128xf32, #tpu.memory_space<vmem_shared>> -> memref<10000x128xf32, #tpu.memory_space<vmem_shared>>
      tpu.enqueue_indirect_dma source(%arg16 : memref<80x128xf32, #tpu.memory_space<vmem>>) target(%dma_start3A_110 : memref<10000x128xf32, #tpu.memory_space<vmem_shared>>) offsets(%arg12 : memref<80xi32, #tpu.memory_space<vmem>>) semaphore(%arg25 : memref<!tpu.dma_semaphore, #tpu.memory_space<semaphore_mem>>) {add = true}
      %dma_wait3A_111 = arith.constant 0 : i32
      %dma_wait3A_112 = arith.constant 0 : i32
      %dma_wait3A_113 = tpu.memref_slice %arg2[%dma_wait3A_111, %dma_wait3A_112] : memref<10008x128xf32, #tpu.memory_space<hbm>> -> memref<10008x128xf32, #tpu.memory_space<hbm>>
      tpu.wait_indirect_dma semaphore(%arg22 : memref<!tpu.dma_semaphore, #tpu.memory_space<semaphore_mem>>) src(%dma_wait3A_113 : memref<10008x128xf32, #tpu.memory_space<hbm>>) dst(%arg17 : memref<80x128xf32, #tpu.memory_space<vmem>>)
      %dma_start3A_114 = arith.constant 0 : i32
      %dma_start3A_115 = arith.constant 0 : i32
      %dma_start3A_116 = tpu.memref_slice %arg19[%dma_start3A_114, %dma_start3A_115] : memref<10000x128xf32, #tpu.memory_space<vmem_shared>> -> memref<10000x128xf32, #tpu.memory_space<vmem_shared>>
      tpu.enqueue_indirect_dma source(%arg17 : memref<80x128xf32, #tpu.memory_space<vmem>>) target(%dma_start3A_116 : memref<10000x128xf32, #tpu.memory_space<vmem_shared>>) offsets(%arg13 : memref<80xi32, #tpu.memory_space<vmem>>) semaphore(%arg26 : memref<!tpu.dma_semaphore, #tpu.memory_space<semaphore_mem>>) {add = true}
      %dma_wait3A_117 = arith.constant 0 : i32
      %dma_wait3A_118 = arith.constant 0 : i32
      %dma_wait3A_119 = tpu.memref_slice %arg2[%dma_wait3A_117, %dma_wait3A_118] : memref<10008x128xf32, #tpu.memory_space<hbm>> -> memref<10008x128xf32, #tpu.memory_space<hbm>>
      tpu.wait_indirect_dma semaphore(%arg23 : memref<!tpu.dma_semaphore, #tpu.memory_space<semaphore_mem>>) src(%dma_wait3A_119 : memref<10008x128xf32, #tpu.memory_space<hbm>>) dst(%arg18 : memref<80x128xf32, #tpu.memory_space<vmem>>)
      %dma_start3A_120 = arith.constant 0 : i32
      %dma_start3A_121 = arith.constant 0 : i32
      %dma_start3A_122 = tpu.memref_slice %arg19[%dma_start3A_120, %dma_start3A_121] : memref<10000x128xf32, #tpu.memory_space<vmem_shared>> -> memref<10000x128xf32, #tpu.memory_space<vmem_shared>>
      tpu.enqueue_indirect_dma source(%arg18 : memref<80x128xf32, #tpu.memory_space<vmem>>) target(%dma_start3A_122 : memref<10000x128xf32, #tpu.memory_space<vmem_shared>>) offsets(%arg14 : memref<80xi32, #tpu.memory_space<vmem>>) semaphore(%arg27 : memref<!tpu.dma_semaphore, #tpu.memory_space<semaphore_mem>>) {add = true}
    }
    %scan3A_12 = arith.constant 31 : i32
    %dma_wait3A = arith.constant 0 : i32
    %dma_wait3A_13 = arith.constant 0 : i32
    %dma_wait3A_14 = tpu.memref_slice %arg19[%dma_wait3A, %dma_wait3A_13] : memref<10000x128xf32, #tpu.memory_space<vmem_shared>> -> memref<10000x128xf32, #tpu.memory_space<vmem_shared>>
    tpu.wait_indirect_dma semaphore(%arg24 : memref<!tpu.dma_semaphore, #tpu.memory_space<semaphore_mem>>) src(%arg15 : memref<80x128xf32, #tpu.memory_space<vmem>>) dst(%dma_wait3A_14 : memref<10000x128xf32, #tpu.memory_space<vmem_shared>>)
    %dma_wait3A_15 = arith.constant 0 : i32
    %dma_wait3A_16 = arith.constant 0 : i32
    %dma_wait3A_17 = tpu.memref_slice %arg19[%dma_wait3A_15, %dma_wait3A_16] : memref<10000x128xf32, #tpu.memory_space<vmem_shared>> -> memref<10000x128xf32, #tpu.memory_space<vmem_shared>>
    tpu.wait_indirect_dma semaphore(%arg25 : memref<!tpu.dma_semaphore, #tpu.memory_space<semaphore_mem>>) src(%arg16 : memref<80x128xf32, #tpu.memory_space<vmem>>) dst(%dma_wait3A_17 : memref<10000x128xf32, #tpu.memory_space<vmem_shared>>)
    %dma_wait3A_18 = arith.constant 0 : i32
    %dma_wait3A_19 = arith.constant 0 : i32
    %dma_wait3A_20 = tpu.memref_slice %arg19[%dma_wait3A_18, %dma_wait3A_19] : memref<10000x128xf32, #tpu.memory_space<vmem_shared>> -> memref<10000x128xf32, #tpu.memory_space<vmem_shared>>
    tpu.wait_indirect_dma semaphore(%arg26 : memref<!tpu.dma_semaphore, #tpu.memory_space<semaphore_mem>>) src(%arg17 : memref<80x128xf32, #tpu.memory_space<vmem>>) dst(%dma_wait3A_20 : memref<10000x128xf32, #tpu.memory_space<vmem_shared>>)
    %dma_wait3A_21 = arith.constant 0 : i32
    %dma_wait3A_22 = arith.constant 0 : i32
    %dma_wait3A_23 = tpu.memref_slice %arg19[%dma_wait3A_21, %dma_wait3A_22] : memref<10000x128xf32, #tpu.memory_space<vmem_shared>> -> memref<10000x128xf32, #tpu.memory_space<vmem_shared>>
    tpu.wait_indirect_dma semaphore(%arg27 : memref<!tpu.dma_semaphore, #tpu.memory_space<semaphore_mem>>) src(%arg18 : memref<80x128xf32, #tpu.memory_space<vmem>>) dst(%dma_wait3A_23 : memref<10000x128xf32, #tpu.memory_space<vmem_shared>>)
    %add3A_24 = arith.constant 9920 : i32
    %add3A_25 = arith.addi %mul3A_8, %add3A_24 : i32
    %multiple_of3A = tpu.assume_multiple %add3A_25, 8 : i32
    "tpu.region"() ({
      %run_scoped3A = tpu.sem_alloc : memref<!tpu.dma_semaphore, #tpu.memory_space<semaphore_mem>>
      %dma_start3A_37 = tpu.memref_slice %arg3[%multiple_of3A] : memref<320000xi32, #tpu.memory_space<hbm>> -> memref<80xi32, #tpu.memory_space<hbm>>
      %dma_start3A_38 = tpu.memref_slice %arg3[%multiple_of3A] : memref<320000xi32, #tpu.memory_space<hbm>> -> memref<80xi32, #tpu.memory_space<hbm>>
      tpu.enqueue_dma source(%dma_start3A_38 : memref<80xi32, #tpu.memory_space<hbm>>) target(%arg7 : memref<80xi32, #tpu.memory_space<vmem>>) target_semaphore(%run_scoped3A : memref<!tpu.dma_semaphore, #tpu.memory_space<semaphore_mem>>)
      %dma_wait3A_39 = tpu.memref_slice %arg3[%multiple_of3A] : memref<320000xi32, #tpu.memory_space<hbm>> -> memref<80xi32, #tpu.memory_space<hbm>>
      %dma_wait3A_40 = tpu.memref_slice %arg3[%multiple_of3A] : memref<320000xi32, #tpu.memory_space<hbm>> -> memref<80xi32, #tpu.memory_space<hbm>>
      tpu.wait_dma2 semaphore(%run_scoped3A : memref<!tpu.dma_semaphore, #tpu.memory_space<semaphore_mem>>) src(%dma_wait3A_40 : memref<80xi32, #tpu.memory_space<hbm>>) dst(%arg7 : memref<80xi32, #tpu.memory_space<vmem>>)
      tpu.yield
    }) : () -> ()
    "tpu.region"() ({
      %run_scoped3A = tpu.sem_alloc : memref<!tpu.dma_semaphore, #tpu.memory_space<semaphore_mem>>
      %dma_start3A_37 = tpu.memref_slice %arg4[%multiple_of3A] : memref<320000xi32, #tpu.memory_space<hbm>> -> memref<80xi32, #tpu.memory_space<hbm>>
      %dma_start3A_38 = tpu.memref_slice %arg4[%multiple_of3A] : memref<320000xi32, #tpu.memory_space<hbm>> -> memref<80xi32, #tpu.memory_space<hbm>>
      tpu.enqueue_dma source(%dma_start3A_38 : memref<80xi32, #tpu.memory_space<hbm>>) target(%arg11 : memref<80xi32, #tpu.memory_space<vmem>>) target_semaphore(%run_scoped3A : memref<!tpu.dma_semaphore, #tpu.memory_space<semaphore_mem>>)
      %dma_wait3A_39 = tpu.memref_slice %arg4[%multiple_of3A] : memref<320000xi32, #tpu.memory_space<hbm>> -> memref<80xi32, #tpu.memory_space<hbm>>
      %dma_wait3A_40 = tpu.memref_slice %arg4[%multiple_of3A] : memref<320000xi32, #tpu.memory_space<hbm>> -> memref<80xi32, #tpu.memory_space<hbm>>
      tpu.wait_dma2 semaphore(%run_scoped3A : memref<!tpu.dma_semaphore, #tpu.memory_space<semaphore_mem>>) src(%dma_wait3A_40 : memref<80xi32, #tpu.memory_space<hbm>>) dst(%arg11 : memref<80xi32, #tpu.memory_space<vmem>>)
      tpu.yield
    }) : () -> ()
    %dma_start3A = arith.constant 0 : i32
    %dma_start3A_26 = arith.constant 0 : i32
    %dma_start3A_27 = tpu.memref_slice %arg2[%dma_start3A, %dma_start3A_26] : memref<10008x128xf32, #tpu.memory_space<hbm>> -> memref<10008x128xf32, #tpu.memory_space<hbm>>
    tpu.enqueue_indirect_dma source(%dma_start3A_27 : memref<10008x128xf32, #tpu.memory_space<hbm>>) target(%arg15 : memref<80x128xf32, #tpu.memory_space<vmem>>) offsets(%arg7 : memref<80xi32, #tpu.memory_space<vmem>>) semaphore(%arg20 : memref<!tpu.dma_semaphore, #tpu.memory_space<semaphore_mem>>)
    %dma_wait3A_28 = arith.constant 0 : i32
    %dma_wait3A_29 = arith.constant 0 : i32
    %dma_wait3A_30 = tpu.memref_slice %arg2[%dma_wait3A_28, %dma_wait3A_29] : memref<10008x128xf32, #tpu.memory_space<hbm>> -> memref<10008x128xf32, #tpu.memory_space<hbm>>
    tpu.wait_indirect_dma semaphore(%arg20 : memref<!tpu.dma_semaphore, #tpu.memory_space<semaphore_mem>>) src(%dma_wait3A_30 : memref<10008x128xf32, #tpu.memory_space<hbm>>) dst(%arg15 : memref<80x128xf32, #tpu.memory_space<vmem>>)
    "tpu.region"() ({
      %run_scoped3A = tpu.sem_alloc : memref<!tpu.dma_semaphore, #tpu.memory_space<semaphore_mem>>
      %dma_start3A_37 = arith.constant 0 : i32
      %dma_start3A_38 = arith.constant 0 : i32
      %dma_start3A_39 = tpu.memref_slice %arg19[%dma_start3A_37, %dma_start3A_38] : memref<10000x128xf32, #tpu.memory_space<vmem_shared>> -> memref<10000x128xf32, #tpu.memory_space<vmem_shared>>
      tpu.enqueue_indirect_dma source(%arg15 : memref<80x128xf32, #tpu.memory_space<vmem>>) target(%dma_start3A_39 : memref<10000x128xf32, #tpu.memory_space<vmem_shared>>) offsets(%arg11 : memref<80xi32, #tpu.memory_space<vmem>>) semaphore(%run_scoped3A : memref<!tpu.dma_semaphore, #tpu.memory_space<semaphore_mem>>) {add = true}
      %dma_wait3A_40 = arith.constant 0 : i32
      %dma_wait3A_41 = arith.constant 0 : i32
      %dma_wait3A_42 = tpu.memref_slice %arg19[%dma_wait3A_40, %dma_wait3A_41] : memref<10000x128xf32, #tpu.memory_space<vmem_shared>> -> memref<10000x128xf32, #tpu.memory_space<vmem_shared>>
      tpu.wait_indirect_dma semaphore(%run_scoped3A : memref<!tpu.dma_semaphore, #tpu.memory_space<semaphore_mem>>) src(%arg15 : memref<80x128xf32, #tpu.memory_space<vmem>>) dst(%dma_wait3A_42 : memref<10000x128xf32, #tpu.memory_space<vmem_shared>>)
      tpu.yield
    }) : () -> ()
    %barrier3A_31 = arith.constant 0 : index
    tpu.barrier barrier_id(%barrier3A_31)
    %scan3A_32 = arith.constant 0 : i32
    %scan3A_33 = arith.constant 8 : i32
    %scan3A_34 = arith.addi %scan3A_32, %scan3A_33 : i32
    %scan3A_35 = arith.constant 1 : i32
    scf.for %scan3A_37 = %scan3A_32 to %scan3A_34 step %scan3A_35  : i32 {
      %mul3A_38 = arith.constant 1 : i32
      %mul3A_39 = arith.muli %scan3A_37, %mul3A_38 : i32
      %add3A_40 = arith.constant 0 : i32
      %add3A_41 = arith.addi %add3A_40, %mul3A_39 : i32
      %mul3A_42 = arith.constant 16 : i32
      %mul3A_43 = arith.muli %add3A_41, %mul3A_42 : i32
      %add3A_44 = arith.addi %arg1, %mul3A_43 : i32
      %lt3A_45 = arith.constant 125 : i32
      %lt3A_46 = arith.cmpi slt, %add3A_44, %lt3A_45 : i32
      %convert_element_type3A_47 = arith.extui %lt3A_46 : i1 to i32
      %cond3A_48 = arith.constant 0 : i32
      %cond3A_49 = arith.cmpi ne, %convert_element_type3A_47, %cond3A_48 : i32
      scf.if %cond3A_49 {
        %mul3A_50 = arith.constant 80 : i32
        %mul3A_51 = arith.muli %add3A_44, %mul3A_50 : i32
        %multiple_of3A_52 = tpu.assume_multiple %mul3A_51, 8 : i32
        "tpu.region"() ({
          %run_scoped3A = tpu.sem_alloc : memref<!tpu.dma_semaphore, #tpu.memory_space<semaphore_mem>>
          %dma_start3A_53 = arith.constant 0 : i32
          %dma_start3A_54 = tpu.memref_slice %arg6[%arg0, %multiple_of3A_52, %dma_start3A_53] : memref<2x10000x128xf32, #tpu.memory_space<hbm>> -> memref<1x80x128xf32, #tpu.memory_space<hbm>>
          %dma_start3A_55 = tpu.memref_squeeze %dma_start3A_54 : memref<1x80x128xf32, #tpu.memory_space<hbm>> -> memref<80x128xf32, #tpu.memory_space<hbm>>
          %dma_start3A_56 = arith.constant 0 : i32
          %dma_start3A_57 = tpu.memref_slice %arg19[%multiple_of3A_52, %dma_start3A_56] : memref<10000x128xf32, #tpu.memory_space<vmem_shared>> -> memref<80x128xf32, #tpu.memory_space<vmem_shared>>
          tpu.enqueue_dma source(%dma_start3A_57 : memref<80x128xf32, #tpu.memory_space<vmem_shared>>) target(%dma_start3A_55 : memref<80x128xf32, #tpu.memory_space<hbm>>) target_semaphore(%run_scoped3A : memref<!tpu.dma_semaphore, #tpu.memory_space<semaphore_mem>>)
          %dma_wait3A_58 = arith.constant 0 : i32
          %dma_wait3A_59 = tpu.memref_slice %arg6[%arg0, %multiple_of3A_52, %dma_wait3A_58] : memref<2x10000x128xf32, #tpu.memory_space<hbm>> -> memref<1x80x128xf32, #tpu.memory_space<hbm>>
          %dma_wait3A_60 = tpu.memref_squeeze %dma_wait3A_59 : memref<1x80x128xf32, #tpu.memory_space<hbm>> -> memref<80x128xf32, #tpu.memory_space<hbm>>
          %dma_wait3A_61 = arith.constant 0 : i32
          %dma_wait3A_62 = tpu.memref_slice %arg19[%multiple_of3A_52, %dma_wait3A_61] : memref<10000x128xf32, #tpu.memory_space<vmem_shared>> -> memref<80x128xf32, #tpu.memory_space<vmem_shared>>
          tpu.wait_dma2 semaphore(%run_scoped3A : memref<!tpu.dma_semaphore, #tpu.memory_space<semaphore_mem>>) src(%dma_wait3A_62 : memref<80x128xf32, #tpu.memory_space<vmem_shared>>) dst(%dma_wait3A_60 : memref<80x128xf32, #tpu.memory_space<hbm>>)
          tpu.yield
        }) : () -> ()
      } else {
      }
    }
    %scan3A_36 = arith.constant 8 : i32
    return
  }
}

#map = affine_map<(d0, d1) -> (0, 0)>
#map1 = affine_map<(d0, d1) -> (0)>
#map2 = affine_map<(d0, d1) -> (0, 0, 0)>
module attributes {stable_mosaic.version = 14 : i64} {
  func.func @_prop_body(%arg0: i32, %arg1: i32, %arg2: memref<10008x128xf32, #tpu.memory_space<hbm>>, %arg3: memref<320000xi32, #tpu.memory_space<hbm>>, %arg4: memref<320000xi32, #tpu.memory_space<hbm>>, %arg5: memref<10000x128xf32, #tpu.memory_space<hbm>>, %arg6: memref<2x10000x128xf32, #tpu.memory_space<hbm>>, %arg7: memref<80xi32, #tpu.memory_space<vmem>>, %arg8: memref<80xi32, #tpu.memory_space<vmem>>, %arg9: memref<80xi32, #tpu.memory_space<vmem>>, %arg10: memref<80xi32, #tpu.memory_space<vmem>>, %arg11: memref<80xi32, #tpu.memory_space<vmem>>, %arg12: memref<80xi32, #tpu.memory_space<vmem>>, %arg13: memref<80xi32, #tpu.memory_space<vmem>>, %arg14: memref<80xi32, #tpu.memory_space<vmem>>, %arg15: memref<80x128xf32, #tpu.memory_space<vmem>>, %arg16: memref<80x128xf32, #tpu.memory_space<vmem>>, %arg17: memref<80x128xf32, #tpu.memory_space<vmem>>, %arg18: memref<80x128xf32, #tpu.memory_space<vmem>>, %arg19: memref<10000x128xf32, #tpu.memory_space<vmem_shared>>, %arg20: memref<!tpu.dma_semaphore, #tpu.memory_space<semaphore_mem>>, %arg21: memref<!tpu.dma_semaphore, #tpu.memory_space<semaphore_mem>>, %arg22: memref<!tpu.dma_semaphore, #tpu.memory_space<semaphore_mem>>, %arg23: memref<!tpu.dma_semaphore, #tpu.memory_space<semaphore_mem>>, %arg24: memref<!tpu.dma_semaphore, #tpu.memory_space<semaphore_mem>>, %arg25: memref<!tpu.dma_semaphore, #tpu.memory_space<semaphore_mem>>, %arg26: memref<!tpu.dma_semaphore, #tpu.memory_space<semaphore_mem>>, %arg27: memref<!tpu.dma_semaphore, #tpu.memory_space<semaphore_mem>>) attributes {dimension_semantics = [#tpu.dimension_semantics<core_parallel>, #tpu.dimension_semantics<subcore_parallel>], iteration_bounds = array<i64: 2, 16>, scalar_prefetch = 0 : i64, scratch_operands = 21 : i64, tpu.core_type = #tpu.core_type<sc_vector_subcore>, window_params = [{transform_indices = #map}, {transform_indices = #map1}, {transform_indices = #map1}, {transform_indices = #map}, {transform_indices = #map2}]} {
    %mul3A = arith.constant 16 : i32
    %mul3A_0 = arith.muli %arg0, %mul3A : i32
    %add3A = arith.addi %mul3A_0, %arg1 : i32
    %lt3A = arith.constant 15 : i32
    %lt3A_1 = arith.cmpi slt, %arg1, %lt3A : i32
    %convert_element_type3A = arith.extui %lt3A_1 : i1 to i32
    %cond3A = arith.constant 0 : i32
    %cond3A_2 = arith.cmpi ne, %convert_element_type3A, %cond3A : i32
    scf.if %cond3A_2 {
      %mul3A_37 = arith.constant 632 : i32
      %mul3A_38 = arith.muli %arg1, %mul3A_37 : i32
      %multiple_of3A_39 = tpu.assume_multiple %mul3A_38, 8 : i32
      "tpu.region"() ({
        %run_scoped3A = tpu.sem_alloc : memref<!tpu.dma_semaphore, #tpu.memory_space<semaphore_mem>>
        %dma_start3A_40 = arith.constant 0 : i32
        %dma_start3A_41 = tpu.memref_slice %arg19[%multiple_of3A_39, %dma_start3A_40] : memref<10000x128xf32, #tpu.memory_space<vmem_shared>> -> memref<632x128xf32, #tpu.memory_space<vmem_shared>>
        %dma_start3A_42 = arith.constant 0 : i32
        %dma_start3A_43 = tpu.memref_slice %arg5[%multiple_of3A_39, %dma_start3A_42] : memref<10000x128xf32, #tpu.memory_space<hbm>> -> memref<632x128xf32, #tpu.memory_space<hbm>>
        tpu.enqueue_dma source(%dma_start3A_43 : memref<632x128xf32, #tpu.memory_space<hbm>>) target(%dma_start3A_41 : memref<632x128xf32, #tpu.memory_space<vmem_shared>>) target_semaphore(%run_scoped3A : memref<!tpu.dma_semaphore, #tpu.memory_space<semaphore_mem>>)
        %dma_wait3A_44 = arith.constant 0 : i32
        %dma_wait3A_45 = tpu.memref_slice %arg19[%multiple_of3A_39, %dma_wait3A_44] : memref<10000x128xf32, #tpu.memory_space<vmem_shared>> -> memref<632x128xf32, #tpu.memory_space<vmem_shared>>
        %dma_wait3A_46 = arith.constant 0 : i32
        %dma_wait3A_47 = tpu.memref_slice %arg5[%multiple_of3A_39, %dma_wait3A_46] : memref<10000x128xf32, #tpu.memory_space<hbm>> -> memref<632x128xf32, #tpu.memory_space<hbm>>
        tpu.wait_dma2 semaphore(%run_scoped3A : memref<!tpu.dma_semaphore, #tpu.memory_space<semaphore_mem>>) src(%dma_wait3A_47 : memref<632x128xf32, #tpu.memory_space<hbm>>) dst(%dma_wait3A_45 : memref<632x128xf32, #tpu.memory_space<vmem_shared>>)
        tpu.yield
      }) : () -> ()
    } else {
    }
    %eq3A = arith.constant 15 : i32
    %eq3A_3 = arith.cmpi eq, %arg1, %eq3A : i32
    %convert_element_type3A_4 = arith.extui %eq3A_3 : i1 to i32
    %cond3A_5 = arith.constant 0 : i32
    %cond3A_6 = arith.cmpi ne, %convert_element_type3A_4, %cond3A_5 : i32
    scf.if %cond3A_6 {
      "tpu.region"() ({
        %run_scoped3A = tpu.sem_alloc : memref<!tpu.dma_semaphore, #tpu.memory_space<semaphore_mem>>
        %dma_start3A_37 = arith.constant 9480 : i32
        %dma_start3A_38 = arith.constant 0 : i32
        %dma_start3A_39 = tpu.memref_slice %arg19[%dma_start3A_37, %dma_start3A_38] : memref<10000x128xf32, #tpu.memory_space<vmem_shared>> -> memref<520x128xf32, #tpu.memory_space<vmem_shared>>
        %dma_start3A_40 = arith.constant 9480 : i32
        %dma_start3A_41 = arith.constant 0 : i32
        %dma_start3A_42 = tpu.memref_slice %arg5[%dma_start3A_40, %dma_start3A_41] : memref<10000x128xf32, #tpu.memory_space<hbm>> -> memref<520x128xf32, #tpu.memory_space<hbm>>
        tpu.enqueue_dma source(%dma_start3A_42 : memref<520x128xf32, #tpu.memory_space<hbm>>) target(%dma_start3A_39 : memref<520x128xf32, #tpu.memory_space<vmem_shared>>) target_semaphore(%run_scoped3A : memref<!tpu.dma_semaphore, #tpu.memory_space<semaphore_mem>>)
        %dma_wait3A_43 = arith.constant 9480 : i32
        %dma_wait3A_44 = arith.constant 0 : i32
        %dma_wait3A_45 = tpu.memref_slice %arg19[%dma_wait3A_43, %dma_wait3A_44] : memref<10000x128xf32, #tpu.memory_space<vmem_shared>> -> memref<520x128xf32, #tpu.memory_space<vmem_shared>>
        %dma_wait3A_46 = arith.constant 9480 : i32
        %dma_wait3A_47 = arith.constant 0 : i32
        %dma_wait3A_48 = tpu.memref_slice %arg5[%dma_wait3A_46, %dma_wait3A_47] : memref<10000x128xf32, #tpu.memory_space<hbm>> -> memref<520x128xf32, #tpu.memory_space<hbm>>
        tpu.wait_dma2 semaphore(%run_scoped3A : memref<!tpu.dma_semaphore, #tpu.memory_space<semaphore_mem>>) src(%dma_wait3A_48 : memref<520x128xf32, #tpu.memory_space<hbm>>) dst(%dma_wait3A_45 : memref<520x128xf32, #tpu.memory_space<vmem_shared>>)
        tpu.yield
      }) : () -> ()
    } else {
    }
    %barrier3A = arith.constant 0 : index
    tpu.barrier barrier_id(%barrier3A)
    %mul3A_7 = arith.constant 10000 : i32
    %mul3A_8 = arith.muli %add3A, %mul3A_7 : i32
    %scan3A = arith.constant 0 : i32
    %scan3A_9 = arith.constant 31 : i32
    %scan3A_10 = arith.addi %scan3A, %scan3A_9 : i32
    %scan3A_11 = arith.constant 1 : i32
    scf.for %scan3A_37 = %scan3A to %scan3A_10 step %scan3A_11  : i32 {
      %mul3A_38 = arith.constant 1 : i32
      %mul3A_39 = arith.muli %scan3A_37, %mul3A_38 : i32
      %add3A_40 = arith.constant 0 : i32
      %add3A_41 = arith.addi %add3A_40, %mul3A_39 : i32
      %mul3A_42 = arith.constant 4 : i32
      %mul3A_43 = arith.muli %add3A_41, %mul3A_42 : i32
      %gt3A = arith.constant 0 : i32
      %gt3A_44 = arith.cmpi sgt, %add3A_41, %gt3A : i32
      %convert_element_type3A_45 = arith.extui %gt3A_44 : i1 to i32
      %cond3A_46 = arith.constant 0 : i32
      %cond3A_47 = arith.cmpi ne, %convert_element_type3A_45, %cond3A_46 : i32
      scf.if %cond3A_47 {
        %dma_wait3A_123 = arith.constant 0 : i32
        %dma_wait3A_124 = arith.constant 0 : i32
        %dma_wait3A_125 = tpu.memref_slice %arg19[%dma_wait3A_123, %dma_wait3A_124] : memref<10000x128xf32, #tpu.memory_space<vmem_shared>> -> memref<10000x128xf32, #tpu.memory_space<vmem_shared>>
        tpu.wait_indirect_dma semaphore(%arg24 : memref<!tpu.dma_semaphore, #tpu.memory_space<semaphore_mem>>) src(%arg15 : memref<80x128xf32, #tpu.memory_space<vmem>>) dst(%dma_wait3A_125 : memref<10000x128xf32, #tpu.memory_space<vmem_shared>>)
      } else {
      }
      %add3A_48 = arith.constant 0 : i32
      %add3A_49 = arith.addi %mul3A_43, %add3A_48 : i32
      %mul3A_50 = arith.constant 80 : i32
      %mul3A_51 = arith.muli %add3A_49, %mul3A_50 : i32
      %add3A_52 = arith.addi %mul3A_8, %mul3A_51 : i32
      %multiple_of3A_53 = tpu.assume_multiple %add3A_52, 8 : i32
      "tpu.region"() ({
        %run_scoped3A = tpu.sem_alloc : memref<!tpu.dma_semaphore, #tpu.memory_space<semaphore_mem>>
        %dma_start3A_123 = tpu.memref_slice %arg3[%multiple_of3A_53] : memref<320000xi32, #tpu.memory_space<hbm>> -> memref<80xi32, #tpu.memory_space<hbm>>
        %dma_start3A_124 = tpu.memref_slice %arg3[%multiple_of3A_53] : memref<320000xi32, #tpu.memory_space<hbm>> -> memref<80xi32, #tpu.memory_space<hbm>>
        tpu.enqueue_dma source(%dma_start3A_124 : memref<80xi32, #tpu.memory_space<hbm>>) target(%arg7 : memref<80xi32, #tpu.memory_space<vmem>>) target_semaphore(%run_scoped3A : memref<!tpu.dma_semaphore, #tpu.memory_space<semaphore_mem>>)
        %dma_wait3A_125 = tpu.memref_slice %arg3[%multiple_of3A_53] : memref<320000xi32, #tpu.memory_space<hbm>> -> memref<80xi32, #tpu.memory_space<hbm>>
        %dma_wait3A_126 = tpu.memref_slice %arg3[%multiple_of3A_53] : memref<320000xi32, #tpu.memory_space<hbm>> -> memref<80xi32, #tpu.memory_space<hbm>>
        tpu.wait_dma2 semaphore(%run_scoped3A : memref<!tpu.dma_semaphore, #tpu.memory_space<semaphore_mem>>) src(%dma_wait3A_126 : memref<80xi32, #tpu.memory_space<hbm>>) dst(%arg7 : memref<80xi32, #tpu.memory_space<vmem>>)
        tpu.yield
      }) : () -> ()
      "tpu.region"() ({
        %run_scoped3A = tpu.sem_alloc : memref<!tpu.dma_semaphore, #tpu.memory_space<semaphore_mem>>
        %dma_start3A_123 = tpu.memref_slice %arg4[%multiple_of3A_53] : memref<320000xi32, #tpu.memory_space<hbm>> -> memref<80xi32, #tpu.memory_space<hbm>>
        %dma_start3A_124 = tpu.memref_slice %arg4[%multiple_of3A_53] : memref<320000xi32, #tpu.memory_space<hbm>> -> memref<80xi32, #tpu.memory_space<hbm>>
        tpu.enqueue_dma source(%dma_start3A_124 : memref<80xi32, #tpu.memory_space<hbm>>) target(%arg11 : memref<80xi32, #tpu.memory_space<vmem>>) target_semaphore(%run_scoped3A : memref<!tpu.dma_semaphore, #tpu.memory_space<semaphore_mem>>)
        %dma_wait3A_125 = tpu.memref_slice %arg4[%multiple_of3A_53] : memref<320000xi32, #tpu.memory_space<hbm>> -> memref<80xi32, #tpu.memory_space<hbm>>
        %dma_wait3A_126 = tpu.memref_slice %arg4[%multiple_of3A_53] : memref<320000xi32, #tpu.memory_space<hbm>> -> memref<80xi32, #tpu.memory_space<hbm>>
        tpu.wait_dma2 semaphore(%run_scoped3A : memref<!tpu.dma_semaphore, #tpu.memory_space<semaphore_mem>>) src(%dma_wait3A_126 : memref<80xi32, #tpu.memory_space<hbm>>) dst(%arg11 : memref<80xi32, #tpu.memory_space<vmem>>)
        tpu.yield
      }) : () -> ()
      %dma_start3A_54 = arith.constant 0 : i32
      %dma_start3A_55 = arith.constant 0 : i32
      %dma_start3A_56 = tpu.memref_slice %arg2[%dma_start3A_54, %dma_start3A_55] : memref<10008x128xf32, #tpu.memory_space<hbm>> -> memref<10008x128xf32, #tpu.memory_space<hbm>>
      tpu.enqueue_indirect_dma source(%dma_start3A_56 : memref<10008x128xf32, #tpu.memory_space<hbm>>) target(%arg15 : memref<80x128xf32, #tpu.memory_space<vmem>>) offsets(%arg7 : memref<80xi32, #tpu.memory_space<vmem>>) semaphore(%arg20 : memref<!tpu.dma_semaphore, #tpu.memory_space<semaphore_mem>>)
      %gt3A_57 = arith.constant 0 : i32
      %gt3A_58 = arith.cmpi sgt, %add3A_41, %gt3A_57 : i32
      %convert_element_type3A_59 = arith.extui %gt3A_58 : i1 to i32
      %cond3A_60 = arith.constant 0 : i32
      %cond3A_61 = arith.cmpi ne, %convert_element_type3A_59, %cond3A_60 : i32
      scf.if %cond3A_61 {
        %dma_wait3A_123 = arith.constant 0 : i32
        %dma_wait3A_124 = arith.constant 0 : i32
        %dma_wait3A_125 = tpu.memref_slice %arg19[%dma_wait3A_123, %dma_wait3A_124] : memref<10000x128xf32, #tpu.memory_space<vmem_shared>> -> memref<10000x128xf32, #tpu.memory_space<vmem_shared>>
        tpu.wait_indirect_dma semaphore(%arg25 : memref<!tpu.dma_semaphore, #tpu.memory_space<semaphore_mem>>) src(%arg16 : memref<80x128xf32, #tpu.memory_space<vmem>>) dst(%dma_wait3A_125 : memref<10000x128xf32, #tpu.memory_space<vmem_shared>>)
      } else {
      }
      %add3A_62 = arith.constant 1 : i32
      %add3A_63 = arith.addi %mul3A_43, %add3A_62 : i32
      %mul3A_64 = arith.constant 80 : i32
      %mul3A_65 = arith.muli %add3A_63, %mul3A_64 : i32
      %add3A_66 = arith.addi %mul3A_8, %mul3A_65 : i32
      %multiple_of3A_67 = tpu.assume_multiple %add3A_66, 8 : i32
      "tpu.region"() ({
        %run_scoped3A = tpu.sem_alloc : memref<!tpu.dma_semaphore, #tpu.memory_space<semaphore_mem>>
        %dma_start3A_123 = tpu.memref_slice %arg3[%multiple_of3A_67] : memref<320000xi32, #tpu.memory_space<hbm>> -> memref<80xi32, #tpu.memory_space<hbm>>
        %dma_start3A_124 = tpu.memref_slice %arg3[%multiple_of3A_67] : memref<320000xi32, #tpu.memory_space<hbm>> -> memref<80xi32, #tpu.memory_space<hbm>>
        tpu.enqueue_dma source(%dma_start3A_124 : memref<80xi32, #tpu.memory_space<hbm>>) target(%arg8 : memref<80xi32, #tpu.memory_space<vmem>>) target_semaphore(%run_scoped3A : memref<!tpu.dma_semaphore, #tpu.memory_space<semaphore_mem>>)
        %dma_wait3A_125 = tpu.memref_slice %arg3[%multiple_of3A_67] : memref<320000xi32, #tpu.memory_space<hbm>> -> memref<80xi32, #tpu.memory_space<hbm>>
        %dma_wait3A_126 = tpu.memref_slice %arg3[%multiple_of3A_67] : memref<320000xi32, #tpu.memory_space<hbm>> -> memref<80xi32, #tpu.memory_space<hbm>>
        tpu.wait_dma2 semaphore(%run_scoped3A : memref<!tpu.dma_semaphore, #tpu.memory_space<semaphore_mem>>) src(%dma_wait3A_126 : memref<80xi32, #tpu.memory_space<hbm>>) dst(%arg8 : memref<80xi32, #tpu.memory_space<vmem>>)
        tpu.yield
      }) : () -> ()
      "tpu.region"() ({
        %run_scoped3A = tpu.sem_alloc : memref<!tpu.dma_semaphore, #tpu.memory_space<semaphore_mem>>
        %dma_start3A_123 = tpu.memref_slice %arg4[%multiple_of3A_67] : memref<320000xi32, #tpu.memory_space<hbm>> -> memref<80xi32, #tpu.memory_space<hbm>>
        %dma_start3A_124 = tpu.memref_slice %arg4[%multiple_of3A_67] : memref<320000xi32, #tpu.memory_space<hbm>> -> memref<80xi32, #tpu.memory_space<hbm>>
        tpu.enqueue_dma source(%dma_start3A_124 : memref<80xi32, #tpu.memory_space<hbm>>) target(%arg12 : memref<80xi32, #tpu.memory_space<vmem>>) target_semaphore(%run_scoped3A : memref<!tpu.dma_semaphore, #tpu.memory_space<semaphore_mem>>)
        %dma_wait3A_125 = tpu.memref_slice %arg4[%multiple_of3A_67] : memref<320000xi32, #tpu.memory_space<hbm>> -> memref<80xi32, #tpu.memory_space<hbm>>
        %dma_wait3A_126 = tpu.memref_slice %arg4[%multiple_of3A_67] : memref<320000xi32, #tpu.memory_space<hbm>> -> memref<80xi32, #tpu.memory_space<hbm>>
        tpu.wait_dma2 semaphore(%run_scoped3A : memref<!tpu.dma_semaphore, #tpu.memory_space<semaphore_mem>>) src(%dma_wait3A_126 : memref<80xi32, #tpu.memory_space<hbm>>) dst(%arg12 : memref<80xi32, #tpu.memory_space<vmem>>)
        tpu.yield
      }) : () -> ()
      %dma_start3A_68 = arith.constant 0 : i32
      %dma_start3A_69 = arith.constant 0 : i32
      %dma_start3A_70 = tpu.memref_slice %arg2[%dma_start3A_68, %dma_start3A_69] : memref<10008x128xf32, #tpu.memory_space<hbm>> -> memref<10008x128xf32, #tpu.memory_space<hbm>>
      tpu.enqueue_indirect_dma source(%dma_start3A_70 : memref<10008x128xf32, #tpu.memory_space<hbm>>) target(%arg16 : memref<80x128xf32, #tpu.memory_space<vmem>>) offsets(%arg8 : memref<80xi32, #tpu.memory_space<vmem>>) semaphore(%arg21 : memref<!tpu.dma_semaphore, #tpu.memory_space<semaphore_mem>>)
      %gt3A_71 = arith.constant 0 : i32
      %gt3A_72 = arith.cmpi sgt, %add3A_41, %gt3A_71 : i32
      %convert_element_type3A_73 = arith.extui %gt3A_72 : i1 to i32
      %cond3A_74 = arith.constant 0 : i32
      %cond3A_75 = arith.cmpi ne, %convert_element_type3A_73, %cond3A_74 : i32
      scf.if %cond3A_75 {
        %dma_wait3A_123 = arith.constant 0 : i32
        %dma_wait3A_124 = arith.constant 0 : i32
        %dma_wait3A_125 = tpu.memref_slice %arg19[%dma_wait3A_123, %dma_wait3A_124] : memref<10000x128xf32, #tpu.memory_space<vmem_shared>> -> memref<10000x128xf32, #tpu.memory_space<vmem_shared>>
        tpu.wait_indirect_dma semaphore(%arg26 : memref<!tpu.dma_semaphore, #tpu.memory_space<semaphore_mem>>) src(%arg17 : memref<80x128xf32, #tpu.memory_space<vmem>>) dst(%dma_wait3A_125 : memref<10000x128xf32, #tpu.memory_space<vmem_shared>>)
      } else {
      }
      %add3A_76 = arith.constant 2 : i32
      %add3A_77 = arith.addi %mul3A_43, %add3A_76 : i32
      %mul3A_78 = arith.constant 80 : i32
      %mul3A_79 = arith.muli %add3A_77, %mul3A_78 : i32
      %add3A_80 = arith.addi %mul3A_8, %mul3A_79 : i32
      %multiple_of3A_81 = tpu.assume_multiple %add3A_80, 8 : i32
      "tpu.region"() ({
        %run_scoped3A = tpu.sem_alloc : memref<!tpu.dma_semaphore, #tpu.memory_space<semaphore_mem>>
        %dma_start3A_123 = tpu.memref_slice %arg3[%multiple_of3A_81] : memref<320000xi32, #tpu.memory_space<hbm>> -> memref<80xi32, #tpu.memory_space<hbm>>
        %dma_start3A_124 = tpu.memref_slice %arg3[%multiple_of3A_81] : memref<320000xi32, #tpu.memory_space<hbm>> -> memref<80xi32, #tpu.memory_space<hbm>>
        tpu.enqueue_dma source(%dma_start3A_124 : memref<80xi32, #tpu.memory_space<hbm>>) target(%arg9 : memref<80xi32, #tpu.memory_space<vmem>>) target_semaphore(%run_scoped3A : memref<!tpu.dma_semaphore, #tpu.memory_space<semaphore_mem>>)
        %dma_wait3A_125 = tpu.memref_slice %arg3[%multiple_of3A_81] : memref<320000xi32, #tpu.memory_space<hbm>> -> memref<80xi32, #tpu.memory_space<hbm>>
        %dma_wait3A_126 = tpu.memref_slice %arg3[%multiple_of3A_81] : memref<320000xi32, #tpu.memory_space<hbm>> -> memref<80xi32, #tpu.memory_space<hbm>>
        tpu.wait_dma2 semaphore(%run_scoped3A : memref<!tpu.dma_semaphore, #tpu.memory_space<semaphore_mem>>) src(%dma_wait3A_126 : memref<80xi32, #tpu.memory_space<hbm>>) dst(%arg9 : memref<80xi32, #tpu.memory_space<vmem>>)
        tpu.yield
      }) : () -> ()
      "tpu.region"() ({
        %run_scoped3A = tpu.sem_alloc : memref<!tpu.dma_semaphore, #tpu.memory_space<semaphore_mem>>
        %dma_start3A_123 = tpu.memref_slice %arg4[%multiple_of3A_81] : memref<320000xi32, #tpu.memory_space<hbm>> -> memref<80xi32, #tpu.memory_space<hbm>>
        %dma_start3A_124 = tpu.memref_slice %arg4[%multiple_of3A_81] : memref<320000xi32, #tpu.memory_space<hbm>> -> memref<80xi32, #tpu.memory_space<hbm>>
        tpu.enqueue_dma source(%dma_start3A_124 : memref<80xi32, #tpu.memory_space<hbm>>) target(%arg13 : memref<80xi32, #tpu.memory_space<vmem>>) target_semaphore(%run_scoped3A : memref<!tpu.dma_semaphore, #tpu.memory_space<semaphore_mem>>)
        %dma_wait3A_125 = tpu.memref_slice %arg4[%multiple_of3A_81] : memref<320000xi32, #tpu.memory_space<hbm>> -> memref<80xi32, #tpu.memory_space<hbm>>
        %dma_wait3A_126 = tpu.memref_slice %arg4[%multiple_of3A_81] : memref<320000xi32, #tpu.memory_space<hbm>> -> memref<80xi32, #tpu.memory_space<hbm>>
        tpu.wait_dma2 semaphore(%run_scoped3A : memref<!tpu.dma_semaphore, #tpu.memory_space<semaphore_mem>>) src(%dma_wait3A_126 : memref<80xi32, #tpu.memory_space<hbm>>) dst(%arg13 : memref<80xi32, #tpu.memory_space<vmem>>)
        tpu.yield
      }) : () -> ()
      %dma_start3A_82 = arith.constant 0 : i32
      %dma_start3A_83 = arith.constant 0 : i32
      %dma_start3A_84 = tpu.memref_slice %arg2[%dma_start3A_82, %dma_start3A_83] : memref<10008x128xf32, #tpu.memory_space<hbm>> -> memref<10008x128xf32, #tpu.memory_space<hbm>>
      tpu.enqueue_indirect_dma source(%dma_start3A_84 : memref<10008x128xf32, #tpu.memory_space<hbm>>) target(%arg17 : memref<80x128xf32, #tpu.memory_space<vmem>>) offsets(%arg9 : memref<80xi32, #tpu.memory_space<vmem>>) semaphore(%arg22 : memref<!tpu.dma_semaphore, #tpu.memory_space<semaphore_mem>>)
      %gt3A_85 = arith.constant 0 : i32
      %gt3A_86 = arith.cmpi sgt, %add3A_41, %gt3A_85 : i32
      %convert_element_type3A_87 = arith.extui %gt3A_86 : i1 to i32
      %cond3A_88 = arith.constant 0 : i32
      %cond3A_89 = arith.cmpi ne, %convert_element_type3A_87, %cond3A_88 : i32
      scf.if %cond3A_89 {
        %dma_wait3A_123 = arith.constant 0 : i32
        %dma_wait3A_124 = arith.constant 0 : i32
        %dma_wait3A_125 = tpu.memref_slice %arg19[%dma_wait3A_123, %dma_wait3A_124] : memref<10000x128xf32, #tpu.memory_space<vmem_shared>> -> memref<10000x128xf32, #tpu.memory_space<vmem_shared>>
        tpu.wait_indirect_dma semaphore(%arg27 : memref<!tpu.dma_semaphore, #tpu.memory_space<semaphore_mem>>) src(%arg18 : memref<80x128xf32, #tpu.memory_space<vmem>>) dst(%dma_wait3A_125 : memref<10000x128xf32, #tpu.memory_space<vmem_shared>>)
      } else {
      }
      %add3A_90 = arith.constant 3 : i32
      %add3A_91 = arith.addi %mul3A_43, %add3A_90 : i32
      %mul3A_92 = arith.constant 80 : i32
      %mul3A_93 = arith.muli %add3A_91, %mul3A_92 : i32
      %add3A_94 = arith.addi %mul3A_8, %mul3A_93 : i32
      %multiple_of3A_95 = tpu.assume_multiple %add3A_94, 8 : i32
      "tpu.region"() ({
        %run_scoped3A = tpu.sem_alloc : memref<!tpu.dma_semaphore, #tpu.memory_space<semaphore_mem>>
        %dma_start3A_123 = tpu.memref_slice %arg3[%multiple_of3A_95] : memref<320000xi32, #tpu.memory_space<hbm>> -> memref<80xi32, #tpu.memory_space<hbm>>
        %dma_start3A_124 = tpu.memref_slice %arg3[%multiple_of3A_95] : memref<320000xi32, #tpu.memory_space<hbm>> -> memref<80xi32, #tpu.memory_space<hbm>>
        tpu.enqueue_dma source(%dma_start3A_124 : memref<80xi32, #tpu.memory_space<hbm>>) target(%arg10 : memref<80xi32, #tpu.memory_space<vmem>>) target_semaphore(%run_scoped3A : memref<!tpu.dma_semaphore, #tpu.memory_space<semaphore_mem>>)
        %dma_wait3A_125 = tpu.memref_slice %arg3[%multiple_of3A_95] : memref<320000xi32, #tpu.memory_space<hbm>> -> memref<80xi32, #tpu.memory_space<hbm>>
        %dma_wait3A_126 = tpu.memref_slice %arg3[%multiple_of3A_95] : memref<320000xi32, #tpu.memory_space<hbm>> -> memref<80xi32, #tpu.memory_space<hbm>>
        tpu.wait_dma2 semaphore(%run_scoped3A : memref<!tpu.dma_semaphore, #tpu.memory_space<semaphore_mem>>) src(%dma_wait3A_126 : memref<80xi32, #tpu.memory_space<hbm>>) dst(%arg10 : memref<80xi32, #tpu.memory_space<vmem>>)
        tpu.yield
      }) : () -> ()
      "tpu.region"() ({
        %run_scoped3A = tpu.sem_alloc : memref<!tpu.dma_semaphore, #tpu.memory_space<semaphore_mem>>
        %dma_start3A_123 = tpu.memref_slice %arg4[%multiple_of3A_95] : memref<320000xi32, #tpu.memory_space<hbm>> -> memref<80xi32, #tpu.memory_space<hbm>>
        %dma_start3A_124 = tpu.memref_slice %arg4[%multiple_of3A_95] : memref<320000xi32, #tpu.memory_space<hbm>> -> memref<80xi32, #tpu.memory_space<hbm>>
        tpu.enqueue_dma source(%dma_start3A_124 : memref<80xi32, #tpu.memory_space<hbm>>) target(%arg14 : memref<80xi32, #tpu.memory_space<vmem>>) target_semaphore(%run_scoped3A : memref<!tpu.dma_semaphore, #tpu.memory_space<semaphore_mem>>)
        %dma_wait3A_125 = tpu.memref_slice %arg4[%multiple_of3A_95] : memref<320000xi32, #tpu.memory_space<hbm>> -> memref<80xi32, #tpu.memory_space<hbm>>
        %dma_wait3A_126 = tpu.memref_slice %arg4[%multiple_of3A_95] : memref<320000xi32, #tpu.memory_space<hbm>> -> memref<80xi32, #tpu.memory_space<hbm>>
        tpu.wait_dma2 semaphore(%run_scoped3A : memref<!tpu.dma_semaphore, #tpu.memory_space<semaphore_mem>>) src(%dma_wait3A_126 : memref<80xi32, #tpu.memory_space<hbm>>) dst(%arg14 : memref<80xi32, #tpu.memory_space<vmem>>)
        tpu.yield
      }) : () -> ()
      %dma_start3A_96 = arith.constant 0 : i32
      %dma_start3A_97 = arith.constant 0 : i32
      %dma_start3A_98 = tpu.memref_slice %arg2[%dma_start3A_96, %dma_start3A_97] : memref<10008x128xf32, #tpu.memory_space<hbm>> -> memref<10008x128xf32, #tpu.memory_space<hbm>>
      tpu.enqueue_indirect_dma source(%dma_start3A_98 : memref<10008x128xf32, #tpu.memory_space<hbm>>) target(%arg18 : memref<80x128xf32, #tpu.memory_space<vmem>>) offsets(%arg10 : memref<80xi32, #tpu.memory_space<vmem>>) semaphore(%arg23 : memref<!tpu.dma_semaphore, #tpu.memory_space<semaphore_mem>>)
      %dma_wait3A_99 = arith.constant 0 : i32
      %dma_wait3A_100 = arith.constant 0 : i32
      %dma_wait3A_101 = tpu.memref_slice %arg2[%dma_wait3A_99, %dma_wait3A_100] : memref<10008x128xf32, #tpu.memory_space<hbm>> -> memref<10008x128xf32, #tpu.memory_space<hbm>>
      tpu.wait_indirect_dma semaphore(%arg20 : memref<!tpu.dma_semaphore, #tpu.memory_space<semaphore_mem>>) src(%dma_wait3A_101 : memref<10008x128xf32, #tpu.memory_space<hbm>>) dst(%arg15 : memref<80x128xf32, #tpu.memory_space<vmem>>)
      %dma_start3A_102 = arith.constant 0 : i32
      %dma_start3A_103 = arith.constant 0 : i32
      %dma_start3A_104 = tpu.memref_slice %arg19[%dma_start3A_102, %dma_start3A_103] : memref<10000x128xf32, #tpu.memory_space<vmem_shared>> -> memref<10000x128xf32, #tpu.memory_space<vmem_shared>>
      tpu.enqueue_indirect_dma source(%arg15 : memref<80x128xf32, #tpu.memory_space<vmem>>) target(%dma_start3A_104 : memref<10000x128xf32, #tpu.memory_space<vmem_shared>>) offsets(%arg11 : memref<80xi32, #tpu.memory_space<vmem>>) semaphore(%arg24 : memref<!tpu.dma_semaphore, #tpu.memory_space<semaphore_mem>>) {add = true}
      %dma_wait3A_105 = arith.constant 0 : i32
      %dma_wait3A_106 = arith.constant 0 : i32
      %dma_wait3A_107 = tpu.memref_slice %arg2[%dma_wait3A_105, %dma_wait3A_106] : memref<10008x128xf32, #tpu.memory_space<hbm>> -> memref<10008x128xf32, #tpu.memory_space<hbm>>
      tpu.wait_indirect_dma semaphore(%arg21 : memref<!tpu.dma_semaphore, #tpu.memory_space<semaphore_mem>>) src(%dma_wait3A_107 : memref<10008x128xf32, #tpu.memory_space<hbm>>) dst(%arg16 : memref<80x128xf32, #tpu.memory_space<vmem>>)
      %dma_start3A_108 = arith.constant 0 : i32
      %dma_start3A_109 = arith.constant 0 : i32
      %dma_start3A_110 = tpu.memref_slice %arg19[%dma_start3A_108, %dma_start3A_109] : memref<10000x128xf32, #tpu.memory_space<vmem_shared>> -> memref<10000x128xf32, #tpu.memory_space<vmem_shared>>
      tpu.enqueue_indirect_dma source(%arg16 : memref<80x128xf32, #tpu.memory_space<vmem>>) target(%dma_start3A_110 : memref<10000x128xf32, #tpu.memory_space<vmem_shared>>) offsets(%arg12 : memref<80xi32, #tpu.memory_space<vmem>>) semaphore(%arg25 : memref<!tpu.dma_semaphore, #tpu.memory_space<semaphore_mem>>) {add = true}
      %dma_wait3A_111 = arith.constant 0 : i32
      %dma_wait3A_112 = arith.constant 0 : i32
      %dma_wait3A_113 = tpu.memref_slice %arg2[%dma_wait3A_111, %dma_wait3A_112] : memref<10008x128xf32, #tpu.memory_space<hbm>> -> memref<10008x128xf32, #tpu.memory_space<hbm>>
      tpu.wait_indirect_dma semaphore(%arg22 : memref<!tpu.dma_semaphore, #tpu.memory_space<semaphore_mem>>) src(%dma_wait3A_113 : memref<10008x128xf32, #tpu.memory_space<hbm>>) dst(%arg17 : memref<80x128xf32, #tpu.memory_space<vmem>>)
      %dma_start3A_114 = arith.constant 0 : i32
      %dma_start3A_115 = arith.constant 0 : i32
      %dma_start3A_116 = tpu.memref_slice %arg19[%dma_start3A_114, %dma_start3A_115] : memref<10000x128xf32, #tpu.memory_space<vmem_shared>> -> memref<10000x128xf32, #tpu.memory_space<vmem_shared>>
      tpu.enqueue_indirect_dma source(%arg17 : memref<80x128xf32, #tpu.memory_space<vmem>>) target(%dma_start3A_116 : memref<10000x128xf32, #tpu.memory_space<vmem_shared>>) offsets(%arg13 : memref<80xi32, #tpu.memory_space<vmem>>) semaphore(%arg26 : memref<!tpu.dma_semaphore, #tpu.memory_space<semaphore_mem>>) {add = true}
      %dma_wait3A_117 = arith.constant 0 : i32
      %dma_wait3A_118 = arith.constant 0 : i32
      %dma_wait3A_119 = tpu.memref_slice %arg2[%dma_wait3A_117, %dma_wait3A_118] : memref<10008x128xf32, #tpu.memory_space<hbm>> -> memref<10008x128xf32, #tpu.memory_space<hbm>>
      tpu.wait_indirect_dma semaphore(%arg23 : memref<!tpu.dma_semaphore, #tpu.memory_space<semaphore_mem>>) src(%dma_wait3A_119 : memref<10008x128xf32, #tpu.memory_space<hbm>>) dst(%arg18 : memref<80x128xf32, #tpu.memory_space<vmem>>)
      %dma_start3A_120 = arith.constant 0 : i32
      %dma_start3A_121 = arith.constant 0 : i32
      %dma_start3A_122 = tpu.memref_slice %arg19[%dma_start3A_120, %dma_start3A_121] : memref<10000x128xf32, #tpu.memory_space<vmem_shared>> -> memref<10000x128xf32, #tpu.memory_space<vmem_shared>>
      tpu.enqueue_indirect_dma source(%arg18 : memref<80x128xf32, #tpu.memory_space<vmem>>) target(%dma_start3A_122 : memref<10000x128xf32, #tpu.memory_space<vmem_shared>>) offsets(%arg14 : memref<80xi32, #tpu.memory_space<vmem>>) semaphore(%arg27 : memref<!tpu.dma_semaphore, #tpu.memory_space<semaphore_mem>>) {add = true}
    }
    %scan3A_12 = arith.constant 31 : i32
    %dma_wait3A = arith.constant 0 : i32
    %dma_wait3A_13 = arith.constant 0 : i32
    %dma_wait3A_14 = tpu.memref_slice %arg19[%dma_wait3A, %dma_wait3A_13] : memref<10000x128xf32, #tpu.memory_space<vmem_shared>> -> memref<10000x128xf32, #tpu.memory_space<vmem_shared>>
    tpu.wait_indirect_dma semaphore(%arg24 : memref<!tpu.dma_semaphore, #tpu.memory_space<semaphore_mem>>) src(%arg15 : memref<80x128xf32, #tpu.memory_space<vmem>>) dst(%dma_wait3A_14 : memref<10000x128xf32, #tpu.memory_space<vmem_shared>>)
    %dma_wait3A_15 = arith.constant 0 : i32
    %dma_wait3A_16 = arith.constant 0 : i32
    %dma_wait3A_17 = tpu.memref_slice %arg19[%dma_wait3A_15, %dma_wait3A_16] : memref<10000x128xf32, #tpu.memory_space<vmem_shared>> -> memref<10000x128xf32, #tpu.memory_space<vmem_shared>>
    tpu.wait_indirect_dma semaphore(%arg25 : memref<!tpu.dma_semaphore, #tpu.memory_space<semaphore_mem>>) src(%arg16 : memref<80x128xf32, #tpu.memory_space<vmem>>) dst(%dma_wait3A_17 : memref<10000x128xf32, #tpu.memory_space<vmem_shared>>)
    %dma_wait3A_18 = arith.constant 0 : i32
    %dma_wait3A_19 = arith.constant 0 : i32
    %dma_wait3A_20 = tpu.memref_slice %arg19[%dma_wait3A_18, %dma_wait3A_19] : memref<10000x128xf32, #tpu.memory_space<vmem_shared>> -> memref<10000x128xf32, #tpu.memory_space<vmem_shared>>
    tpu.wait_indirect_dma semaphore(%arg26 : memref<!tpu.dma_semaphore, #tpu.memory_space<semaphore_mem>>) src(%arg17 : memref<80x128xf32, #tpu.memory_space<vmem>>) dst(%dma_wait3A_20 : memref<10000x128xf32, #tpu.memory_space<vmem_shared>>)
    %dma_wait3A_21 = arith.constant 0 : i32
    %dma_wait3A_22 = arith.constant 0 : i32
    %dma_wait3A_23 = tpu.memref_slice %arg19[%dma_wait3A_21, %dma_wait3A_22] : memref<10000x128xf32, #tpu.memory_space<vmem_shared>> -> memref<10000x128xf32, #tpu.memory_space<vmem_shared>>
    tpu.wait_indirect_dma semaphore(%arg27 : memref<!tpu.dma_semaphore, #tpu.memory_space<semaphore_mem>>) src(%arg18 : memref<80x128xf32, #tpu.memory_space<vmem>>) dst(%dma_wait3A_23 : memref<10000x128xf32, #tpu.memory_space<vmem_shared>>)
    %add3A_24 = arith.constant 9920 : i32
    %add3A_25 = arith.addi %mul3A_8, %add3A_24 : i32
    %multiple_of3A = tpu.assume_multiple %add3A_25, 8 : i32
    "tpu.region"() ({
      %run_scoped3A = tpu.sem_alloc : memref<!tpu.dma_semaphore, #tpu.memory_space<semaphore_mem>>
      %dma_start3A_37 = tpu.memref_slice %arg3[%multiple_of3A] : memref<320000xi32, #tpu.memory_space<hbm>> -> memref<80xi32, #tpu.memory_space<hbm>>
      %dma_start3A_38 = tpu.memref_slice %arg3[%multiple_of3A] : memref<320000xi32, #tpu.memory_space<hbm>> -> memref<80xi32, #tpu.memory_space<hbm>>
      tpu.enqueue_dma source(%dma_start3A_38 : memref<80xi32, #tpu.memory_space<hbm>>) target(%arg7 : memref<80xi32, #tpu.memory_space<vmem>>) target_semaphore(%run_scoped3A : memref<!tpu.dma_semaphore, #tpu.memory_space<semaphore_mem>>)
      %dma_wait3A_39 = tpu.memref_slice %arg3[%multiple_of3A] : memref<320000xi32, #tpu.memory_space<hbm>> -> memref<80xi32, #tpu.memory_space<hbm>>
      %dma_wait3A_40 = tpu.memref_slice %arg3[%multiple_of3A] : memref<320000xi32, #tpu.memory_space<hbm>> -> memref<80xi32, #tpu.memory_space<hbm>>
      tpu.wait_dma2 semaphore(%run_scoped3A : memref<!tpu.dma_semaphore, #tpu.memory_space<semaphore_mem>>) src(%dma_wait3A_40 : memref<80xi32, #tpu.memory_space<hbm>>) dst(%arg7 : memref<80xi32, #tpu.memory_space<vmem>>)
      tpu.yield
    }) : () -> ()
    "tpu.region"() ({
      %run_scoped3A = tpu.sem_alloc : memref<!tpu.dma_semaphore, #tpu.memory_space<semaphore_mem>>
      %dma_start3A_37 = tpu.memref_slice %arg4[%multiple_of3A] : memref<320000xi32, #tpu.memory_space<hbm>> -> memref<80xi32, #tpu.memory_space<hbm>>
      %dma_start3A_38 = tpu.memref_slice %arg4[%multiple_of3A] : memref<320000xi32, #tpu.memory_space<hbm>> -> memref<80xi32, #tpu.memory_space<hbm>>
      tpu.enqueue_dma source(%dma_start3A_38 : memref<80xi32, #tpu.memory_space<hbm>>) target(%arg11 : memref<80xi32, #tpu.memory_space<vmem>>) target_semaphore(%run_scoped3A : memref<!tpu.dma_semaphore, #tpu.memory_space<semaphore_mem>>)
      %dma_wait3A_39 = tpu.memref_slice %arg4[%multiple_of3A] : memref<320000xi32, #tpu.memory_space<hbm>> -> memref<80xi32, #tpu.memory_space<hbm>>
      %dma_wait3A_40 = tpu.memref_slice %arg4[%multiple_of3A] : memref<320000xi32, #tpu.memory_space<hbm>> -> memref<80xi32, #tpu.memory_space<hbm>>
      tpu.wait_dma2 semaphore(%run_scoped3A : memref<!tpu.dma_semaphore, #tpu.memory_space<semaphore_mem>>) src(%dma_wait3A_40 : memref<80xi32, #tpu.memory_space<hbm>>) dst(%arg11 : memref<80xi32, #tpu.memory_space<vmem>>)
      tpu.yield
    }) : () -> ()
    %dma_start3A = arith.constant 0 : i32
    %dma_start3A_26 = arith.constant 0 : i32
    %dma_start3A_27 = tpu.memref_slice %arg2[%dma_start3A, %dma_start3A_26] : memref<10008x128xf32, #tpu.memory_space<hbm>> -> memref<10008x128xf32, #tpu.memory_space<hbm>>
    tpu.enqueue_indirect_dma source(%dma_start3A_27 : memref<10008x128xf32, #tpu.memory_space<hbm>>) target(%arg15 : memref<80x128xf32, #tpu.memory_space<vmem>>) offsets(%arg7 : memref<80xi32, #tpu.memory_space<vmem>>) semaphore(%arg20 : memref<!tpu.dma_semaphore, #tpu.memory_space<semaphore_mem>>)
    %dma_wait3A_28 = arith.constant 0 : i32
    %dma_wait3A_29 = arith.constant 0 : i32
    %dma_wait3A_30 = tpu.memref_slice %arg2[%dma_wait3A_28, %dma_wait3A_29] : memref<10008x128xf32, #tpu.memory_space<hbm>> -> memref<10008x128xf32, #tpu.memory_space<hbm>>
    tpu.wait_indirect_dma semaphore(%arg20 : memref<!tpu.dma_semaphore, #tpu.memory_space<semaphore_mem>>) src(%dma_wait3A_30 : memref<10008x128xf32, #tpu.memory_space<hbm>>) dst(%arg15 : memref<80x128xf32, #tpu.memory_space<vmem>>)
    "tpu.region"() ({
      %run_scoped3A = tpu.sem_alloc : memref<!tpu.dma_semaphore, #tpu.memory_space<semaphore_mem>>
      %dma_start3A_37 = arith.constant 0 : i32
      %dma_start3A_38 = arith.constant 0 : i32
      %dma_start3A_39 = tpu.memref_slice %arg19[%dma_start3A_37, %dma_start3A_38] : memref<10000x128xf32, #tpu.memory_space<vmem_shared>> -> memref<10000x128xf32, #tpu.memory_space<vmem_shared>>
      tpu.enqueue_indirect_dma source(%arg15 : memref<80x128xf32, #tpu.memory_space<vmem>>) target(%dma_start3A_39 : memref<10000x128xf32, #tpu.memory_space<vmem_shared>>) offsets(%arg11 : memref<80xi32, #tpu.memory_space<vmem>>) semaphore(%run_scoped3A : memref<!tpu.dma_semaphore, #tpu.memory_space<semaphore_mem>>) {add = true}
      %dma_wait3A_40 = arith.constant 0 : i32
      %dma_wait3A_41 = arith.constant 0 : i32
      %dma_wait3A_42 = tpu.memref_slice %arg19[%dma_wait3A_40, %dma_wait3A_41] : memref<10000x128xf32, #tpu.memory_space<vmem_shared>> -> memref<10000x128xf32, #tpu.memory_space<vmem_shared>>
      tpu.wait_indirect_dma semaphore(%run_scoped3A : memref<!tpu.dma_semaphore, #tpu.memory_space<semaphore_mem>>) src(%arg15 : memref<80x128xf32, #tpu.memory_space<vmem>>) dst(%dma_wait3A_42 : memref<10000x128xf32, #tpu.memory_space<vmem_shared>>)
      tpu.yield
    }) : () -> ()
    %barrier3A_31 = arith.constant 0 : index
    tpu.barrier barrier_id(%barrier3A_31)
    %scan3A_32 = arith.constant 0 : i32
    %scan3A_33 = arith.constant 8 : i32
    %scan3A_34 = arith.addi %scan3A_32, %scan3A_33 : i32
    %scan3A_35 = arith.constant 1 : i32
    scf.for %scan3A_37 = %scan3A_32 to %scan3A_34 step %scan3A_35  : i32 {
      %mul3A_38 = arith.constant 1 : i32
      %mul3A_39 = arith.muli %scan3A_37, %mul3A_38 : i32
      %add3A_40 = arith.constant 0 : i32
      %add3A_41 = arith.addi %add3A_40, %mul3A_39 : i32
      %mul3A_42 = arith.constant 16 : i32
      %mul3A_43 = arith.muli %add3A_41, %mul3A_42 : i32
      %add3A_44 = arith.addi %arg1, %mul3A_43 : i32
      %lt3A_45 = arith.constant 125 : i32
      %lt3A_46 = arith.cmpi slt, %add3A_44, %lt3A_45 : i32
      %convert_element_type3A_47 = arith.extui %lt3A_46 : i1 to i32
      %cond3A_48 = arith.constant 0 : i32
      %cond3A_49 = arith.cmpi ne, %convert_element_type3A_47, %cond3A_48 : i32
      scf.if %cond3A_49 {
        %mul3A_50 = arith.constant 80 : i32
        %mul3A_51 = arith.muli %add3A_44, %mul3A_50 : i32
        %multiple_of3A_52 = tpu.assume_multiple %mul3A_51, 8 : i32
        "tpu.region"() ({
          %run_scoped3A = tpu.sem_alloc : memref<!tpu.dma_semaphore, #tpu.memory_space<semaphore_mem>>
          %dma_start3A_53 = arith.constant 0 : i32
          %dma_start3A_54 = tpu.memref_slice %arg6[%arg0, %multiple_of3A_52, %dma_start3A_53] : memref<2x10000x128xf32, #tpu.memory_space<hbm>> -> memref<1x80x128xf32, #tpu.memory_space<hbm>>
          %dma_start3A_55 = tpu.memref_squeeze %dma_start3A_54 : memref<1x80x128xf32, #tpu.memory_space<hbm>> -> memref<80x128xf32, #tpu.memory_space<hbm>>
          %dma_start3A_56 = arith.constant 0 : i32
          %dma_start3A_57 = tpu.memref_slice %arg19[%multiple_of3A_52, %dma_start3A_56] : memref<10000x128xf32, #tpu.memory_space<vmem_shared>> -> memref<80x128xf32, #tpu.memory_space<vmem_shared>>
          tpu.enqueue_dma source(%dma_start3A_57 : memref<80x128xf32, #tpu.memory_space<vmem_shared>>) target(%dma_start3A_55 : memref<80x128xf32, #tpu.memory_space<hbm>>) target_semaphore(%run_scoped3A : memref<!tpu.dma_semaphore, #tpu.memory_space<semaphore_mem>>)
          %dma_wait3A_58 = arith.constant 0 : i32
          %dma_wait3A_59 = tpu.memref_slice %arg6[%arg0, %multiple_of3A_52, %dma_wait3A_58] : memref<2x10000x128xf32, #tpu.memory_space<hbm>> -> memref<1x80x128xf32, #tpu.memory_space<hbm>>
          %dma_wait3A_60 = tpu.memref_squeeze %dma_wait3A_59 : memref<1x80x128xf32, #tpu.memory_space<hbm>> -> memref<80x128xf32, #tpu.memory_space<hbm>>
          %dma_wait3A_61 = arith.constant 0 : i32
          %dma_wait3A_62 = tpu.memref_slice %arg19[%multiple_of3A_52, %dma_wait3A_61] : memref<10000x128xf32, #tpu.memory_space<vmem_shared>> -> memref<80x128xf32, #tpu.memory_space<vmem_shared>>
          tpu.wait_dma2 semaphore(%run_scoped3A : memref<!tpu.dma_semaphore, #tpu.memory_space<semaphore_mem>>) src(%dma_wait3A_62 : memref<80x128xf32, #tpu.memory_space<vmem_shared>>) dst(%dma_wait3A_60 : memref<80x128xf32, #tpu.memory_space<hbm>>)
          tpu.yield
        }) : () -> ()
      } else {
      }
    }
    %scan3A_36 = arith.constant 8 : i32
    return
  }
}

#map = affine_map<(d0, d1) -> (0, 0)>
#map1 = affine_map<(d0, d1) -> (0)>
#map2 = affine_map<(d0, d1) -> (0, 0, 0)>
module attributes {stable_mosaic.version = 14 : i64} {
  func.func @_pool_body(%arg0: i32, %arg1: i32, %arg2: memref<10000x128xf32, #tpu.memory_space<hbm>>, %arg3: memref<10000xi32, #tpu.memory_space<hbm>>, %arg4: memref<10000x128xf32, #tpu.memory_space<hbm>>, %arg5: memref<2x128x128xf32, #tpu.memory_space<hbm>>, %arg6: memref<80xi32, #tpu.memory_space<vmem>>, %arg7: memref<80x128xf32, #tpu.memory_space<vmem>>, %arg8: memref<128x128xf32, #tpu.memory_space<vmem_shared>>) attributes {dimension_semantics = [#tpu.dimension_semantics<core_parallel>, #tpu.dimension_semantics<subcore_parallel>], iteration_bounds = array<i64: 2, 16>, scalar_prefetch = 0 : i64, scratch_operands = 3 : i64, tpu.core_type = #tpu.core_type<sc_vector_subcore>, window_params = [{transform_indices = #map}, {transform_indices = #map1}, {transform_indices = #map}, {transform_indices = #map2}]} {
    %mul3A = arith.constant 16 : i32
    %mul3A_0 = arith.muli %arg0, %mul3A : i32
    %add3A = arith.addi %mul3A_0, %arg1 : i32
    %mul3A_1 = arith.constant 8 : i32
    %mul3A_2 = arith.muli %arg1, %mul3A_1 : i32
    %mul3A_3 = arith.constant 8 : i32
    %mul3A_4 = arith.muli %arg1, %mul3A_3 : i32
    "tpu.region"() ({
      %run_scoped3A = tpu.sem_alloc : memref<!tpu.dma_semaphore, #tpu.memory_space<semaphore_mem>>
      %dma_start3A = arith.constant 0 : i32
      %dma_start3A_14 = tpu.memref_slice %arg8[%mul3A_4, %dma_start3A] : memref<128x128xf32, #tpu.memory_space<vmem_shared>> -> memref<8x128xf32, #tpu.memory_space<vmem_shared>>
      %dma_start3A_15 = arith.constant 0 : i32
      %dma_start3A_16 = tpu.memref_slice %arg4[%mul3A_2, %dma_start3A_15] : memref<10000x128xf32, #tpu.memory_space<hbm>> -> memref<8x128xf32, #tpu.memory_space<hbm>>
      tpu.enqueue_dma source(%dma_start3A_16 : memref<8x128xf32, #tpu.memory_space<hbm>>) target(%dma_start3A_14 : memref<8x128xf32, #tpu.memory_space<vmem_shared>>) target_semaphore(%run_scoped3A : memref<!tpu.dma_semaphore, #tpu.memory_space<semaphore_mem>>)
      %dma_wait3A = arith.constant 0 : i32
      %dma_wait3A_17 = tpu.memref_slice %arg8[%mul3A_4, %dma_wait3A] : memref<128x128xf32, #tpu.memory_space<vmem_shared>> -> memref<8x128xf32, #tpu.memory_space<vmem_shared>>
      %dma_wait3A_18 = arith.constant 0 : i32
      %dma_wait3A_19 = tpu.memref_slice %arg4[%mul3A_2, %dma_wait3A_18] : memref<10000x128xf32, #tpu.memory_space<hbm>> -> memref<8x128xf32, #tpu.memory_space<hbm>>
      tpu.wait_dma2 semaphore(%run_scoped3A : memref<!tpu.dma_semaphore, #tpu.memory_space<semaphore_mem>>) src(%dma_wait3A_19 : memref<8x128xf32, #tpu.memory_space<hbm>>) dst(%dma_wait3A_17 : memref<8x128xf32, #tpu.memory_space<vmem_shared>>)
      tpu.yield
    }) : () -> ()
    %barrier3A = arith.constant 0 : index
    tpu.barrier barrier_id(%barrier3A)
    %scan3A = arith.constant 0 : i32
    %scan3A_5 = arith.constant 4 : i32
    %scan3A_6 = arith.addi %scan3A, %scan3A_5 : i32
    %scan3A_7 = arith.constant 1 : i32
    scf.for %scan3A_14 = %scan3A to %scan3A_6 step %scan3A_7  : i32 {
      %mul3A_15 = arith.constant 1 : i32
      %mul3A_16 = arith.muli %scan3A_14, %mul3A_15 : i32
      %add3A_17 = arith.constant 0 : i32
      %add3A_18 = arith.addi %add3A_17, %mul3A_16 : i32
      %mul3A_19 = arith.constant 32 : i32
      %mul3A_20 = arith.muli %add3A_18, %mul3A_19 : i32
      %add3A_21 = arith.addi %add3A, %mul3A_20 : i32
      %lt3A = arith.constant 125 : i32
      %lt3A_22 = arith.cmpi slt, %add3A_21, %lt3A : i32
      %convert_element_type3A = arith.extui %lt3A_22 : i1 to i32
      %cond3A = arith.constant 0 : i32
      %cond3A_23 = arith.cmpi ne, %convert_element_type3A, %cond3A : i32
      scf.if %cond3A_23 {
        %mul3A_24 = arith.constant 80 : i32
        %mul3A_25 = arith.muli %add3A_21, %mul3A_24 : i32
        %multiple_of3A = tpu.assume_multiple %mul3A_25, 8 : i32
        "tpu.region"() ({
          %run_scoped3A = tpu.sem_alloc : memref<!tpu.dma_semaphore, #tpu.memory_space<semaphore_mem>>
          %dma_start3A = tpu.memref_slice %arg3[%multiple_of3A] : memref<10000xi32, #tpu.memory_space<hbm>> -> memref<80xi32, #tpu.memory_space<hbm>>
          %dma_start3A_26 = tpu.memref_slice %arg3[%multiple_of3A] : memref<10000xi32, #tpu.memory_space<hbm>> -> memref<80xi32, #tpu.memory_space<hbm>>
          tpu.enqueue_dma source(%dma_start3A_26 : memref<80xi32, #tpu.memory_space<hbm>>) target(%arg6 : memref<80xi32, #tpu.memory_space<vmem>>) target_semaphore(%run_scoped3A : memref<!tpu.dma_semaphore, #tpu.memory_space<semaphore_mem>>)
          %dma_wait3A = tpu.memref_slice %arg3[%multiple_of3A] : memref<10000xi32, #tpu.memory_space<hbm>> -> memref<80xi32, #tpu.memory_space<hbm>>
          %dma_wait3A_27 = tpu.memref_slice %arg3[%multiple_of3A] : memref<10000xi32, #tpu.memory_space<hbm>> -> memref<80xi32, #tpu.memory_space<hbm>>
          tpu.wait_dma2 semaphore(%run_scoped3A : memref<!tpu.dma_semaphore, #tpu.memory_space<semaphore_mem>>) src(%dma_wait3A_27 : memref<80xi32, #tpu.memory_space<hbm>>) dst(%arg6 : memref<80xi32, #tpu.memory_space<vmem>>)
          tpu.yield
        }) : () -> ()
        "tpu.region"() ({
          %run_scoped3A = tpu.sem_alloc : memref<!tpu.dma_semaphore, #tpu.memory_space<semaphore_mem>>
          %dma_start3A = arith.constant 0 : i32
          %dma_start3A_26 = tpu.memref_slice %arg2[%multiple_of3A, %dma_start3A] : memref<10000x128xf32, #tpu.memory_space<hbm>> -> memref<80x128xf32, #tpu.memory_space<hbm>>
          %dma_start3A_27 = arith.constant 0 : i32
          %dma_start3A_28 = tpu.memref_slice %arg2[%multiple_of3A, %dma_start3A_27] : memref<10000x128xf32, #tpu.memory_space<hbm>> -> memref<80x128xf32, #tpu.memory_space<hbm>>
          tpu.enqueue_dma source(%dma_start3A_28 : memref<80x128xf32, #tpu.memory_space<hbm>>) target(%arg7 : memref<80x128xf32, #tpu.memory_space<vmem>>) target_semaphore(%run_scoped3A : memref<!tpu.dma_semaphore, #tpu.memory_space<semaphore_mem>>)
          %dma_wait3A = arith.constant 0 : i32
          %dma_wait3A_29 = tpu.memref_slice %arg2[%multiple_of3A, %dma_wait3A] : memref<10000x128xf32, #tpu.memory_space<hbm>> -> memref<80x128xf32, #tpu.memory_space<hbm>>
          %dma_wait3A_30 = arith.constant 0 : i32
          %dma_wait3A_31 = tpu.memref_slice %arg2[%multiple_of3A, %dma_wait3A_30] : memref<10000x128xf32, #tpu.memory_space<hbm>> -> memref<80x128xf32, #tpu.memory_space<hbm>>
          tpu.wait_dma2 semaphore(%run_scoped3A : memref<!tpu.dma_semaphore, #tpu.memory_space<semaphore_mem>>) src(%dma_wait3A_31 : memref<80x128xf32, #tpu.memory_space<hbm>>) dst(%arg7 : memref<80x128xf32, #tpu.memory_space<vmem>>)
          tpu.yield
        }) : () -> ()
        "tpu.region"() ({
          %run_scoped3A = tpu.sem_alloc : memref<!tpu.dma_semaphore, #tpu.memory_space<semaphore_mem>>
          %dma_start3A = arith.constant 0 : i32
          %dma_start3A_26 = arith.constant 0 : i32
          %dma_start3A_27 = tpu.memref_slice %arg8[%dma_start3A, %dma_start3A_26] : memref<128x128xf32, #tpu.memory_space<vmem_shared>> -> memref<128x128xf32, #tpu.memory_space<vmem_shared>>
          tpu.enqueue_indirect_dma source(%arg7 : memref<80x128xf32, #tpu.memory_space<vmem>>) target(%dma_start3A_27 : memref<128x128xf32, #tpu.memory_space<vmem_shared>>) offsets(%arg6 : memref<80xi32, #tpu.memory_space<vmem>>) semaphore(%run_scoped3A : memref<!tpu.dma_semaphore, #tpu.memory_space<semaphore_mem>>) {add = true}
          %dma_wait3A = arith.constant 0 : i32
          %dma_wait3A_28 = arith.constant 0 : i32
          %dma_wait3A_29 = tpu.memref_slice %arg8[%dma_wait3A, %dma_wait3A_28] : memref<128x128xf32, #tpu.memory_space<vmem_shared>> -> memref<128x128xf32, #tpu.memory_space<vmem_shared>>
          tpu.wait_indirect_dma semaphore(%run_scoped3A : memref<!tpu.dma_semaphore, #tpu.memory_space<semaphore_mem>>) src(%arg7 : memref<80x128xf32, #tpu.memory_space<vmem>>) dst(%dma_wait3A_29 : memref<128x128xf32, #tpu.memory_space<vmem_shared>>)
          tpu.yield
        }) : () -> ()
      } else {
      }
    }
    %scan3A_8 = arith.constant 4 : i32
    %barrier3A_9 = arith.constant 0 : index
    tpu.barrier barrier_id(%barrier3A_9)
    %mul3A_10 = arith.constant 8 : i32
    %mul3A_11 = arith.muli %arg1, %mul3A_10 : i32
    %mul3A_12 = arith.constant 8 : i32
    %mul3A_13 = arith.muli %arg1, %mul3A_12 : i32
    "tpu.region"() ({
      %run_scoped3A = tpu.sem_alloc : memref<!tpu.dma_semaphore, #tpu.memory_space<semaphore_mem>>
      %dma_start3A = arith.constant 0 : i32
      %dma_start3A_14 = tpu.memref_slice %arg5[%arg0, %mul3A_13, %dma_start3A] : memref<2x128x128xf32, #tpu.memory_space<hbm>> -> memref<1x8x128xf32, #tpu.memory_space<hbm>>
      %dma_start3A_15 = tpu.memref_squeeze %dma_start3A_14 : memref<1x8x128xf32, #tpu.memory_space<hbm>> -> memref<8x128xf32, #tpu.memory_space<hbm>>
      %dma_start3A_16 = arith.constant 0 : i32
      %dma_start3A_17 = tpu.memref_slice %arg8[%mul3A_11, %dma_start3A_16] : memref<128x128xf32, #tpu.memory_space<vmem_shared>> -> memref<8x128xf32, #tpu.memory_space<vmem_shared>>
      tpu.enqueue_dma source(%dma_start3A_17 : memref<8x128xf32, #tpu.memory_space<vmem_shared>>) target(%dma_start3A_15 : memref<8x128xf32, #tpu.memory_space<hbm>>) target_semaphore(%run_scoped3A : memref<!tpu.dma_semaphore, #tpu.memory_space<semaphore_mem>>)
      %dma_wait3A = arith.constant 0 : i32
      %dma_wait3A_18 = tpu.memref_slice %arg5[%arg0, %mul3A_13, %dma_wait3A] : memref<2x128x128xf32, #tpu.memory_space<hbm>> -> memref<1x8x128xf32, #tpu.memory_space<hbm>>
      %dma_wait3A_19 = tpu.memref_squeeze %dma_wait3A_18 : memref<1x8x128xf32, #tpu.memory_space<hbm>> -> memref<8x128xf32, #tpu.memory_space<hbm>>
      %dma_wait3A_20 = arith.constant 0 : i32
      %dma_wait3A_21 = tpu.memref_slice %arg8[%mul3A_11, %dma_wait3A_20] : memref<128x128xf32, #tpu.memory_space<vmem_shared>> -> memref<8x128xf32, #tpu.memory_space<vmem_shared>>
      tpu.wait_dma2 semaphore(%run_scoped3A : memref<!tpu.dma_semaphore, #tpu.memory_space<semaphore_mem>>) src(%dma_wait3A_21 : memref<8x128xf32, #tpu.memory_space<vmem_shared>>) dst(%dma_wait3A_19 : memref<8x128xf32, #tpu.memory_space<hbm>>)
      tpu.yield
    }) : () -> ()
    return
  }
}

module attributes {stable_mosaic.version = 14 : i64} {
  func.func @_first_body(%arg0: memref<10000x128xf32, #tpu.memory_space<vmem>>, %arg1: memref<128x128xf32, #tpu.memory_space<vmem>>, %arg2: memref<10008x128xf32, #tpu.memory_space<vmem>>) attributes {dimension_semantics = [], scalar_prefetch = 0 : i64, scratch_operands = 0 : i64, tpu.core_type = #tpu.core_type<tc>} {
    %get3A = arith.constant 0 : index
    %get3A_0 = arith.constant 0 : index
    %get3A_1 = vector.load %arg0[%get3A, %get3A_0] : memref<10000x128xf32, #tpu.memory_space<vmem>>, vector<10000x128xf32>
    %get3A_2 = arith.constant 0 : index
    %get3A_3 = arith.constant 0 : index
    %get3A_4 = vector.load %arg1[%get3A_2, %get3A_3] : memref<128x128xf32, #tpu.memory_space<vmem>>, vector<128x128xf32>
    %dot_general3A = arith.constant dense<0.000000e+00> : vector<10000x128xf32>
    %dot_general3A_5 = tpu.matmul %get3A_1, %get3A_4, %dot_general3A {dimension_numbers = #tpu.dot_dimension_numbers<[1], [0], [0], [1], [0, 0, 1, 1], [], []>, transpose_lhs_hint = false} : vector<10000x128xf32>, vector<128x128xf32>, vector<10000x128xf32> -> vector<10000x128xf32>
    %swap3A = arith.constant 0 : index
    %swap3A_6 = arith.constant 0 : index
    %swap3A_7 = vector.load %arg2[%swap3A, %swap3A_6] : memref<10008x128xf32, #tpu.memory_space<vmem>>, vector<10000x128xf32>
    tpu.vector_store %arg2[%swap3A, %swap3A_6], %dot_general3A_5 {strides = array<i32>} : memref<10008x128xf32, #tpu.memory_space<vmem>>, vector<10000x128xf32>,
    %broadcast_in_dim3A = arith.constant 0.000000e+00 : f32
    %broadcast_in_dim3A_8 = vector.broadcast %broadcast_in_dim3A : f32 to vector<8x128xf32>
    %swap3A_9 = arith.constant 10000 : index
    %swap3A_10 = arith.constant 0 : index
    %swap3A_11 = vector.load %arg2[%swap3A_9, %swap3A_10] : memref<10008x128xf32, #tpu.memory_space<vmem>>, vector<8x128xf32>
    tpu.vector_store %arg2[%swap3A_9, %swap3A_10], %broadcast_in_dim3A_8 {strides = array<i32>} : memref<10008x128xf32, #tpu.memory_space<vmem>>, vector<8x128xf32>,
    return
  }
}

module attributes {stable_mosaic.version = 14 : i64} {
  func.func @_dinv_scale_body(%arg0: memref<2x10000x128xf32, #tpu.memory_space<vmem>>, %arg1: memref<10008x128xf32, #tpu.memory_space<vmem>>, %arg2: memref<10000x1xf32, #tpu.memory_space<vmem>>, %arg3: memref<10008x128xf32, #tpu.memory_space<vmem>>) attributes {dimension_semantics = [], scalar_prefetch = 0 : i64, scratch_operands = 0 : i64, tpu.core_type = #tpu.core_type<tc>} {
    %get3A = arith.constant 0 : index
    %get3A_0 = arith.constant 0 : index
    %get3A_1 = arith.constant 0 : index
    %get3A_2 = vector.load %arg0[%get3A, %get3A_0, %get3A_1] : memref<2x10000x128xf32, #tpu.memory_space<vmem>>, vector<1x10000x128xf32>
    %get3A_3 = vector.shape_cast %get3A_2 : vector<1x10000x128xf32> to vector<10000x128xf32>
    %slice3A = vector.extract_strided_slice %get3A_3 {offsets = [0, 0], sizes = [10000, 1], strides = [1, 1]} : vector<10000x128xf32> to vector<10000x1xf32>
    %get3A_4 = arith.constant 1 : index
    %get3A_5 = arith.constant 0 : index
    %get3A_6 = arith.constant 0 : index
    %get3A_7 = vector.load %arg0[%get3A_4, %get3A_5, %get3A_6] : memref<2x10000x128xf32, #tpu.memory_space<vmem>>, vector<1x10000x128xf32>
    %get3A_8 = vector.shape_cast %get3A_7 : vector<1x10000x128xf32> to vector<10000x128xf32>
    %slice3A_9 = vector.extract_strided_slice %get3A_8 {offsets = [0, 0], sizes = [10000, 1], strides = [1, 1]} : vector<10000x128xf32> to vector<10000x1xf32>
    %add3A = arith.addf %slice3A, %slice3A_9 : vector<10000x1xf32>
    %add3A_10 = arith.constant 1.000000e+00 : f32
    %add3A_11 = vector.broadcast %add3A_10 : f32 to vector<10000x1xf32>
    %add3A_12 = arith.addf %add3A, %add3A_11 : vector<10000x1xf32>
    %iota3A = tpu.iota {dimensions = array<i32: 0>} : vector<10000x1xi32>
    %eq3A = arith.constant 0 : i32
    %eq3A_13 = vector.broadcast %eq3A : i32 to vector<10000x1xi32>
    %eq3A_14 = arith.cmpi eq, %iota3A, %eq3A_13 : vector<10000x1xi32>
    %jit3A = arith.constant 7.680000e+03 : f32
    %jit3A_15 = arith.constant 0.000000e+00 : f32
    %broadcast_in_dim3A = vector.broadcast %jit3A : f32 to vector<10000x1xf32>
    %broadcast_in_dim3A_16 = vector.broadcast %jit3A_15 : f32 to vector<10000x1xf32>
    %select_n3A = arith.select %eq3A_14, %broadcast_in_dim3A, %broadcast_in_dim3A_16 : vector<10000x1xi1>, vector<10000x1xf32>
    %sub3A = arith.subf %add3A_12, %select_n3A : vector<10000x1xf32>
    %max3A = arith.constant 1.000000e+00 : f32
    %max3A_17 = vector.broadcast %max3A : f32 to vector<10000x1xf32>
    %max3A_18 = arith.maximumf %sub3A, %max3A_17 : vector<10000x1xf32>
    %rsqrt3A = math.rsqrt %max3A_18 : vector<10000x1xf32>
    %swap3A = arith.constant 0 : index
    %swap3A_19 = arith.constant 0 : index
    %swap3A_20 = vector.load %arg2[%swap3A, %swap3A_19] : memref<10000x1xf32, #tpu.memory_space<vmem>>, vector<10000x1xf32>
    tpu.vector_store %arg2[%swap3A, %swap3A_19], %rsqrt3A {strides = array<i32>} : memref<10000x1xf32, #tpu.memory_space<vmem>>, vector<10000x1xf32>,
    %get3A_21 = arith.constant 0 : index
    %get3A_22 = arith.constant 0 : index
    %get3A_23 = vector.load %arg1[%get3A_21, %get3A_22] : memref<10008x128xf32, #tpu.memory_space<vmem>>, vector<10000x128xf32>
    %mul3A = vector.broadcast %rsqrt3A : vector<10000x1xf32> to vector<10000x128xf32>
    %mul3A_24 = arith.mulf %get3A_23, %mul3A : vector<10000x128xf32>
    %swap3A_25 = arith.constant 0 : index
    %swap3A_26 = arith.constant 0 : index
    %swap3A_27 = vector.load %arg3[%swap3A_25, %swap3A_26] : memref<10008x128xf32, #tpu.memory_space<vmem>>, vector<10000x128xf32>
    tpu.vector_store %arg3[%swap3A_25, %swap3A_26], %mul3A_24 {strides = array<i32>} : memref<10008x128xf32, #tpu.memory_space<vmem>>, vector<10000x128xf32>,
    %broadcast_in_dim3A_28 = arith.constant 0.000000e+00 : f32
    %broadcast_in_dim3A_29 = vector.broadcast %broadcast_in_dim3A_28 : f32 to vector<8x128xf32>
    %swap3A_30 = arith.constant 10000 : index
    %swap3A_31 = arith.constant 0 : index
    %swap3A_32 = vector.load %arg3[%swap3A_30, %swap3A_31] : memref<10008x128xf32, #tpu.memory_space<vmem>>, vector<8x128xf32>
    tpu.vector_store %arg3[%swap3A_30, %swap3A_31], %broadcast_in_dim3A_29 {strides = array<i32>} : memref<10008x128xf32, #tpu.memory_space<vmem>>, vector<8x128xf32>,
    return
  }
}

module attributes {stable_mosaic.version = 14 : i64} {
  func.func @_mid_body(%arg0: memref<2x10000x128xf32, #tpu.memory_space<vmem>>, %arg1: memref<10008x128xf32, #tpu.memory_space<vmem>>, %arg2: memref<10000x1xf32, #tpu.memory_space<vmem>>, %arg3: memref<1x128xf32, #tpu.memory_space<vmem>>, %arg4: memref<1x128xf32, #tpu.memory_space<vmem>>, %arg5: memref<1x128xf32, #tpu.memory_space<vmem>>, %arg6: memref<128x128xf32, #tpu.memory_space<vmem>>, %arg7: memref<10008x128xf32, #tpu.memory_space<vmem>>) attributes {dimension_semantics = [], scalar_prefetch = 0 : i64, scratch_operands = 0 : i64, tpu.core_type = #tpu.core_type<tc>} {
    %get3A = arith.constant 0 : index
    %get3A_0 = arith.constant 0 : index
    %get3A_1 = vector.load %arg1[%get3A, %get3A_0] : memref<10008x128xf32, #tpu.memory_space<vmem>>, vector<10000x128xf32>
    %get3A_2 = arith.constant 0 : index
    %get3A_3 = arith.constant 0 : index
    %get3A_4 = arith.constant 0 : index
    %get3A_5 = vector.load %arg0[%get3A_2, %get3A_3, %get3A_4] : memref<2x10000x128xf32, #tpu.memory_space<vmem>>, vector<1x10000x128xf32>
    %get3A_6 = vector.shape_cast %get3A_5 : vector<1x10000x128xf32> to vector<10000x128xf32>
    %get3A_7 = arith.constant 1 : index
    %get3A_8 = arith.constant 0 : index
    %get3A_9 = arith.constant 0 : index
    %get3A_10 = vector.load %arg0[%get3A_7, %get3A_8, %get3A_9] : memref<2x10000x128xf32, #tpu.memory_space<vmem>>, vector<1x10000x128xf32>
    %get3A_11 = vector.shape_cast %get3A_10 : vector<1x10000x128xf32> to vector<10000x128xf32>
    %add3A = arith.addf %get3A_6, %get3A_11 : vector<10000x128xf32>
    %add3A_12 = arith.addf %add3A, %get3A_1 : vector<10000x128xf32>
    %get3A_13 = arith.constant 0 : index
    %get3A_14 = arith.constant 0 : index
    %get3A_15 = vector.load %arg2[%get3A_13, %get3A_14] : memref<10000x1xf32, #tpu.memory_space<vmem>>, vector<10000x1xf32>
    %mul3A = vector.broadcast %get3A_15 : vector<10000x1xf32> to vector<10000x128xf32>
    %mul3A_16 = arith.mulf %add3A_12, %mul3A : vector<10000x128xf32>
    %get3A_17 = arith.constant 0 : index
    %get3A_18 = arith.constant 0 : index
    %get3A_19 = vector.load %arg3[%get3A_17, %get3A_18] : memref<1x128xf32, #tpu.memory_space<vmem>>, vector<1x128xf32>
    %add3A_20 = vector.broadcast %get3A_19 : vector<1x128xf32> to vector<10000x128xf32>
    %add3A_21 = arith.addf %mul3A_16, %add3A_20 : vector<10000x128xf32>
    %reduce_sum3A = arith.constant dense<0.000000e+00> : vector<128xf32>
    %reduce_sum3A_22 = vector.multi_reduction <add>, %add3A_21, %reduce_sum3A [0] : vector<10000x128xf32> to vector<128xf32>
    %broadcast_in_dim3A = vector.shape_cast %reduce_sum3A_22 : vector<128xf32> to vector<1x128xf32>
    %div3A = arith.constant 1.000000e+04 : f32
    %div3A_23 = vector.broadcast %div3A : f32 to vector<1x128xf32>
    %div3A_24 = arith.divf %broadcast_in_dim3A, %div3A_23 : vector<1x128xf32>
    %sub3A = vector.broadcast %div3A_24 : vector<1x128xf32> to vector<10000x128xf32>
    %sub3A_25 = arith.subf %add3A_21, %sub3A : vector<10000x128xf32>
    %integer_pow3A = arith.mulf %sub3A_25, %sub3A_25 : vector<10000x128xf32>
    %reduce_sum3A_26 = arith.constant dense<0.000000e+00> : vector<128xf32>
    %reduce_sum3A_27 = vector.multi_reduction <add>, %integer_pow3A, %reduce_sum3A_26 [0] : vector<10000x128xf32> to vector<128xf32>
    %broadcast_in_dim3A_28 = vector.shape_cast %reduce_sum3A_27 : vector<128xf32> to vector<1x128xf32>
    %div3A_29 = arith.constant 1.000000e+04 : f32
    %div3A_30 = vector.broadcast %div3A_29 : f32 to vector<1x128xf32>
    %div3A_31 = arith.divf %broadcast_in_dim3A_28, %div3A_30 : vector<1x128xf32>
    %sub3A_32 = vector.broadcast %div3A_24 : vector<1x128xf32> to vector<10000x128xf32>
    %sub3A_33 = arith.subf %add3A_21, %sub3A_32 : vector<10000x128xf32>
    %add3A_34 = arith.constant 9.99999974E-6 : f32
    %add3A_35 = vector.broadcast %add3A_34 : f32 to vector<1x128xf32>
    %add3A_36 = arith.addf %div3A_31, %add3A_35 : vector<1x128xf32>
    %rsqrt3A = math.rsqrt %add3A_36 : vector<1x128xf32>
    %mul3A_37 = vector.broadcast %rsqrt3A : vector<1x128xf32> to vector<10000x128xf32>
    %mul3A_38 = arith.mulf %sub3A_33, %mul3A_37 : vector<10000x128xf32>
    %get3A_39 = arith.constant 0 : index
    %get3A_40 = arith.constant 0 : index
    %get3A_41 = vector.load %arg4[%get3A_39, %get3A_40] : memref<1x128xf32, #tpu.memory_space<vmem>>, vector<1x128xf32>
    %mul3A_42 = vector.broadcast %get3A_41 : vector<1x128xf32> to vector<10000x128xf32>
    %mul3A_43 = arith.mulf %mul3A_38, %mul3A_42 : vector<10000x128xf32>
    %get3A_44 = arith.constant 0 : index
    %get3A_45 = arith.constant 0 : index
    %get3A_46 = vector.load %arg5[%get3A_44, %get3A_45] : memref<1x128xf32, #tpu.memory_space<vmem>>, vector<1x128xf32>
    %add3A_47 = vector.broadcast %get3A_46 : vector<1x128xf32> to vector<10000x128xf32>
    %add3A_48 = arith.addf %mul3A_43, %add3A_47 : vector<10000x128xf32>
    %max3A = arith.constant 0.000000e+00 : f32
    %max3A_49 = vector.broadcast %max3A : f32 to vector<10000x128xf32>
    %max3A_50 = arith.maximumf %add3A_48, %max3A_49 : vector<10000x128xf32>
    %get3A_51 = arith.constant 0 : index
    %get3A_52 = arith.constant 0 : index
    %get3A_53 = vector.load %arg6[%get3A_51, %get3A_52] : memref<128x128xf32, #tpu.memory_space<vmem>>, vector<128x128xf32>
    %dot_general3A = arith.constant dense<0.000000e+00> : vector<10000x128xf32>
    %dot_general3A_54 = tpu.matmul %max3A_50, %get3A_53, %dot_general3A {dimension_numbers = #tpu.dot_dimension_numbers<[1], [0], [0], [1], [0, 0, 1, 1], [], []>, transpose_lhs_hint = false} : vector<10000x128xf32>, vector<128x128xf32>, vector<10000x128xf32> -> vector<10000x128xf32>
    %get3A_55 = arith.constant 0 : index
    %get3A_56 = arith.constant 0 : index
    %get3A_57 = vector.load %arg2[%get3A_55, %get3A_56] : memref<10000x1xf32, #tpu.memory_space<vmem>>, vector<10000x1xf32>
    %mul3A_58 = vector.broadcast %get3A_57 : vector<10000x1xf32> to vector<10000x128xf32>
    %mul3A_59 = arith.mulf %dot_general3A_54, %mul3A_58 : vector<10000x128xf32>
    %swap3A = arith.constant 0 : index
    %swap3A_60 = arith.constant 0 : index
    %swap3A_61 = vector.load %arg7[%swap3A, %swap3A_60] : memref<10008x128xf32, #tpu.memory_space<vmem>>, vector<10000x128xf32>
    tpu.vector_store %arg7[%swap3A, %swap3A_60], %mul3A_59 {strides = array<i32>} : memref<10008x128xf32, #tpu.memory_space<vmem>>, vector<10000x128xf32>,
    %broadcast_in_dim3A_62 = arith.constant 0.000000e+00 : f32
    %broadcast_in_dim3A_63 = vector.broadcast %broadcast_in_dim3A_62 : f32 to vector<8x128xf32>
    %swap3A_64 = arith.constant 10000 : index
    %swap3A_65 = arith.constant 0 : index
    %swap3A_66 = vector.load %arg7[%swap3A_64, %swap3A_65] : memref<10008x128xf32, #tpu.memory_space<vmem>>, vector<8x128xf32>
    tpu.vector_store %arg7[%swap3A_64, %swap3A_65], %broadcast_in_dim3A_63 {strides = array<i32>} : memref<10008x128xf32, #tpu.memory_space<vmem>>, vector<8x128xf32>,
    return
  }
}

module attributes {stable_mosaic.version = 14 : i64} {
  func.func @_last_body(%arg0: memref<2x10000x128xf32, #tpu.memory_space<vmem>>, %arg1: memref<10008x128xf32, #tpu.memory_space<vmem>>, %arg2: memref<10000x1xf32, #tpu.memory_space<vmem>>, %arg3: memref<1x128xf32, #tpu.memory_space<vmem>>, %arg4: memref<1x128xf32, #tpu.memory_space<vmem>>, %arg5: memref<1x128xf32, #tpu.memory_space<vmem>>, %arg6: memref<10000x128xf32, #tpu.memory_space<vmem>>) attributes {dimension_semantics = [], scalar_prefetch = 0 : i64, scratch_operands = 0 : i64, tpu.core_type = #tpu.core_type<tc>} {
    %get3A = arith.constant 0 : index
    %get3A_0 = arith.constant 0 : index
    %get3A_1 = vector.load %arg1[%get3A, %get3A_0] : memref<10008x128xf32, #tpu.memory_space<vmem>>, vector<10000x128xf32>
    %get3A_2 = arith.constant 0 : index
    %get3A_3 = arith.constant 0 : index
    %get3A_4 = arith.constant 0 : index
    %get3A_5 = vector.load %arg0[%get3A_2, %get3A_3, %get3A_4] : memref<2x10000x128xf32, #tpu.memory_space<vmem>>, vector<1x10000x128xf32>
    %get3A_6 = vector.shape_cast %get3A_5 : vector<1x10000x128xf32> to vector<10000x128xf32>
    %get3A_7 = arith.constant 1 : index
    %get3A_8 = arith.constant 0 : index
    %get3A_9 = arith.constant 0 : index
    %get3A_10 = vector.load %arg0[%get3A_7, %get3A_8, %get3A_9] : memref<2x10000x128xf32, #tpu.memory_space<vmem>>, vector<1x10000x128xf32>
    %get3A_11 = vector.shape_cast %get3A_10 : vector<1x10000x128xf32> to vector<10000x128xf32>
    %add3A = arith.addf %get3A_6, %get3A_11 : vector<10000x128xf32>
    %add3A_12 = arith.addf %add3A, %get3A_1 : vector<10000x128xf32>
    %get3A_13 = arith.constant 0 : index
    %get3A_14 = arith.constant 0 : index
    %get3A_15 = vector.load %arg2[%get3A_13, %get3A_14] : memref<10000x1xf32, #tpu.memory_space<vmem>>, vector<10000x1xf32>
    %mul3A = vector.broadcast %get3A_15 : vector<10000x1xf32> to vector<10000x128xf32>
    %mul3A_16 = arith.mulf %add3A_12, %mul3A : vector<10000x128xf32>
    %get3A_17 = arith.constant 0 : index
    %get3A_18 = arith.constant 0 : index
    %get3A_19 = vector.load %arg3[%get3A_17, %get3A_18] : memref<1x128xf32, #tpu.memory_space<vmem>>, vector<1x128xf32>
    %add3A_20 = vector.broadcast %get3A_19 : vector<1x128xf32> to vector<10000x128xf32>
    %add3A_21 = arith.addf %mul3A_16, %add3A_20 : vector<10000x128xf32>
    %reduce_sum3A = arith.constant dense<0.000000e+00> : vector<128xf32>
    %reduce_sum3A_22 = vector.multi_reduction <add>, %add3A_21, %reduce_sum3A [0] : vector<10000x128xf32> to vector<128xf32>
    %broadcast_in_dim3A = vector.shape_cast %reduce_sum3A_22 : vector<128xf32> to vector<1x128xf32>
    %div3A = arith.constant 1.000000e+04 : f32
    %div3A_23 = vector.broadcast %div3A : f32 to vector<1x128xf32>
    %div3A_24 = arith.divf %broadcast_in_dim3A, %div3A_23 : vector<1x128xf32>
    %sub3A = vector.broadcast %div3A_24 : vector<1x128xf32> to vector<10000x128xf32>
    %sub3A_25 = arith.subf %add3A_21, %sub3A : vector<10000x128xf32>
    %integer_pow3A = arith.mulf %sub3A_25, %sub3A_25 : vector<10000x128xf32>
    %reduce_sum3A_26 = arith.constant dense<0.000000e+00> : vector<128xf32>
    %reduce_sum3A_27 = vector.multi_reduction <add>, %integer_pow3A, %reduce_sum3A_26 [0] : vector<10000x128xf32> to vector<128xf32>
    %broadcast_in_dim3A_28 = vector.shape_cast %reduce_sum3A_27 : vector<128xf32> to vector<1x128xf32>
    %div3A_29 = arith.constant 1.000000e+04 : f32
    %div3A_30 = vector.broadcast %div3A_29 : f32 to vector<1x128xf32>
    %div3A_31 = arith.divf %broadcast_in_dim3A_28, %div3A_30 : vector<1x128xf32>
    %sub3A_32 = vector.broadcast %div3A_24 : vector<1x128xf32> to vector<10000x128xf32>
    %sub3A_33 = arith.subf %add3A_21, %sub3A_32 : vector<10000x128xf32>
    %add3A_34 = arith.constant 9.99999974E-6 : f32
    %add3A_35 = vector.broadcast %add3A_34 : f32 to vector<1x128xf32>
    %add3A_36 = arith.addf %div3A_31, %add3A_35 : vector<1x128xf32>
    %rsqrt3A = math.rsqrt %add3A_36 : vector<1x128xf32>
    %mul3A_37 = vector.broadcast %rsqrt3A : vector<1x128xf32> to vector<10000x128xf32>
    %mul3A_38 = arith.mulf %sub3A_33, %mul3A_37 : vector<10000x128xf32>
    %get3A_39 = arith.constant 0 : index
    %get3A_40 = arith.constant 0 : index
    %get3A_41 = vector.load %arg4[%get3A_39, %get3A_40] : memref<1x128xf32, #tpu.memory_space<vmem>>, vector<1x128xf32>
    %mul3A_42 = vector.broadcast %get3A_41 : vector<1x128xf32> to vector<10000x128xf32>
    %mul3A_43 = arith.mulf %mul3A_38, %mul3A_42 : vector<10000x128xf32>
    %get3A_44 = arith.constant 0 : index
    %get3A_45 = arith.constant 0 : index
    %get3A_46 = vector.load %arg5[%get3A_44, %get3A_45] : memref<1x128xf32, #tpu.memory_space<vmem>>, vector<1x128xf32>
    %add3A_47 = vector.broadcast %get3A_46 : vector<1x128xf32> to vector<10000x128xf32>
    %add3A_48 = arith.addf %mul3A_43, %add3A_47 : vector<10000x128xf32>
    %max3A = arith.constant 0.000000e+00 : f32
    %max3A_49 = vector.broadcast %max3A : f32 to vector<10000x128xf32>
    %max3A_50 = arith.maximumf %add3A_48, %max3A_49 : vector<10000x128xf32>
    %swap3A = arith.constant 0 : index
    %swap3A_51 = arith.constant 0 : index
    %swap3A_52 = vector.load %arg6[%swap3A, %swap3A_51] : memref<10000x128xf32, #tpu.memory_space<vmem>>, vector<10000x128xf32>
    tpu.vector_store %arg6[%swap3A, %swap3A_51], %max3A_50 {strides = array<i32>} : memref<10000x128xf32, #tpu.memory_space<vmem>>, vector<10000x128xf32>,
    return
  }
}

module attributes {stable_mosaic.version = 14 : i64} {
  func.func @_cls_body(%arg0: memref<2x128x128xf32, #tpu.memory_space<vmem>>, %arg1: memref<128x10xf32, #tpu.memory_space<vmem>>, %arg2: memref<1x10xf32, #tpu.memory_space<vmem>>, %arg3: memref<128x10xf32, #tpu.memory_space<vmem>>) attributes {dimension_semantics = [], scalar_prefetch = 0 : i64, scratch_operands = 0 : i64, tpu.core_type = #tpu.core_type<tc>} {
    %get3A = arith.constant 0 : index
    %get3A_0 = arith.constant 0 : index
    %get3A_1 = arith.constant 0 : index
    %get3A_2 = vector.load %arg0[%get3A, %get3A_0, %get3A_1] : memref<2x128x128xf32, #tpu.memory_space<vmem>>, vector<1x128x128xf32>
    %get3A_3 = vector.shape_cast %get3A_2 : vector<1x128x128xf32> to vector<128x128xf32>
    %get3A_4 = arith.constant 1 : index
    %get3A_5 = arith.constant 0 : index
    %get3A_6 = arith.constant 0 : index
    %get3A_7 = vector.load %arg0[%get3A_4, %get3A_5, %get3A_6] : memref<2x128x128xf32, #tpu.memory_space<vmem>>, vector<1x128x128xf32>
    %get3A_8 = vector.shape_cast %get3A_7 : vector<1x128x128xf32> to vector<128x128xf32>
    %add3A = arith.addf %get3A_3, %get3A_8 : vector<128x128xf32>
    %get3A_9 = arith.constant 0 : index
    %get3A_10 = arith.constant 0 : index
    %get3A_11 = vector.load %arg1[%get3A_9, %get3A_10] : memref<128x10xf32, #tpu.memory_space<vmem>>, vector<128x10xf32>
    %dot_general3A = arith.constant dense<0.000000e+00> : vector<128x10xf32>
    %dot_general3A_12 = tpu.matmul %add3A, %get3A_11, %dot_general3A {dimension_numbers = #tpu.dot_dimension_numbers<[1], [0], [0], [1], [0, 0, 1, 1], [], []>, transpose_lhs_hint = false} : vector<128x128xf32>, vector<128x10xf32>, vector<128x10xf32> -> vector<128x10xf32>
    %get3A_13 = arith.constant 0 : index
    %get3A_14 = arith.constant 0 : index
    %get3A_15 = vector.load %arg2[%get3A_13, %get3A_14] : memref<1x10xf32, #tpu.memory_space<vmem>>, vector<1x10xf32>
    %add3A_16 = vector.broadcast %get3A_15 : vector<1x10xf32> to vector<128x10xf32>
    %add3A_17 = arith.addf %dot_general3A_12, %add3A_16 : vector<128x10xf32>
    %swap3A = arith.constant 0 : index
    %swap3A_18 = arith.constant 0 : index
    %swap3A_19 = vector.load %arg3[%swap3A, %swap3A_18] : memref<128x10xf32, #tpu.memory_space<vmem>>, vector<128x10xf32>
    tpu.vector_store %arg3[%swap3A, %swap3A_18], %add3A_17 {strides = array<i32>} : memref<128x10xf32, #tpu.memory_space<vmem>>, vector<128x10xf32>,
    return
  }
}

</mosaic_0001>

<sc_bundles>
// kernel: kernel.13.cloned.1.call-start
scs
__scs_entry_jumppad:
0x0: {  	(pc) =	sbr.rel $0x88, $3  }
0x1: {  	(tag) =	ssettag $0x0;
	lr =	simm.s32 $0x1  }
0x2: {  	[smem:$0x3F90] =	sst lr;
	_ =	strace $0xD0000000  }
0x3: {  	_ = 	snop  }
0x4: {  	_ = 	snop  }
0x5: {  	_ = 	snop  }
0x6: {  	_ = 	snop  }
0x7: {  	_ = 	snop  }
__scs_overlays_trampoline_lowered:
0x8: {  	[smem:$0x3F9F] =	sst s0  }
0x9: {  	[smem:$0x3FA0] =	sst s1  }
0xa: {  	[smem:$0x3FA1] =	sst s2  }
0xb: {  	[smem:$0x3FA2] =	sst s3  }
0xc: {  	[smem:$0x3FA3] =	sst s4  }
0xd: {  	[smem:$0x3FA4] =	sst s5  }
0xe: {  	[smem:$0x3FA5] =	sst s6  }
0xf: {  	[smem:$0x3FA6] =	sst s7  }
0x10: {  	[smem:$0x3FA7] =	sst s8  }
0x11: {  	[smem:$0x3FA8] =	sst s9;
	s0 =	simm.s32 @!p0 $0x0  }
0x12: {  	s1 =	sld [smem:$0x3F8E];
	s0 =	simm.s32 @p0 $0x1  }
0x13: {  	[smem:$0x3FA9] =	sst s0;
	s0 =	simm.s32 @!p1 $0x0  }
0x14: {  	s2 =	sld [smem:$0x3F8D];
	s0 =	simm.s32 @p1 $0x1  }
0x15: {  	[smem:$0x3FAA] =	sst s0;
	s0 =	simm.s32 @!p2 $0x0  }
0x16: {  	s3 =	sld [smem:$0x3FDB];
	s0 =	simm.s32 @p2 $0x1  }
0x17: {  	s4 =	simm.s32 $0x1BF5;
	[smem:$0x3FAC] =	sst s0  }
0x18: {  	s0 =	sld [smem:$0x3F8F];
	_ =	swait.ge [sflag:s4], $0x0  }
0x19: {  	s7 =	sld [smem:$0x3F90]  }
0x1a: {  	s8 =	sadd.s32 $0xFFFFE003, lr  }
0x1b: {  	s9 =	sadd.s32 $0xFFFFFEF7, lr;
	s5 =	simm.s32 $0xFFFFFFFF;
	p2 =	slt.u32 s8, $0xFFFFF086  }
0x1c: {  	p1 =	slt.u32 s9, $0xF7A;
	s5 =	simm.s32 @!p2 $0x0  }
0x1d: {  	s5 =	simm.s32 @p1 $0x1;
	p0 =	seq.s32 s7, s2  }
0x1e: {  	s7 =	smul.u32 @!p0 $0xF7A, s2;
	p2 =	seq.s32 @!p0 s5, $0x0  }
0x1f: {  	s9 =	smul.u32 $0xF7A, s1;
	s8 =	simm.s32 @!p0 $0x1BF5;
	p2 =	por !p2, p0  }
0x20: {  	[sflag:s8] =	ssyncset.s32 @!p0 $0xFFFFF086;
	s6 =	sadd.s32 @!p0 s3, s7;
	s7 =	simm.s32 @!p0 $0x108  }
0x21: {  	s3 =	sadd.s32 s3, s9;
	s6 =	sadd.s32 @!p0 $0x88, s6;
	s7 =	simm.s32 @p2 $0x1082  }
0x22: {  	[simem:s7], [sflag:s8] =	dma.local @!p0 [hbm:s6], $0xF7A  }
0x23: {  	s9 =	sor.u32 $0xD0000000, s2;
	s6 =	simm.s32 $0x108;
	_ =	swait.ge @!p0 [sflag:s8], $0x0  }
0x24: {  	s3 =	sadd.s32 $0x88, s3;
	s6 =	simm.s32 @!p1 $0x1082;
	[sflag:s4] =	ssyncset.s32 $0xFFFFF086  }
0x25: {  	[simem:s6], [sflag:s4] =	dma.local [hbm:s3], $0xF7A  }
0x26: {  	[smem:$0x3F90] =	sst s1;
	(tag) =	ssettag s2;
	_ =	strace s9  }
0x27: {  	s1 =	sld [smem:$0x3FA0]  }
0x28: {  	s2 =	sld [smem:$0x3FA1]  }
0x29: {  	s4 =	sld [smem:$0x3FA3]  }
0x2a: {  	p0 =	seq.s32 s5, $0x0;
	s5 =	sld [smem:$0x3FA4]  }
0x2b: {  	s6 =	sld [smem:$0x3FA5]  }
0x2c: {  	s7 =	sld [smem:$0x3FA6]  }
0x2d: {  	s3 =	simm.s32 $0x108;
	s8 =	sld [smem:$0x3FA7]  }
0x2e: {  	s3 =	simm.s32 @!p0 $0x1082;
	s9 =	sld [smem:$0x3FA8]  }
0x2f: {  	lr =	sadd.s32 s0, s3;
	s0 =	sld [smem:$0x3F9F]  }
0x30: {  	s3 =	sld [smem:$0x3FA2]  }
0x31: {  	[smem:$0x3FAB] =	sst s10  }
0x32: {  	s10 =	sld [smem:$0x3FA9];
	_ =	sdelay $0x3  }
0x33: {  	p0 =	seq.s32 s10, $0x1;
	s10 =	sld [smem:$0x3FAB];
	_ =	sdelay $0x3  }
0x34: {  	[smem:$0x3FAB] =	sst s10  }
0x35: {  	s10 =	sld [smem:$0x3FAA];
	_ =	sdelay $0x3  }
0x36: {  	p1 =	seq.s32 s10, $0x1;
	s10 =	sld [smem:$0x3FAB];
	_ =	sdelay $0x3  }
0x37: {  	[smem:$0x3FAB] =	sst s10  }
0x38: {  	s10 =	sld [smem:$0x3FAC]  }
0x39: {  	_ = 	snop;
	(pc) =	sbr.ind lr, $3  }
0x3a: {  	_ = 	snop  }
0x3b: {  	_ = 	snop  }
0x3c: {  	p2 =	seq.s32 s10, $0x1;
	s10 =	sld [smem:$0x3FAB]  }
0x3d: {  	_ =	shalt  }
0x3e: {  	_ =	shalt  }
0x3f: {  	_ =	shalt  }
0x40: {  	_ =	shalt  }
0x41: {  	_ =	shalt  }
0x42: {  	_ =	shalt  }
0x43: {  	_ =	shalt  }
0x44: {  	_ =	shalt  }
0x45: {  	_ =	shalt  }
0x46: {  	_ =	shalt  }
0x47: {  	_ =	shalt  }
0x48: {  	_ =	shalt  }
0x49: {  	_ =	shalt  }
0x4a: {  	_ =	shalt  }
0x4b: {  	_ =	shalt  }
0x4c: {  	_ =	shalt  }
0x4d: {  	_ =	shalt  }
0x4e: {  	_ =	shalt  }
0x4f: {  	_ =	shalt  }
0x50: {  	_ =	shalt  }
0x51: {  	_ =	shalt  }
0x52: {  	_ =	shalt  }
0x53: {  	_ =	shalt  }
0x54: {  	_ =	shalt  }
0x55: {  	_ =	shalt  }
0x56: {  	_ =	shalt  }
0x57: {  	_ =	shalt  }
0x58: {  	_ =	shalt  }
0x59: {  	_ =	shalt  }
0x5a: {  	_ =	shalt  }
0x5b: {  	_ =	shalt  }
0x5c: {  	_ =	shalt  }
0x5d: {  	_ =	shalt  }
0x5e: {  	_ =	shalt  }
0x5f: {  	_ =	shalt  }
0x60: {  	_ =	shalt  }
0x61: {  	_ =	shalt  }
0x62: {  	_ =	shalt  }
0x63: {  	_ =	shalt  }
0x64: {  	_ =	shalt  }
0x65: {  	_ =	shalt  }
0x66: {  	_ =	shalt  }
0x67: {  	_ =	shalt  }
0x68: {  	_ =	shalt  }
0x69: {  	_ =	shalt  }
0x6a: {  	_ =	shalt  }
0x6b: {  	_ =	shalt  }
0x6c: {  	_ =	shalt  }
0x6d: {  	_ =	shalt  }
0x6e: {  	_ =	shalt  }
0x6f: {  	_ =	shalt  }
0x70: {  	_ =	shalt  }
0x71: {  	_ =	shalt  }
0x72: {  	_ =	shalt  }
0x73: {  	_ =	shalt  }
0x74: {  	_ =	shalt  }
0x75: {  	_ =	shalt  }
0x76: {  	_ =	shalt  }
0x77: {  	_ =	shalt  }
0x78: {  	_ =	shalt  }
0x79: {  	_ =	shalt  }
0x7a: {  	_ =	shalt  }
0x7b: {  	_ =	shalt  }
0x7c: {  	_ =	shalt  }
0x7d: {  	_ =	shalt  }
0x7e: {  	_ =	shalt  }
0x7f: {  	_ =	shalt  }
0x80: {  	_ =	shalt  }
0x81: {  	_ =	shalt  }
0x82: {  	_ =	shalt  }
0x83: {  	_ =	shalt  }
0x84: {  	_ =	shalt  }
0x85: {  	_ =	shalt  }
0x86: {  	_ =	shalt  }
0x87: {  	_ =	shalt  }
.Lfunc_end0:
.L_simem_size_0:
called_computation_lowered:
.L_overlay_start_0:
0x88: {  	s2 =	sld [smem:$0x3FD9]  }
0x89: {  	s3 =	sld [smem:$0x3FFE];
	_ =	sdelay $0x1  }
0x8a: {  	s1 =	srdreg.scid  }
0x8b: {  	s0 =	sand.u32 $0x1, s1  }
0x8c: {  	s16 =	sshll.u32 s0, $0xA;
	s2 =	sadd.s32 s3, s2  }
0x8d: {  	s2 =	sadd.s32 s2, s16  }
0x8e: {  	[smem:$0x3FB7] =	sst s2  }
0x8f: {  	_ = 	snop  }
0x90: {  	(tm) =	ssettm $0x1  }
0x91: {  	s17 =	sld [smem:$0x3FFB];
	_ =	sdelay $0x3  }
0x92: {  	_ =	strace s17  }
0x93: {  	s2 =	sld [smem:$0x3FFC];
	_ =	sdelay $0x3  }
0x94: {  	_ =	strace s2  }
0x95: {  	s2 =	sld [smem:$0x3FFD];
	_ =	sdelay $0x3  }
0x96: {  	_ =	strace s2  }
0x97: {  	_ =	strace $0x8FFFFFFF  }
0x98: {  	s18 =	sld [smem:$0x3FDB];
	_ =	sdelay $0x1  }
0x99: {  	s19 =	simm.s32 $_scs_section_size  }
0x9a: {  	s4 =	simm.s32 $_size__tile_overlayer_lowered;
	s5 =	simm.s32 $_tile_overlayer_lowered  }
0x9b: {  	s22 =	simm.s32 $0x1BFF;
	s21 =	sshll.u32 s5, $0x1;
	s2 =	sadd.s32 s19, s18  }
0x9c: {  	s6 =	simm.s32 $0x0;
	s20 =	sshll.u32 s4, $0x1;
	s4 =	sadd.s32 s21, s2  }
0x9d: {  	[timem:s6], [sflag:s22] =	dma.local [hbm:s4], s20  }
0x9e: {  	_ =	swait.ge [sflag:s22], s20  }
0x9f: {  	s3 =	ssub.s32 $0x0, s20;
	[sflag:s22] =	ssyncset.done $0x0  }
0xa0: {  	[sflag:s22] =	ssyncadd.s32 s3;
	_ =	sdelay $0x1  }
0xa1: {  	s23 =	simm.s32 $0x1B8B  }
0xa2: {  	_ =	swait.ge [sflag:s23], $0x1  }
0xa3: {  	[sflag:s23] =	ssyncset.done $0x0  }
0xa4: {  	s25 =	simm.s32 $0x1B8E;
	s24 =	sld [smem:$0x3FFE];
	[sflag:s23] =	ssyncadd.s32 $0xFFFFFFFF  }
0xa5: {  	s26 =	simm.s32 $execute0_lowered;
	[smem:$0x3FD2] =	sst s25  }
0xa6: {  	s4 =	sshll.u32 s26, $0x1;
	_ =	strace $0x80000046;
	[dreg:$0x1] =	wrdreg $0xFFFFFFFF  }
0xa7: {  	s28 =	simm.s32 $_size_execute0_lowered;
	s2 =	sadd.s32 s2, s4;
	[dreg:$0x0] =	wrdreg $0x0  }
0xa8: {  	s4 =	sshll.u32 s28, $0x1;
	[dreg:$0x2] =	wrdreg s2  }
0xa9: {  	[dreg:$0x3] =	wrdreg s4  }
0xaa: {  	[dreg:$0x4] =	wrdreg $0xC0  }
0xab: {  	_ =	task [dreg:s6], $0x5FFFF  }
0xac: {  	[dreg:$0x1] =	wrdreg $0xFFFFFFFF  }
0xad: {  	[dreg:$0x0] =	wrdreg $0x60  }
0xae: {  	[dreg:$0x2] =	wrdreg s24  }
0xaf: {  	[dreg:$0x3] =	wrdreg $0x68000  }
0xb0: {  	[dreg:$0x4] =	wrdreg $0x9  }
0xb1: {  	_ =	task.clear_ibuf [dreg:s6], $0x5FFFF;
	_ =	strace $0x90000046  }
0xb2: {  	s29 =	simm.s32 $0x9;
	_ =	strace $0x80000048  }
0xb3: {  	_ =	swait.ge [sflag:s29], $0x1  }
0xb4: {  	[sflag:s29] =	ssyncadd.s32 $0xFFFFFFFF  }
0xb5: {  	_ =	strace $0x90000048  }
0xb6: {  	_ =	sfence  }
0xb7: {  	s30 =	sld [smem:$0x0];
	_ =	sdelay $0x2  }
0xb8: {  	s31 =	sshll.u32 s1, $0xD;
	s1 =	sshrl.u32 s1, $0x2  }
0xb9: {  	s3 =	sand.u32 $0x4000, s31;
	s1 =	sadd.s32 s1, s30  }
0xba: {  	s0 =	sor.u32 s3, s0;
	s1 =	sshll.u32 s1, $0x11  }
0xbb: {  	s0 =	sor.u32 s1, s0  }
0xbc: {  	s0 =	sadd.s32 $0x8F2B, s0  }
0xbd: {  	[sflag:s0] =	ssyncadd.remote.s32 $0x1  }
0xbe: {  	_ =	sfence.sel $0xFFFF  }
0xbf: {  	[dreg:$0x0] =	wrdreg $0xFFFFFFFF;
	(pc) =	sbr.abs _section_cstart, $3  }
0xc0: {  	[dreg:$0x1] =	wrdreg $0xFFFFFFFF  }
0xc1: {  	_ =	task.clear_ibuf [dreg:s6], $0x2FFFF;
	_ =	strace $0x9FFFFFFF  }
0xc2: {  	(tm) =	ssettm $0x7FFFFFFF  }
0xc3: {  	_ =	shalt  }
tec
execute0_lowered:
.L_overlay_start_1:
0x0: {  	(tag) =	ssettag $0x1  }
0x1: {  	s0 =	srdreg.scid  }
0x2: {  	s1 =	sand.u32 $0x1, s0;
	s0 =	stileid.u32  }
0x3: {  	s5 =	smul.u32 $0x2780, s0  }
0x4: {  	s26 =	smul.u32 $0x4F000, s0  }
0x5: {  	s3 =	rddreg [dreg:$0x0];
	s7 =	smul.u32 $0x138800, s1  }
0x6: {  	s6 =	simm.s32 $0x0;
	s8 =	smul.u32 $0x2800, s0;
	s16 =	sor.u32 $0x10, s0  }
0x7: {  	s31 =	simm.s32 $0x1;
	s17 =	sor.u32 $0x20, s0;
	s24 =	smul.u32 $0x2800, s16  }
0x8: {  	[smem:$0x7FF] =	sst s6;
	s18 =	sor.u32 $0x30, s0;
	s9 =	smul.u32 $0x2800, s17  }
0x9: {  	s23 =	sadd.s32 $0x49800, s3;
	s19 =	sor.u32 $0x40, s0;
	s11 =	smul.u32 $0x2800, s18  }
0xa: {  	s2 =	sshll.u32 s1, $0x4;
	s20 =	sor.u32 $0x50, s0;
	s25 =	smul.u32 $0x2800, s19  }
0xb: {  	s21 =	sor.u32 $0x60, s0;
	s22 =	sor.u32 $0x70, s0;
	s12 =	smul.u32 $0x2800, s20  }
0xc: {  	s4 =	sor.u32 s0, s2;
	s2 =	rddreg [dreg:$0x1];
	s14 =	smul.u32 $0x2800, s21  }
0xd: {  	_ =	strace $0x80000047;
	[dreg:$0x3] =	wrdreg s23;
	s23 =	smul.u32 $0x2800, s22  }
0xe: {  	s1 =	ssub.s32 $0x2, s1;
	p1 =	seq.s32 s0, $0xF;
	s18 =	smul.u32 $0xA000, s18  }
0xf: {  	s10 =	sshrl.u32 s1, $0x1;
	p0 =	sgt.u32 s22, $0x7C;
	s4 =	smul.u32 $0x500, s4  }
0x10: {  	s13 =	sadd.s32 s5, s3;
	s1 =	ssub.s32 s1, s10;
	s8 =	sadd.s32 s7, s8  }
0x11: {  	s6 =	sshrl.u32 s26, $0x2;
	s5 =	sadd.s32 s7, s24;
	s9 =	sadd.s32 s7, s9  }
0x12: {  	s11 =	sadd.s32 s7, s11;
	s10 =	sadd.s32 s7, s25;
	s12 =	sadd.s32 s7, s12  }
0x13: {  	s14 =	sadd.s32 s7, s14;
	s23 =	sadd.s32 s7, s23;
	s24 =	sadd.s32 $0x4A000, s3  }
0x14: {  	s25 =	sadd.s32 s6, s2;
	s26 =	sshrl.u32 s8, $0x3;
	s13 =	sadd.s32 $0x22600, s13  }
0x15: {  	s18 =	sshrl.u32 s18, $0x2;
	s15 =	sadd.s32 s4, s3;
	s4 =	sshrl.u32 s5, $0x3  }
0x16: {  	s5 =	sadd.s32 s24, s26;
	s8 =	sshrl.u32 s9, $0x3;
	s9 =	sshrl.u32 s11, $0x3  }
0x17: {  	s11 =	sshrl.u32 s10, $0x3;
	s12 =	sshrl.u32 s12, $0x3;
	s14 =	sshrl.u32 s14, $0x3  }
0x18: {  	s23 =	sshrl.u32 s23, $0x3;
	s26 =	smul.u32 $0xA000, s0;
	s6 =	sadd.s32 s24, s4  }
0x19: {  	s7 =	sadd.s32 s24, s8;
	s8 =	sadd.s32 s24, s9;
	s9 =	sadd.s32 s24, s11  }
0x1a: {  	s10 =	sadd.s32 s24, s12;
	s11 =	sadd.s32 s24, s14;
	s12 =	sadd.s32 s24, s23  }
0x1b: {  	s14 =	sadd.s32 $0x47680, s3;
	s4 =	smul.u32 $0xA000, s16;
	s15 =	sadd.s32 $0x18600, s15  }
0x1c: {  	s16 =	smax.u32 s1, $0x1;
	s24 =	smul.u32 $0xA000, s17;
	s26 =	sshrl.u32 s26, $0x2  }
0x1d: {  	s3 =	sshrl.u32 s4, $0x2;
	s23 =	sadd.s32 s26, s2;
	s4 =	smul.u32 $0xA000, s19  }
0x1e: {  	s1 =	sshrl.u32 s24, $0x2;
	s19 =	smul.u32 $0xA000, s20;
	s24 =	sadd.s32 s18, s2  }
0x1f: {  	s20 =	smul.u32 $0xA000, s21;
	s3 =	sadd.s32 s3, s2;
	s1 =	sadd.s32 s1, s2  }
0x20: {  	s17 =	sshrl.u32 s4, $0x2;
	s4 =	smul.u32 $0xA000, s22;
	s21 =	sshrl.u32 s19, $0x2  }
0x21: {  	s18 =	sshrl.u32 s20, $0x2;
	s19 =	sshrl.u32 s23, $0x3;
	s20 =	sshrl.u32 s3, $0x3  }
0x22: {  	s26 =	sadd.s32 s17, s2;
	s28 =	sadd.s32 s21, s2;
	s29 =	sadd.s32 s18, s2  }
0x23: {  	s17 =	sadd.s32 $0x128400, s2;
	s18 =	sshrl.u32 @!p1 s25, $0x3;
	s21 =	sshrl.u32 s1, $0x3  }
0x24: {  	s1 =	simm.s32 $0x0;
	s22 =	sshrl.u32 s4, $0x2;
	s17 =	sshrl.u32 @p1 s17, $0x3  }
0x25: {  	s23 =	sshrl.u32 s26, $0x3;
	s25 =	sshrl.u32 s29, $0x3;
	s29 =	simm.s32 $0x2800  }
0x26: {  	s30 =	sadd.s32 s22, s2;
	s22 =	sshrl.u32 s24, $0x3;
	s24 =	sshrl.u32 s28, $0x3  }
0x27: {  	s28 =	simm.s32 $0x2;
	s26 =	sshrl.u32 @!p0 s30, $0x3;
	s30 =	simm.s32 $0x80  }
.LBB2_1:
0x28: {  	s3 =	simm.s32 @p1 $0x1FC2  }
0x29: {  	[spmem:s17], [sflag:s3] =	dma.local @p1 [hbm:s14], $0x2080  }
0x2a: {  	s3 =	simm.s32 @p1 $0x2  }
0x2b: {  	_ =	swait.ge @p1 [sflag:s3], $0x2080  }
0x2c: {  	s4 =	sshll.u32 @!p1 s0, $0x6;
	[sflag:s3] =	ssyncset.done @p1 $0x0  }
0x2d: {  	[sflag:s3] =	ssyncadd.s32 @p1 $0xFFFFDF80;
	s3 =	sor.u32 @!p1 $0x1C02, s4  }
0x2e: {  	[spmem:s18], [sflag:s3] =	dma.local @!p1 [hbm:s13], $0x2780  }
0x2f: {  	s3 =	simm.s32 @!p1 $0x2  }
0x30: {  	_ =	swait.ge @!p1 [sflag:s3], $0x2780  }
0x31: {  	[sflag:s3] =	ssyncset.done @!p1 $0x0  }
0x32: {  	[sflag:s3] =	ssyncadd.s32 @!p1 $0xFFFFD880;
	s3 =	simm.s32 $0x0  }
0x33: {  	[tilespmem:s3], [sflag:$0x2] =	stream.linear.gather [hbm4b:s15+s3], $0x2800, $0x38;
	[tilespmem:$0x1A080] =	vst v63  }
0x34: {  	_ =	swait.ge [sflag:s28], $0x2800  }
0x35: {  	[sflag:s28] =	ssyncset.done $0x0  }
0x36: {  	s4 =	rddreg [dreg:$0x3];
	[sflag:s28] =	ssyncadd.s32 $0xFFFFD800  }
0x37: {  	[tilespmem:s29], [sflag:$0x2] =	stream.linear.gather [hbm4b:s4+s3], $0x4000, $0x38;
	[tilespmem:$0x1A080] =	vst v63  }
0x38: {  	_ =	swait.ge [sflag:s28], $0x4000  }
0x39: {  	[sflag:s28] =	ssyncset.done $0x0  }
0x3a: {  	[sflag:s28] =	ssyncadd.s32 $0xFFFFC000  }
0x3b: {  	s3 =	simm.s32 $0x0;
	[bflag:$0x0] =	sbarrier.arrive $0xFFFF  }
.LBB2_2:
0x3c: {  	p2 =	sne.s32 s3, $0x9E00  }
.Ltmp0:
0x3d: {  	_ = 	snop;
	(pc) =	sbr.rel @p2 .LBB2_2-.Ltmp0, $3  }
0x3e: {  	_ =	sdelay $0x1  }
0x3f: {  	s4 =	sshra.s32 s3, $0x2;
	s3 =	sadd.s32 $0x200, s3  }
0x40: {  	[spmem:s2] =	stream.indirect.scatter.add.f32 [tilespmem:s29], [sflag:$0x1], $0x80, s4, s30, $0xb8;
	[tilespmem:$0x1A080] =	vst v63  }
0x41: {  	_ =	swait.ge [sflag:s31], $0x4000  }
0x42: {  	s3 =	simm.s32 $0x4F;
	[sflag:s31] =	ssyncset.done $0x0  }
.LBB2_4:
0x43: {  	p2 =	sne.s32 s3, $0x1;
	s3 =	sadd.s32 $0xFFFFFFFF, s3;
	[sflag:s31] =	ssyncadd.s32 $0xFFFFC000  }
.Ltmp1:
0x44: {  	(pc) =	sbr.rel @p2 .LBB2_4-.Ltmp1, $3  }
0x45: {  	_ =	sdelay $0x1  }
0x46: {  	_ =	swait.ge [sflag:s31], $0x4000  }
0x47: {  	[sflag:s31] =	ssyncset.done $0x0  }
0x48: {  	[sflag:s31] =	ssyncadd.s32 $0xFFFFC000;
	s3 =	sshll.u32 s0, $0x6  }
0x49: {  	[bflag:$0x0] =	sbarrier.arrive $0xFFFF;
	s3 =	sor.u32 $0x1C02, s3  }
0x4a: {  	[hbm:s5], [sflag:s3] =	dma.local [spmem:s19], $0x500  }
0x4b: {  	_ =	swait.ge [sflag:s28], $0x500  }
0x4c: {  	[sflag:s28] =	ssyncset.done $0x0  }
0x4d: {  	[sflag:s28] =	ssyncadd.s32 $0xFFFFFB00  }
0x4e: {  	[hbm:s6], [sflag:s3] =	dma.local [spmem:s20], $0x500  }
0x4f: {  	_ =	swait.ge [sflag:s28], $0x500  }
0x50: {  	[sflag:s28] =	ssyncset.done $0x0  }
0x51: {  	[sflag:s28] =	ssyncadd.s32 $0xFFFFFB00  }
0x52: {  	[hbm:s7], [sflag:s3] =	dma.local [spmem:s21], $0x500  }
0x53: {  	_ =	swait.ge [sflag:s28], $0x500  }
0x54: {  	[sflag:s28] =	ssyncset.done $0x0  }
0x55: {  	[sflag:s28] =	ssyncadd.s32 $0xFFFFFB00  }
0x56: {  	[hbm:s8], [sflag:s3] =	dma.local [spmem:s22], $0x500  }
0x57: {  	_ =	swait.ge [sflag:s28], $0x500  }
0x58: {  	[sflag:s28] =	ssyncset.done $0x0  }
0x59: {  	[sflag:s28] =	ssyncadd.s32 $0xFFFFFB00  }
0x5a: {  	[hbm:s9], [sflag:s3] =	dma.local [spmem:s23], $0x500  }
0x5b: {  	_ =	swait.ge [sflag:s28], $0x500  }
0x5c: {  	[sflag:s28] =	ssyncset.done $0x0  }
0x5d: {  	[sflag:s28] =	ssyncadd.s32 $0xFFFFFB00  }
0x5e: {  	[hbm:s10], [sflag:s3] =	dma.local [spmem:s24], $0x500  }
0x5f: {  	_ =	swait.ge [sflag:s28], $0x500  }
0x60: {  	[sflag:s28] =	ssyncset.done $0x0  }
0x61: {  	[sflag:s28] =	ssyncadd.s32 $0xFFFFFB00  }
0x62: {  	[hbm:s11], [sflag:s3] =	dma.local [spmem:s25], $0x500  }
0x63: {  	_ =	swait.ge [sflag:s28], $0x500  }
0x64: {  	s1 =	sadd.s32 $0x1, s1;
	[sflag:s28] =	ssyncset.done $0x0  }
0x65: {  	p2 =	sne.s32 s1, s16;
	[sflag:s28] =	ssyncadd.s32 $0xFFFFFB00  }
0x66: {  	[hbm:s12], [sflag:s3] =	dma.local @!p0 [spmem:s26], $0x500  }
.Ltmp2:
0x67: {  	_ = 	snop;
	(pc) =	sbr.rel @p2 .LBB2_1-.Ltmp2, $4  }
0x68: {  	s3 =	simm.s32 @!p0 $0x2  }
0x69: {  	_ =	swait.ge @!p0 [sflag:s3], $0x500  }
0x6a: {  	[sflag:s3] =	ssyncset.done @!p0 $0x0  }
0x6b: {  	[sflag:s3] =	ssyncadd.s32 @!p0 $0xFFFFFB00  }
0x6c: {  	_ =	sfence.sel $0x180000  }
0x6d: {  	[bflag:$0x0] =	sbarrier.arrive $0xFFFF  }
0x6e: {  	_ =	strace $0x90000047  }
0x6f: {  	[bflag:$0x2] =	sbarrier.arrive $0xFFFF  }
0x70: {  	p0 =	sne.s32 s0, $0x0;
	s0 =	rddreg [dreg:$0x2]  }
0x71: {  	s0 =	sadd.s32 @!p0 $0x100000, s0  }
0x72: {  	[sflag:s0] =	ssyncadd.tile.s32 @!p0 $0x1;
	_ =	shalt  }
.Lfunc_end2:
_tile_overlayer_lowered:
.L_overlay_start_2:
0x73: {  	(tag) =	ssettag $0x2  }
0x74: {  	s0 =	rddreg [dreg:$0x0];
	s2 =	stileid.u32  }
0x75: {  	s1 =	rddreg [dreg:$0x1];
	p0 =	sne.s32 s2, $0x0  }
0x76: {  	s3 =	rddreg [dreg:$0x2];
	[bflag:$0x3] =	sbarrier.arrive $0xFFFF;
	s2 =	simm.s32 @!p0 $0x1C02  }
0x77: {  	[timem:s3], [sflag:s2] =	dma.local @!p0 [hbm:s0], s1  }
0x78: {  	s0 =	simm.s32 @!p0 $0x2  }
0x79: {  	_ =	swait.ge @!p0 [sflag:s0], s1  }
0x7a: {  	s1 =	ssub.s32 @!p0 $0x0, s1;
	[sflag:s0] =	ssyncset.done @!p0 $0x0  }
0x7b: {  	[sflag:s0] =	ssyncadd.s32 @!p0 s1  }
0x7c: {  	[bflag:$0x3] =	sbarrier.arrive $0xFFFF  }
0x7d: {  	_ =	shalt  }

// kernel: kernel.16.cloned.1.call-start
scs
__scs_entry_jumppad:
0x0: {  	(pc) =	sbr.rel $0x88, $3  }
0x1: {  	(tag) =	ssettag $0x0;
	lr =	simm.s32 $0x1  }
0x2: {  	[smem:$0x3F90] =	sst lr;
	_ =	strace $0xD0000000  }
0x3: {  	_ = 	snop  }
0x4: {  	_ = 	snop  }
0x5: {  	_ = 	snop  }
0x6: {  	_ = 	snop  }
0x7: {  	_ = 	snop  }
__scs_overlays_trampoline_lowered:
0x8: {  	[smem:$0x3F9F] =	sst s0  }
0x9: {  	[smem:$0x3FA0] =	sst s1  }
0xa: {  	[smem:$0x3FA1] =	sst s2  }
0xb: {  	[smem:$0x3FA2] =	sst s3  }
0xc: {  	[smem:$0x3FA3] =	sst s4  }
0xd: {  	[smem:$0x3FA4] =	sst s5  }
0xe: {  	[smem:$0x3FA5] =	sst s6  }
0xf: {  	[smem:$0x3FA6] =	sst s7  }
0x10: {  	[smem:$0x3FA7] =	sst s8  }
0x11: {  	[smem:$0x3FA8] =	sst s9;
	s0 =	simm.s32 @!p0 $0x0  }
0x12: {  	s1 =	sld [smem:$0x3F8E];
	s0 =	simm.s32 @p0 $0x1  }
0x13: {  	[smem:$0x3FA9] =	sst s0;
	s0 =	simm.s32 @!p1 $0x0  }
0x14: {  	s2 =	sld [smem:$0x3F8D];
	s0 =	simm.s32 @p1 $0x1  }
0x15: {  	[smem:$0x3FAA] =	sst s0;
	s0 =	simm.s32 @!p2 $0x0  }
0x16: {  	s3 =	sld [smem:$0x3FDB];
	s0 =	simm.s32 @p2 $0x1  }
0x17: {  	s4 =	simm.s32 $0x1BF5;
	[smem:$0x3FAC] =	sst s0  }
0x18: {  	s0 =	sld [smem:$0x3F8F];
	_ =	swait.ge [sflag:s4], $0x0  }
0x19: {  	s7 =	sld [smem:$0x3F90]  }
0x1a: {  	s8 =	sadd.s32 $0xFFFFE003, lr  }
0x1b: {  	s9 =	sadd.s32 $0xFFFFFEF7, lr;
	s5 =	simm.s32 $0xFFFFFFFF;
	p2 =	slt.u32 s8, $0xFFFFF086  }
0x1c: {  	p1 =	slt.u32 s9, $0xF7A;
	s5 =	simm.s32 @!p2 $0x0  }
0x1d: {  	s5 =	simm.s32 @p1 $0x1;
	p0 =	seq.s32 s7, s2  }
0x1e: {  	s7 =	smul.u32 @!p0 $0xF7A, s2;
	p2 =	seq.s32 @!p0 s5, $0x0  }
0x1f: {  	s9 =	smul.u32 $0xF7A, s1;
	s8 =	simm.s32 @!p0 $0x1BF5;
	p2 =	por !p2, p0  }
0x20: {  	[sflag:s8] =	ssyncset.s32 @!p0 $0xFFFFF086;
	s6 =	sadd.s32 @!p0 s3, s7;
	s7 =	simm.s32 @!p0 $0x108  }
0x21: {  	s3 =	sadd.s32 s3, s9;
	s6 =	sadd.s32 @!p0 $0x88, s6;
	s7 =	simm.s32 @p2 $0x1082  }
0x22: {  	[simem:s7], [sflag:s8] =	dma.local @!p0 [hbm:s6], $0xF7A  }
0x23: {  	s9 =	sor.u32 $0xD0000000, s2;
	s6 =	simm.s32 $0x108;
	_ =	swait.ge @!p0 [sflag:s8], $0x0  }
0x24: {  	s3 =	sadd.s32 $0x88, s3;
	s6 =	simm.s32 @!p1 $0x1082;
	[sflag:s4] =	ssyncset.s32 $0xFFFFF086  }
0x25: {  	[simem:s6], [sflag:s4] =	dma.local [hbm:s3], $0xF7A  }
0x26: {  	[smem:$0x3F90] =	sst s1;
	(tag) =	ssettag s2;
	_ =	strace s9  }
0x27: {  	s1 =	sld [smem:$0x3FA0]  }
0x28: {  	s2 =	sld [smem:$0x3FA1]  }
0x29: {  	s4 =	sld [smem:$0x3FA3]  }
0x2a: {  	p0 =	seq.s32 s5, $0x0;
	s5 =	sld [smem:$0x3FA4]  }
0x2b: {  	s6 =	sld [smem:$0x3FA5]  }
0x2c: {  	s7 =	sld [smem:$0x3FA6]  }
0x2d: {  	s3 =	simm.s32 $0x108;
	s8 =	sld [smem:$0x3FA7]  }
0x2e: {  	s3 =	simm.s32 @!p0 $0x1082;
	s9 =	sld [smem:$0x3FA8]  }
0x2f: {  	lr =	sadd.s32 s0, s3;
	s0 =	sld [smem:$0x3F9F]  }
0x30: {  	s3 =	sld [smem:$0x3FA2]  }
0x31: {  	[smem:$0x3FAB] =	sst s10  }
0x32: {  	s10 =	sld [smem:$0x3FA9];
	_ =	sdelay $0x3  }
0x33: {  	p0 =	seq.s32 s10, $0x1;
	s10 =	sld [smem:$0x3FAB];
	_ =	sdelay $0x3  }
0x34: {  	[smem:$0x3FAB] =	sst s10  }
0x35: {  	s10 =	sld [smem:$0x3FAA];
	_ =	sdelay $0x3  }
0x36: {  	p1 =	seq.s32 s10, $0x1;
	s10 =	sld [smem:$0x3FAB];
	_ =	sdelay $0x3  }
0x37: {  	[smem:$0x3FAB] =	sst s10  }
0x38: {  	s10 =	sld [smem:$0x3FAC]  }
0x39: {  	_ = 	snop;
	(pc) =	sbr.ind lr, $3  }
0x3a: {  	_ = 	snop  }
0x3b: {  	_ = 	snop  }
0x3c: {  	p2 =	seq.s32 s10, $0x1;
	s10 =	sld [smem:$0x3FAB]  }
0x3d: {  	_ =	shalt  }
0x3e: {  	_ =	shalt  }
0x3f: {  	_ =	shalt  }
0x40: {  	_ =	shalt  }
0x41: {  	_ =	shalt  }
0x42: {  	_ =	shalt  }
0x43: {  	_ =	shalt  }
0x44: {  	_ =	shalt  }
0x45: {  	_ =	shalt  }
0x46: {  	_ =	shalt  }
0x47: {  	_ =	shalt  }
0x48: {  	_ =	shalt  }
0x49: {  	_ =	shalt  }
0x4a: {  	_ =	shalt  }
0x4b: {  	_ =	shalt  }
0x4c: {  	_ =	shalt  }
0x4d: {  	_ =	shalt  }
0x4e: {  	_ =	shalt  }
0x4f: {  	_ =	shalt  }
0x50: {  	_ =	shalt  }
0x51: {  	_ =	shalt  }
0x52: {  	_ =	shalt  }
0x53: {  	_ =	shalt  }
0x54: {  	_ =	shalt  }
0x55: {  	_ =	shalt  }
0x56: {  	_ =	shalt  }
0x57: {  	_ =	shalt  }
0x58: {  	_ =	shalt  }
0x59: {  	_ =	shalt  }
0x5a: {  	_ =	shalt  }
0x5b: {  	_ =	shalt  }
0x5c: {  	_ =	shalt  }
0x5d: {  	_ =	shalt  }
0x5e: {  	_ =	shalt  }
0x5f: {  	_ =	shalt  }
0x60: {  	_ =	shalt  }
0x61: {  	_ =	shalt  }
0x62: {  	_ =	shalt  }
0x63: {  	_ =	shalt  }
0x64: {  	_ =	shalt  }
0x65: {  	_ =	shalt  }
0x66: {  	_ =	shalt  }
0x67: {  	_ =	shalt  }
0x68: {  	_ =	shalt  }
0x69: {  	_ =	shalt  }
0x6a: {  	_ =	shalt  }
0x6b: {  	_ =	shalt  }
0x6c: {  	_ =	shalt  }
0x6d: {  	_ =	shalt  }
0x6e: {  	_ =	shalt  }
0x6f: {  	_ =	shalt  }
0x70: {  	_ =	shalt  }
0x71: {  	_ =	shalt  }
0x72: {  	_ =	shalt  }
0x73: {  	_ =	shalt  }
0x74: {  	_ =	shalt  }
0x75: {  	_ =	shalt  }
0x76: {  	_ =	shalt  }
0x77: {  	_ =	shalt  }
0x78: {  	_ =	shalt  }
0x79: {  	_ =	shalt  }
0x7a: {  	_ =	shalt  }
0x7b: {  	_ =	shalt  }
0x7c: {  	_ =	shalt  }
0x7d: {  	_ =	shalt  }
0x7e: {  	_ =	shalt  }
0x7f: {  	_ =	shalt  }
0x80: {  	_ =	shalt  }
0x81: {  	_ =	shalt  }
0x82: {  	_ =	shalt  }
0x83: {  	_ =	shalt  }
0x84: {  	_ =	shalt  }
0x85: {  	_ =	shalt  }
0x86: {  	_ =	shalt  }
0x87: {  	_ =	shalt  }
.Lfunc_end0:
.L_simem_size_0:
called_computation.1_lowered:
.L_overlay_start_0:
0x88: {  	s2 =	sld [smem:$0x3FD9]  }
0x89: {  	s3 =	sld [smem:$0x3FFE];
	_ =	sdelay $0x1  }
0x8a: {  	s1 =	srdreg.scid  }
0x8b: {  	s0 =	sand.u32 $0x1, s1  }
0x8c: {  	s16 =	sshll.u32 s0, $0xA;
	s2 =	sadd.s32 s3, s2  }
0x8d: {  	s2 =	sadd.s32 s2, s16  }
0x8e: {  	[smem:$0x3FB7] =	sst s2  }
0x8f: {  	_ = 	snop  }
0x90: {  	(tm) =	ssettm $0x1  }
0x91: {  	s17 =	sld [smem:$0x3FFB];
	_ =	sdelay $0x3  }
0x92: {  	_ =	strace s17  }
0x93: {  	s2 =	sld [smem:$0x3FFC];
	_ =	sdelay $0x3  }
0x94: {  	_ =	strace s2  }
0x95: {  	s2 =	sld [smem:$0x3FFD];
	_ =	sdelay $0x3  }
0x96: {  	_ =	strace s2  }
0x97: {  	_ =	strace $0x8FFFFFFF  }
0x98: {  	s18 =	sld [smem:$0x3FDB];
	_ =	sdelay $0x1  }
0x99: {  	s19 =	simm.s32 $_scs_section_size  }
0x9a: {  	s4 =	simm.s32 $_size__tile_overlayer_lowered;
	s5 =	simm.s32 $_tile_overlayer_lowered  }
0x9b: {  	s22 =	simm.s32 $0x1BFF;
	s21 =	sshll.u32 s5, $0x1;
	s2 =	sadd.s32 s19, s18  }
0x9c: {  	s6 =	simm.s32 $0x0;
	s20 =	sshll.u32 s4, $0x1;
	s4 =	sadd.s32 s21, s2  }
0x9d: {  	[timem:s6], [sflag:s22] =	dma.local [hbm:s4], s20  }
0x9e: {  	_ =	swait.ge [sflag:s22], s20  }
0x9f: {  	s3 =	ssub.s32 $0x0, s20;
	[sflag:s22] =	ssyncset.done $0x0  }
0xa0: {  	[sflag:s22] =	ssyncadd.s32 s3;
	_ =	sdelay $0x1  }
0xa1: {  	s23 =	simm.s32 $0x1B8B  }
0xa2: {  	_ =	swait.ge [sflag:s23], $0x1  }
0xa3: {  	[sflag:s23] =	ssyncset.done $0x0  }
0xa4: {  	s25 =	simm.s32 $0x1B8E;
	s24 =	sld [smem:$0x3FFE];
	[sflag:s23] =	ssyncadd.s32 $0xFFFFFFFF  }
0xa5: {  	s26 =	simm.s32 $execute0_lowered;
	[smem:$0x3FD2] =	sst s25  }
0xa6: {  	s4 =	sshll.u32 s26, $0x1;
	_ =	strace $0x80000049;
	[dreg:$0x1] =	wrdreg $0xFFFFFFFF  }
0xa7: {  	s28 =	simm.s32 $_size_execute0_lowered;
	s2 =	sadd.s32 s2, s4;
	[dreg:$0x0] =	wrdreg $0x0  }
0xa8: {  	s4 =	sshll.u32 s28, $0x1;
	[dreg:$0x2] =	wrdreg s2  }
0xa9: {  	[dreg:$0x3] =	wrdreg s4  }
0xaa: {  	[dreg:$0x4] =	wrdreg $0xC0  }
0xab: {  	_ =	task [dreg:s6], $0x5FFFF  }
0xac: {  	[dreg:$0x1] =	wrdreg $0xFFFFFFFF  }
0xad: {  	[dreg:$0x0] =	wrdreg $0x60  }
0xae: {  	[dreg:$0x2] =	wrdreg s24  }
0xaf: {  	[dreg:$0x3] =	wrdreg $0xA4000  }
0xb0: {  	[dreg:$0x4] =	wrdreg $0x9  }
0xb1: {  	_ =	task.clear_ibuf [dreg:s6], $0x5FFFF;
	_ =	strace $0x90000049  }
0xb2: {  	s29 =	simm.s32 $0x9;
	_ =	strace $0x8000004B  }
0xb3: {  	_ =	swait.ge [sflag:s29], $0x1  }
0xb4: {  	[sflag:s29] =	ssyncadd.s32 $0xFFFFFFFF  }
0xb5: {  	_ =	strace $0x9000004B  }
0xb6: {  	_ =	sfence  }
0xb7: {  	s30 =	sld [smem:$0x0];
	_ =	sdelay $0x2  }
0xb8: {  	s31 =	sshll.u32 s1, $0xD;
	s1 =	sshrl.u32 s1, $0x2  }
0xb9: {  	s3 =	sand.u32 $0x4000, s31;
	s1 =	sadd.s32 s1, s30  }
0xba: {  	s0 =	sor.u32 s3, s0;
	s1 =	sshll.u32 s1, $0x11  }
0xbb: {  	s0 =	sor.u32 s1, s0  }
0xbc: {  	s0 =	sadd.s32 $0x8F2B, s0  }
0xbd: {  	[sflag:s0] =	ssyncadd.remote.s32 $0x1  }
0xbe: {  	_ =	sfence.sel $0xFFFF  }
0xbf: {  	[dreg:$0x0] =	wrdreg $0xFFFFFFFF;
	(pc) =	sbr.abs _section_cstart, $3  }
0xc0: {  	[dreg:$0x1] =	wrdreg $0xFFFFFFFF  }
0xc1: {  	_ =	task.clear_ibuf [dreg:s6], $0x2FFFF;
	_ =	strace $0x9FFFFFFF  }
0xc2: {  	(tm) =	ssettm $0x7FFFFFFF  }
0xc3: {  	_ =	shalt  }
tec
execute0_lowered:
.L_overlay_start_1:
0x0: {  	(tag) =	ssettag $0x1  }
0x1: {  	s0 =	rddreg [dreg:$0x0]  }
0x2: {  	s2 =	rddreg [dreg:$0x1];
	s1 =	srdreg.scid  }
0x3: {  	s25 =	stileid.u32;
	s3 =	simm.s32 $0x0;
	s29 =	simm.s32 $0x9  }
0x4: {  	s30 =	simm.s32 $0x200;
	s31 =	simm.s32 $0x50;
	s6 =	smul.u32 $0x2800, s25  }
0x5: {  	s13 =	sand.u32 $0x1, s1;
	s1 =	sor.u32 $0x10, s25;
	s15 =	smul.u32 $0x2710, s25  }
0x6: {  	[smem:$0x7FF] =	sst s3;
	s4 =	sor.u32 $0x20, s25;
	s14 =	smul.u32 $0x138800, s13  }
0x7: {  	s9 =	sadd.s32 $0x4A00, s0;
	s12 =	sadd.s32 $0xE800, s0;
	s7 =	smul.u32 $0x2800, s1  }
0x8: {  	p1 =	seq.s32 s25, $0xF;
	_ =	strace $0x8000004A;
	s8 =	smul.u32 $0x2800, s4  }
0x9: {  	s5 =	ssub.s32 $0x2, s13;
	s10 =	smul.u32 $0x27100, s13;
	s13 =	sshll.u32 s13, $0x4  }
0xa: {  	s1 =	smul.u32 $0xA000, s1;
	s11 =	sshrl.u32 s5, $0x1;
	s13 =	sor.u32 s25, s13  }
0xb: {  	s5 =	ssub.s32 s5, s11;
	s16 =	sadd.s32 s14, s6;
	s17 =	sadd.s32 s14, s7  }
0xc: {  	s18 =	sadd.s32 s14, s8;
	s6 =	sor.u32 $0x30, s25;
	s13 =	smul.u32 $0x2710, s13  }
0xd: {  	s15 =	sadd.s32 s15, s10;
	s7 =	sor.u32 $0x40, s25;
	s19 =	smul.u32 $0x2800, s6  }
0xe: {  	s8 =	sor.u32 $0x50, s25;
	s11 =	sor.u32 $0x60, s25;
	s20 =	smul.u32 $0x2800, s7  }
0xf: {  	s1 =	sshrl.u32 s1, $0x2;
	s10 =	sadd.s32 $0xF0, s15;
	s21 =	smul.u32 $0x2800, s8  }
0x10: {  	s22 =	sadd.s32 $0xA0, s15;
	s16 =	sshrl.u32 s16, $0x3;
	s26 =	sshrl.u32 s17, $0x3  }
0x11: {  	s17 =	sshrl.u32 s18, $0x3;
	s1 =	sadd.s32 s1, s2;
	s10 =	sshrl.u32 s10, $0x3  }
0x12: {  	s22 =	sshrl.u32 s22, $0x3;
	s13 =	sshrl.u32 s13, $0x3;
	s1 =	sshrl.u32 s1, $0x3  }
0x13: {  	s23 =	sadd.s32 s10, s12;
	s10 =	sadd.s32 s10, s9;
	s24 =	sadd.s32 s22, s12  }
0x14: {  	s19 =	sadd.s32 s14, s19;
	s20 =	sadd.s32 s14, s20;
	[dreg:$0x1b] =	wrdreg s1  }
0x15: {  	s21 =	sadd.s32 s14, s21;
	s22 =	sadd.s32 s22, s9;
	[dreg:$0x3] =	wrdreg s23  }
0x16: {  	s13 =	sadd.s32 $0x4D8, s13;
	s1 =	simm.s32 $0x5;
	[dreg:$0x4] =	wrdreg s10  }
0x17: {  	s23 =	smul.u32 $0x2800, s11;
	[dreg:$0x5] =	wrdreg s24;
	s10 =	sor.u32 $0x70, s25  }
0x18: {  	[dreg:$0x6] =	wrdreg s22;
	s22 =	sadd.s32 $0x70A00, s0;
	s18 =	sshrl.u32 s19, $0x3  }
0x19: {  	s20 =	sshrl.u32 s20, $0x3;
	s21 =	sshrl.u32 s21, $0x3;
	s16 =	sadd.s32 s22, s16  }
0x1a: {  	s24 =	smul.u32 $0x2800, s10;
	s19 =	sadd.s32 s22, s18;
	[dreg:$0xb] =	wrdreg s16  }
0x1b: {  	p0 =	sgt.u32 s10, $0x7C;
	s16 =	sadd.s32 s22, s26;
	[dreg:$0xe] =	wrdreg s19  }
0x1c: {  	s23 =	sadd.s32 s14, s23;
	s14 =	sadd.s32 s14, s24;
	[dreg:$0xc] =	wrdreg s16  }
0x1d: {  	s16 =	sadd.s32 s22, s17;
	s24 =	sadd.s32 $0x50, s15;
	s26 =	sshrl.u32 s23, $0x3  }
0x1e: {  	s23 =	smul.u32 $0x4F000, s25;
	[dreg:$0xd] =	wrdreg s16;
	s16 =	sadd.s32 s22, s20  }
0x1f: {  	s17 =	sshrl.u32 s24, $0x3;
	s14 =	sshrl.u32 s14, $0x3;
	s20 =	sshrl.u32 s15, $0x3  }
0x20: {  	s15 =	sadd.s32 $0x49800, s0;
	[dreg:$0xf] =	wrdreg s16;
	s16 =	sadd.s32 s22, s21  }
0x21: {  	s18 =	sadd.s32 s17, s12;
	s14 =	sadd.s32 s22, s14;
	[dreg:$0x10] =	wrdreg s16  }
0x22: {  	s19 =	sadd.s32 s17, s9;
	s21 =	smul.u32 $0x2780, s25;
	[dreg:$0x12] =	wrdreg s14  }
0x23: {  	s17 =	smul.u32 $0xA000, s6;
	s16 =	sadd.s32 s22, s26;
	[dreg:$0x7] =	wrdreg s18  }
0x24: {  	[dreg:$0x8] =	wrdreg s19;
	s22 =	sadd.s32 s20, s12;
	s12 =	sadd.s32 s12, s13  }
0x25: {  	s13 =	sadd.s32 s9, s13;
	s26 =	smul.u32 $0xA000, s25;
	[dreg:$0x11] =	wrdreg s16  }
0x26: {  	s9 =	sadd.s32 s20, s9;
	s18 =	smul.u32 $0xA000, s7;
	[dreg:$0x9] =	wrdreg s22  }
0x27: {  	s14 =	smax.u32 s5, $0x1;
	s19 =	smul.u32 $0xA000, s8;
	[dreg:$0x13] =	wrdreg s12  }
0x28: {  	s20 =	smul.u32 $0xA000, s11;
	s11 =	simm.s32 $0x380;
	[dreg:$0x14] =	wrdreg s13  }
0x29: {  	s24 =	sadd.s32 s21, s0;
	s12 =	sshrl.u32 s23, $0x2;
	[dreg:$0xa] =	wrdreg s9  }
0x2a: {  	s0 =	sadd.s32 $0x47680, s0;
	[dreg:$0x17] =	wrdreg s14;
	s5 =	sshrl.u32 s17, $0x2  }
0x2b: {  	s21 =	smul.u32 $0xA000, s10;
	s10 =	sadd.s32 $0x128400, s2;
	s14 =	simm.s32 $0x2  }
0x2c: {  	s17 =	simm.s32 $0x4;
	s12 =	sadd.s32 s12, s2;
	s13 =	sadd.s32 $0x22600, s24  }
0x2d: {  	[dreg:$0x16] =	wrdreg s0;
	s16 =	sshrl.u32 s26, $0x2;
	s5 =	sadd.s32 s5, s2  }
0x2e: {  	s6 =	sshrl.u32 s18, $0x2;
	s7 =	sshrl.u32 s19, $0x2;
	s8 =	sshrl.u32 s20, $0x2  }
0x2f: {  	s10 =	sshrl.u32 @p1 s10, $0x3;
	s18 =	simm.s32 $0x6;
	s19 =	simm.s32 $0x7  }
0x30: {  	s20 =	simm.s32 $0x8;
	[dreg:$0x15] =	wrdreg s13;
	s13 =	smul.u32 $0xA000, s4  }
0x31: {  	s4 =	sadd.s32 s16, s2;
	s6 =	sadd.s32 s6, s2;
	s7 =	sadd.s32 s7, s2  }
0x32: {  	s8 =	sadd.s32 s8, s2;
	s9 =	sshrl.u32 s21, $0x2;
	[dreg:$0x18] =	wrdreg s10  }
0x33: {  	s10 =	sshrl.u32 @!p1 s12, $0x3;
	s22 =	sshrl.u32 s5, $0x3;
	s5 =	simm.s32 $0x280  }
0x34: {  	s12 =	simm.s32 $0x7C00;
	s16 =	simm.s32 $0x3;
	s21 =	simm.s32 $0x0  }
0x35: {  	s9 =	sadd.s32 s9, s2;
	[dreg:$0x19] =	wrdreg s10;
	s4 =	sshrl.u32 s4, $0x3  }
0x36: {  	[dreg:$0x1d] =	wrdreg s22;
	s23 =	sshrl.u32 s6, $0x3;
	s24 =	sshrl.u32 s7, $0x3  }
0x37: {  	s26 =	sshrl.u32 s8, $0x3;
	s6 =	simm.s32 $0x2C00;
	[dreg:$0x1a] =	wrdreg s4  }
0x38: {  	s7 =	simm.s32 $0x100;
	s8 =	simm.s32 $0x300;
	[dreg:$0x1e] =	wrdreg s23  }
0x39: {  	s10 =	simm.s32 $0x180;
	s0 =	sshrl.u32 s13, $0x2;
	[dreg:$0x1f] =	wrdreg s24  }
0x3a: {  	[smem:$0x7FD] =	sst s26;
	s28 =	sshrl.u32 @!p0 s9, $0x3;
	s0 =	sadd.s32 s0, s2  }
0x3b: {  	s4 =	simm.s32 $0x80;
	s9 =	simm.s32 $0x5400;
	s0 =	sshrl.u32 s0, $0x3  }
0x3c: {  	s13 =	simm.s32 $0x1;
	[dreg:$0x1c] =	wrdreg s0;
	s0 =	simm.s32 $0x400  }
.LBB2_1:
0x3d: {  	s23 =	rddreg [dreg:$0x16]  }
0x3e: {  	s22 =	simm.s32 @p1 $0x1FC9;
	s24 =	rddreg [dreg:$0x18]  }
0x3f: {  	[spmem:s24], [sflag:s22] =	dma.local @p1 [hbm:s23], $0x2080  }
0x40: {  	s22 =	simm.s32 @p1 $0x9  }
0x41: {  	_ =	swait.ge @p1 [sflag:s22], $0x2080  }
0x42: {  	s23 =	sshll.u32 @!p1 s25, $0x6;
	[sflag:s22] =	ssyncset.done @p1 $0x0;
	s24 =	rddreg [dreg:$0x19]  }
0x43: {  	[sflag:s22] =	ssyncadd.s32 @p1 $0xFFFFDF80;
	s22 =	sor.u32 @!p1 $0x1C09, s23;
	s23 =	rddreg [dreg:$0x15]  }
0x44: {  	[spmem:s24], [sflag:s22] =	dma.local @!p1 [hbm:s23], $0x2780  }
0x45: {  	s22 =	simm.s32 @!p1 $0x9  }
0x46: {  	_ =	swait.ge @!p1 [sflag:s22], $0x2780  }
0x47: {  	[sflag:s22] =	ssyncset.done @!p1 $0x0  }
0x48: {  	p2 =	por $0x1, $0x1;
	[sflag:s22] =	ssyncadd.s32 @!p1 $0xFFFFD880  }
0x49: {  	s22 =	simm.s32 @!p2 $0x5;
	[bflag:$0x0] =	sbarrier.arrive $0xFFFF  }
0x4a: {  	_ =	swait.ge @!p2 [sflag:s22], $0x2800  }
0x4b: {  	s26 =	rddreg [dreg:$0xa];
	[sflag:s22] =	ssyncset.done @!p2 $0x0  }
0x4c: {  	[sflag:s22] =	ssyncadd.s32 @!p2 $0xFFFFD800;
	s24 =	sadd.s32 $0x0, s26  }
0x4d: {  	[tilespmem:s3], [sflag:$0x9] =	stream.linear.gather [hbm4b:s24+s3], $0x50, $0x38;
	[tilespmem:$0x1DC80] =	vst v63  }
0x4e: {  	_ =	swait.ge [sflag:s29], $0x50  }
0x4f: {  	s25 =	rddreg [dreg:$0x9];
	[sflag:s29] =	ssyncset.done $0x0  }
0x50: {  	[sflag:s29] =	ssyncadd.s32 $0xFFFFFFB0;
	s22 =	sadd.s32 $0x0, s25  }
0x51: {  	[tilespmem:s30], [sflag:$0x9] =	stream.linear.gather [hbm4b:s22+s3], $0x50, $0x38;
	[tilespmem:$0x1DC80] =	vst v63  }
0x52: {  	_ =	swait.ge [sflag:s29], $0x50  }
0x53: {  	[sflag:s29] =	ssyncset.done $0x0  }
0x54: {  	s22 =	simm.s32 @!p2 $0x6;
	[sflag:s29] =	ssyncadd.s32 $0xFFFFFFB0  }
0x55: {  	[tilespmem:s0], [sflag:$0x1] =	stream.indirect.gather [hbm4b:s15+s31], $0x80, s3, s31, $0xb8;
	[tilespmem:$0x1DC80] =	vst v63  }
0x56: {  	_ =	swait.ge @!p2 [sflag:s22], $0x2800  }
0x57: {  	s26 =	rddreg [dreg:$0x8];
	[sflag:s22] =	ssyncset.done @!p2 $0x0  }
0x58: {  	[sflag:s22] =	ssyncadd.s32 @!p2 $0xFFFFD800;
	s23 =	sadd.s32 $0x0, s26  }
0x59: {  	[tilespmem:s4], [sflag:$0x9] =	stream.linear.gather [hbm4b:s23+s3], $0x50, $0x38;
	[tilespmem:$0x1DC80] =	vst v63  }
0x5a: {  	_ =	swait.ge [sflag:s29], $0x50  }
0x5b: {  	s24 =	rddreg [dreg:$0x7];
	[sflag:s29] =	ssyncset.done $0x0  }
0x5c: {  	[sflag:s29] =	ssyncadd.s32 $0xFFFFFFB0;
	s22 =	sadd.s32 $0x0, s24  }
0x5d: {  	[tilespmem:s5], [sflag:$0x9] =	stream.linear.gather [hbm4b:s22+s3], $0x50, $0x38;
	[tilespmem:$0x1DC80] =	vst v63  }
0x5e: {  	_ =	swait.ge [sflag:s29], $0x50  }
0x5f: {  	[sflag:s29] =	ssyncset.done $0x0  }
0x60: {  	s22 =	simm.s32 @!p2 $0x7;
	[sflag:s29] =	ssyncadd.s32 $0xFFFFFFB0  }
0x61: {  	[tilespmem:s6], [sflag:$0x2] =	stream.indirect.gather [hbm4b:s15+s31], $0x80, s4, s31, $0xb8;
	[tilespmem:$0x1DC80] =	vst v63  }
0x62: {  	_ =	swait.ge @!p2 [sflag:s22], $0x2800  }
0x63: {  	s25 =	rddreg [dreg:$0x6];
	[sflag:s22] =	ssyncset.done @!p2 $0x0  }
0x64: {  	[sflag:s22] =	ssyncadd.s32 @!p2 $0xFFFFD800;
	s26 =	sadd.s32 $0x0, s25  }
0x65: {  	[tilespmem:s7], [sflag:$0x9] =	stream.linear.gather [hbm4b:s26+s3], $0x50, $0x38;
	[tilespmem:$0x1DC80] =	vst v63  }
0x66: {  	_ =	swait.ge [sflag:s29], $0x50  }
0x67: {  	s23 =	rddreg [dreg:$0x5];
	[sflag:s29] =	ssyncset.done $0x0  }
0x68: {  	[sflag:s29] =	ssyncadd.s32 $0xFFFFFFB0;
	s22 =	sadd.s32 $0x0, s23  }
0x69: {  	[tilespmem:s8], [sflag:$0x9] =	stream.linear.gather [hbm4b:s22+s3], $0x50, $0x38;
	[tilespmem:$0x1DC80] =	vst v63  }
0x6a: {  	_ =	swait.ge [sflag:s29], $0x50  }
0x6b: {  	[sflag:s29] =	ssyncset.done $0x0  }
0x6c: {  	s22 =	simm.s32 @!p2 $0x8;
	[sflag:s29] =	ssyncadd.s32 $0xFFFFFFB0  }
0x6d: {  	[tilespmem:s9], [sflag:$0x3] =	stream.indirect.gather [hbm4b:s15+s31], $0x80, s7, s31, $0xb8;
	[tilespmem:$0x1DC80] =	vst v63  }
0x6e: {  	_ =	swait.ge @!p2 [sflag:s22], $0x2800  }
0x6f: {  	s24 =	rddreg [dreg:$0x4];
	[sflag:s22] =	ssyncset.done @!p2 $0x0  }
0x70: {  	[sflag:s22] =	ssyncadd.s32 @!p2 $0xFFFFD800;
	s25 =	sadd.s32 $0x0, s24  }
0x71: {  	[tilespmem:s10], [sflag:$0x9] =	stream.linear.gather [hbm4b:s25+s3], $0x50, $0x38;
	[tilespmem:$0x1DC80] =	vst v63  }
0x72: {  	_ =	swait.ge [sflag:s29], $0x50  }
0x73: {  	s26 =	rddreg [dreg:$0x3];
	[sflag:s29] =	ssyncset.done $0x0  }
0x74: {  	[sflag:s29] =	ssyncadd.s32 $0xFFFFFFB0;
	s22 =	sadd.s32 $0x0, s26  }
0x75: {  	[tilespmem:s11], [sflag:$0x9] =	stream.linear.gather [hbm4b:s22+s3], $0x50, $0x38;
	[tilespmem:$0x1DC80] =	vst v63  }
0x76: {  	_ =	swait.ge [sflag:s29], $0x50  }
0x77: {  	[sflag:s29] =	ssyncset.done $0x0  }
0x78: {  	[sflag:s29] =	ssyncadd.s32 $0xFFFFFFB0  }
0x79: {  	[tilespmem:s12], [sflag:$0x4] =	stream.indirect.gather [hbm4b:s15+s31], $0x80, s10, s31, $0xb8;
	[tilespmem:$0x1DC80] =	vst v63  }
0x7a: {  	_ =	swait.ge [sflag:s13], $0x2800  }
0x7b: {  	[sflag:s13] =	ssyncset.done $0x0  }
0x7c: {  	[sflag:s13] =	ssyncadd.s32 $0xFFFFD800  }
0x7d: {  	[spmem:s2] =	stream.indirect.scatter.add.f32 [tilespmem:s0], [sflag:$0x5], $0x80, s30, s31, $0xb8;
	[tilespmem:$0x1DC80] =	vst v63  }
0x7e: {  	_ =	swait.ge [sflag:s14], $0x2800  }
0x7f: {  	[sflag:s14] =	ssyncset.done $0x0  }
0x80: {  	[sflag:s14] =	ssyncadd.s32 $0xFFFFD800  }
0x81: {  	[spmem:s2] =	stream.indirect.scatter.add.f32 [tilespmem:s6], [sflag:$0x6], $0x80, s5, s31, $0xb8;
	[tilespmem:$0x1DC80] =	vst v63  }
0x82: {  	_ =	swait.ge [sflag:s16], $0x2800  }
0x83: {  	[sflag:s16] =	ssyncset.done $0x0  }
0x84: {  	[sflag:s16] =	ssyncadd.s32 $0xFFFFD800  }
0x85: {  	[spmem:s2] =	stream.indirect.scatter.add.f32 [tilespmem:s9], [sflag:$0x7], $0x80, s8, s31, $0xb8;
	[tilespmem:$0x1DC80] =	vst v63  }
0x86: {  	s23 =	simm.s32 $0x50;
	_ =	swait.ge [sflag:s17], $0x2800  }
0x87: {  	p2 =	por $0x0, $0x0;
	s22 =	simm.s32 $0x28;
	[sflag:s17] =	ssyncset.done $0x0  }
.LBB2_2:
0x88: {  	s25 =	simm.s32 @!p2 $0x5;
	[sflag:s17] =	ssyncadd.s32 $0xFFFFD800  }
0x89: {  	[spmem:s2] =	stream.indirect.scatter.add.f32 [tilespmem:s12], [sflag:$0x8], $0x80, s11, s31, $0xb8;
	[tilespmem:$0x1DC80] =	vst v63  }
0x8a: {  	_ =	swait.ge @!p2 [sflag:s25], $0x2800  }
0x8b: {  	[sflag:s25] =	ssyncset.done @!p2 $0x0;
	s26 =	rddreg [dreg:$0xa]  }
0x8c: {  	[sflag:s25] =	ssyncadd.s32 @!p2 $0xFFFFD800;
	s26 =	sadd.s32 s22, s26  }
0x8d: {  	[tilespmem:s3], [sflag:$0x9] =	stream.linear.gather [hbm4b:s26+s3], $0x50, $0x38;
	[tilespmem:$0x1DC80] =	vst v63  }
0x8e: {  	_ =	swait.ge [sflag:s29], $0x50  }
0x8f: {  	s26 =	rddreg [dreg:$0x9];
	[sflag:s29] =	ssyncset.done $0x0  }
0x90: {  	[sflag:s29] =	ssyncadd.s32 $0xFFFFFFB0;
	s25 =	sadd.s32 s22, s26  }
0x91: {  	[tilespmem:s30], [sflag:$0x9] =	stream.linear.gather [hbm4b:s25+s3], $0x50, $0x38;
	[tilespmem:$0x1DC80] =	vst v63  }
0x92: {  	_ =	swait.ge [sflag:s29], $0x50  }
0x93: {  	[sflag:s29] =	ssyncset.done $0x0  }
0x94: {  	s25 =	simm.s32 @!p2 $0x6;
	[sflag:s29] =	ssyncadd.s32 $0xFFFFFFB0  }
0x95: {  	[tilespmem:s0], [sflag:$0x1] =	stream.indirect.gather [hbm4b:s15+s31], $0x80, s3, s31, $0xb8;
	[tilespmem:$0x1DC80] =	vst v63  }
0x96: {  	_ =	swait.ge @!p2 [sflag:s25], $0x2800  }
0x97: {  	[sflag:s25] =	ssyncset.done @!p2 $0x0;
	s26 =	rddreg [dreg:$0x8]  }
0x98: {  	[sflag:s25] =	ssyncadd.s32 @!p2 $0xFFFFD800;
	s26 =	sadd.s32 s22, s26  }
0x99: {  	[tilespmem:s4], [sflag:$0x9] =	stream.linear.gather [hbm4b:s26+s3], $0x50, $0x38;
	[tilespmem:$0x1DC80] =	vst v63  }
0x9a: {  	_ =	swait.ge [sflag:s29], $0x50  }
0x9b: {  	s26 =	rddreg [dreg:$0x7];
	[sflag:s29] =	ssyncset.done $0x0  }
0x9c: {  	[sflag:s29] =	ssyncadd.s32 $0xFFFFFFB0;
	s25 =	sadd.s32 s22, s26  }
0x9d: {  	[tilespmem:s5], [sflag:$0x9] =	stream.linear.gather [hbm4b:s25+s3], $0x50, $0x38;
	[tilespmem:$0x1DC80] =	vst v63  }
0x9e: {  	_ =	swait.ge [sflag:s29], $0x50  }
0x9f: {  	[sflag:s29] =	ssyncset.done $0x0  }
0xa0: {  	s25 =	simm.s32 @!p2 $0x7;
	[sflag:s29] =	ssyncadd.s32 $0xFFFFFFB0  }
0xa1: {  	[tilespmem:s6], [sflag:$0x2] =	stream.indirect.gather [hbm4b:s15+s31], $0x80, s4, s31, $0xb8;
	[tilespmem:$0x1DC80] =	vst v63  }
0xa2: {  	_ =	swait.ge @!p2 [sflag:s25], $0x2800  }
0xa3: {  	[sflag:s25] =	ssyncset.done @!p2 $0x0;
	s26 =	rddreg [dreg:$0x6]  }
0xa4: {  	[sflag:s25] =	ssyncadd.s32 @!p2 $0xFFFFD800;
	s26 =	sadd.s32 s22, s26  }
0xa5: {  	[tilespmem:s7], [sflag:$0x9] =	stream.linear.gather [hbm4b:s26+s3], $0x50, $0x38;
	[tilespmem:$0x1DC80] =	vst v63  }
0xa6: {  	_ =	swait.ge [sflag:s29], $0x50  }
0xa7: {  	s26 =	rddreg [dreg:$0x5];
	[sflag:s29] =	ssyncset.done $0x0  }
0xa8: {  	[sflag:s29] =	ssyncadd.s32 $0xFFFFFFB0;
	s25 =	sadd.s32 s22, s26  }
0xa9: {  	[tilespmem:s8], [sflag:$0x9] =	stream.linear.gather [hbm4b:s25+s3], $0x50, $0x38;
	[tilespmem:$0x1DC80] =	vst v63  }
0xaa: {  	_ =	swait.ge [sflag:s29], $0x50  }
0xab: {  	[sflag:s29] =	ssyncset.done $0x0  }
0xac: {  	s25 =	simm.s32 @!p2 $0x8;
	[sflag:s29] =	ssyncadd.s32 $0xFFFFFFB0  }
0xad: {  	[tilespmem:s9], [sflag:$0x3] =	stream.indirect.gather [hbm4b:s15+s31], $0x80, s7, s31, $0xb8;
	[tilespmem:$0x1DC80] =	vst v63  }
0xae: {  	_ =	swait.ge @!p2 [sflag:s25], $0x2800  }
0xaf: {  	[sflag:s25] =	ssyncset.done @!p2 $0x0;
	s26 =	rddreg [dreg:$0x4]  }
0xb0: {  	[sflag:s25] =	ssyncadd.s32 @!p2 $0xFFFFD800;
	s26 =	sadd.s32 s22, s26  }
0xb1: {  	[tilespmem:s10], [sflag:$0x9] =	stream.linear.gather [hbm4b:s26+s3], $0x50, $0x38;
	[tilespmem:$0x1DC80] =	vst v63  }
0xb2: {  	_ =	swait.ge [sflag:s29], $0x50  }
0xb3: {  	s26 =	rddreg [dreg:$0x3];
	[sflag:s29] =	ssyncset.done $0x0  }
0xb4: {  	[sflag:s29] =	ssyncadd.s32 $0xFFFFFFB0;
	s25 =	sadd.s32 s22, s26  }
0xb5: {  	[tilespmem:s11], [sflag:$0x9] =	stream.linear.gather [hbm4b:s25+s3], $0x50, $0x38;
	[tilespmem:$0x1DC80] =	vst v63  }
0xb6: {  	_ =	swait.ge [sflag:s29], $0x50  }
0xb7: {  	[sflag:s29] =	ssyncset.done $0x0  }
0xb8: {  	[sflag:s29] =	ssyncadd.s32 $0xFFFFFFB0  }
0xb9: {  	[tilespmem:s12], [sflag:$0x4] =	stream.indirect.gather [hbm4b:s15+s31], $0x80, s10, s31, $0xb8;
	[tilespmem:$0x1DC80] =	vst v63  }
0xba: {  	_ =	swait.ge [sflag:s13], $0x2800  }
0xbb: {  	[sflag:s13] =	ssyncset.done $0x0  }
0xbc: {  	[sflag:s13] =	ssyncadd.s32 $0xFFFFD800  }
0xbd: {  	[spmem:s2] =	stream.indirect.scatter.add.f32 [tilespmem:s0], [sflag:$0x5], $0x80, s30, s31, $0xb8;
	[tilespmem:$0x1DC80] =	vst v63  }
0xbe: {  	_ =	swait.ge [sflag:s14], $0x2800  }
0xbf: {  	[sflag:s14] =	ssyncset.done $0x0  }
0xc0: {  	s24 =	smov.u32 s23;
	s23 =	sadd.s32 $0x28, s23;
	[sflag:s14] =	ssyncadd.s32 $0xFFFFD800  }
0xc1: {  	[spmem:s2] =	stream.indirect.scatter.add.f32 [tilespmem:s6], [sflag:$0x6], $0x80, s5, s31, $0xb8;
	[tilespmem:$0x1DC80] =	vst v63  }
0xc2: {  	p3 =	sne.s32 s23, $0x4D8;
	_ =	swait.ge [sflag:s16], $0x2800  }
.Ltmp0:
0xc3: {  	[sflag:s16] =	ssyncset.done $0x0;
	(pc) =	sbr.rel @p3 .LBB2_2-.Ltmp0, $4  }
0xc4: {  	[sflag:s16] =	ssyncadd.s32 $0xFFFFD800  }
0xc5: {  	[spmem:s2] =	stream.indirect.scatter.add.f32 [tilespmem:s9], [sflag:$0x7], $0x80, s8, s31, $0xb8;
	[tilespmem:$0x1DC80] =	vst v63  }
0xc6: {  	s22 =	smov.u32 s24;
	_ =	swait.ge [sflag:s17], $0x2800  }
0xc7: {  	p2 =	seq.s32 s22, $0x0;
	[sflag:s17] =	ssyncset.done $0x0  }
0xc8: {  	s23 =	simm.s32 @!p2 $0x5;
	[sflag:s17] =	ssyncadd.s32 $0xFFFFD800  }
0xc9: {  	[spmem:s2] =	stream.indirect.scatter.add.f32 [tilespmem:s12], [sflag:$0x8], $0x80, s11, s31, $0xb8;
	[tilespmem:$0x1DC80] =	vst v63  }
0xca: {  	_ =	swait.ge @!p2 [sflag:s23], $0x2800  }
0xcb: {  	s24 =	rddreg [dreg:$0xa];
	[sflag:s23] =	ssyncset.done @!p2 $0x0  }
0xcc: {  	[sflag:s23] =	ssyncadd.s32 @!p2 $0xFFFFD800;
	s24 =	sadd.s32 s22, s24  }
0xcd: {  	[tilespmem:s3], [sflag:$0x9] =	stream.linear.gather [hbm4b:s24+s3], $0x50, $0x38;
	[tilespmem:$0x1DC80] =	vst v63  }
0xce: {  	_ =	swait.ge [sflag:s29], $0x50  }
0xcf: {  	s25 =	rddreg [dreg:$0x9];
	[sflag:s29] =	ssyncset.done $0x0  }
0xd0: {  	[sflag:s29] =	ssyncadd.s32 $0xFFFFFFB0;
	s23 =	sadd.s32 s22, s25  }
0xd1: {  	[tilespmem:s30], [sflag:$0x9] =	stream.linear.gather [hbm4b:s23+s3], $0x50, $0x38;
	[tilespmem:$0x1DC80] =	vst v63  }
0xd2: {  	_ =	swait.ge [sflag:s29], $0x50  }
0xd3: {  	[sflag:s29] =	ssyncset.done $0x0  }
0xd4: {  	s23 =	simm.s32 @!p2 $0x6;
	[sflag:s29] =	ssyncadd.s32 $0xFFFFFFB0  }
0xd5: {  	[tilespmem:s0], [sflag:$0x1] =	stream.indirect.gather [hbm4b:s15+s31], $0x80, s3, s31, $0xb8;
	[tilespmem:$0x1DC80] =	vst v63  }
0xd6: {  	_ =	swait.ge @!p2 [sflag:s23], $0x2800  }
0xd7: {  	s26 =	rddreg [dreg:$0x8];
	[sflag:s23] =	ssyncset.done @!p2 $0x0  }
0xd8: {  	[sflag:s23] =	ssyncadd.s32 @!p2 $0xFFFFD800;
	s24 =	sadd.s32 s22, s26  }
0xd9: {  	[tilespmem:s4], [sflag:$0x9] =	stream.linear.gather [hbm4b:s24+s3], $0x50, $0x38;
	[tilespmem:$0x1DC80] =	vst v63  }
0xda: {  	_ =	swait.ge [sflag:s29], $0x50  }
0xdb: {  	s25 =	rddreg [dreg:$0x7];
	[sflag:s29] =	ssyncset.done $0x0  }
0xdc: {  	[sflag:s29] =	ssyncadd.s32 $0xFFFFFFB0;
	s23 =	sadd.s32 s22, s25  }
0xdd: {  	[tilespmem:s5], [sflag:$0x9] =	stream.linear.gather [hbm4b:s23+s3], $0x50, $0x38;
	[tilespmem:$0x1DC80] =	vst v63  }
0xde: {  	_ =	swait.ge [sflag:s29], $0x50  }
0xdf: {  	[sflag:s29] =	ssyncset.done $0x0  }
0xe0: {  	s23 =	simm.s32 @!p2 $0x7;
	[sflag:s29] =	ssyncadd.s32 $0xFFFFFFB0  }
0xe1: {  	[tilespmem:s6], [sflag:$0x2] =	stream.indirect.gather [hbm4b:s15+s31], $0x80, s4, s31, $0xb8;
	[tilespmem:$0x1DC80] =	vst v63  }
0xe2: {  	_ =	swait.ge @!p2 [sflag:s23], $0x2800  }
0xe3: {  	s26 =	rddreg [dreg:$0x6];
	[sflag:s23] =	ssyncset.done @!p2 $0x0  }
0xe4: {  	[sflag:s23] =	ssyncadd.s32 @!p2 $0xFFFFD800;
	s24 =	sadd.s32 s22, s26  }
0xe5: {  	[tilespmem:s7], [sflag:$0x9] =	stream.linear.gather [hbm4b:s24+s3], $0x50, $0x38;
	[tilespmem:$0x1DC80] =	vst v63  }
0xe6: {  	_ =	swait.ge [sflag:s29], $0x50  }
0xe7: {  	s25 =	rddreg [dreg:$0x5];
	[sflag:s29] =	ssyncset.done $0x0  }
0xe8: {  	[sflag:s29] =	ssyncadd.s32 $0xFFFFFFB0;
	s23 =	sadd.s32 s22, s25  }
0xe9: {  	[tilespmem:s8], [sflag:$0x9] =	stream.linear.gather [hbm4b:s23+s3], $0x50, $0x38;
	[tilespmem:$0x1DC80] =	vst v63  }
0xea: {  	_ =	swait.ge [sflag:s29], $0x50  }
0xeb: {  	[sflag:s29] =	ssyncset.done $0x0  }
0xec: {  	s23 =	simm.s32 @!p2 $0x8;
	[sflag:s29] =	ssyncadd.s32 $0xFFFFFFB0  }
0xed: {  	[tilespmem:s9], [sflag:$0x3] =	stream.indirect.gather [hbm4b:s15+s31], $0x80, s7, s31, $0xb8;
	[tilespmem:$0x1DC80] =	vst v63  }
0xee: {  	_ =	swait.ge @!p2 [sflag:s23], $0x2800  }
0xef: {  	s26 =	rddreg [dreg:$0x4];
	[sflag:s23] =	ssyncset.done @!p2 $0x0  }
0xf0: {  	[sflag:s23] =	ssyncadd.s32 @!p2 $0xFFFFD800;
	s25 =	sadd.s32 s22, s26  }
0xf1: {  	[tilespmem:s10], [sflag:$0x9] =	stream.linear.gather [hbm4b:s25+s3], $0x50, $0x38;
	[tilespmem:$0x1DC80] =	vst v63  }
0xf2: {  	_ =	swait.ge [sflag:s29], $0x50  }
0xf3: {  	s26 =	rddreg [dreg:$0x3];
	[sflag:s29] =	ssyncset.done $0x0  }
0xf4: {  	s24 =	sadd.s32 s22, s26;
	[sflag:s29] =	ssyncadd.s32 $0xFFFFFFB0  }
0xf5: {  	[tilespmem:s11], [sflag:$0x9] =	stream.linear.gather [hbm4b:s24+s3], $0x50, $0x38;
	[tilespmem:$0x1DC80] =	vst v63  }
0xf6: {  	_ =	swait.ge [sflag:s29], $0x50  }
0xf7: {  	[sflag:s29] =	ssyncset.done $0x0  }
0xf8: {  	[sflag:s29] =	ssyncadd.s32 $0xFFFFFFB0  }
0xf9: {  	[tilespmem:s12], [sflag:$0x4] =	stream.indirect.gather [hbm4b:s15+s31], $0x80, s10, s31, $0xb8;
	[tilespmem:$0x1DC80] =	vst v63  }
0xfa: {  	_ =	swait.ge [sflag:s13], $0x2800  }
0xfb: {  	[sflag:s13] =	ssyncset.done $0x0  }
0xfc: {  	[sflag:s13] =	ssyncadd.s32 $0xFFFFD800  }
0xfd: {  	[spmem:s2] =	stream.indirect.scatter.add.f32 [tilespmem:s0], [sflag:$0x5], $0x80, s30, s31, $0xb8;
	[tilespmem:$0x1DC80] =	vst v63  }
0xfe: {  	_ =	swait.ge [sflag:s14], $0x2800  }
0xff: {  	[sflag:s14] =	ssyncset.done $0x0  }
0x100: {  	[sflag:s14] =	ssyncadd.s32 $0xFFFFD800  }
0x101: {  	[spmem:s2] =	stream.indirect.scatter.add.f32 [tilespmem:s6], [sflag:$0x6], $0x80, s5, s31, $0xb8;
	[tilespmem:$0x1DC80] =	vst v63  }
0x102: {  	_ =	swait.ge [sflag:s16], $0x2800  }
0x103: {  	[sflag:s16] =	ssyncset.done $0x0  }
0x104: {  	[sflag:s16] =	ssyncadd.s32 $0xFFFFD800  }
0x105: {  	[spmem:s2] =	stream.indirect.scatter.add.f32 [tilespmem:s9], [sflag:$0x7], $0x80, s8, s31, $0xb8;
	[tilespmem:$0x1DC80] =	vst v63  }
0x106: {  	_ =	swait.ge [sflag:s17], $0x2800  }
0x107: {  	[sflag:s17] =	ssyncset.done $0x0  }
0x108: {  	[sflag:s17] =	ssyncadd.s32 $0xFFFFD800  }
0x109: {  	[spmem:s2] =	stream.indirect.scatter.add.f32 [tilespmem:s12], [sflag:$0x8], $0x80, s11, s31, $0xb8;
	[tilespmem:$0x1DC80] =	vst v63  }
0x10a: {  	_ =	swait.ge [sflag:s1], $0x2800  }
0x10b: {  	[sflag:s1] =	ssyncset.done $0x0  }
0x10c: {  	[sflag:s1] =	ssyncadd.s32 $0xFFFFD800  }
0x10d: {  	_ =	swait.ge [sflag:s18], $0x2800  }
0x10e: {  	[sflag:s18] =	ssyncset.done $0x0  }
0x10f: {  	[sflag:s18] =	ssyncadd.s32 $0xFFFFD800  }
0x110: {  	_ =	swait.ge [sflag:s19], $0x2800  }
0x111: {  	[sflag:s19] =	ssyncset.done $0x0  }
0x112: {  	[sflag:s19] =	ssyncadd.s32 $0xFFFFD800  }
0x113: {  	_ =	swait.ge [sflag:s20], $0x2800  }
0x114: {  	[sflag:s20] =	ssyncset.done $0x0  }
0x115: {  	s25 =	rddreg [dreg:$0x14];
	[sflag:s20] =	ssyncadd.s32 $0xFFFFD800  }
0x116: {  	[tilespmem:s3], [sflag:$0x9] =	stream.linear.gather [hbm4b:s25+s3], $0x50, $0x38;
	[tilespmem:$0x1DC80] =	vst v63  }
0x117: {  	_ =	swait.ge [sflag:s29], $0x50  }
0x118: {  	[sflag:s29] =	ssyncset.done $0x0  }
0x119: {  	s26 =	rddreg [dreg:$0x13];
	[sflag:s29] =	ssyncadd.s32 $0xFFFFFFB0  }
0x11a: {  	[tilespmem:s30], [sflag:$0x9] =	stream.linear.gather [hbm4b:s26+s3], $0x50, $0x38;
	[tilespmem:$0x1DC80] =	vst v63  }
0x11b: {  	_ =	swait.ge [sflag:s29], $0x50  }
0x11c: {  	[sflag:s29] =	ssyncset.done $0x0  }
0x11d: {  	[sflag:s29] =	ssyncadd.s32 $0xFFFFFFB0  }
0x11e: {  	[tilespmem:s0], [sflag:$0x1] =	stream.indirect.gather [hbm4b:s15+s31], $0x80, s3, s31, $0xb8;
	[tilespmem:$0x1DC80] =	vst v63  }
0x11f: {  	_ =	swait.ge [sflag:s13], $0x2800  }
0x120: {  	[sflag:s13] =	ssyncset.done $0x0  }
0x121: {  	[sflag:s13] =	ssyncadd.s32 $0xFFFFD800  }
0x122: {  	[spmem:s2] =	stream.indirect.scatter.add.f32 [tilespmem:s0], [sflag:$0x9], $0x80, s30, s31, $0xb8;
	[tilespmem:$0x1DC80] =	vst v63  }
0x123: {  	_ =	swait.ge [sflag:s29], $0x2800  }
0x124: {  	[sflag:s29] =	ssyncset.done $0x0  }
0x125: {  	[sflag:s29] =	ssyncadd.s32 $0xFFFFD800  }
0x126: {  	s25 =	stileid.u32;
	[bflag:$0x0] =	sbarrier.arrive $0xFFFF  }
0x127: {  	s23 =	sshll.u32 s25, $0x6;
	s24 =	rddreg [dreg:$0xb]  }
0x128: {  	s22 =	sor.u32 $0x1C09, s23;
	s26 =	rddreg [dreg:$0x1a]  }
0x129: {  	[hbm:s24], [sflag:s22] =	dma.local [spmem:s26], $0x500  }
0x12a: {  	_ =	swait.ge [sflag:s29], $0x500  }
0x12b: {  	[sflag:s29] =	ssyncset.done $0x0;
	s24 =	rddreg [dreg:$0xc]  }
0x12c: {  	s26 =	rddreg [dreg:$0x1b];
	[sflag:s29] =	ssyncadd.s32 $0xFFFFFB00  }
0x12d: {  	[hbm:s24], [sflag:s22] =	dma.local [spmem:s26], $0x500  }
0x12e: {  	_ =	swait.ge [sflag:s29], $0x500  }
0x12f: {  	[sflag:s29] =	ssyncset.done $0x0;
	s24 =	rddreg [dreg:$0xd]  }
0x130: {  	s26 =	rddreg [dreg:$0x1c];
	[sflag:s29] =	ssyncadd.s32 $0xFFFFFB00  }
0x131: {  	[hbm:s24], [sflag:s22] =	dma.local [spmem:s26], $0x500  }
0x132: {  	_ =	swait.ge [sflag:s29], $0x500  }
0x133: {  	[sflag:s29] =	ssyncset.done $0x0;
	s24 =	rddreg [dreg:$0xe]  }
0x134: {  	s26 =	rddreg [dreg:$0x1d];
	[sflag:s29] =	ssyncadd.s32 $0xFFFFFB00  }
0x135: {  	[hbm:s24], [sflag:s22] =	dma.local [spmem:s26], $0x500  }
0x136: {  	_ =	swait.ge [sflag:s29], $0x500  }
0x137: {  	[sflag:s29] =	ssyncset.done $0x0;
	s24 =	rddreg [dreg:$0xf]  }
0x138: {  	s26 =	rddreg [dreg:$0x1e];
	[sflag:s29] =	ssyncadd.s32 $0xFFFFFB00  }
0x139: {  	[hbm:s24], [sflag:s22] =	dma.local [spmem:s26], $0x500  }
0x13a: {  	_ =	swait.ge [sflag:s29], $0x500  }
0x13b: {  	[sflag:s29] =	ssyncset.done $0x0;
	s24 =	rddreg [dreg:$0x10]  }
0x13c: {  	s26 =	rddreg [dreg:$0x1f];
	[sflag:s29] =	ssyncadd.s32 $0xFFFFFB00  }
0x13d: {  	[hbm:s24], [sflag:s22] =	dma.local [spmem:s26], $0x500  }
0x13e: {  	_ =	swait.ge [sflag:s29], $0x500  }
0x13f: {  	s26 =	sld [smem:$0x7FD]  }
0x140: {  	[sflag:s29] =	ssyncset.done $0x0  }
0x141: {  	s24 =	rddreg [dreg:$0x11];
	[sflag:s29] =	ssyncadd.s32 $0xFFFFFB00  }
0x142: {  	[hbm:s24], [sflag:s22] =	dma.local [spmem:s26], $0x500  }
0x143: {  	_ =	swait.ge [sflag:s29], $0x500  }
0x144: {  	[sflag:s29] =	ssyncset.done $0x0  }
0x145: {  	s23 =	rddreg [dreg:$0x12];
	[sflag:s29] =	ssyncadd.s32 $0xFFFFFB00  }
0x146: {  	[hbm:s23], [sflag:s22] =	dma.local @!p0 [spmem:s28], $0x500  }
0x147: {  	s22 =	simm.s32 @!p0 $0x9  }
0x148: {  	_ =	swait.ge @!p0 [sflag:s22], $0x500  }
0x149: {  	s21 =	sadd.s32 $0x1, s21;
	s26 =	rddreg [dreg:$0x17]  }
0x14a: {  	p2 =	sne.s32 s21, s26  }
.Ltmp1:
0x14b: {  	_ = 	snop;
	(pc) =	sbr.rel @p2 .LBB2_1-.Ltmp1, $3  }
0x14c: {  	_ =	sdelay $0x1  }
0x14d: {  	[sflag:s22] =	ssyncset.done @!p0 $0x0  }
0x14e: {  	[sflag:s22] =	ssyncadd.s32 @!p0 $0xFFFFFB00  }
0x14f: {  	_ =	sfence.sel $0x180000  }
0x150: {  	[bflag:$0x0] =	sbarrier.arrive $0xFFFF  }
0x151: {  	_ =	strace $0x9000004A  }
0x152: {  	[bflag:$0x2] =	sbarrier.arrive $0xFFFF  }
0x153: {  	p0 =	sne.s32 s25, $0x0;
	s0 =	rddreg [dreg:$0x2]  }
0x154: {  	s0 =	sadd.s32 @!p0 $0x100000, s0  }
0x155: {  	[sflag:s0] =	ssyncadd.tile.s32 @!p0 $0x1;
	_ =	shalt  }
.Lfunc_end2:
_tile_overlayer_lowered:
.L_overlay_start_2:
0x156: {  	(tag) =	ssettag $0x2  }
0x157: {  	s0 =	rddreg [dreg:$0x0];
	s2 =	stileid.u32  }
0x158: {  	s1 =	rddreg [dreg:$0x1];
	p0 =	sne.s32 s2, $0x0  }
0x159: {  	s3 =	rddreg [dreg:$0x2];
	[bflag:$0x3] =	sbarrier.arrive $0xFFFF;
	s2 =	simm.s32 @!p0 $0x1C09  }
0x15a: {  	[timem:s3], [sflag:s2] =	dma.local @!p0 [hbm:s0], s1  }
0x15b: {  	s0 =	simm.s32 @!p0 $0x9  }
0x15c: {  	_ =	swait.ge @!p0 [sflag:s0], s1  }
0x15d: {  	s1 =	ssub.s32 @!p0 $0x0, s1;
	[sflag:s0] =	ssyncset.done @!p0 $0x0  }
0x15e: {  	[sflag:s0] =	ssyncadd.s32 @!p0 s1  }
0x15f: {  	[bflag:$0x3] =	sbarrier.arrive $0xFFFF  }
0x160: {  	_ =	shalt  }

// kernel: kernel.19.cloned.1.call-start
scs
__scs_entry_jumppad:
0x0: {  	(pc) =	sbr.rel $0x88, $3  }
0x1: {  	(tag) =	ssettag $0x0;
	lr =	simm.s32 $0x1  }
0x2: {  	[smem:$0x3F90] =	sst lr;
	_ =	strace $0xD0000000  }
0x3: {  	_ = 	snop  }
0x4: {  	_ = 	snop  }
0x5: {  	_ = 	snop  }
0x6: {  	_ = 	snop  }
0x7: {  	_ = 	snop  }
__scs_overlays_trampoline_lowered:
0x8: {  	[smem:$0x3F9F] =	sst s0  }
0x9: {  	[smem:$0x3FA0] =	sst s1  }
0xa: {  	[smem:$0x3FA1] =	sst s2  }
0xb: {  	[smem:$0x3FA2] =	sst s3  }
0xc: {  	[smem:$0x3FA3] =	sst s4  }
0xd: {  	[smem:$0x3FA4] =	sst s5  }
0xe: {  	[smem:$0x3FA5] =	sst s6  }
0xf: {  	[smem:$0x3FA6] =	sst s7  }
0x10: {  	[smem:$0x3FA7] =	sst s8  }
0x11: {  	[smem:$0x3FA8] =	sst s9;
	s0 =	simm.s32 @!p0 $0x0  }
0x12: {  	s1 =	sld [smem:$0x3F8E];
	s0 =	simm.s32 @p0 $0x1  }
0x13: {  	[smem:$0x3FA9] =	sst s0;
	s0 =	simm.s32 @!p1 $0x0  }
0x14: {  	s2 =	sld [smem:$0x3F8D];
	s0 =	simm.s32 @p1 $0x1  }
0x15: {  	[smem:$0x3FAA] =	sst s0;
	s0 =	simm.s32 @!p2 $0x0  }
0x16: {  	s3 =	sld [smem:$0x3FDB];
	s0 =	simm.s32 @p2 $0x1  }
0x17: {  	s4 =	simm.s32 $0x1BF5;
	[smem:$0x3FAC] =	sst s0  }
0x18: {  	s0 =	sld [smem:$0x3F8F];
	_ =	swait.ge [sflag:s4], $0x0  }
0x19: {  	s7 =	sld [smem:$0x3F90]  }
0x1a: {  	s8 =	sadd.s32 $0xFFFFE003, lr  }
0x1b: {  	s9 =	sadd.s32 $0xFFFFFEF7, lr;
	s5 =	simm.s32 $0xFFFFFFFF;
	p2 =	slt.u32 s8, $0xFFFFF086  }
0x1c: {  	p1 =	slt.u32 s9, $0xF7A;
	s5 =	simm.s32 @!p2 $0x0  }
0x1d: {  	s5 =	simm.s32 @p1 $0x1;
	p0 =	seq.s32 s7, s2  }
0x1e: {  	s7 =	smul.u32 @!p0 $0xF7A, s2;
	p2 =	seq.s32 @!p0 s5, $0x0  }
0x1f: {  	s9 =	smul.u32 $0xF7A, s1;
	s8 =	simm.s32 @!p0 $0x1BF5;
	p2 =	por !p2, p0  }
0x20: {  	[sflag:s8] =	ssyncset.s32 @!p0 $0xFFFFF086;
	s6 =	sadd.s32 @!p0 s3, s7;
	s7 =	simm.s32 @!p0 $0x108  }
0x21: {  	s3 =	sadd.s32 s3, s9;
	s6 =	sadd.s32 @!p0 $0x88, s6;
	s7 =	simm.s32 @p2 $0x1082  }
0x22: {  	[simem:s7], [sflag:s8] =	dma.local @!p0 [hbm:s6], $0xF7A  }
0x23: {  	s9 =	sor.u32 $0xD0000000, s2;
	s6 =	simm.s32 $0x108;
	_ =	swait.ge @!p0 [sflag:s8], $0x0  }
0x24: {  	s3 =	sadd.s32 $0x88, s3;
	s6 =	simm.s32 @!p1 $0x1082;
	[sflag:s4] =	ssyncset.s32 $0xFFFFF086  }
0x25: {  	[simem:s6], [sflag:s4] =	dma.local [hbm:s3], $0xF7A  }
0x26: {  	[smem:$0x3F90] =	sst s1;
	(tag) =	ssettag s2;
	_ =	strace s9  }
0x27: {  	s1 =	sld [smem:$0x3FA0]  }
0x28: {  	s2 =	sld [smem:$0x3FA1]  }
0x29: {  	s4 =	sld [smem:$0x3FA3]  }
0x2a: {  	p0 =	seq.s32 s5, $0x0;
	s5 =	sld [smem:$0x3FA4]  }
0x2b: {  	s6 =	sld [smem:$0x3FA5]  }
0x2c: {  	s7 =	sld [smem:$0x3FA6]  }
0x2d: {  	s3 =	simm.s32 $0x108;
	s8 =	sld [smem:$0x3FA7]  }
0x2e: {  	s3 =	simm.s32 @!p0 $0x1082;
	s9 =	sld [smem:$0x3FA8]  }
0x2f: {  	lr =	sadd.s32 s0, s3;
	s0 =	sld [smem:$0x3F9F]  }
0x30: {  	s3 =	sld [smem:$0x3FA2]  }
0x31: {  	[smem:$0x3FAB] =	sst s10  }
0x32: {  	s10 =	sld [smem:$0x3FA9];
	_ =	sdelay $0x3  }
0x33: {  	p0 =	seq.s32 s10, $0x1;
	s10 =	sld [smem:$0x3FAB];
	_ =	sdelay $0x3  }
0x34: {  	[smem:$0x3FAB] =	sst s10  }
0x35: {  	s10 =	sld [smem:$0x3FAA];
	_ =	sdelay $0x3  }
0x36: {  	p1 =	seq.s32 s10, $0x1;
	s10 =	sld [smem:$0x3FAB];
	_ =	sdelay $0x3  }
0x37: {  	[smem:$0x3FAB] =	sst s10  }
0x38: {  	s10 =	sld [smem:$0x3FAC]  }
0x39: {  	_ = 	snop;
	(pc) =	sbr.ind lr, $3  }
0x3a: {  	_ = 	snop  }
0x3b: {  	_ = 	snop  }
0x3c: {  	p2 =	seq.s32 s10, $0x1;
	s10 =	sld [smem:$0x3FAB]  }
0x3d: {  	_ =	shalt  }
0x3e: {  	_ =	shalt  }
0x3f: {  	_ =	shalt  }
0x40: {  	_ =	shalt  }
0x41: {  	_ =	shalt  }
0x42: {  	_ =	shalt  }
0x43: {  	_ =	shalt  }
0x44: {  	_ =	shalt  }
0x45: {  	_ =	shalt  }
0x46: {  	_ =	shalt  }
0x47: {  	_ =	shalt  }
0x48: {  	_ =	shalt  }
0x49: {  	_ =	shalt  }
0x4a: {  	_ =	shalt  }
0x4b: {  	_ =	shalt  }
0x4c: {  	_ =	shalt  }
0x4d: {  	_ =	shalt  }
0x4e: {  	_ =	shalt  }
0x4f: {  	_ =	shalt  }
0x50: {  	_ =	shalt  }
0x51: {  	_ =	shalt  }
0x52: {  	_ =	shalt  }
0x53: {  	_ =	shalt  }
0x54: {  	_ =	shalt  }
0x55: {  	_ =	shalt  }
0x56: {  	_ =	shalt  }
0x57: {  	_ =	shalt  }
0x58: {  	_ =	shalt  }
0x59: {  	_ =	shalt  }
0x5a: {  	_ =	shalt  }
0x5b: {  	_ =	shalt  }
0x5c: {  	_ =	shalt  }
0x5d: {  	_ =	shalt  }
0x5e: {  	_ =	shalt  }
0x5f: {  	_ =	shalt  }
0x60: {  	_ =	shalt  }
0x61: {  	_ =	shalt  }
0x62: {  	_ =	shalt  }
0x63: {  	_ =	shalt  }
0x64: {  	_ =	shalt  }
0x65: {  	_ =	shalt  }
0x66: {  	_ =	shalt  }
0x67: {  	_ =	shalt  }
0x68: {  	_ =	shalt  }
0x69: {  	_ =	shalt  }
0x6a: {  	_ =	shalt  }
0x6b: {  	_ =	shalt  }
0x6c: {  	_ =	shalt  }
0x6d: {  	_ =	shalt  }
0x6e: {  	_ =	shalt  }
0x6f: {  	_ =	shalt  }
0x70: {  	_ =	shalt  }
0x71: {  	_ =	shalt  }
0x72: {  	_ =	shalt  }
0x73: {  	_ =	shalt  }
0x74: {  	_ =	shalt  }
0x75: {  	_ =	shalt  }
0x76: {  	_ =	shalt  }
0x77: {  	_ =	shalt  }
0x78: {  	_ =	shalt  }
0x79: {  	_ =	shalt  }
0x7a: {  	_ =	shalt  }
0x7b: {  	_ =	shalt  }
0x7c: {  	_ =	shalt  }
0x7d: {  	_ =	shalt  }
0x7e: {  	_ =	shalt  }
0x7f: {  	_ =	shalt  }
0x80: {  	_ =	shalt  }
0x81: {  	_ =	shalt  }
0x82: {  	_ =	shalt  }
0x83: {  	_ =	shalt  }
0x84: {  	_ =	shalt  }
0x85: {  	_ =	shalt  }
0x86: {  	_ =	shalt  }
0x87: {  	_ =	shalt  }
.Lfunc_end0:
.L_simem_size_0:
called_computation.2_lowered:
.L_overlay_start_0:
0x88: {  	s2 =	sld [smem:$0x3FD9]  }
0x89: {  	s3 =	sld [smem:$0x3FFE];
	_ =	sdelay $0x1  }
0x8a: {  	s1 =	srdreg.scid  }
0x8b: {  	s0 =	sand.u32 $0x1, s1  }
0x8c: {  	s16 =	sshll.u32 s0, $0xA;
	s2 =	sadd.s32 s3, s2  }
0x8d: {  	s2 =	sadd.s32 s2, s16  }
0x8e: {  	[smem:$0x3FB7] =	sst s2  }
0x8f: {  	_ = 	snop  }
0x90: {  	(tm) =	ssettm $0x1  }
0x91: {  	s17 =	sld [smem:$0x3FFB];
	_ =	sdelay $0x3  }
0x92: {  	_ =	strace s17  }
0x93: {  	s2 =	sld [smem:$0x3FFC];
	_ =	sdelay $0x3  }
0x94: {  	_ =	strace s2  }
0x95: {  	s2 =	sld [smem:$0x3FFD];
	_ =	sdelay $0x3  }
0x96: {  	_ =	strace s2  }
0x97: {  	_ =	strace $0x8FFFFFFF  }
0x98: {  	s18 =	sld [smem:$0x3FDB];
	_ =	sdelay $0x1  }
0x99: {  	s19 =	simm.s32 $_scs_section_size  }
0x9a: {  	s4 =	simm.s32 $_size__tile_overlayer_lowered;
	s5 =	simm.s32 $_tile_overlayer_lowered  }
0x9b: {  	s22 =	simm.s32 $0x1BFF;
	s21 =	sshll.u32 s5, $0x1;
	s2 =	sadd.s32 s19, s18  }
0x9c: {  	s6 =	simm.s32 $0x0;
	s20 =	sshll.u32 s4, $0x1;
	s4 =	sadd.s32 s21, s2  }
0x9d: {  	[timem:s6], [sflag:s22] =	dma.local [hbm:s4], s20  }
0x9e: {  	_ =	swait.ge [sflag:s22], s20  }
0x9f: {  	s3 =	ssub.s32 $0x0, s20;
	[sflag:s22] =	ssyncset.done $0x0  }
0xa0: {  	[sflag:s22] =	ssyncadd.s32 s3;
	_ =	sdelay $0x1  }
0xa1: {  	s23 =	simm.s32 $0x1B8B  }
0xa2: {  	_ =	swait.ge [sflag:s23], $0x1  }
0xa3: {  	[sflag:s23] =	ssyncset.done $0x0  }
0xa4: {  	s25 =	simm.s32 $0x1B8E;
	s24 =	sld [smem:$0x3FFE];
	[sflag:s23] =	ssyncadd.s32 $0xFFFFFFFF  }
0xa5: {  	s26 =	simm.s32 $execute0_lowered;
	[smem:$0x3FD2] =	sst s25  }
0xa6: {  	s4 =	sshll.u32 s26, $0x1;
	_ =	strace $0x8000004C;
	[dreg:$0x1] =	wrdreg $0xFFFFFFFF  }
0xa7: {  	s28 =	simm.s32 $_size_execute0_lowered;
	s2 =	sadd.s32 s2, s4;
	[dreg:$0x0] =	wrdreg $0x0  }
0xa8: {  	s4 =	sshll.u32 s28, $0x1;
	[dreg:$0x2] =	wrdreg s2  }
0xa9: {  	[dreg:$0x3] =	wrdreg s4  }
0xaa: {  	[dreg:$0x4] =	wrdreg $0xC0  }
0xab: {  	_ =	task [dreg:s6], $0x5FFFF  }
0xac: {  	[dreg:$0x1] =	wrdreg $0xFFFFFFFF  }
0xad: {  	[dreg:$0x0] =	wrdreg $0x60  }
0xae: {  	[dreg:$0x2] =	wrdreg s24  }
0xaf: {  	[dreg:$0x3] =	wrdreg $0xA4000  }
0xb0: {  	[dreg:$0x4] =	wrdreg $0x9  }
0xb1: {  	_ =	task.clear_ibuf [dreg:s6], $0x5FFFF;
	_ =	strace $0x9000004C  }
0xb2: {  	s29 =	simm.s32 $0x9;
	_ =	strace $0x8000004E  }
0xb3: {  	_ =	swait.ge [sflag:s29], $0x1  }
0xb4: {  	[sflag:s29] =	ssyncadd.s32 $0xFFFFFFFF  }
0xb5: {  	_ =	strace $0x9000004E  }
0xb6: {  	_ =	sfence  }
0xb7: {  	s30 =	sld [smem:$0x0];
	_ =	sdelay $0x2  }
0xb8: {  	s31 =	sshll.u32 s1, $0xD;
	s1 =	sshrl.u32 s1, $0x2  }
0xb9: {  	s3 =	sand.u32 $0x4000, s31;
	s1 =	sadd.s32 s1, s30  }
0xba: {  	s0 =	sor.u32 s3, s0;
	s1 =	sshll.u32 s1, $0x11  }
0xbb: {  	s0 =	sor.u32 s1, s0  }
0xbc: {  	s0 =	sadd.s32 $0x8F2B, s0  }
0xbd: {  	[sflag:s0] =	ssyncadd.remote.s32 $0x1  }
0xbe: {  	_ =	sfence.sel $0xFFFF  }
0xbf: {  	[dreg:$0x0] =	wrdreg $0xFFFFFFFF;
	(pc) =	sbr.abs _section_cstart, $3  }
0xc0: {  	[dreg:$0x1] =	wrdreg $0xFFFFFFFF  }
0xc1: {  	_ =	task.clear_ibuf [dreg:s6], $0x2FFFF;
	_ =	strace $0x9FFFFFFF  }
0xc2: {  	(tm) =	ssettm $0x7FFFFFFF  }
0xc3: {  	_ =	shalt  }
tec
execute0_lowered:
.L_overlay_start_1:
0x0: {  	(tag) =	ssettag $0x1  }
0x1: {  	s0 =	rddreg [dreg:$0x0]  }
0x2: {  	s2 =	rddreg [dreg:$0x1];
	s1 =	srdreg.scid  }
0x3: {  	s25 =	stileid.u32;
	s3 =	simm.s32 $0x0;
	s29 =	simm.s32 $0x9  }
0x4: {  	s30 =	simm.s32 $0x200;
	s31 =	simm.s32 $0x50;
	s6 =	smul.u32 $0x2800, s25  }
0x5: {  	s13 =	sand.u32 $0x1, s1;
	s1 =	sor.u32 $0x10, s25;
	s15 =	smul.u32 $0x2710, s25  }
0x6: {  	[smem:$0x7FF] =	sst s3;
	s4 =	sor.u32 $0x20, s25;
	s14 =	smul.u32 $0x138800, s13  }
0x7: {  	s9 =	sadd.s32 $0x4A00, s0;
	s12 =	sadd.s32 $0xE800, s0;
	s7 =	smul.u32 $0x2800, s1  }
0x8: {  	p1 =	seq.s32 s25, $0xF;
	_ =	strace $0x8000004D;
	s8 =	smul.u32 $0x2800, s4  }
0x9: {  	s5 =	ssub.s32 $0x2, s13;
	s10 =	smul.u32 $0x27100, s13;
	s13 =	sshll.u32 s13, $0x4  }
0xa: {  	s1 =	smul.u32 $0xA000, s1;
	s11 =	sshrl.u32 s5, $0x1;
	s13 =	sor.u32 s25, s13  }
0xb: {  	s5 =	ssub.s32 s5, s11;
	s16 =	sadd.s32 s14, s6;
	s17 =	sadd.s32 s14, s7  }
0xc: {  	s18 =	sadd.s32 s14, s8;
	s6 =	sor.u32 $0x30, s25;
	s13 =	smul.u32 $0x2710, s13  }
0xd: {  	s15 =	sadd.s32 s15, s10;
	s7 =	sor.u32 $0x40, s25;
	s19 =	smul.u32 $0x2800, s6  }
0xe: {  	s8 =	sor.u32 $0x50, s25;
	s11 =	sor.u32 $0x60, s25;
	s20 =	smul.u32 $0x2800, s7  }
0xf: {  	s1 =	sshrl.u32 s1, $0x2;
	s10 =	sadd.s32 $0xF0, s15;
	s21 =	smul.u32 $0x2800, s8  }
0x10: {  	s22 =	sadd.s32 $0xA0, s15;
	s16 =	sshrl.u32 s16, $0x3;
	s26 =	sshrl.u32 s17, $0x3  }
0x11: {  	s17 =	sshrl.u32 s18, $0x3;
	s1 =	sadd.s32 s1, s2;
	s10 =	sshrl.u32 s10, $0x3  }
0x12: {  	s22 =	sshrl.u32 s22, $0x3;
	s13 =	sshrl.u32 s13, $0x3;
	s1 =	sshrl.u32 s1, $0x3  }
0x13: {  	s23 =	sadd.s32 s10, s12;
	s10 =	sadd.s32 s10, s9;
	s24 =	sadd.s32 s22, s12  }
0x14: {  	s19 =	sadd.s32 s14, s19;
	s20 =	sadd.s32 s14, s20;
	[dreg:$0x1b] =	wrdreg s1  }
0x15: {  	s21 =	sadd.s32 s14, s21;
	s22 =	sadd.s32 s22, s9;
	[dreg:$0x3] =	wrdreg s23  }
0x16: {  	s13 =	sadd.s32 $0x4D8, s13;
	s1 =	simm.s32 $0x5;
	[dreg:$0x4] =	wrdreg s10  }
0x17: {  	s23 =	smul.u32 $0x2800, s11;
	[dreg:$0x5] =	wrdreg s24;
	s10 =	sor.u32 $0x70, s25  }
0x18: {  	[dreg:$0x6] =	wrdreg s22;
	s22 =	sadd.s32 $0x70A00, s0;
	s18 =	sshrl.u32 s19, $0x3  }
0x19: {  	s20 =	sshrl.u32 s20, $0x3;
	s21 =	sshrl.u32 s21, $0x3;
	s16 =	sadd.s32 s22, s16  }
0x1a: {  	s24 =	smul.u32 $0x2800, s10;
	s19 =	sadd.s32 s22, s18;
	[dreg:$0xb] =	wrdreg s16  }
0x1b: {  	p0 =	sgt.u32 s10, $0x7C;
	s16 =	sadd.s32 s22, s26;
	[dreg:$0xe] =	wrdreg s19  }
0x1c: {  	s23 =	sadd.s32 s14, s23;
	s14 =	sadd.s32 s14, s24;
	[dreg:$0xc] =	wrdreg s16  }
0x1d: {  	s16 =	sadd.s32 s22, s17;
	s24 =	sadd.s32 $0x50, s15;
	s26 =	sshrl.u32 s23, $0x3  }
0x1e: {  	s23 =	smul.u32 $0x4F000, s25;
	[dreg:$0xd] =	wrdreg s16;
	s16 =	sadd.s32 s22, s20  }
0x1f: {  	s17 =	sshrl.u32 s24, $0x3;
	s14 =	sshrl.u32 s14, $0x3;
	s20 =	sshrl.u32 s15, $0x3  }
0x20: {  	s15 =	sadd.s32 $0x49800, s0;
	[dreg:$0xf] =	wrdreg s16;
	s16 =	sadd.s32 s22, s21  }
0x21: {  	s18 =	sadd.s32 s17, s12;
	s14 =	sadd.s32 s22, s14;
	[dreg:$0x10] =	wrdreg s16  }
0x22: {  	s19 =	sadd.s32 s17, s9;
	s21 =	smul.u32 $0x2780, s25;
	[dreg:$0x12] =	wrdreg s14  }
0x23: {  	s17 =	smul.u32 $0xA000, s6;
	s16 =	sadd.s32 s22, s26;
	[dreg:$0x7] =	wrdreg s18  }
0x24: {  	[dreg:$0x8] =	wrdreg s19;
	s22 =	sadd.s32 s20, s12;
	s12 =	sadd.s32 s12, s13  }
0x25: {  	s13 =	sadd.s32 s9, s13;
	s26 =	smul.u32 $0xA000, s25;
	[dreg:$0x11] =	wrdreg s16  }
0x26: {  	s9 =	sadd.s32 s20, s9;
	s18 =	smul.u32 $0xA000, s7;
	[dreg:$0x9] =	wrdreg s22  }
0x27: {  	s14 =	smax.u32 s5, $0x1;
	s19 =	smul.u32 $0xA000, s8;
	[dreg:$0x13] =	wrdreg s12  }
0x28: {  	s20 =	smul.u32 $0xA000, s11;
	s11 =	simm.s32 $0x380;
	[dreg:$0x14] =	wrdreg s13  }
0x29: {  	s24 =	sadd.s32 s21, s0;
	s12 =	sshrl.u32 s23, $0x2;
	[dreg:$0xa] =	wrdreg s9  }
0x2a: {  	s0 =	sadd.s32 $0x47680, s0;
	[dreg:$0x17] =	wrdreg s14;
	s5 =	sshrl.u32 s17, $0x2  }
0x2b: {  	s21 =	smul.u32 $0xA000, s10;
	s10 =	sadd.s32 $0x128400, s2;
	s14 =	simm.s32 $0x2  }
0x2c: {  	s17 =	simm.s32 $0x4;
	s12 =	sadd.s32 s12, s2;
	s13 =	sadd.s32 $0x22600, s24  }
0x2d: {  	[dreg:$0x16] =	wrdreg s0;
	s16 =	sshrl.u32 s26, $0x2;
	s5 =	sadd.s32 s5, s2  }
0x2e: {  	s6 =	sshrl.u32 s18, $0x2;
	s7 =	sshrl.u32 s19, $0x2;
	s8 =	sshrl.u32 s20, $0x2  }
0x2f: {  	s10 =	sshrl.u32 @p1 s10, $0x3;
	s18 =	simm.s32 $0x6;
	s19 =	simm.s32 $0x7  }
0x30: {  	s20 =	simm.s32 $0x8;
	[dreg:$0x15] =	wrdreg s13;
	s13 =	smul.u32 $0xA000, s4  }
0x31: {  	s4 =	sadd.s32 s16, s2;
	s6 =	sadd.s32 s6, s2;
	s7 =	sadd.s32 s7, s2  }
0x32: {  	s8 =	sadd.s32 s8, s2;
	s9 =	sshrl.u32 s21, $0x2;
	[dreg:$0x18] =	wrdreg s10  }
0x33: {  	s10 =	sshrl.u32 @!p1 s12, $0x3;
	s22 =	sshrl.u32 s5, $0x3;
	s5 =	simm.s32 $0x280  }
0x34: {  	s12 =	simm.s32 $0x7C00;
	s16 =	simm.s32 $0x3;
	s21 =	simm.s32 $0x0  }
0x35: {  	s9 =	sadd.s32 s9, s2;
	[dreg:$0x19] =	wrdreg s10;
	s4 =	sshrl.u32 s4, $0x3  }
0x36: {  	[dreg:$0x1d] =	wrdreg s22;
	s23 =	sshrl.u32 s6, $0x3;
	s24 =	sshrl.u32 s7, $0x3  }
0x37: {  	s26 =	sshrl.u32 s8, $0x3;
	s6 =	simm.s32 $0x2C00;
	[dreg:$0x1a] =	wrdreg s4  }
0x38: {  	s7 =	simm.s32 $0x100;
	s8 =	simm.s32 $0x300;
	[dreg:$0x1e] =	wrdreg s23  }
0x39: {  	s10 =	simm.s32 $0x180;
	s0 =	sshrl.u32 s13, $0x2;
	[dreg:$0x1f] =	wrdreg s24  }
0x3a: {  	[smem:$0x7FD] =	sst s26;
	s28 =	sshrl.u32 @!p0 s9, $0x3;
	s0 =	sadd.s32 s0, s2  }
0x3b: {  	s4 =	simm.s32 $0x80;
	s9 =	simm.s32 $0x5400;
	s0 =	sshrl.u32 s0, $0x3  }
0x3c: {  	s13 =	simm.s32 $0x1;
	[dreg:$0x1c] =	wrdreg s0;
	s0 =	simm.s32 $0x400  }
.LBB2_1:
0x3d: {  	s23 =	rddreg [dreg:$0x16]  }
0x3e: {  	s22 =	simm.s32 @p1 $0x1FC9;
	s24 =	rddreg [dreg:$0x18]  }
0x3f: {  	[spmem:s24], [sflag:s22] =	dma.local @p1 [hbm:s23], $0x2080  }
0x40: {  	s22 =	simm.s32 @p1 $0x9  }
0x41: {  	_ =	swait.ge @p1 [sflag:s22], $0x2080  }
0x42: {  	s23 =	sshll.u32 @!p1 s25, $0x6;
	[sflag:s22] =	ssyncset.done @p1 $0x0;
	s24 =	rddreg [dreg:$0x19]  }
0x43: {  	[sflag:s22] =	ssyncadd.s32 @p1 $0xFFFFDF80;
	s22 =	sor.u32 @!p1 $0x1C09, s23;
	s23 =	rddreg [dreg:$0x15]  }
0x44: {  	[spmem:s24], [sflag:s22] =	dma.local @!p1 [hbm:s23], $0x2780  }
0x45: {  	s22 =	simm.s32 @!p1 $0x9  }
0x46: {  	_ =	swait.ge @!p1 [sflag:s22], $0x2780  }
0x47: {  	[sflag:s22] =	ssyncset.done @!p1 $0x0  }
0x48: {  	p2 =	por $0x1, $0x1;
	[sflag:s22] =	ssyncadd.s32 @!p1 $0xFFFFD880  }
0x49: {  	s22 =	simm.s32 @!p2 $0x5;
	[bflag:$0x0] =	sbarrier.arrive $0xFFFF  }
0x4a: {  	_ =	swait.ge @!p2 [sflag:s22], $0x2800  }
0x4b: {  	s26 =	rddreg [dreg:$0xa];
	[sflag:s22] =	ssyncset.done @!p2 $0x0  }
0x4c: {  	[sflag:s22] =	ssyncadd.s32 @!p2 $0xFFFFD800;
	s24 =	sadd.s32 $0x0, s26  }
0x4d: {  	[tilespmem:s3], [sflag:$0x9] =	stream.linear.gather [hbm4b:s24+s3], $0x50, $0x38;
	[tilespmem:$0x1DC80] =	vst v63  }
0x4e: {  	_ =	swait.ge [sflag:s29], $0x50  }
0x4f: {  	s25 =	rddreg [dreg:$0x9];
	[sflag:s29] =	ssyncset.done $0x0  }
0x50: {  	[sflag:s29] =	ssyncadd.s32 $0xFFFFFFB0;
	s22 =	sadd.s32 $0x0, s25  }
0x51: {  	[tilespmem:s30], [sflag:$0x9] =	stream.linear.gather [hbm4b:s22+s3], $0x50, $0x38;
	[tilespmem:$0x1DC80] =	vst v63  }
0x52: {  	_ =	swait.ge [sflag:s29], $0x50  }
0x53: {  	[sflag:s29] =	ssyncset.done $0x0  }
0x54: {  	s22 =	simm.s32 @!p2 $0x6;
	[sflag:s29] =	ssyncadd.s32 $0xFFFFFFB0  }
0x55: {  	[tilespmem:s0], [sflag:$0x1] =	stream.indirect.gather [hbm4b:s15+s31], $0x80, s3, s31, $0xb8;
	[tilespmem:$0x1DC80] =	vst v63  }
0x56: {  	_ =	swait.ge @!p2 [sflag:s22], $0x2800  }
0x57: {  	s26 =	rddreg [dreg:$0x8];
	[sflag:s22] =	ssyncset.done @!p2 $0x0  }
0x58: {  	[sflag:s22] =	ssyncadd.s32 @!p2 $0xFFFFD800;
	s23 =	sadd.s32 $0x0, s26  }
0x59: {  	[tilespmem:s4], [sflag:$0x9] =	stream.linear.gather [hbm4b:s23+s3], $0x50, $0x38;
	[tilespmem:$0x1DC80] =	vst v63  }
0x5a: {  	_ =	swait.ge [sflag:s29], $0x50  }
0x5b: {  	s24 =	rddreg [dreg:$0x7];
	[sflag:s29] =	ssyncset.done $0x0  }
0x5c: {  	[sflag:s29] =	ssyncadd.s32 $0xFFFFFFB0;
	s22 =	sadd.s32 $0x0, s24  }
0x5d: {  	[tilespmem:s5], [sflag:$0x9] =	stream.linear.gather [hbm4b:s22+s3], $0x50, $0x38;
	[tilespmem:$0x1DC80] =	vst v63  }
0x5e: {  	_ =	swait.ge [sflag:s29], $0x50  }
0x5f: {  	[sflag:s29] =	ssyncset.done $0x0  }
0x60: {  	s22 =	simm.s32 @!p2 $0x7;
	[sflag:s29] =	ssyncadd.s32 $0xFFFFFFB0  }
0x61: {  	[tilespmem:s6], [sflag:$0x2] =	stream.indirect.gather [hbm4b:s15+s31], $0x80, s4, s31, $0xb8;
	[tilespmem:$0x1DC80] =	vst v63  }
0x62: {  	_ =	swait.ge @!p2 [sflag:s22], $0x2800  }
0x63: {  	s25 =	rddreg [dreg:$0x6];
	[sflag:s22] =	ssyncset.done @!p2 $0x0  }
0x64: {  	[sflag:s22] =	ssyncadd.s32 @!p2 $0xFFFFD800;
	s26 =	sadd.s32 $0x0, s25  }
0x65: {  	[tilespmem:s7], [sflag:$0x9] =	stream.linear.gather [hbm4b:s26+s3], $0x50, $0x38;
	[tilespmem:$0x1DC80] =	vst v63  }
0x66: {  	_ =	swait.ge [sflag:s29], $0x50  }
0x67: {  	s23 =	rddreg [dreg:$0x5];
	[sflag:s29] =	ssyncset.done $0x0  }
0x68: {  	[sflag:s29] =	ssyncadd.s32 $0xFFFFFFB0;
	s22 =	sadd.s32 $0x0, s23  }
0x69: {  	[tilespmem:s8], [sflag:$0x9] =	stream.linear.gather [hbm4b:s22+s3], $0x50, $0x38;
	[tilespmem:$0x1DC80] =	vst v63  }
0x6a: {  	_ =	swait.ge [sflag:s29], $0x50  }
0x6b: {  	[sflag:s29] =	ssyncset.done $0x0  }
0x6c: {  	s22 =	simm.s32 @!p2 $0x8;
	[sflag:s29] =	ssyncadd.s32 $0xFFFFFFB0  }
0x6d: {  	[tilespmem:s9], [sflag:$0x3] =	stream.indirect.gather [hbm4b:s15+s31], $0x80, s7, s31, $0xb8;
	[tilespmem:$0x1DC80] =	vst v63  }
0x6e: {  	_ =	swait.ge @!p2 [sflag:s22], $0x2800  }
0x6f: {  	s24 =	rddreg [dreg:$0x4];
	[sflag:s22] =	ssyncset.done @!p2 $0x0  }
0x70: {  	[sflag:s22] =	ssyncadd.s32 @!p2 $0xFFFFD800;
	s25 =	sadd.s32 $0x0, s24  }
0x71: {  	[tilespmem:s10], [sflag:$0x9] =	stream.linear.gather [hbm4b:s25+s3], $0x50, $0x38;
	[tilespmem:$0x1DC80] =	vst v63  }
0x72: {  	_ =	swait.ge [sflag:s29], $0x50  }
0x73: {  	s26 =	rddreg [dreg:$0x3];
	[sflag:s29] =	ssyncset.done $0x0  }
0x74: {  	[sflag:s29] =	ssyncadd.s32 $0xFFFFFFB0;
	s22 =	sadd.s32 $0x0, s26  }
0x75: {  	[tilespmem:s11], [sflag:$0x9] =	stream.linear.gather [hbm4b:s22+s3], $0x50, $0x38;
	[tilespmem:$0x1DC80] =	vst v63  }
0x76: {  	_ =	swait.ge [sflag:s29], $0x50  }
0x77: {  	[sflag:s29] =	ssyncset.done $0x0  }
0x78: {  	[sflag:s29] =	ssyncadd.s32 $0xFFFFFFB0  }
0x79: {  	[tilespmem:s12], [sflag:$0x4] =	stream.indirect.gather [hbm4b:s15+s31], $0x80, s10, s31, $0xb8;
	[tilespmem:$0x1DC80] =	vst v63  }
0x7a: {  	_ =	swait.ge [sflag:s13], $0x2800  }
0x7b: {  	[sflag:s13] =	ssyncset.done $0x0  }
0x7c: {  	[sflag:s13] =	ssyncadd.s32 $0xFFFFD800  }
0x7d: {  	[spmem:s2] =	stream.indirect.scatter.add.f32 [tilespmem:s0], [sflag:$0x5], $0x80, s30, s31, $0xb8;
	[tilespmem:$0x1DC80] =	vst v63  }
0x7e: {  	_ =	swait.ge [sflag:s14], $0x2800  }
0x7f: {  	[sflag:s14] =	ssyncset.done $0x0  }
0x80: {  	[sflag:s14] =	ssyncadd.s32 $0xFFFFD800  }
0x81: {  	[spmem:s2] =	stream.indirect.scatter.add.f32 [tilespmem:s6], [sflag:$0x6], $0x80, s5, s31, $0xb8;
	[tilespmem:$0x1DC80] =	vst v63  }
0x82: {  	_ =	swait.ge [sflag:s16], $0x2800  }
0x83: {  	[sflag:s16] =	ssyncset.done $0x0  }
0x84: {  	[sflag:s16] =	ssyncadd.s32 $0xFFFFD800  }
0x85: {  	[spmem:s2] =	stream.indirect.scatter.add.f32 [tilespmem:s9], [sflag:$0x7], $0x80, s8, s31, $0xb8;
	[tilespmem:$0x1DC80] =	vst v63  }
0x86: {  	s23 =	simm.s32 $0x50;
	_ =	swait.ge [sflag:s17], $0x2800  }
0x87: {  	p2 =	por $0x0, $0x0;
	s22 =	simm.s32 $0x28;
	[sflag:s17] =	ssyncset.done $0x0  }
.LBB2_2:
0x88: {  	s25 =	simm.s32 @!p2 $0x5;
	[sflag:s17] =	ssyncadd.s32 $0xFFFFD800  }
0x89: {  	[spmem:s2] =	stream.indirect.scatter.add.f32 [tilespmem:s12], [sflag:$0x8], $0x80, s11, s31, $0xb8;
	[tilespmem:$0x1DC80] =	vst v63  }
0x8a: {  	_ =	swait.ge @!p2 [sflag:s25], $0x2800  }
0x8b: {  	[sflag:s25] =	ssyncset.done @!p2 $0x0;
	s26 =	rddreg [dreg:$0xa]  }
0x8c: {  	[sflag:s25] =	ssyncadd.s32 @!p2 $0xFFFFD800;
	s26 =	sadd.s32 s22, s26  }
0x8d: {  	[tilespmem:s3], [sflag:$0x9] =	stream.linear.gather [hbm4b:s26+s3], $0x50, $0x38;
	[tilespmem:$0x1DC80] =	vst v63  }
0x8e: {  	_ =	swait.ge [sflag:s29], $0x50  }
0x8f: {  	s26 =	rddreg [dreg:$0x9];
	[sflag:s29] =	ssyncset.done $0x0  }
0x90: {  	[sflag:s29] =	ssyncadd.s32 $0xFFFFFFB0;
	s25 =	sadd.s32 s22, s26  }
0x91: {  	[tilespmem:s30], [sflag:$0x9] =	stream.linear.gather [hbm4b:s25+s3], $0x50, $0x38;
	[tilespmem:$0x1DC80] =	vst v63  }
0x92: {  	_ =	swait.ge [sflag:s29], $0x50  }
0x93: {  	[sflag:s29] =	ssyncset.done $0x0  }
0x94: {  	s25 =	simm.s32 @!p2 $0x6;
	[sflag:s29] =	ssyncadd.s32 $0xFFFFFFB0  }
0x95: {  	[tilespmem:s0], [sflag:$0x1] =	stream.indirect.gather [hbm4b:s15+s31], $0x80, s3, s31, $0xb8;
	[tilespmem:$0x1DC80] =	vst v63  }
0x96: {  	_ =	swait.ge @!p2 [sflag:s25], $0x2800  }
0x97: {  	[sflag:s25] =	ssyncset.done @!p2 $0x0;
	s26 =	rddreg [dreg:$0x8]  }
0x98: {  	[sflag:s25] =	ssyncadd.s32 @!p2 $0xFFFFD800;
	s26 =	sadd.s32 s22, s26  }
0x99: {  	[tilespmem:s4], [sflag:$0x9] =	stream.linear.gather [hbm4b:s26+s3], $0x50, $0x38;
	[tilespmem:$0x1DC80] =	vst v63  }
0x9a: {  	_ =	swait.ge [sflag:s29], $0x50  }
0x9b: {  	s26 =	rddreg [dreg:$0x7];
	[sflag:s29] =	ssyncset.done $0x0  }
0x9c: {  	[sflag:s29] =	ssyncadd.s32 $0xFFFFFFB0;
	s25 =	sadd.s32 s22, s26  }
0x9d: {  	[tilespmem:s5], [sflag:$0x9] =	stream.linear.gather [hbm4b:s25+s3], $0x50, $0x38;
	[tilespmem:$0x1DC80] =	vst v63  }
0x9e: {  	_ =	swait.ge [sflag:s29], $0x50  }
0x9f: {  	[sflag:s29] =	ssyncset.done $0x0  }
0xa0: {  	s25 =	simm.s32 @!p2 $0x7;
	[sflag:s29] =	ssyncadd.s32 $0xFFFFFFB0  }
0xa1: {  	[tilespmem:s6], [sflag:$0x2] =	stream.indirect.gather [hbm4b:s15+s31], $0x80, s4, s31, $0xb8;
	[tilespmem:$0x1DC80] =	vst v63  }
0xa2: {  	_ =	swait.ge @!p2 [sflag:s25], $0x2800  }
0xa3: {  	[sflag:s25] =	ssyncset.done @!p2 $0x0;
	s26 =	rddreg [dreg:$0x6]  }
0xa4: {  	[sflag:s25] =	ssyncadd.s32 @!p2 $0xFFFFD800;
	s26 =	sadd.s32 s22, s26  }
0xa5: {  	[tilespmem:s7], [sflag:$0x9] =	stream.linear.gather [hbm4b:s26+s3], $0x50, $0x38;
	[tilespmem:$0x1DC80] =	vst v63  }
0xa6: {  	_ =	swait.ge [sflag:s29], $0x50  }
0xa7: {  	s26 =	rddreg [dreg:$0x5];
	[sflag:s29] =	ssyncset.done $0x0  }
0xa8: {  	[sflag:s29] =	ssyncadd.s32 $0xFFFFFFB0;
	s25 =	sadd.s32 s22, s26  }
0xa9: {  	[tilespmem:s8], [sflag:$0x9] =	stream.linear.gather [hbm4b:s25+s3], $0x50, $0x38;
	[tilespmem:$0x1DC80] =	vst v63  }
0xaa: {  	_ =	swait.ge [sflag:s29], $0x50  }
0xab: {  	[sflag:s29] =	ssyncset.done $0x0  }
0xac: {  	s25 =	simm.s32 @!p2 $0x8;
	[sflag:s29] =	ssyncadd.s32 $0xFFFFFFB0  }
0xad: {  	[tilespmem:s9], [sflag:$0x3] =	stream.indirect.gather [hbm4b:s15+s31], $0x80, s7, s31, $0xb8;
	[tilespmem:$0x1DC80] =	vst v63  }
0xae: {  	_ =	swait.ge @!p2 [sflag:s25], $0x2800  }
0xaf: {  	[sflag:s25] =	ssyncset.done @!p2 $0x0;
	s26 =	rddreg [dreg:$0x4]  }
0xb0: {  	[sflag:s25] =	ssyncadd.s32 @!p2 $0xFFFFD800;
	s26 =	sadd.s32 s22, s26  }
0xb1: {  	[tilespmem:s10], [sflag:$0x9] =	stream.linear.gather [hbm4b:s26+s3], $0x50, $0x38;
	[tilespmem:$0x1DC80] =	vst v63  }
0xb2: {  	_ =	swait.ge [sflag:s29], $0x50  }
0xb3: {  	s26 =	rddreg [dreg:$0x3];
	[sflag:s29] =	ssyncset.done $0x0  }
0xb4: {  	[sflag:s29] =	ssyncadd.s32 $0xFFFFFFB0;
	s25 =	sadd.s32 s22, s26  }
0xb5: {  	[tilespmem:s11], [sflag:$0x9] =	stream.linear.gather [hbm4b:s25+s3], $0x50, $0x38;
	[tilespmem:$0x1DC80] =	vst v63  }
0xb6: {  	_ =	swait.ge [sflag:s29], $0x50  }
0xb7: {  	[sflag:s29] =	ssyncset.done $0x0  }
0xb8: {  	[sflag:s29] =	ssyncadd.s32 $0xFFFFFFB0  }
0xb9: {  	[tilespmem:s12], [sflag:$0x4] =	stream.indirect.gather [hbm4b:s15+s31], $0x80, s10, s31, $0xb8;
	[tilespmem:$0x1DC80] =	vst v63  }
0xba: {  	_ =	swait.ge [sflag:s13], $0x2800  }
0xbb: {  	[sflag:s13] =	ssyncset.done $0x0  }
0xbc: {  	[sflag:s13] =	ssyncadd.s32 $0xFFFFD800  }
0xbd: {  	[spmem:s2] =	stream.indirect.scatter.add.f32 [tilespmem:s0], [sflag:$0x5], $0x80, s30, s31, $0xb8;
	[tilespmem:$0x1DC80] =	vst v63  }
0xbe: {  	_ =	swait.ge [sflag:s14], $0x2800  }
0xbf: {  	[sflag:s14] =	ssyncset.done $0x0  }
0xc0: {  	s24 =	smov.u32 s23;
	s23 =	sadd.s32 $0x28, s23;
	[sflag:s14] =	ssyncadd.s32 $0xFFFFD800  }
0xc1: {  	[spmem:s2] =	stream.indirect.scatter.add.f32 [tilespmem:s6], [sflag:$0x6], $0x80, s5, s31, $0xb8;
	[tilespmem:$0x1DC80] =	vst v63  }
0xc2: {  	p3 =	sne.s32 s23, $0x4D8;
	_ =	swait.ge [sflag:s16], $0x2800  }
.Ltmp0:
0xc3: {  	[sflag:s16] =	ssyncset.done $0x0;
	(pc) =	sbr.rel @p3 .LBB2_2-.Ltmp0, $4  }
0xc4: {  	[sflag:s16] =	ssyncadd.s32 $0xFFFFD800  }
0xc5: {  	[spmem:s2] =	stream.indirect.scatter.add.f32 [tilespmem:s9], [sflag:$0x7], $0x80, s8, s31, $0xb8;
	[tilespmem:$0x1DC80] =	vst v63  }
0xc6: {  	s22 =	smov.u32 s24;
	_ =	swait.ge [sflag:s17], $0x2800  }
0xc7: {  	p2 =	seq.s32 s22, $0x0;
	[sflag:s17] =	ssyncset.done $0x0  }
0xc8: {  	s23 =	simm.s32 @!p2 $0x5;
	[sflag:s17] =	ssyncadd.s32 $0xFFFFD800  }
0xc9: {  	[spmem:s2] =	stream.indirect.scatter.add.f32 [tilespmem:s12], [sflag:$0x8], $0x80, s11, s31, $0xb8;
	[tilespmem:$0x1DC80] =	vst v63  }
0xca: {  	_ =	swait.ge @!p2 [sflag:s23], $0x2800  }
0xcb: {  	s24 =	rddreg [dreg:$0xa];
	[sflag:s23] =	ssyncset.done @!p2 $0x0  }
0xcc: {  	[sflag:s23] =	ssyncadd.s32 @!p2 $0xFFFFD800;
	s24 =	sadd.s32 s22, s24  }
0xcd: {  	[tilespmem:s3], [sflag:$0x9] =	stream.linear.gather [hbm4b:s24+s3], $0x50, $0x38;
	[tilespmem:$0x1DC80] =	vst v63  }
0xce: {  	_ =	swait.ge [sflag:s29], $0x50  }
0xcf: {  	s25 =	rddreg [dreg:$0x9];
	[sflag:s29] =	ssyncset.done $0x0  }
0xd0: {  	[sflag:s29] =	ssyncadd.s32 $0xFFFFFFB0;
	s23 =	sadd.s32 s22, s25  }
0xd1: {  	[tilespmem:s30], [sflag:$0x9] =	stream.linear.gather [hbm4b:s23+s3], $0x50, $0x38;
	[tilespmem:$0x1DC80] =	vst v63  }
0xd2: {  	_ =	swait.ge [sflag:s29], $0x50  }
0xd3: {  	[sflag:s29] =	ssyncset.done $0x0  }
0xd4: {  	s23 =	simm.s32 @!p2 $0x6;
	[sflag:s29] =	ssyncadd.s32 $0xFFFFFFB0  }
0xd5: {  	[tilespmem:s0], [sflag:$0x1] =	stream.indirect.gather [hbm4b:s15+s31], $0x80, s3, s31, $0xb8;
	[tilespmem:$0x1DC80] =	vst v63  }
0xd6: {  	_ =	swait.ge @!p2 [sflag:s23], $0x2800  }
0xd7: {  	s26 =	rddreg [dreg:$0x8];
	[sflag:s23] =	ssyncset.done @!p2 $0x0  }
0xd8: {  	[sflag:s23] =	ssyncadd.s32 @!p2 $0xFFFFD800;
	s24 =	sadd.s32 s22, s26  }
0xd9: {  	[tilespmem:s4], [sflag:$0x9] =	stream.linear.gather [hbm4b:s24+s3], $0x50, $0x38;
	[tilespmem:$0x1DC80] =	vst v63  }
0xda: {  	_ =	swait.ge [sflag:s29], $0x50  }
0xdb: {  	s25 =	rddreg [dreg:$0x7];
	[sflag:s29] =	ssyncset.done $0x0  }
0xdc: {  	[sflag:s29] =	ssyncadd.s32 $0xFFFFFFB0;
	s23 =	sadd.s32 s22, s25  }
0xdd: {  	[tilespmem:s5], [sflag:$0x9] =	stream.linear.gather [hbm4b:s23+s3], $0x50, $0x38;
	[tilespmem:$0x1DC80] =	vst v63  }
0xde: {  	_ =	swait.ge [sflag:s29], $0x50  }
0xdf: {  	[sflag:s29] =	ssyncset.done $0x0  }
0xe0: {  	s23 =	simm.s32 @!p2 $0x7;
	[sflag:s29] =	ssyncadd.s32 $0xFFFFFFB0  }
0xe1: {  	[tilespmem:s6], [sflag:$0x2] =	stream.indirect.gather [hbm4b:s15+s31], $0x80, s4, s31, $0xb8;
	[tilespmem:$0x1DC80] =	vst v63  }
0xe2: {  	_ =	swait.ge @!p2 [sflag:s23], $0x2800  }
0xe3: {  	s26 =	rddreg [dreg:$0x6];
	[sflag:s23] =	ssyncset.done @!p2 $0x0  }
0xe4: {  	[sflag:s23] =	ssyncadd.s32 @!p2 $0xFFFFD800;
	s24 =	sadd.s32 s22, s26  }
0xe5: {  	[tilespmem:s7], [sflag:$0x9] =	stream.linear.gather [hbm4b:s24+s3], $0x50, $0x38;
	[tilespmem:$0x1DC80] =	vst v63  }
0xe6: {  	_ =	swait.ge [sflag:s29], $0x50  }
0xe7: {  	s25 =	rddreg [dreg:$0x5];
	[sflag:s29] =	ssyncset.done $0x0  }
0xe8: {  	[sflag:s29] =	ssyncadd.s32 $0xFFFFFFB0;
	s23 =	sadd.s32 s22, s25  }
0xe9: {  	[tilespmem:s8], [sflag:$0x9] =	stream.linear.gather [hbm4b:s23+s3], $0x50, $0x38;
	[tilespmem:$0x1DC80] =	vst v63  }
0xea: {  	_ =	swait.ge [sflag:s29], $0x50  }
0xeb: {  	[sflag:s29] =	ssyncset.done $0x0  }
0xec: {  	s23 =	simm.s32 @!p2 $0x8;
	[sflag:s29] =	ssyncadd.s32 $0xFFFFFFB0  }
0xed: {  	[tilespmem:s9], [sflag:$0x3] =	stream.indirect.gather [hbm4b:s15+s31], $0x80, s7, s31, $0xb8;
	[tilespmem:$0x1DC80] =	vst v63  }
0xee: {  	_ =	swait.ge @!p2 [sflag:s23], $0x2800  }
0xef: {  	s26 =	rddreg [dreg:$0x4];
	[sflag:s23] =	ssyncset.done @!p2 $0x0  }
0xf0: {  	[sflag:s23] =	ssyncadd.s32 @!p2 $0xFFFFD800;
	s25 =	sadd.s32 s22, s26  }
0xf1: {  	[tilespmem:s10], [sflag:$0x9] =	stream.linear.gather [hbm4b:s25+s3], $0x50, $0x38;
	[tilespmem:$0x1DC80] =	vst v63  }
0xf2: {  	_ =	swait.ge [sflag:s29], $0x50  }
0xf3: {  	s26 =	rddreg [dreg:$0x3];
	[sflag:s29] =	ssyncset.done $0x0  }
0xf4: {  	s24 =	sadd.s32 s22, s26;
	[sflag:s29] =	ssyncadd.s32 $0xFFFFFFB0  }
0xf5: {  	[tilespmem:s11], [sflag:$0x9] =	stream.linear.gather [hbm4b:s24+s3], $0x50, $0x38;
	[tilespmem:$0x1DC80] =	vst v63  }
0xf6: {  	_ =	swait.ge [sflag:s29], $0x50  }
0xf7: {  	[sflag:s29] =	ssyncset.done $0x0  }
0xf8: {  	[sflag:s29] =	ssyncadd.s32 $0xFFFFFFB0  }
0xf9: {  	[tilespmem:s12], [sflag:$0x4] =	stream.indirect.gather [hbm4b:s15+s31], $0x80, s10, s31, $0xb8;
	[tilespmem:$0x1DC80] =	vst v63  }
0xfa: {  	_ =	swait.ge [sflag:s13], $0x2800  }
0xfb: {  	[sflag:s13] =	ssyncset.done $0x0  }
0xfc: {  	[sflag:s13] =	ssyncadd.s32 $0xFFFFD800  }
0xfd: {  	[spmem:s2] =	stream.indirect.scatter.add.f32 [tilespmem:s0], [sflag:$0x5], $0x80, s30, s31, $0xb8;
	[tilespmem:$0x1DC80] =	vst v63  }
0xfe: {  	_ =	swait.ge [sflag:s14], $0x2800  }
0xff: {  	[sflag:s14] =	ssyncset.done $0x0  }
0x100: {  	[sflag:s14] =	ssyncadd.s32 $0xFFFFD800  }
0x101: {  	[spmem:s2] =	stream.indirect.scatter.add.f32 [tilespmem:s6], [sflag:$0x6], $0x80, s5, s31, $0xb8;
	[tilespmem:$0x1DC80] =	vst v63  }
0x102: {  	_ =	swait.ge [sflag:s16], $0x2800  }
0x103: {  	[sflag:s16] =	ssyncset.done $0x0  }
0x104: {  	[sflag:s16] =	ssyncadd.s32 $0xFFFFD800  }
0x105: {  	[spmem:s2] =	stream.indirect.scatter.add.f32 [tilespmem:s9], [sflag:$0x7], $0x80, s8, s31, $0xb8;
	[tilespmem:$0x1DC80] =	vst v63  }
0x106: {  	_ =	swait.ge [sflag:s17], $0x2800  }
0x107: {  	[sflag:s17] =	ssyncset.done $0x0  }
0x108: {  	[sflag:s17] =	ssyncadd.s32 $0xFFFFD800  }
0x109: {  	[spmem:s2] =	stream.indirect.scatter.add.f32 [tilespmem:s12], [sflag:$0x8], $0x80, s11, s31, $0xb8;
	[tilespmem:$0x1DC80] =	vst v63  }
0x10a: {  	_ =	swait.ge [sflag:s1], $0x2800  }
0x10b: {  	[sflag:s1] =	ssyncset.done $0x0  }
0x10c: {  	[sflag:s1] =	ssyncadd.s32 $0xFFFFD800  }
0x10d: {  	_ =	swait.ge [sflag:s18], $0x2800  }
0x10e: {  	[sflag:s18] =	ssyncset.done $0x0  }
0x10f: {  	[sflag:s18] =	ssyncadd.s32 $0xFFFFD800  }
0x110: {  	_ =	swait.ge [sflag:s19], $0x2800  }
0x111: {  	[sflag:s19] =	ssyncset.done $0x0  }
0x112: {  	[sflag:s19] =	ssyncadd.s32 $0xFFFFD800  }
0x113: {  	_ =	swait.ge [sflag:s20], $0x2800  }
0x114: {  	[sflag:s20] =	ssyncset.done $0x0  }
0x115: {  	s25 =	rddreg [dreg:$0x14];
	[sflag:s20] =	ssyncadd.s32 $0xFFFFD800  }
0x116: {  	[tilespmem:s3], [sflag:$0x9] =	stream.linear.gather [hbm4b:s25+s3], $0x50, $0x38;
	[tilespmem:$0x1DC80] =	vst v63  }
0x117: {  	_ =	swait.ge [sflag:s29], $0x50  }
0x118: {  	[sflag:s29] =	ssyncset.done $0x0  }
0x119: {  	s26 =	rddreg [dreg:$0x13];
	[sflag:s29] =	ssyncadd.s32 $0xFFFFFFB0  }
0x11a: {  	[tilespmem:s30], [sflag:$0x9] =	stream.linear.gather [hbm4b:s26+s3], $0x50, $0x38;
	[tilespmem:$0x1DC80] =	vst v63  }
0x11b: {  	_ =	swait.ge [sflag:s29], $0x50  }
0x11c: {  	[sflag:s29] =	ssyncset.done $0x0  }
0x11d: {  	[sflag:s29] =	ssyncadd.s32 $0xFFFFFFB0  }
0x11e: {  	[tilespmem:s0], [sflag:$0x1] =	stream.indirect.gather [hbm4b:s15+s31], $0x80, s3, s31, $0xb8;
	[tilespmem:$0x1DC80] =	vst v63  }
0x11f: {  	_ =	swait.ge [sflag:s13], $0x2800  }
0x120: {  	[sflag:s13] =	ssyncset.done $0x0  }
0x121: {  	[sflag:s13] =	ssyncadd.s32 $0xFFFFD800  }
0x122: {  	[spmem:s2] =	stream.indirect.scatter.add.f32 [tilespmem:s0], [sflag:$0x9], $0x80, s30, s31, $0xb8;
	[tilespmem:$0x1DC80] =	vst v63  }
0x123: {  	_ =	swait.ge [sflag:s29], $0x2800  }
0x124: {  	[sflag:s29] =	ssyncset.done $0x0  }
0x125: {  	[sflag:s29] =	ssyncadd.s32 $0xFFFFD800  }
0x126: {  	s25 =	stileid.u32;
	[bflag:$0x0] =	sbarrier.arrive $0xFFFF  }
0x127: {  	s23 =	sshll.u32 s25, $0x6;
	s24 =	rddreg [dreg:$0xb]  }
0x128: {  	s22 =	sor.u32 $0x1C09, s23;
	s26 =	rddreg [dreg:$0x1a]  }
0x129: {  	[hbm:s24], [sflag:s22] =	dma.local [spmem:s26], $0x500  }
0x12a: {  	_ =	swait.ge [sflag:s29], $0x500  }
0x12b: {  	[sflag:s29] =	ssyncset.done $0x0;
	s24 =	rddreg [dreg:$0xc]  }
0x12c: {  	s26 =	rddreg [dreg:$0x1b];
	[sflag:s29] =	ssyncadd.s32 $0xFFFFFB00  }
0x12d: {  	[hbm:s24], [sflag:s22] =	dma.local [spmem:s26], $0x500  }
0x12e: {  	_ =	swait.ge [sflag:s29], $0x500  }
0x12f: {  	[sflag:s29] =	ssyncset.done $0x0;
	s24 =	rddreg [dreg:$0xd]  }
0x130: {  	s26 =	rddreg [dreg:$0x1c];
	[sflag:s29] =	ssyncadd.s32 $0xFFFFFB00  }
0x131: {  	[hbm:s24], [sflag:s22] =	dma.local [spmem:s26], $0x500  }
0x132: {  	_ =	swait.ge [sflag:s29], $0x500  }
0x133: {  	[sflag:s29] =	ssyncset.done $0x0;
	s24 =	rddreg [dreg:$0xe]  }
0x134: {  	s26 =	rddreg [dreg:$0x1d];
	[sflag:s29] =	ssyncadd.s32 $0xFFFFFB00  }
0x135: {  	[hbm:s24], [sflag:s22] =	dma.local [spmem:s26], $0x500  }
0x136: {  	_ =	swait.ge [sflag:s29], $0x500  }
0x137: {  	[sflag:s29] =	ssyncset.done $0x0;
	s24 =	rddreg [dreg:$0xf]  }
0x138: {  	s26 =	rddreg [dreg:$0x1e];
	[sflag:s29] =	ssyncadd.s32 $0xFFFFFB00  }
0x139: {  	[hbm:s24], [sflag:s22] =	dma.local [spmem:s26], $0x500  }
0x13a: {  	_ =	swait.ge [sflag:s29], $0x500  }
0x13b: {  	[sflag:s29] =	ssyncset.done $0x0;
	s24 =	rddreg [dreg:$0x10]  }
0x13c: {  	s26 =	rddreg [dreg:$0x1f];
	[sflag:s29] =	ssyncadd.s32 $0xFFFFFB00  }
0x13d: {  	[hbm:s24], [sflag:s22] =	dma.local [spmem:s26], $0x500  }
0x13e: {  	_ =	swait.ge [sflag:s29], $0x500  }
0x13f: {  	s26 =	sld [smem:$0x7FD]  }
0x140: {  	[sflag:s29] =	ssyncset.done $0x0  }
0x141: {  	s24 =	rddreg [dreg:$0x11];
	[sflag:s29] =	ssyncadd.s32 $0xFFFFFB00  }
0x142: {  	[hbm:s24], [sflag:s22] =	dma.local [spmem:s26], $0x500  }
0x143: {  	_ =	swait.ge [sflag:s29], $0x500  }
0x144: {  	[sflag:s29] =	ssyncset.done $0x0  }
0x145: {  	s23 =	rddreg [dreg:$0x12];
	[sflag:s29] =	ssyncadd.s32 $0xFFFFFB00  }
0x146: {  	[hbm:s23], [sflag:s22] =	dma.local @!p0 [spmem:s28], $0x500  }
0x147: {  	s22 =	simm.s32 @!p0 $0x9  }
0x148: {  	_ =	swait.ge @!p0 [sflag:s22], $0x500  }
0x149: {  	s21 =	sadd.s32 $0x1, s21;
	s26 =	rddreg [dreg:$0x17]  }
0x14a: {  	p2 =	sne.s32 s21, s26  }
.Ltmp1:
0x14b: {  	_ = 	snop;
	(pc) =	sbr.rel @p2 .LBB2_1-.Ltmp1, $3  }
0x14c: {  	_ =	sdelay $0x1  }
0x14d: {  	[sflag:s22] =	ssyncset.done @!p0 $0x0  }
0x14e: {  	[sflag:s22] =	ssyncadd.s32 @!p0 $0xFFFFFB00  }
0x14f: {  	_ =	sfence.sel $0x180000  }
0x150: {  	[bflag:$0x0] =	sbarrier.arrive $0xFFFF  }
0x151: {  	_ =	strace $0x9000004D  }
0x152: {  	[bflag:$0x2] =	sbarrier.arrive $0xFFFF  }
0x153: {  	p0 =	sne.s32 s25, $0x0;
	s0 =	rddreg [dreg:$0x2]  }
0x154: {  	s0 =	sadd.s32 @!p0 $0x100000, s0  }
0x155: {  	[sflag:s0] =	ssyncadd.tile.s32 @!p0 $0x1;
	_ =	shalt  }
.Lfunc_end2:
_tile_overlayer_lowered:
.L_overlay_start_2:
0x156: {  	(tag) =	ssettag $0x2  }
0x157: {  	s0 =	rddreg [dreg:$0x0];
	s2 =	stileid.u32  }
0x158: {  	s1 =	rddreg [dreg:$0x1];
	p0 =	sne.s32 s2, $0x0  }
0x159: {  	s3 =	rddreg [dreg:$0x2];
	[bflag:$0x3] =	sbarrier.arrive $0xFFFF;
	s2 =	simm.s32 @!p0 $0x1C09  }
0x15a: {  	[timem:s3], [sflag:s2] =	dma.local @!p0 [hbm:s0], s1  }
0x15b: {  	s0 =	simm.s32 @!p0 $0x9  }
0x15c: {  	_ =	swait.ge @!p0 [sflag:s0], s1  }
0x15d: {  	s1 =	ssub.s32 @!p0 $0x0, s1;
	[sflag:s0] =	ssyncset.done @!p0 $0x0  }
0x15e: {  	[sflag:s0] =	ssyncadd.s32 @!p0 s1  }
0x15f: {  	[bflag:$0x3] =	sbarrier.arrive $0xFFFF  }
0x160: {  	_ =	shalt  }

// kernel: kernel.22.cloned.1.call-start
scs
__scs_entry_jumppad:
0x0: {  	(pc) =	sbr.rel $0x88, $3  }
0x1: {  	(tag) =	ssettag $0x0;
	lr =	simm.s32 $0x1  }
0x2: {  	[smem:$0x3F90] =	sst lr;
	_ =	strace $0xD0000000  }
0x3: {  	_ = 	snop  }
0x4: {  	_ = 	snop  }
0x5: {  	_ = 	snop  }
0x6: {  	_ = 	snop  }
0x7: {  	_ = 	snop  }
__scs_overlays_trampoline_lowered:
0x8: {  	[smem:$0x3F9F] =	sst s0  }
0x9: {  	[smem:$0x3FA0] =	sst s1  }
0xa: {  	[smem:$0x3FA1] =	sst s2  }
0xb: {  	[smem:$0x3FA2] =	sst s3  }
0xc: {  	[smem:$0x3FA3] =	sst s4  }
0xd: {  	[smem:$0x3FA4] =	sst s5  }
0xe: {  	[smem:$0x3FA5] =	sst s6  }
0xf: {  	[smem:$0x3FA6] =	sst s7  }
0x10: {  	[smem:$0x3FA7] =	sst s8  }
0x11: {  	[smem:$0x3FA8] =	sst s9;
	s0 =	simm.s32 @!p0 $0x0  }
0x12: {  	s1 =	sld [smem:$0x3F8E];
	s0 =	simm.s32 @p0 $0x1  }
0x13: {  	[smem:$0x3FA9] =	sst s0;
	s0 =	simm.s32 @!p1 $0x0  }
0x14: {  	s2 =	sld [smem:$0x3F8D];
	s0 =	simm.s32 @p1 $0x1  }
0x15: {  	[smem:$0x3FAA] =	sst s0;
	s0 =	simm.s32 @!p2 $0x0  }
0x16: {  	s3 =	sld [smem:$0x3FDB];
	s0 =	simm.s32 @p2 $0x1  }
0x17: {  	s4 =	simm.s32 $0x1BF5;
	[smem:$0x3FAC] =	sst s0  }
0x18: {  	s0 =	sld [smem:$0x3F8F];
	_ =	swait.ge [sflag:s4], $0x0  }
0x19: {  	s7 =	sld [smem:$0x3F90]  }
0x1a: {  	s8 =	sadd.s32 $0xFFFFE003, lr  }
0x1b: {  	s9 =	sadd.s32 $0xFFFFFEF7, lr;
	s5 =	simm.s32 $0xFFFFFFFF;
	p2 =	slt.u32 s8, $0xFFFFF086  }
0x1c: {  	p1 =	slt.u32 s9, $0xF7A;
	s5 =	simm.s32 @!p2 $0x0  }
0x1d: {  	s5 =	simm.s32 @p1 $0x1;
	p0 =	seq.s32 s7, s2  }
0x1e: {  	s7 =	smul.u32 @!p0 $0xF7A, s2;
	p2 =	seq.s32 @!p0 s5, $0x0  }
0x1f: {  	s9 =	smul.u32 $0xF7A, s1;
	s8 =	simm.s32 @!p0 $0x1BF5;
	p2 =	por !p2, p0  }
0x20: {  	[sflag:s8] =	ssyncset.s32 @!p0 $0xFFFFF086;
	s6 =	sadd.s32 @!p0 s3, s7;
	s7 =	simm.s32 @!p0 $0x108  }
0x21: {  	s3 =	sadd.s32 s3, s9;
	s6 =	sadd.s32 @!p0 $0x88, s6;
	s7 =	simm.s32 @p2 $0x1082  }
0x22: {  	[simem:s7], [sflag:s8] =	dma.local @!p0 [hbm:s6], $0xF7A  }
0x23: {  	s9 =	sor.u32 $0xD0000000, s2;
	s6 =	simm.s32 $0x108;
	_ =	swait.ge @!p0 [sflag:s8], $0x0  }
0x24: {  	s3 =	sadd.s32 $0x88, s3;
	s6 =	simm.s32 @!p1 $0x1082;
	[sflag:s4] =	ssyncset.s32 $0xFFFFF086  }
0x25: {  	[simem:s6], [sflag:s4] =	dma.local [hbm:s3], $0xF7A  }
0x26: {  	[smem:$0x3F90] =	sst s1;
	(tag) =	ssettag s2;
	_ =	strace s9  }
0x27: {  	s1 =	sld [smem:$0x3FA0]  }
0x28: {  	s2 =	sld [smem:$0x3FA1]  }
0x29: {  	s4 =	sld [smem:$0x3FA3]  }
0x2a: {  	p0 =	seq.s32 s5, $0x0;
	s5 =	sld [smem:$0x3FA4]  }
0x2b: {  	s6 =	sld [smem:$0x3FA5]  }
0x2c: {  	s7 =	sld [smem:$0x3FA6]  }
0x2d: {  	s3 =	simm.s32 $0x108;
	s8 =	sld [smem:$0x3FA7]  }
0x2e: {  	s3 =	simm.s32 @!p0 $0x1082;
	s9 =	sld [smem:$0x3FA8]  }
0x2f: {  	lr =	sadd.s32 s0, s3;
	s0 =	sld [smem:$0x3F9F]  }
0x30: {  	s3 =	sld [smem:$0x3FA2]  }
0x31: {  	[smem:$0x3FAB] =	sst s10  }
0x32: {  	s10 =	sld [smem:$0x3FA9];
	_ =	sdelay $0x3  }
0x33: {  	p0 =	seq.s32 s10, $0x1;
	s10 =	sld [smem:$0x3FAB];
	_ =	sdelay $0x3  }
0x34: {  	[smem:$0x3FAB] =	sst s10  }
0x35: {  	s10 =	sld [smem:$0x3FAA];
	_ =	sdelay $0x3  }
0x36: {  	p1 =	seq.s32 s10, $0x1;
	s10 =	sld [smem:$0x3FAB];
	_ =	sdelay $0x3  }
0x37: {  	[smem:$0x3FAB] =	sst s10  }
0x38: {  	s10 =	sld [smem:$0x3FAC]  }
0x39: {  	_ = 	snop;
	(pc) =	sbr.ind lr, $3  }
0x3a: {  	_ = 	snop  }
0x3b: {  	_ = 	snop  }
0x3c: {  	p2 =	seq.s32 s10, $0x1;
	s10 =	sld [smem:$0x3FAB]  }
0x3d: {  	_ =	shalt  }
0x3e: {  	_ =	shalt  }
0x3f: {  	_ =	shalt  }
0x40: {  	_ =	shalt  }
0x41: {  	_ =	shalt  }
0x42: {  	_ =	shalt  }
0x43: {  	_ =	shalt  }
0x44: {  	_ =	shalt  }
0x45: {  	_ =	shalt  }
0x46: {  	_ =	shalt  }
0x47: {  	_ =	shalt  }
0x48: {  	_ =	shalt  }
0x49: {  	_ =	shalt  }
0x4a: {  	_ =	shalt  }
0x4b: {  	_ =	shalt  }
0x4c: {  	_ =	shalt  }
0x4d: {  	_ =	shalt  }
0x4e: {  	_ =	shalt  }
0x4f: {  	_ =	shalt  }
0x50: {  	_ =	shalt  }
0x51: {  	_ =	shalt  }
0x52: {  	_ =	shalt  }
0x53: {  	_ =	shalt  }
0x54: {  	_ =	shalt  }
0x55: {  	_ =	shalt  }
0x56: {  	_ =	shalt  }
0x57: {  	_ =	shalt  }
0x58: {  	_ =	shalt  }
0x59: {  	_ =	shalt  }
0x5a: {  	_ =	shalt  }
0x5b: {  	_ =	shalt  }
0x5c: {  	_ =	shalt  }
0x5d: {  	_ =	shalt  }
0x5e: {  	_ =	shalt  }
0x5f: {  	_ =	shalt  }
0x60: {  	_ =	shalt  }
0x61: {  	_ =	shalt  }
0x62: {  	_ =	shalt  }
0x63: {  	_ =	shalt  }
0x64: {  	_ =	shalt  }
0x65: {  	_ =	shalt  }
0x66: {  	_ =	shalt  }
0x67: {  	_ =	shalt  }
0x68: {  	_ =	shalt  }
0x69: {  	_ =	shalt  }
0x6a: {  	_ =	shalt  }
0x6b: {  	_ =	shalt  }
0x6c: {  	_ =	shalt  }
0x6d: {  	_ =	shalt  }
0x6e: {  	_ =	shalt  }
0x6f: {  	_ =	shalt  }
0x70: {  	_ =	shalt  }
0x71: {  	_ =	shalt  }
0x72: {  	_ =	shalt  }
0x73: {  	_ =	shalt  }
0x74: {  	_ =	shalt  }
0x75: {  	_ =	shalt  }
0x76: {  	_ =	shalt  }
0x77: {  	_ =	shalt  }
0x78: {  	_ =	shalt  }
0x79: {  	_ =	shalt  }
0x7a: {  	_ =	shalt  }
0x7b: {  	_ =	shalt  }
0x7c: {  	_ =	shalt  }
0x7d: {  	_ =	shalt  }
0x7e: {  	_ =	shalt  }
0x7f: {  	_ =	shalt  }
0x80: {  	_ =	shalt  }
0x81: {  	_ =	shalt  }
0x82: {  	_ =	shalt  }
0x83: {  	_ =	shalt  }
0x84: {  	_ =	shalt  }
0x85: {  	_ =	shalt  }
0x86: {  	_ =	shalt  }
0x87: {  	_ =	shalt  }
.Lfunc_end0:
.L_simem_size_0:
called_computation.3_lowered:
.L_overlay_start_0:
0x88: {  	s2 =	sld [smem:$0x3FD9]  }
0x89: {  	s3 =	sld [smem:$0x3FFE];
	_ =	sdelay $0x1  }
0x8a: {  	s1 =	srdreg.scid  }
0x8b: {  	s0 =	sand.u32 $0x1, s1  }
0x8c: {  	s16 =	sshll.u32 s0, $0xA;
	s2 =	sadd.s32 s3, s2  }
0x8d: {  	s2 =	sadd.s32 s2, s16  }
0x8e: {  	[smem:$0x3FB7] =	sst s2  }
0x8f: {  	_ = 	snop  }
0x90: {  	(tm) =	ssettm $0x1  }
0x91: {  	s17 =	sld [smem:$0x3FFB];
	_ =	sdelay $0x3  }
0x92: {  	_ =	strace s17  }
0x93: {  	s2 =	sld [smem:$0x3FFC];
	_ =	sdelay $0x3  }
0x94: {  	_ =	strace s2  }
0x95: {  	s2 =	sld [smem:$0x3FFD];
	_ =	sdelay $0x3  }
0x96: {  	_ =	strace s2  }
0x97: {  	_ =	strace $0x8FFFFFFF  }
0x98: {  	s18 =	sld [smem:$0x3FDB];
	_ =	sdelay $0x1  }
0x99: {  	s19 =	simm.s32 $_scs_section_size  }
0x9a: {  	s4 =	simm.s32 $_size__tile_overlayer_lowered;
	s5 =	simm.s32 $_tile_overlayer_lowered  }
0x9b: {  	s22 =	simm.s32 $0x1BFF;
	s21 =	sshll.u32 s5, $0x1;
	s2 =	sadd.s32 s19, s18  }
0x9c: {  	s6 =	simm.s32 $0x0;
	s20 =	sshll.u32 s4, $0x1;
	s4 =	sadd.s32 s21, s2  }
0x9d: {  	[timem:s6], [sflag:s22] =	dma.local [hbm:s4], s20  }
0x9e: {  	_ =	swait.ge [sflag:s22], s20  }
0x9f: {  	s3 =	ssub.s32 $0x0, s20;
	[sflag:s22] =	ssyncset.done $0x0  }
0xa0: {  	[sflag:s22] =	ssyncadd.s32 s3;
	_ =	sdelay $0x1  }
0xa1: {  	s23 =	simm.s32 $0x1B8B  }
0xa2: {  	_ =	swait.ge [sflag:s23], $0x1  }
0xa3: {  	[sflag:s23] =	ssyncset.done $0x0  }
0xa4: {  	s25 =	simm.s32 $0x1B8E;
	s24 =	sld [smem:$0x3FFE];
	[sflag:s23] =	ssyncadd.s32 $0xFFFFFFFF  }
0xa5: {  	s26 =	simm.s32 $execute0_lowered;
	[smem:$0x3FD2] =	sst s25  }
0xa6: {  	s4 =	sshll.u32 s26, $0x1;
	_ =	strace $0x8000004F;
	[dreg:$0x1] =	wrdreg $0xFFFFFFFF  }
0xa7: {  	s28 =	simm.s32 $_size_execute0_lowered;
	s2 =	sadd.s32 s2, s4;
	[dreg:$0x0] =	wrdreg $0x0  }
0xa8: {  	s4 =	sshll.u32 s28, $0x1;
	[dreg:$0x2] =	wrdreg s2  }
0xa9: {  	[dreg:$0x3] =	wrdreg s4  }
0xaa: {  	[dreg:$0x4] =	wrdreg $0xC0  }
0xab: {  	_ =	task [dreg:s6], $0x5FFFF  }
0xac: {  	[dreg:$0x1] =	wrdreg $0xFFFFFFFF  }
0xad: {  	[dreg:$0x0] =	wrdreg $0x60  }
0xae: {  	[dreg:$0x2] =	wrdreg s24  }
0xaf: {  	[dreg:$0x3] =	wrdreg $0xA4000  }
0xb0: {  	[dreg:$0x4] =	wrdreg $0x9  }
0xb1: {  	_ =	task.clear_ibuf [dreg:s6], $0x5FFFF;
	_ =	strace $0x9000004F  }
0xb2: {  	s29 =	simm.s32 $0x9;
	_ =	strace $0x80000051  }
0xb3: {  	_ =	swait.ge [sflag:s29], $0x1  }
0xb4: {  	[sflag:s29] =	ssyncadd.s32 $0xFFFFFFFF  }
0xb5: {  	_ =	strace $0x90000051  }
0xb6: {  	_ =	sfence  }
0xb7: {  	s30 =	sld [smem:$0x0];
	_ =	sdelay $0x2  }
0xb8: {  	s31 =	sshll.u32 s1, $0xD;
	s1 =	sshrl.u32 s1, $0x2  }
0xb9: {  	s3 =	sand.u32 $0x4000, s31;
	s1 =	sadd.s32 s1, s30  }
0xba: {  	s0 =	sor.u32 s3, s0;
	s1 =	sshll.u32 s1, $0x11  }
0xbb: {  	s0 =	sor.u32 s1, s0  }
0xbc: {  	s0 =	sadd.s32 $0x8F2B, s0  }
0xbd: {  	[sflag:s0] =	ssyncadd.remote.s32 $0x1  }
0xbe: {  	_ =	sfence.sel $0xFFFF  }
0xbf: {  	[dreg:$0x0] =	wrdreg $0xFFFFFFFF;
	(pc) =	sbr.abs _section_cstart, $3  }
0xc0: {  	[dreg:$0x1] =	wrdreg $0xFFFFFFFF  }
0xc1: {  	_ =	task.clear_ibuf [dreg:s6], $0x2FFFF;
	_ =	strace $0x9FFFFFFF  }
0xc2: {  	(tm) =	ssettm $0x7FFFFFFF  }
0xc3: {  	_ =	shalt  }
tec
execute0_lowered:
.L_overlay_start_1:
0x0: {  	(tag) =	ssettag $0x1  }
0x1: {  	s0 =	rddreg [dreg:$0x0]  }
0x2: {  	s2 =	rddreg [dreg:$0x1];
	s1 =	srdreg.scid  }
0x3: {  	s25 =	stileid.u32;
	s3 =	simm.s32 $0x0;
	s29 =	simm.s32 $0x9  }
0x4: {  	s30 =	simm.s32 $0x200;
	s31 =	simm.s32 $0x50;
	s6 =	smul.u32 $0x2800, s25  }
0x5: {  	s13 =	sand.u32 $0x1, s1;
	s1 =	sor.u32 $0x10, s25;
	s15 =	smul.u32 $0x2710, s25  }
0x6: {  	[smem:$0x7FF] =	sst s3;
	s4 =	sor.u32 $0x20, s25;
	s14 =	smul.u32 $0x138800, s13  }
0x7: {  	s9 =	sadd.s32 $0x4A00, s0;
	s12 =	sadd.s32 $0xE800, s0;
	s7 =	smul.u32 $0x2800, s1  }
0x8: {  	p1 =	seq.s32 s25, $0xF;
	_ =	strace $0x80000050;
	s8 =	smul.u32 $0x2800, s4  }
0x9: {  	s5 =	ssub.s32 $0x2, s13;
	s10 =	smul.u32 $0x27100, s13;
	s13 =	sshll.u32 s13, $0x4  }
0xa: {  	s1 =	smul.u32 $0xA000, s1;
	s11 =	sshrl.u32 s5, $0x1;
	s13 =	sor.u32 s25, s13  }
0xb: {  	s5 =	ssub.s32 s5, s11;
	s16 =	sadd.s32 s14, s6;
	s17 =	sadd.s32 s14, s7  }
0xc: {  	s18 =	sadd.s32 s14, s8;
	s6 =	sor.u32 $0x30, s25;
	s13 =	smul.u32 $0x2710, s13  }
0xd: {  	s15 =	sadd.s32 s15, s10;
	s7 =	sor.u32 $0x40, s25;
	s19 =	smul.u32 $0x2800, s6  }
0xe: {  	s8 =	sor.u32 $0x50, s25;
	s11 =	sor.u32 $0x60, s25;
	s20 =	smul.u32 $0x2800, s7  }
0xf: {  	s1 =	sshrl.u32 s1, $0x2;
	s10 =	sadd.s32 $0xF0, s15;
	s21 =	smul.u32 $0x2800, s8  }
0x10: {  	s22 =	sadd.s32 $0xA0, s15;
	s16 =	sshrl.u32 s16, $0x3;
	s26 =	sshrl.u32 s17, $0x3  }
0x11: {  	s17 =	sshrl.u32 s18, $0x3;
	s1 =	sadd.s32 s1, s2;
	s10 =	sshrl.u32 s10, $0x3  }
0x12: {  	s22 =	sshrl.u32 s22, $0x3;
	s13 =	sshrl.u32 s13, $0x3;
	s1 =	sshrl.u32 s1, $0x3  }
0x13: {  	s23 =	sadd.s32 s10, s12;
	s10 =	sadd.s32 s10, s9;
	s24 =	sadd.s32 s22, s12  }
0x14: {  	s19 =	sadd.s32 s14, s19;
	s20 =	sadd.s32 s14, s20;
	[dreg:$0x1b] =	wrdreg s1  }
0x15: {  	s21 =	sadd.s32 s14, s21;
	s22 =	sadd.s32 s22, s9;
	[dreg:$0x3] =	wrdreg s23  }
0x16: {  	s13 =	sadd.s32 $0x4D8, s13;
	s1 =	simm.s32 $0x5;
	[dreg:$0x4] =	wrdreg s10  }
0x17: {  	s23 =	smul.u32 $0x2800, s11;
	[dreg:$0x5] =	wrdreg s24;
	s10 =	sor.u32 $0x70, s25  }
0x18: {  	[dreg:$0x6] =	wrdreg s22;
	s22 =	sadd.s32 $0x70A00, s0;
	s18 =	sshrl.u32 s19, $0x3  }
0x19: {  	s20 =	sshrl.u32 s20, $0x3;
	s21 =	sshrl.u32 s21, $0x3;
	s16 =	sadd.s32 s22, s16  }
0x1a: {  	s24 =	smul.u32 $0x2800, s10;
	s19 =	sadd.s32 s22, s18;
	[dreg:$0xb] =	wrdreg s16  }
0x1b: {  	p0 =	sgt.u32 s10, $0x7C;
	s16 =	sadd.s32 s22, s26;
	[dreg:$0xe] =	wrdreg s19  }
0x1c: {  	s23 =	sadd.s32 s14, s23;
	s14 =	sadd.s32 s14, s24;
	[dreg:$0xc] =	wrdreg s16  }
0x1d: {  	s16 =	sadd.s32 s22, s17;
	s24 =	sadd.s32 $0x50, s15;
	s26 =	sshrl.u32 s23, $0x3  }
0x1e: {  	s23 =	smul.u32 $0x4F000, s25;
	[dreg:$0xd] =	wrdreg s16;
	s16 =	sadd.s32 s22, s20  }
0x1f: {  	s17 =	sshrl.u32 s24, $0x3;
	s14 =	sshrl.u32 s14, $0x3;
	s20 =	sshrl.u32 s15, $0x3  }
0x20: {  	s15 =	sadd.s32 $0x49800, s0;
	[dreg:$0xf] =	wrdreg s16;
	s16 =	sadd.s32 s22, s21  }
0x21: {  	s18 =	sadd.s32 s17, s12;
	s14 =	sadd.s32 s22, s14;
	[dreg:$0x10] =	wrdreg s16  }
0x22: {  	s19 =	sadd.s32 s17, s9;
	s21 =	smul.u32 $0x2780, s25;
	[dreg:$0x12] =	wrdreg s14  }
0x23: {  	s17 =	smul.u32 $0xA000, s6;
	s16 =	sadd.s32 s22, s26;
	[dreg:$0x7] =	wrdreg s18  }
0x24: {  	[dreg:$0x8] =	wrdreg s19;
	s22 =	sadd.s32 s20, s12;
	s12 =	sadd.s32 s12, s13  }
0x25: {  	s13 =	sadd.s32 s9, s13;
	s26 =	smul.u32 $0xA000, s25;
	[dreg:$0x11] =	wrdreg s16  }
0x26: {  	s9 =	sadd.s32 s20, s9;
	s18 =	smul.u32 $0xA000, s7;
	[dreg:$0x9] =	wrdreg s22  }
0x27: {  	s14 =	smax.u32 s5, $0x1;
	s19 =	smul.u32 $0xA000, s8;
	[dreg:$0x13] =	wrdreg s12  }
0x28: {  	s20 =	smul.u32 $0xA000, s11;
	s11 =	simm.s32 $0x380;
	[dreg:$0x14] =	wrdreg s13  }
0x29: {  	s24 =	sadd.s32 s21, s0;
	s12 =	sshrl.u32 s23, $0x2;
	[dreg:$0xa] =	wrdreg s9  }
0x2a: {  	s0 =	sadd.s32 $0x47680, s0;
	[dreg:$0x17] =	wrdreg s14;
	s5 =	sshrl.u32 s17, $0x2  }
0x2b: {  	s21 =	smul.u32 $0xA000, s10;
	s10 =	sadd.s32 $0x128400, s2;
	s14 =	simm.s32 $0x2  }
0x2c: {  	s17 =	simm.s32 $0x4;
	s12 =	sadd.s32 s12, s2;
	s13 =	sadd.s32 $0x22600, s24  }
0x2d: {  	[dreg:$0x16] =	wrdreg s0;
	s16 =	sshrl.u32 s26, $0x2;
	s5 =	sadd.s32 s5, s2  }
0x2e: {  	s6 =	sshrl.u32 s18, $0x2;
	s7 =	sshrl.u32 s19, $0x2;
	s8 =	sshrl.u32 s20, $0x2  }
0x2f: {  	s10 =	sshrl.u32 @p1 s10, $0x3;
	s18 =	simm.s32 $0x6;
	s19 =	simm.s32 $0x7  }
0x30: {  	s20 =	simm.s32 $0x8;
	[dreg:$0x15] =	wrdreg s13;
	s13 =	smul.u32 $0xA000, s4  }
0x31: {  	s4 =	sadd.s32 s16, s2;
	s6 =	sadd.s32 s6, s2;
	s7 =	sadd.s32 s7, s2  }
0x32: {  	s8 =	sadd.s32 s8, s2;
	s9 =	sshrl.u32 s21, $0x2;
	[dreg:$0x18] =	wrdreg s10  }
0x33: {  	s10 =	sshrl.u32 @!p1 s12, $0x3;
	s22 =	sshrl.u32 s5, $0x3;
	s5 =	simm.s32 $0x280  }
0x34: {  	s12 =	simm.s32 $0x7C00;
	s16 =	simm.s32 $0x3;
	s21 =	simm.s32 $0x0  }
0x35: {  	s9 =	sadd.s32 s9, s2;
	[dreg:$0x19] =	wrdreg s10;
	s4 =	sshrl.u32 s4, $0x3  }
0x36: {  	[dreg:$0x1d] =	wrdreg s22;
	s23 =	sshrl.u32 s6, $0x3;
	s24 =	sshrl.u32 s7, $0x3  }
0x37: {  	s26 =	sshrl.u32 s8, $0x3;
	s6 =	simm.s32 $0x2C00;
	[dreg:$0x1a] =	wrdreg s4  }
0x38: {  	s7 =	simm.s32 $0x100;
	s8 =	simm.s32 $0x300;
	[dreg:$0x1e] =	wrdreg s23  }
0x39: {  	s10 =	simm.s32 $0x180;
	s0 =	sshrl.u32 s13, $0x2;
	[dreg:$0x1f] =	wrdreg s24  }
0x3a: {  	[smem:$0x7FD] =	sst s26;
	s28 =	sshrl.u32 @!p0 s9, $0x3;
	s0 =	sadd.s32 s0, s2  }
0x3b: {  	s4 =	simm.s32 $0x80;
	s9 =	simm.s32 $0x5400;
	s0 =	sshrl.u32 s0, $0x3  }
0x3c: {  	s13 =	simm.s32 $0x1;
	[dreg:$0x1c] =	wrdreg s0;
	s0 =	simm.s32 $0x400  }
.LBB2_1:
0x3d: {  	s23 =	rddreg [dreg:$0x16]  }
0x3e: {  	s22 =	simm.s32 @p1 $0x1FC9;
	s24 =	rddreg [dreg:$0x18]  }
0x3f: {  	[spmem:s24], [sflag:s22] =	dma.local @p1 [hbm:s23], $0x2080  }
0x40: {  	s22 =	simm.s32 @p1 $0x9  }
0x41: {  	_ =	swait.ge @p1 [sflag:s22], $0x2080  }
0x42: {  	s23 =	sshll.u32 @!p1 s25, $0x6;
	[sflag:s22] =	ssyncset.done @p1 $0x0;
	s24 =	rddreg [dreg:$0x19]  }
0x43: {  	[sflag:s22] =	ssyncadd.s32 @p1 $0xFFFFDF80;
	s22 =	sor.u32 @!p1 $0x1C09, s23;
	s23 =	rddreg [dreg:$0x15]  }
0x44: {  	[spmem:s24], [sflag:s22] =	dma.local @!p1 [hbm:s23], $0x2780  }
0x45: {  	s22 =	simm.s32 @!p1 $0x9  }
0x46: {  	_ =	swait.ge @!p1 [sflag:s22], $0x2780  }
0x47: {  	[sflag:s22] =	ssyncset.done @!p1 $0x0  }
0x48: {  	p2 =	por $0x1, $0x1;
	[sflag:s22] =	ssyncadd.s32 @!p1 $0xFFFFD880  }
0x49: {  	s22 =	simm.s32 @!p2 $0x5;
	[bflag:$0x0] =	sbarrier.arrive $0xFFFF  }
0x4a: {  	_ =	swait.ge @!p2 [sflag:s22], $0x2800  }
0x4b: {  	s26 =	rddreg [dreg:$0xa];
	[sflag:s22] =	ssyncset.done @!p2 $0x0  }
0x4c: {  	[sflag:s22] =	ssyncadd.s32 @!p2 $0xFFFFD800;
	s24 =	sadd.s32 $0x0, s26  }
0x4d: {  	[tilespmem:s3], [sflag:$0x9] =	stream.linear.gather [hbm4b:s24+s3], $0x50, $0x38;
	[tilespmem:$0x1DC80] =	vst v63  }
0x4e: {  	_ =	swait.ge [sflag:s29], $0x50  }
0x4f: {  	s25 =	rddreg [dreg:$0x9];
	[sflag:s29] =	ssyncset.done $0x0  }
0x50: {  	[sflag:s29] =	ssyncadd.s32 $0xFFFFFFB0;
	s22 =	sadd.s32 $0x0, s25  }
0x51: {  	[tilespmem:s30], [sflag:$0x9] =	stream.linear.gather [hbm4b:s22+s3], $0x50, $0x38;
	[tilespmem:$0x1DC80] =	vst v63  }
0x52: {  	_ =	swait.ge [sflag:s29], $0x50  }
0x53: {  	[sflag:s29] =	ssyncset.done $0x0  }
0x54: {  	s22 =	simm.s32 @!p2 $0x6;
	[sflag:s29] =	ssyncadd.s32 $0xFFFFFFB0  }
0x55: {  	[tilespmem:s0], [sflag:$0x1] =	stream.indirect.gather [hbm4b:s15+s31], $0x80, s3, s31, $0xb8;
	[tilespmem:$0x1DC80] =	vst v63  }
0x56: {  	_ =	swait.ge @!p2 [sflag:s22], $0x2800  }
0x57: {  	s26 =	rddreg [dreg:$0x8];
	[sflag:s22] =	ssyncset.done @!p2 $0x0  }
0x58: {  	[sflag:s22] =	ssyncadd.s32 @!p2 $0xFFFFD800;
	s23 =	sadd.s32 $0x0, s26  }
0x59: {  	[tilespmem:s4], [sflag:$0x9] =	stream.linear.gather [hbm4b:s23+s3], $0x50, $0x38;
	[tilespmem:$0x1DC80] =	vst v63  }
0x5a: {  	_ =	swait.ge [sflag:s29], $0x50  }
0x5b: {  	s24 =	rddreg [dreg:$0x7];
	[sflag:s29] =	ssyncset.done $0x0  }
0x5c: {  	[sflag:s29] =	ssyncadd.s32 $0xFFFFFFB0;
	s22 =	sadd.s32 $0x0, s24  }
0x5d: {  	[tilespmem:s5], [sflag:$0x9] =	stream.linear.gather [hbm4b:s22+s3], $0x50, $0x38;
	[tilespmem:$0x1DC80] =	vst v63  }
0x5e: {  	_ =	swait.ge [sflag:s29], $0x50  }
0x5f: {  	[sflag:s29] =	ssyncset.done $0x0  }
0x60: {  	s22 =	simm.s32 @!p2 $0x7;
	[sflag:s29] =	ssyncadd.s32 $0xFFFFFFB0  }
0x61: {  	[tilespmem:s6], [sflag:$0x2] =	stream.indirect.gather [hbm4b:s15+s31], $0x80, s4, s31, $0xb8;
	[tilespmem:$0x1DC80] =	vst v63  }
0x62: {  	_ =	swait.ge @!p2 [sflag:s22], $0x2800  }
0x63: {  	s25 =	rddreg [dreg:$0x6];
	[sflag:s22] =	ssyncset.done @!p2 $0x0  }
0x64: {  	[sflag:s22] =	ssyncadd.s32 @!p2 $0xFFFFD800;
	s26 =	sadd.s32 $0x0, s25  }
0x65: {  	[tilespmem:s7], [sflag:$0x9] =	stream.linear.gather [hbm4b:s26+s3], $0x50, $0x38;
	[tilespmem:$0x1DC80] =	vst v63  }
0x66: {  	_ =	swait.ge [sflag:s29], $0x50  }
0x67: {  	s23 =	rddreg [dreg:$0x5];
	[sflag:s29] =	ssyncset.done $0x0  }
0x68: {  	[sflag:s29] =	ssyncadd.s32 $0xFFFFFFB0;
	s22 =	sadd.s32 $0x0, s23  }
0x69: {  	[tilespmem:s8], [sflag:$0x9] =	stream.linear.gather [hbm4b:s22+s3], $0x50, $0x38;
	[tilespmem:$0x1DC80] =	vst v63  }
0x6a: {  	_ =	swait.ge [sflag:s29], $0x50  }
0x6b: {  	[sflag:s29] =	ssyncset.done $0x0  }
0x6c: {  	s22 =	simm.s32 @!p2 $0x8;
	[sflag:s29] =	ssyncadd.s32 $0xFFFFFFB0  }
0x6d: {  	[tilespmem:s9], [sflag:$0x3] =	stream.indirect.gather [hbm4b:s15+s31], $0x80, s7, s31, $0xb8;
	[tilespmem:$0x1DC80] =	vst v63  }
0x6e: {  	_ =	swait.ge @!p2 [sflag:s22], $0x2800  }
0x6f: {  	s24 =	rddreg [dreg:$0x4];
	[sflag:s22] =	ssyncset.done @!p2 $0x0  }
0x70: {  	[sflag:s22] =	ssyncadd.s32 @!p2 $0xFFFFD800;
	s25 =	sadd.s32 $0x0, s24  }
0x71: {  	[tilespmem:s10], [sflag:$0x9] =	stream.linear.gather [hbm4b:s25+s3], $0x50, $0x38;
	[tilespmem:$0x1DC80] =	vst v63  }
0x72: {  	_ =	swait.ge [sflag:s29], $0x50  }
0x73: {  	s26 =	rddreg [dreg:$0x3];
	[sflag:s29] =	ssyncset.done $0x0  }
0x74: {  	[sflag:s29] =	ssyncadd.s32 $0xFFFFFFB0;
	s22 =	sadd.s32 $0x0, s26  }
0x75: {  	[tilespmem:s11], [sflag:$0x9] =	stream.linear.gather [hbm4b:s22+s3], $0x50, $0x38;
	[tilespmem:$0x1DC80] =	vst v63  }
0x76: {  	_ =	swait.ge [sflag:s29], $0x50  }
0x77: {  	[sflag:s29] =	ssyncset.done $0x0  }
0x78: {  	[sflag:s29] =	ssyncadd.s32 $0xFFFFFFB0  }
0x79: {  	[tilespmem:s12], [sflag:$0x4] =	stream.indirect.gather [hbm4b:s15+s31], $0x80, s10, s31, $0xb8;
	[tilespmem:$0x1DC80] =	vst v63  }
0x7a: {  	_ =	swait.ge [sflag:s13], $0x2800  }
0x7b: {  	[sflag:s13] =	ssyncset.done $0x0  }
0x7c: {  	[sflag:s13] =	ssyncadd.s32 $0xFFFFD800  }
0x7d: {  	[spmem:s2] =	stream.indirect.scatter.add.f32 [tilespmem:s0], [sflag:$0x5], $0x80, s30, s31, $0xb8;
	[tilespmem:$0x1DC80] =	vst v63  }
0x7e: {  	_ =	swait.ge [sflag:s14], $0x2800  }
0x7f: {  	[sflag:s14] =	ssyncset.done $0x0  }
0x80: {  	[sflag:s14] =	ssyncadd.s32 $0xFFFFD800  }
0x81: {  	[spmem:s2] =	stream.indirect.scatter.add.f32 [tilespmem:s6], [sflag:$0x6], $0x80, s5, s31, $0xb8;
	[tilespmem:$0x1DC80] =	vst v63  }
0x82: {  	_ =	swait.ge [sflag:s16], $0x2800  }
0x83: {  	[sflag:s16] =	ssyncset.done $0x0  }
0x84: {  	[sflag:s16] =	ssyncadd.s32 $0xFFFFD800  }
0x85: {  	[spmem:s2] =	stream.indirect.scatter.add.f32 [tilespmem:s9], [sflag:$0x7], $0x80, s8, s31, $0xb8;
	[tilespmem:$0x1DC80] =	vst v63  }
0x86: {  	s23 =	simm.s32 $0x50;
	_ =	swait.ge [sflag:s17], $0x2800  }
0x87: {  	p2 =	por $0x0, $0x0;
	s22 =	simm.s32 $0x28;
	[sflag:s17] =	ssyncset.done $0x0  }
.LBB2_2:
0x88: {  	s25 =	simm.s32 @!p2 $0x5;
	[sflag:s17] =	ssyncadd.s32 $0xFFFFD800  }
0x89: {  	[spmem:s2] =	stream.indirect.scatter.add.f32 [tilespmem:s12], [sflag:$0x8], $0x80, s11, s31, $0xb8;
	[tilespmem:$0x1DC80] =	vst v63  }
0x8a: {  	_ =	swait.ge @!p2 [sflag:s25], $0x2800  }
0x8b: {  	[sflag:s25] =	ssyncset.done @!p2 $0x0;
	s26 =	rddreg [dreg:$0xa]  }
0x8c: {  	[sflag:s25] =	ssyncadd.s32 @!p2 $0xFFFFD800;
	s26 =	sadd.s32 s22, s26  }
0x8d: {  	[tilespmem:s3], [sflag:$0x9] =	stream.linear.gather [hbm4b:s26+s3], $0x50, $0x38;
	[tilespmem:$0x1DC80] =	vst v63  }
0x8e: {  	_ =	swait.ge [sflag:s29], $0x50  }
0x8f: {  	s26 =	rddreg [dreg:$0x9];
	[sflag:s29] =	ssyncset.done $0x0  }
0x90: {  	[sflag:s29] =	ssyncadd.s32 $0xFFFFFFB0;
	s25 =	sadd.s32 s22, s26  }
0x91: {  	[tilespmem:s30], [sflag:$0x9] =	stream.linear.gather [hbm4b:s25+s3], $0x50, $0x38;
	[tilespmem:$0x1DC80] =	vst v63  }
0x92: {  	_ =	swait.ge [sflag:s29], $0x50  }
0x93: {  	[sflag:s29] =	ssyncset.done $0x0  }
0x94: {  	s25 =	simm.s32 @!p2 $0x6;
	[sflag:s29] =	ssyncadd.s32 $0xFFFFFFB0  }
0x95: {  	[tilespmem:s0], [sflag:$0x1] =	stream.indirect.gather [hbm4b:s15+s31], $0x80, s3, s31, $0xb8;
	[tilespmem:$0x1DC80] =	vst v63  }
0x96: {  	_ =	swait.ge @!p2 [sflag:s25], $0x2800  }
0x97: {  	[sflag:s25] =	ssyncset.done @!p2 $0x0;
	s26 =	rddreg [dreg:$0x8]  }
0x98: {  	[sflag:s25] =	ssyncadd.s32 @!p2 $0xFFFFD800;
	s26 =	sadd.s32 s22, s26  }
0x99: {  	[tilespmem:s4], [sflag:$0x9] =	stream.linear.gather [hbm4b:s26+s3], $0x50, $0x38;
	[tilespmem:$0x1DC80] =	vst v63  }
0x9a: {  	_ =	swait.ge [sflag:s29], $0x50  }
0x9b: {  	s26 =	rddreg [dreg:$0x7];
	[sflag:s29] =	ssyncset.done $0x0  }
0x9c: {  	[sflag:s29] =	ssyncadd.s32 $0xFFFFFFB0;
	s25 =	sadd.s32 s22, s26  }
0x9d: {  	[tilespmem:s5], [sflag:$0x9] =	stream.linear.gather [hbm4b:s25+s3], $0x50, $0x38;
	[tilespmem:$0x1DC80] =	vst v63  }
0x9e: {  	_ =	swait.ge [sflag:s29], $0x50  }
0x9f: {  	[sflag:s29] =	ssyncset.done $0x0  }
0xa0: {  	s25 =	simm.s32 @!p2 $0x7;
	[sflag:s29] =	ssyncadd.s32 $0xFFFFFFB0  }
0xa1: {  	[tilespmem:s6], [sflag:$0x2] =	stream.indirect.gather [hbm4b:s15+s31], $0x80, s4, s31, $0xb8;
	[tilespmem:$0x1DC80] =	vst v63  }
0xa2: {  	_ =	swait.ge @!p2 [sflag:s25], $0x2800  }
0xa3: {  	[sflag:s25] =	ssyncset.done @!p2 $0x0;
	s26 =	rddreg [dreg:$0x6]  }
0xa4: {  	[sflag:s25] =	ssyncadd.s32 @!p2 $0xFFFFD800;
	s26 =	sadd.s32 s22, s26  }
0xa5: {  	[tilespmem:s7], [sflag:$0x9] =	stream.linear.gather [hbm4b:s26+s3], $0x50, $0x38;
	[tilespmem:$0x1DC80] =	vst v63  }
0xa6: {  	_ =	swait.ge [sflag:s29], $0x50  }
0xa7: {  	s26 =	rddreg [dreg:$0x5];
	[sflag:s29] =	ssyncset.done $0x0  }
0xa8: {  	[sflag:s29] =	ssyncadd.s32 $0xFFFFFFB0;
	s25 =	sadd.s32 s22, s26  }
0xa9: {  	[tilespmem:s8], [sflag:$0x9] =	stream.linear.gather [hbm4b:s25+s3], $0x50, $0x38;
	[tilespmem:$0x1DC80] =	vst v63  }
0xaa: {  	_ =	swait.ge [sflag:s29], $0x50  }
0xab: {  	[sflag:s29] =	ssyncset.done $0x0  }
0xac: {  	s25 =	simm.s32 @!p2 $0x8;
	[sflag:s29] =	ssyncadd.s32 $0xFFFFFFB0  }
0xad: {  	[tilespmem:s9], [sflag:$0x3] =	stream.indirect.gather [hbm4b:s15+s31], $0x80, s7, s31, $0xb8;
	[tilespmem:$0x1DC80] =	vst v63  }
0xae: {  	_ =	swait.ge @!p2 [sflag:s25], $0x2800  }
0xaf: {  	[sflag:s25] =	ssyncset.done @!p2 $0x0;
	s26 =	rddreg [dreg:$0x4]  }
0xb0: {  	[sflag:s25] =	ssyncadd.s32 @!p2 $0xFFFFD800;
	s26 =	sadd.s32 s22, s26  }
0xb1: {  	[tilespmem:s10], [sflag:$0x9] =	stream.linear.gather [hbm4b:s26+s3], $0x50, $0x38;
	[tilespmem:$0x1DC80] =	vst v63  }
0xb2: {  	_ =	swait.ge [sflag:s29], $0x50  }
0xb3: {  	s26 =	rddreg [dreg:$0x3];
	[sflag:s29] =	ssyncset.done $0x0  }
0xb4: {  	[sflag:s29] =	ssyncadd.s32 $0xFFFFFFB0;
	s25 =	sadd.s32 s22, s26  }
0xb5: {  	[tilespmem:s11], [sflag:$0x9] =	stream.linear.gather [hbm4b:s25+s3], $0x50, $0x38;
	[tilespmem:$0x1DC80] =	vst v63  }
0xb6: {  	_ =	swait.ge [sflag:s29], $0x50  }
0xb7: {  	[sflag:s29] =	ssyncset.done $0x0  }
0xb8: {  	[sflag:s29] =	ssyncadd.s32 $0xFFFFFFB0  }
0xb9: {  	[tilespmem:s12], [sflag:$0x4] =	stream.indirect.gather [hbm4b:s15+s31], $0x80, s10, s31, $0xb8;
	[tilespmem:$0x1DC80] =	vst v63  }
0xba: {  	_ =	swait.ge [sflag:s13], $0x2800  }
0xbb: {  	[sflag:s13] =	ssyncset.done $0x0  }
0xbc: {  	[sflag:s13] =	ssyncadd.s32 $0xFFFFD800  }
0xbd: {  	[spmem:s2] =	stream.indirect.scatter.add.f32 [tilespmem:s0], [sflag:$0x5], $0x80, s30, s31, $0xb8;
	[tilespmem:$0x1DC80] =	vst v63  }
0xbe: {  	_ =	swait.ge [sflag:s14], $0x2800  }
0xbf: {  	[sflag:s14] =	ssyncset.done $0x0  }
0xc0: {  	s24 =	smov.u32 s23;
	s23 =	sadd.s32 $0x28, s23;
	[sflag:s14] =	ssyncadd.s32 $0xFFFFD800  }
0xc1: {  	[spmem:s2] =	stream.indirect.scatter.add.f32 [tilespmem:s6], [sflag:$0x6], $0x80, s5, s31, $0xb8;
	[tilespmem:$0x1DC80] =	vst v63  }
0xc2: {  	p3 =	sne.s32 s23, $0x4D8;
	_ =	swait.ge [sflag:s16], $0x2800  }
.Ltmp0:
0xc3: {  	[sflag:s16] =	ssyncset.done $0x0;
	(pc) =	sbr.rel @p3 .LBB2_2-.Ltmp0, $4  }
0xc4: {  	[sflag:s16] =	ssyncadd.s32 $0xFFFFD800  }
0xc5: {  	[spmem:s2] =	stream.indirect.scatter.add.f32 [tilespmem:s9], [sflag:$0x7], $0x80, s8, s31, $0xb8;
	[tilespmem:$0x1DC80] =	vst v63  }
0xc6: {  	s22 =	smov.u32 s24;
	_ =	swait.ge [sflag:s17], $0x2800  }
0xc7: {  	p2 =	seq.s32 s22, $0x0;
	[sflag:s17] =	ssyncset.done $0x0  }
0xc8: {  	s23 =	simm.s32 @!p2 $0x5;
	[sflag:s17] =	ssyncadd.s32 $0xFFFFD800  }
0xc9: {  	[spmem:s2] =	stream.indirect.scatter.add.f32 [tilespmem:s12], [sflag:$0x8], $0x80, s11, s31, $0xb8;
	[tilespmem:$0x1DC80] =	vst v63  }
0xca: {  	_ =	swait.ge @!p2 [sflag:s23], $0x2800  }
0xcb: {  	s24 =	rddreg [dreg:$0xa];
	[sflag:s23] =	ssyncset.done @!p2 $0x0  }
0xcc: {  	[sflag:s23] =	ssyncadd.s32 @!p2 $0xFFFFD800;
	s24 =	sadd.s32 s22, s24  }
0xcd: {  	[tilespmem:s3], [sflag:$0x9] =	stream.linear.gather [hbm4b:s24+s3], $0x50, $0x38;
	[tilespmem:$0x1DC80] =	vst v63  }
0xce: {  	_ =	swait.ge [sflag:s29], $0x50  }
0xcf: {  	s25 =	rddreg [dreg:$0x9];
	[sflag:s29] =	ssyncset.done $0x0  }
0xd0: {  	[sflag:s29] =	ssyncadd.s32 $0xFFFFFFB0;
	s23 =	sadd.s32 s22, s25  }
0xd1: {  	[tilespmem:s30], [sflag:$0x9] =	stream.linear.gather [hbm4b:s23+s3], $0x50, $0x38;
	[tilespmem:$0x1DC80] =	vst v63  }
0xd2: {  	_ =	swait.ge [sflag:s29], $0x50  }
0xd3: {  	[sflag:s29] =	ssyncset.done $0x0  }
0xd4: {  	s23 =	simm.s32 @!p2 $0x6;
	[sflag:s29] =	ssyncadd.s32 $0xFFFFFFB0  }
0xd5: {  	[tilespmem:s0], [sflag:$0x1] =	stream.indirect.gather [hbm4b:s15+s31], $0x80, s3, s31, $0xb8;
	[tilespmem:$0x1DC80] =	vst v63  }
0xd6: {  	_ =	swait.ge @!p2 [sflag:s23], $0x2800  }
0xd7: {  	s26 =	rddreg [dreg:$0x8];
	[sflag:s23] =	ssyncset.done @!p2 $0x0  }
0xd8: {  	[sflag:s23] =	ssyncadd.s32 @!p2 $0xFFFFD800;
	s24 =	sadd.s32 s22, s26  }
0xd9: {  	[tilespmem:s4], [sflag:$0x9] =	stream.linear.gather [hbm4b:s24+s3], $0x50, $0x38;
	[tilespmem:$0x1DC80] =	vst v63  }
0xda: {  	_ =	swait.ge [sflag:s29], $0x50  }
0xdb: {  	s25 =	rddreg [dreg:$0x7];
	[sflag:s29] =	ssyncset.done $0x0  }
0xdc: {  	[sflag:s29] =	ssyncadd.s32 $0xFFFFFFB0;
	s23 =	sadd.s32 s22, s25  }
0xdd: {  	[tilespmem:s5], [sflag:$0x9] =	stream.linear.gather [hbm4b:s23+s3], $0x50, $0x38;
	[tilespmem:$0x1DC80] =	vst v63  }
0xde: {  	_ =	swait.ge [sflag:s29], $0x50  }
0xdf: {  	[sflag:s29] =	ssyncset.done $0x0  }
0xe0: {  	s23 =	simm.s32 @!p2 $0x7;
	[sflag:s29] =	ssyncadd.s32 $0xFFFFFFB0  }
0xe1: {  	[tilespmem:s6], [sflag:$0x2] =	stream.indirect.gather [hbm4b:s15+s31], $0x80, s4, s31, $0xb8;
	[tilespmem:$0x1DC80] =	vst v63  }
0xe2: {  	_ =	swait.ge @!p2 [sflag:s23], $0x2800  }
0xe3: {  	s26 =	rddreg [dreg:$0x6];
	[sflag:s23] =	ssyncset.done @!p2 $0x0  }
0xe4: {  	[sflag:s23] =	ssyncadd.s32 @!p2 $0xFFFFD800;
	s24 =	sadd.s32 s22, s26  }
0xe5: {  	[tilespmem:s7], [sflag:$0x9] =	stream.linear.gather [hbm4b:s24+s3], $0x50, $0x38;
	[tilespmem:$0x1DC80] =	vst v63  }
0xe6: {  	_ =	swait.ge [sflag:s29], $0x50  }
0xe7: {  	s25 =	rddreg [dreg:$0x5];
	[sflag:s29] =	ssyncset.done $0x0  }
0xe8: {  	[sflag:s29] =	ssyncadd.s32 $0xFFFFFFB0;
	s23 =	sadd.s32 s22, s25  }
0xe9: {  	[tilespmem:s8], [sflag:$0x9] =	stream.linear.gather [hbm4b:s23+s3], $0x50, $0x38;
	[tilespmem:$0x1DC80] =	vst v63  }
0xea: {  	_ =	swait.ge [sflag:s29], $0x50  }
0xeb: {  	[sflag:s29] =	ssyncset.done $0x0  }
0xec: {  	s23 =	simm.s32 @!p2 $0x8;
	[sflag:s29] =	ssyncadd.s32 $0xFFFFFFB0  }
0xed: {  	[tilespmem:s9], [sflag:$0x3] =	stream.indirect.gather [hbm4b:s15+s31], $0x80, s7, s31, $0xb8;
	[tilespmem:$0x1DC80] =	vst v63  }
0xee: {  	_ =	swait.ge @!p2 [sflag:s23], $0x2800  }
0xef: {  	s26 =	rddreg [dreg:$0x4];
	[sflag:s23] =	ssyncset.done @!p2 $0x0  }
0xf0: {  	[sflag:s23] =	ssyncadd.s32 @!p2 $0xFFFFD800;
	s25 =	sadd.s32 s22, s26  }
0xf1: {  	[tilespmem:s10], [sflag:$0x9] =	stream.linear.gather [hbm4b:s25+s3], $0x50, $0x38;
	[tilespmem:$0x1DC80] =	vst v63  }
0xf2: {  	_ =	swait.ge [sflag:s29], $0x50  }
0xf3: {  	s26 =	rddreg [dreg:$0x3];
	[sflag:s29] =	ssyncset.done $0x0  }
0xf4: {  	s24 =	sadd.s32 s22, s26;
	[sflag:s29] =	ssyncadd.s32 $0xFFFFFFB0  }
0xf5: {  	[tilespmem:s11], [sflag:$0x9] =	stream.linear.gather [hbm4b:s24+s3], $0x50, $0x38;
	[tilespmem:$0x1DC80] =	vst v63  }
0xf6: {  	_ =	swait.ge [sflag:s29], $0x50  }
0xf7: {  	[sflag:s29] =	ssyncset.done $0x0  }
0xf8: {  	[sflag:s29] =	ssyncadd.s32 $0xFFFFFFB0  }
0xf9: {  	[tilespmem:s12], [sflag:$0x4] =	stream.indirect.gather [hbm4b:s15+s31], $0x80, s10, s31, $0xb8;
	[tilespmem:$0x1DC80] =	vst v63  }
0xfa: {  	_ =	swait.ge [sflag:s13], $0x2800  }
0xfb: {  	[sflag:s13] =	ssyncset.done $0x0  }
0xfc: {  	[sflag:s13] =	ssyncadd.s32 $0xFFFFD800  }
0xfd: {  	[spmem:s2] =	stream.indirect.scatter.add.f32 [tilespmem:s0], [sflag:$0x5], $0x80, s30, s31, $0xb8;
	[tilespmem:$0x1DC80] =	vst v63  }
0xfe: {  	_ =	swait.ge [sflag:s14], $0x2800  }
0xff: {  	[sflag:s14] =	ssyncset.done $0x0  }
0x100: {  	[sflag:s14] =	ssyncadd.s32 $0xFFFFD800  }
0x101: {  	[spmem:s2] =	stream.indirect.scatter.add.f32 [tilespmem:s6], [sflag:$0x6], $0x80, s5, s31, $0xb8;
	[tilespmem:$0x1DC80] =	vst v63  }
0x102: {  	_ =	swait.ge [sflag:s16], $0x2800  }
0x103: {  	[sflag:s16] =	ssyncset.done $0x0  }
0x104: {  	[sflag:s16] =	ssyncadd.s32 $0xFFFFD800  }
0x105: {  	[spmem:s2] =	stream.indirect.scatter.add.f32 [tilespmem:s9], [sflag:$0x7], $0x80, s8, s31, $0xb8;
	[tilespmem:$0x1DC80] =	vst v63  }
0x106: {  	_ =	swait.ge [sflag:s17], $0x2800  }
0x107: {  	[sflag:s17] =	ssyncset.done $0x0  }
0x108: {  	[sflag:s17] =	ssyncadd.s32 $0xFFFFD800  }
0x109: {  	[spmem:s2] =	stream.indirect.scatter.add.f32 [tilespmem:s12], [sflag:$0x8], $0x80, s11, s31, $0xb8;
	[tilespmem:$0x1DC80] =	vst v63  }
0x10a: {  	_ =	swait.ge [sflag:s1], $0x2800  }
0x10b: {  	[sflag:s1] =	ssyncset.done $0x0  }
0x10c: {  	[sflag:s1] =	ssyncadd.s32 $0xFFFFD800  }
0x10d: {  	_ =	swait.ge [sflag:s18], $0x2800  }
0x10e: {  	[sflag:s18] =	ssyncset.done $0x0  }
0x10f: {  	[sflag:s18] =	ssyncadd.s32 $0xFFFFD800  }
0x110: {  	_ =	swait.ge [sflag:s19], $0x2800  }
0x111: {  	[sflag:s19] =	ssyncset.done $0x0  }
0x112: {  	[sflag:s19] =	ssyncadd.s32 $0xFFFFD800  }
0x113: {  	_ =	swait.ge [sflag:s20], $0x2800  }
0x114: {  	[sflag:s20] =	ssyncset.done $0x0  }
0x115: {  	s25 =	rddreg [dreg:$0x14];
	[sflag:s20] =	ssyncadd.s32 $0xFFFFD800  }
0x116: {  	[tilespmem:s3], [sflag:$0x9] =	stream.linear.gather [hbm4b:s25+s3], $0x50, $0x38;
	[tilespmem:$0x1DC80] =	vst v63  }
0x117: {  	_ =	swait.ge [sflag:s29], $0x50  }
0x118: {  	[sflag:s29] =	ssyncset.done $0x0  }
0x119: {  	s26 =	rddreg [dreg:$0x13];
	[sflag:s29] =	ssyncadd.s32 $0xFFFFFFB0  }
0x11a: {  	[tilespmem:s30], [sflag:$0x9] =	stream.linear.gather [hbm4b:s26+s3], $0x50, $0x38;
	[tilespmem:$0x1DC80] =	vst v63  }
0x11b: {  	_ =	swait.ge [sflag:s29], $0x50  }
0x11c: {  	[sflag:s29] =	ssyncset.done $0x0  }
0x11d: {  	[sflag:s29] =	ssyncadd.s32 $0xFFFFFFB0  }
0x11e: {  	[tilespmem:s0], [sflag:$0x1] =	stream.indirect.gather [hbm4b:s15+s31], $0x80, s3, s31, $0xb8;
	[tilespmem:$0x1DC80] =	vst v63  }
0x11f: {  	_ =	swait.ge [sflag:s13], $0x2800  }
0x120: {  	[sflag:s13] =	ssyncset.done $0x0  }
0x121: {  	[sflag:s13] =	ssyncadd.s32 $0xFFFFD800  }
0x122: {  	[spmem:s2] =	stream.indirect.scatter.add.f32 [tilespmem:s0], [sflag:$0x9], $0x80, s30, s31, $0xb8;
	[tilespmem:$0x1DC80] =	vst v63  }
0x123: {  	_ =	swait.ge [sflag:s29], $0x2800  }
0x124: {  	[sflag:s29] =	ssyncset.done $0x0  }
0x125: {  	[sflag:s29] =	ssyncadd.s32 $0xFFFFD800  }
0x126: {  	s25 =	stileid.u32;
	[bflag:$0x0] =	sbarrier.arrive $0xFFFF  }
0x127: {  	s23 =	sshll.u32 s25, $0x6;
	s24 =	rddreg [dreg:$0xb]  }
0x128: {  	s22 =	sor.u32 $0x1C09, s23;
	s26 =	rddreg [dreg:$0x1a]  }
0x129: {  	[hbm:s24], [sflag:s22] =	dma.local [spmem:s26], $0x500  }
0x12a: {  	_ =	swait.ge [sflag:s29], $0x500  }
0x12b: {  	[sflag:s29] =	ssyncset.done $0x0;
	s24 =	rddreg [dreg:$0xc]  }
0x12c: {  	s26 =	rddreg [dreg:$0x1b];
	[sflag:s29] =	ssyncadd.s32 $0xFFFFFB00  }
0x12d: {  	[hbm:s24], [sflag:s22] =	dma.local [spmem:s26], $0x500  }
0x12e: {  	_ =	swait.ge [sflag:s29], $0x500  }
0x12f: {  	[sflag:s29] =	ssyncset.done $0x0;
	s24 =	rddreg [dreg:$0xd]  }
0x130: {  	s26 =	rddreg [dreg:$0x1c];
	[sflag:s29] =	ssyncadd.s32 $0xFFFFFB00  }
0x131: {  	[hbm:s24], [sflag:s22] =	dma.local [spmem:s26], $0x500  }
0x132: {  	_ =	swait.ge [sflag:s29], $0x500  }
0x133: {  	[sflag:s29] =	ssyncset.done $0x0;
	s24 =	rddreg [dreg:$0xe]  }
0x134: {  	s26 =	rddreg [dreg:$0x1d];
	[sflag:s29] =	ssyncadd.s32 $0xFFFFFB00  }
0x135: {  	[hbm:s24], [sflag:s22] =	dma.local [spmem:s26], $0x500  }
0x136: {  	_ =	swait.ge [sflag:s29], $0x500  }
0x137: {  	[sflag:s29] =	ssyncset.done $0x0;
	s24 =	rddreg [dreg:$0xf]  }
0x138: {  	s26 =	rddreg [dreg:$0x1e];
	[sflag:s29] =	ssyncadd.s32 $0xFFFFFB00  }
0x139: {  	[hbm:s24], [sflag:s22] =	dma.local [spmem:s26], $0x500  }
0x13a: {  	_ =	swait.ge [sflag:s29], $0x500  }
0x13b: {  	[sflag:s29] =	ssyncset.done $0x0;
	s24 =	rddreg [dreg:$0x10]  }
0x13c: {  	s26 =	rddreg [dreg:$0x1f];
	[sflag:s29] =	ssyncadd.s32 $0xFFFFFB00  }
0x13d: {  	[hbm:s24], [sflag:s22] =	dma.local [spmem:s26], $0x500  }
0x13e: {  	_ =	swait.ge [sflag:s29], $0x500  }
0x13f: {  	s26 =	sld [smem:$0x7FD]  }
0x140: {  	[sflag:s29] =	ssyncset.done $0x0  }
0x141: {  	s24 =	rddreg [dreg:$0x11];
	[sflag:s29] =	ssyncadd.s32 $0xFFFFFB00  }
0x142: {  	[hbm:s24], [sflag:s22] =	dma.local [spmem:s26], $0x500  }
0x143: {  	_ =	swait.ge [sflag:s29], $0x500  }
0x144: {  	[sflag:s29] =	ssyncset.done $0x0  }
0x145: {  	s23 =	rddreg [dreg:$0x12];
	[sflag:s29] =	ssyncadd.s32 $0xFFFFFB00  }
0x146: {  	[hbm:s23], [sflag:s22] =	dma.local @!p0 [spmem:s28], $0x500  }
0x147: {  	s22 =	simm.s32 @!p0 $0x9  }
0x148: {  	_ =	swait.ge @!p0 [sflag:s22], $0x500  }
0x149: {  	s21 =	sadd.s32 $0x1, s21;
	s26 =	rddreg [dreg:$0x17]  }
0x14a: {  	p2 =	sne.s32 s21, s26  }
.Ltmp1:
0x14b: {  	_ = 	snop;
	(pc) =	sbr.rel @p2 .LBB2_1-.Ltmp1, $3  }
0x14c: {  	_ =	sdelay $0x1  }
0x14d: {  	[sflag:s22] =	ssyncset.done @!p0 $0x0  }
0x14e: {  	[sflag:s22] =	ssyncadd.s32 @!p0 $0xFFFFFB00  }
0x14f: {  	_ =	sfence.sel $0x180000  }
0x150: {  	[bflag:$0x0] =	sbarrier.arrive $0xFFFF  }
0x151: {  	_ =	strace $0x90000050  }
0x152: {  	[bflag:$0x2] =	sbarrier.arrive $0xFFFF  }
0x153: {  	p0 =	sne.s32 s25, $0x0;
	s0 =	rddreg [dreg:$0x2]  }
0x154: {  	s0 =	sadd.s32 @!p0 $0x100000, s0  }
0x155: {  	[sflag:s0] =	ssyncadd.tile.s32 @!p0 $0x1;
	_ =	shalt  }
.Lfunc_end2:
_tile_overlayer_lowered:
.L_overlay_start_2:
0x156: {  	(tag) =	ssettag $0x2  }
0x157: {  	s0 =	rddreg [dreg:$0x0];
	s2 =	stileid.u32  }
0x158: {  	s1 =	rddreg [dreg:$0x1];
	p0 =	sne.s32 s2, $0x0  }
0x159: {  	s3 =	rddreg [dreg:$0x2];
	[bflag:$0x3] =	sbarrier.arrive $0xFFFF;
	s2 =	simm.s32 @!p0 $0x1C09  }
0x15a: {  	[timem:s3], [sflag:s2] =	dma.local @!p0 [hbm:s0], s1  }
0x15b: {  	s0 =	simm.s32 @!p0 $0x9  }
0x15c: {  	_ =	swait.ge @!p0 [sflag:s0], s1  }
0x15d: {  	s1 =	ssub.s32 @!p0 $0x0, s1;
	[sflag:s0] =	ssyncset.done @!p0 $0x0  }
0x15e: {  	[sflag:s0] =	ssyncadd.s32 @!p0 s1  }
0x15f: {  	[bflag:$0x3] =	sbarrier.arrive $0xFFFF  }
0x160: {  	_ =	shalt  }

// kernel: kernel.25.cloned.1.call-start
scs
__scs_entry_jumppad:
0x0: {  	(pc) =	sbr.rel $0x88, $3  }
0x1: {  	(tag) =	ssettag $0x0;
	lr =	simm.s32 $0x1  }
0x2: {  	[smem:$0x3F90] =	sst lr;
	_ =	strace $0xD0000000  }
0x3: {  	_ = 	snop  }
0x4: {  	_ = 	snop  }
0x5: {  	_ = 	snop  }
0x6: {  	_ = 	snop  }
0x7: {  	_ = 	snop  }
__scs_overlays_trampoline_lowered:
0x8: {  	[smem:$0x3F9F] =	sst s0  }
0x9: {  	[smem:$0x3FA0] =	sst s1  }
0xa: {  	[smem:$0x3FA1] =	sst s2  }
0xb: {  	[smem:$0x3FA2] =	sst s3  }
0xc: {  	[smem:$0x3FA3] =	sst s4  }
0xd: {  	[smem:$0x3FA4] =	sst s5  }
0xe: {  	[smem:$0x3FA5] =	sst s6  }
0xf: {  	[smem:$0x3FA6] =	sst s7  }
0x10: {  	[smem:$0x3FA7] =	sst s8  }
0x11: {  	[smem:$0x3FA8] =	sst s9;
	s0 =	simm.s32 @!p0 $0x0  }
0x12: {  	s1 =	sld [smem:$0x3F8E];
	s0 =	simm.s32 @p0 $0x1  }
0x13: {  	[smem:$0x3FA9] =	sst s0;
	s0 =	simm.s32 @!p1 $0x0  }
0x14: {  	s2 =	sld [smem:$0x3F8D];
	s0 =	simm.s32 @p1 $0x1  }
0x15: {  	[smem:$0x3FAA] =	sst s0;
	s0 =	simm.s32 @!p2 $0x0  }
0x16: {  	s3 =	sld [smem:$0x3FDB];
	s0 =	simm.s32 @p2 $0x1  }
0x17: {  	s4 =	simm.s32 $0x1BF5;
	[smem:$0x3FAC] =	sst s0  }
0x18: {  	s0 =	sld [smem:$0x3F8F];
	_ =	swait.ge [sflag:s4], $0x0  }
0x19: {  	s7 =	sld [smem:$0x3F90]  }
0x1a: {  	s8 =	sadd.s32 $0xFFFFE003, lr  }
0x1b: {  	s9 =	sadd.s32 $0xFFFFFEF7, lr;
	s5 =	simm.s32 $0xFFFFFFFF;
	p2 =	slt.u32 s8, $0xFFFFF086  }
0x1c: {  	p1 =	slt.u32 s9, $0xF7A;
	s5 =	simm.s32 @!p2 $0x0  }
0x1d: {  	s5 =	simm.s32 @p1 $0x1;
	p0 =	seq.s32 s7, s2  }
0x1e: {  	s7 =	smul.u32 @!p0 $0xF7A, s2;
	p2 =	seq.s32 @!p0 s5, $0x0  }
0x1f: {  	s9 =	smul.u32 $0xF7A, s1;
	s8 =	simm.s32 @!p0 $0x1BF5;
	p2 =	por !p2, p0  }
0x20: {  	[sflag:s8] =	ssyncset.s32 @!p0 $0xFFFFF086;
	s6 =	sadd.s32 @!p0 s3, s7;
	s7 =	simm.s32 @!p0 $0x108  }
0x21: {  	s3 =	sadd.s32 s3, s9;
	s6 =	sadd.s32 @!p0 $0x88, s6;
	s7 =	simm.s32 @p2 $0x1082  }
0x22: {  	[simem:s7], [sflag:s8] =	dma.local @!p0 [hbm:s6], $0xF7A  }
0x23: {  	s9 =	sor.u32 $0xD0000000, s2;
	s6 =	simm.s32 $0x108;
	_ =	swait.ge @!p0 [sflag:s8], $0x0  }
0x24: {  	s3 =	sadd.s32 $0x88, s3;
	s6 =	simm.s32 @!p1 $0x1082;
	[sflag:s4] =	ssyncset.s32 $0xFFFFF086  }
0x25: {  	[simem:s6], [sflag:s4] =	dma.local [hbm:s3], $0xF7A  }
0x26: {  	[smem:$0x3F90] =	sst s1;
	(tag) =	ssettag s2;
	_ =	strace s9  }
0x27: {  	s1 =	sld [smem:$0x3FA0]  }
0x28: {  	s2 =	sld [smem:$0x3FA1]  }
0x29: {  	s4 =	sld [smem:$0x3FA3]  }
0x2a: {  	p0 =	seq.s32 s5, $0x0;
	s5 =	sld [smem:$0x3FA4]  }
0x2b: {  	s6 =	sld [smem:$0x3FA5]  }
0x2c: {  	s7 =	sld [smem:$0x3FA6]  }
0x2d: {  	s3 =	simm.s32 $0x108;
	s8 =	sld [smem:$0x3FA7]  }
0x2e: {  	s3 =	simm.s32 @!p0 $0x1082;
	s9 =	sld [smem:$0x3FA8]  }
0x2f: {  	lr =	sadd.s32 s0, s3;
	s0 =	sld [smem:$0x3F9F]  }
0x30: {  	s3 =	sld [smem:$0x3FA2]  }
0x31: {  	[smem:$0x3FAB] =	sst s10  }
0x32: {  	s10 =	sld [smem:$0x3FA9];
	_ =	sdelay $0x3  }
0x33: {  	p0 =	seq.s32 s10, $0x1;
	s10 =	sld [smem:$0x3FAB];
	_ =	sdelay $0x3  }
0x34: {  	[smem:$0x3FAB] =	sst s10  }
0x35: {  	s10 =	sld [smem:$0x3FAA];
	_ =	sdelay $0x3  }
0x36: {  	p1 =	seq.s32 s10, $0x1;
	s10 =	sld [smem:$0x3FAB];
	_ =	sdelay $0x3  }
0x37: {  	[smem:$0x3FAB] =	sst s10  }
0x38: {  	s10 =	sld [smem:$0x3FAC]  }
0x39: {  	_ = 	snop;
	(pc) =	sbr.ind lr, $3  }
0x3a: {  	_ = 	snop  }
0x3b: {  	_ = 	snop  }
0x3c: {  	p2 =	seq.s32 s10, $0x1;
	s10 =	sld [smem:$0x3FAB]  }
0x3d: {  	_ =	shalt  }
0x3e: {  	_ =	shalt  }
0x3f: {  	_ =	shalt  }
0x40: {  	_ =	shalt  }
0x41: {  	_ =	shalt  }
0x42: {  	_ =	shalt  }
0x43: {  	_ =	shalt  }
0x44: {  	_ =	shalt  }
0x45: {  	_ =	shalt  }
0x46: {  	_ =	shalt  }
0x47: {  	_ =	shalt  }
0x48: {  	_ =	shalt  }
0x49: {  	_ =	shalt  }
0x4a: {  	_ =	shalt  }
0x4b: {  	_ =	shalt  }
0x4c: {  	_ =	shalt  }
0x4d: {  	_ =	shalt  }
0x4e: {  	_ =	shalt  }
0x4f: {  	_ =	shalt  }
0x50: {  	_ =	shalt  }
0x51: {  	_ =	shalt  }
0x52: {  	_ =	shalt  }
0x53: {  	_ =	shalt  }
0x54: {  	_ =	shalt  }
0x55: {  	_ =	shalt  }
0x56: {  	_ =	shalt  }
0x57: {  	_ =	shalt  }
0x58: {  	_ =	shalt  }
0x59: {  	_ =	shalt  }
0x5a: {  	_ =	shalt  }
0x5b: {  	_ =	shalt  }
0x5c: {  	_ =	shalt  }
0x5d: {  	_ =	shalt  }
0x5e: {  	_ =	shalt  }
0x5f: {  	_ =	shalt  }
0x60: {  	_ =	shalt  }
0x61: {  	_ =	shalt  }
0x62: {  	_ =	shalt  }
0x63: {  	_ =	shalt  }
0x64: {  	_ =	shalt  }
0x65: {  	_ =	shalt  }
0x66: {  	_ =	shalt  }
0x67: {  	_ =	shalt  }
0x68: {  	_ =	shalt  }
0x69: {  	_ =	shalt  }
0x6a: {  	_ =	shalt  }
0x6b: {  	_ =	shalt  }
0x6c: {  	_ =	shalt  }
0x6d: {  	_ =	shalt  }
0x6e: {  	_ =	shalt  }
0x6f: {  	_ =	shalt  }
0x70: {  	_ =	shalt  }
0x71: {  	_ =	shalt  }
0x72: {  	_ =	shalt  }
0x73: {  	_ =	shalt  }
0x74: {  	_ =	shalt  }
0x75: {  	_ =	shalt  }
0x76: {  	_ =	shalt  }
0x77: {  	_ =	shalt  }
0x78: {  	_ =	shalt  }
0x79: {  	_ =	shalt  }
0x7a: {  	_ =	shalt  }
0x7b: {  	_ =	shalt  }
0x7c: {  	_ =	shalt  }
0x7d: {  	_ =	shalt  }
0x7e: {  	_ =	shalt  }
0x7f: {  	_ =	shalt  }
0x80: {  	_ =	shalt  }
0x81: {  	_ =	shalt  }
0x82: {  	_ =	shalt  }
0x83: {  	_ =	shalt  }
0x84: {  	_ =	shalt  }
0x85: {  	_ =	shalt  }
0x86: {  	_ =	shalt  }
0x87: {  	_ =	shalt  }
.Lfunc_end0:
.L_simem_size_0:
called_computation.4_lowered:
.L_overlay_start_0:
0x88: {  	s2 =	sld [smem:$0x3FD9]  }
0x89: {  	s3 =	sld [smem:$0x3FFE];
	_ =	sdelay $0x1  }
0x8a: {  	s1 =	srdreg.scid  }
0x8b: {  	s0 =	sand.u32 $0x1, s1  }
0x8c: {  	s17 =	sshll.u32 s0, $0xA;
	s2 =	sadd.s32 s3, s2  }
0x8d: {  	s2 =	sadd.s32 s2, s17  }
0x8e: {  	[smem:$0x3FB7] =	sst s2  }
0x8f: {  	_ = 	snop  }
0x90: {  	s2 =	sld [smem:$0x3FC7];
	(tm) =	ssettm $0x1  }
0x91: {  	s18 =	sld [smem:$0x3FFB];
	_ =	sdelay $0x3  }
0x92: {  	_ =	strace s18  }
0x93: {  	s3 =	sld [smem:$0x3FFC];
	_ =	sdelay $0x3  }
0x94: {  	_ =	strace s3  }
0x95: {  	s3 =	sld [smem:$0x3FFD];
	_ =	sdelay $0x3  }
0x96: {  	_ =	strace s3  }
0x97: {  	_ =	strace $0x8FFFFFFF  }
0x98: {  	s19 =	sld [smem:$0x3FDB];
	_ =	sdelay $0x1  }
0x99: {  	s4 =	simm.s32 $_scs_section_size  }
0x9a: {  	s5 =	simm.s32 $_size__tile_overlayer_lowered;
	s6 =	simm.s32 $_tile_overlayer_lowered  }
0x9b: {  	s22 =	simm.s32 $0x1BFF;
	s21 =	sshll.u32 s6, $0x1;
	s3 =	sadd.s32 s4, s19  }
0x9c: {  	s7 =	simm.s32 $0x0;
	s20 =	sshll.u32 s5, $0x1;
	s5 =	sadd.s32 s21, s3  }
0x9d: {  	[timem:s7], [sflag:s22] =	dma.local [hbm:s5], s20  }
0x9e: {  	_ =	swait.ge [sflag:s22], s20  }
0x9f: {  	s4 =	ssub.s32 $0x0, s20;
	[sflag:s22] =	ssyncset.done $0x0  }
0xa0: {  	[sflag:s22] =	ssyncadd.s32 s4;
	_ =	sdelay $0x1  }
0xa1: {  	s23 =	simm.s32 $0x1B8B  }
0xa2: {  	_ =	swait.ge [sflag:s23], $0x1  }
0xa3: {  	[sflag:s23] =	ssyncset.done $0x0  }
0xa4: {  	s25 =	simm.s32 $0x1B8E;
	s24 =	sld [smem:$0x3FFE];
	[sflag:s23] =	ssyncadd.s32 $0xFFFFFFFF  }
0xa5: {  	s26 =	simm.s32 $execute0_lowered;
	[smem:$0x3FD2] =	sst s25  }
0xa6: {  	s5 =	sshll.u32 s26, $0x1;
	_ =	strace $0x80000052;
	[dreg:$0x1] =	wrdreg $0xFFFFFFFF  }
0xa7: {  	s28 =	simm.s32 $_size_execute0_lowered;
	s3 =	sadd.s32 s3, s5;
	[dreg:$0x0] =	wrdreg $0x0  }
0xa8: {  	s5 =	sshll.u32 s28, $0x1;
	[dreg:$0x2] =	wrdreg s3  }
0xa9: {  	[dreg:$0x3] =	wrdreg s5  }
0xaa: {  	[dreg:$0x4] =	wrdreg $0xC0  }
0xab: {  	_ =	task [dreg:s7], $0x5FFFF  }
0xac: {  	[dreg:$0x1] =	wrdreg $0xFFFFFFFF  }
0xad: {  	[dreg:$0x0] =	wrdreg $0x60  }
0xae: {  	[dreg:$0x2] =	wrdreg s24  }
0xaf: {  	[dreg:$0x3] =	wrdreg s2  }
0xb0: {  	[dreg:$0x4] =	wrdreg $0x28800  }
0xb1: {  	[dreg:$0x5] =	wrdreg $0x9  }
0xb2: {  	_ =	task.clear_ibuf [dreg:s7], $0x6FFFF;
	_ =	strace $0x90000052  }
0xb3: {  	s29 =	simm.s32 $0x9;
	_ =	strace $0x80000054  }
0xb4: {  	_ =	swait.ge [sflag:s29], $0x1  }
0xb5: {  	[sflag:s29] =	ssyncadd.s32 $0xFFFFFFFF  }
0xb6: {  	_ =	strace $0x90000054  }
0xb7: {  	_ =	sfence  }
0xb8: {  	s30 =	sld [smem:$0x0];
	_ =	sdelay $0x2  }
0xb9: {  	s31 =	sshll.u32 s1, $0xD;
	s1 =	sshrl.u32 s1, $0x2  }
0xba: {  	s3 =	sand.u32 $0x4000, s31;
	s1 =	sadd.s32 s1, s30  }
0xbb: {  	s0 =	sor.u32 s3, s0;
	s1 =	sshll.u32 s1, $0x11  }
0xbc: {  	s0 =	sor.u32 s1, s0  }
0xbd: {  	s0 =	sadd.s32 $0x8F2B, s0  }
0xbe: {  	[sflag:s0] =	ssyncadd.remote.s32 $0x1  }
0xbf: {  	_ =	sfence.sel $0xFFFF  }
0xc0: {  	[dreg:$0x0] =	wrdreg $0xFFFFFFFF;
	(pc) =	sbr.abs _section_cstart, $3  }
0xc1: {  	[dreg:$0x1] =	wrdreg $0xFFFFFFFF  }
0xc2: {  	_ =	task.clear_ibuf [dreg:s7], $0x2FFFF;
	_ =	strace $0x9FFFFFFF  }
0xc3: {  	(tm) =	ssettm $0x7FFFFFFF  }
tec
execute0_lowered:
.L_overlay_start_1:
0x0: {  	(tag) =	ssettag $0x1  }
0x1: {  	s10 =	rddreg [dreg:$0x0]  }
0x2: {  	s17 =	rddreg [dreg:$0x1]  }
0x3: {  	s2 =	rddreg [dreg:$0x2]  }
0x4: {  	s0 =	rddreg [dreg:$0x3];
	s3 =	simm.s32 $0x0;
	s1 =	stileid.u32  }
0x5: {  	s4 =	srdreg.scid;
	[smem:$0x7FF] =	sst s3  }
0x6: {  	s5 =	sshll.u32 s1, $0x7;
	s25 =	sand.u32 $0x1, s4;
	s29 =	sshll.u32 s1, $0xA  }
0x7: {  	s30 =	sshll.u32 s1, $0x6;
	_ =	strace $0x80000053;
	s24 =	sadd.s32 s5, s10  }
0x8: {  	s8 =	sshll.u32 s25, $0x4;
	s6 =	sadd.s32 s29, s2;
	s5 =	sor.u32 $0x1C01, s30  }
0x9: {  	s4 =	sadd.s32 $0x22600, s24;
	s7 =	sshrl.u32 s6, $0x3;
	s6 =	simm.s32 $0x1  }
0xa: {  	[spmem:s7], [sflag:s5] =	dma.local [hbm:s4], $0x80  }
0xb: {  	s18 =	sor.u32 s1, s8;
	_ =	swait.ge [sflag:s6], $0x80  }
0xc: {  	s8 =	smul.u32 $0xA, s18;
	[sflag:s6] =	ssyncset.done $0x0  }
0xd: {  	[sflag:s6] =	ssyncadd.s32 $0xFFFFFF80  }
0xe: {  	s9 =	simm.s32 $0x2;
	s8 =	sadd.s32 s17, s8;
	[bflag:$0x0] =	sbarrier.arrive $0xFFFF  }
0xf: {  	[tilespmem:s3], [sflag:$0x2] =	stream.linear.gather [hbm4b:s8+s3], $0x50, $0x38;
	[tilespmem:$0x2C80] =	vst v63  }
0x10: {  	s11 =	smul.u32 $0x500, s18;
	_ =	swait.ge [sflag:s9], $0x50  }
0x11: {  	s20 =	sadd.s32 $0x49800, s10;
	[sflag:s9] =	ssyncset.done $0x0  }
0x12: {  	s10 =	sadd.s32 s20, s11;
	s11 =	simm.s32 $0x80;
	[sflag:s9] =	ssyncadd.s32 $0xFFFFFFB0  }
0x13: {  	[tilespmem:s11], [sflag:$0x2] =	stream.linear.gather [hbm4b:s10+s3], $0x2800, $0x38;
	[tilespmem:$0x2C80] =	vst v63  }
0x14: {  	_ =	swait.ge [sflag:s9], $0x2800  }
0x15: {  	[sflag:s9] =	ssyncset.done $0x0  }
0x16: {  	s12 =	simm.s32 $0x50;
	s14 =	sor.u32 $0x20, s18;
	[sflag:s9] =	ssyncadd.s32 $0xFFFFD800  }
0x17: {  	[spmem:s2] =	stream.indirect.scatter.add.f32 [tilespmem:s11], [sflag:$0x1], $0x80, s3, s12, $0xb8;
	[tilespmem:$0x2C80] =	vst v63  }
0x18: {  	s13 =	smul.u32 $0xA, s14;
	_ =	swait.ge [sflag:s6], $0x2800  }
0x19: {  	[sflag:s6] =	ssyncset.done $0x0  }
0x1a: {  	s13 =	sadd.s32 s17, s13;
	[sflag:s6] =	ssyncadd.s32 $0xFFFFD800  }
0x1b: {  	[tilespmem:s3], [sflag:$0x2] =	stream.linear.gather [hbm4b:s13+s3], $0x50, $0x38;
	[tilespmem:$0x2C80] =	vst v63  }
0x1c: {  	s14 =	smul.u32 $0x500, s14;
	_ =	swait.ge [sflag:s9], $0x50  }
0x1d: {  	[sflag:s9] =	ssyncset.done $0x0  }
0x1e: {  	s14 =	sadd.s32 s20, s14;
	[sflag:s9] =	ssyncadd.s32 $0xFFFFFFB0  }
0x1f: {  	[tilespmem:s11], [sflag:$0x2] =	stream.linear.gather [hbm4b:s14+s3], $0x2800, $0x38;
	[tilespmem:$0x2C80] =	vst v63  }
0x20: {  	_ =	swait.ge [sflag:s9], $0x2800  }
0x21: {  	[sflag:s9] =	ssyncset.done $0x0  }
0x22: {  	s16 =	sor.u32 $0x40, s18;
	[sflag:s9] =	ssyncadd.s32 $0xFFFFD800  }
0x23: {  	[spmem:s2] =	stream.indirect.scatter.add.f32 [tilespmem:s11], [sflag:$0x1], $0x80, s3, s12, $0xb8;
	[tilespmem:$0x2C80] =	vst v63  }
0x24: {  	s15 =	smul.u32 $0xA, s16;
	_ =	swait.ge [sflag:s6], $0x2800  }
0x25: {  	[sflag:s6] =	ssyncset.done $0x0  }
0x26: {  	s15 =	sadd.s32 s17, s15;
	[sflag:s6] =	ssyncadd.s32 $0xFFFFD800  }
0x27: {  	[tilespmem:s3], [sflag:$0x2] =	stream.linear.gather [hbm4b:s15+s3], $0x50, $0x38;
	[tilespmem:$0x2C80] =	vst v63  }
0x28: {  	s16 =	smul.u32 $0x500, s16;
	_ =	swait.ge [sflag:s9], $0x50  }
0x29: {  	[sflag:s9] =	ssyncset.done $0x0  }
0x2a: {  	s16 =	sadd.s32 s20, s16;
	[sflag:s9] =	ssyncadd.s32 $0xFFFFFFB0  }
0x2b: {  	[tilespmem:s11], [sflag:$0x2] =	stream.linear.gather [hbm4b:s16+s3], $0x2800, $0x38;
	[tilespmem:$0x2C80] =	vst v63  }
0x2c: {  	_ =	swait.ge [sflag:s9], $0x2800  }
0x2d: {  	[sflag:s9] =	ssyncset.done $0x0  }
0x2e: {  	s21 =	sor.u32 $0x60, s18;
	[sflag:s9] =	ssyncadd.s32 $0xFFFFD800  }
0x2f: {  	[spmem:s2] =	stream.indirect.scatter.add.f32 [tilespmem:s11], [sflag:$0x1], $0x80, s3, s12, $0xb8;
	[tilespmem:$0x2C80] =	vst v63  }
0x30: {  	s18 =	smul.u32 $0xA, s21;
	p0 =	sgt.u32 s21, $0x7C;
	_ =	swait.ge [sflag:s6], $0x2800  }
0x31: {  	s19 =	simm.s32 @!p0 $0x2;
	[sflag:s6] =	ssyncset.done $0x0  }
0x32: {  	s17 =	sadd.s32 s17, s18;
	s18 =	simm.s32 @!p0 $0x0;
	[sflag:s6] =	ssyncadd.s32 $0xFFFFD800  }
0x33: {  	[tilespmem:s18], [sflag:$0x2] =	stream.linear.gather @!p0 [hbm4b:s17+s18], $0x50, $0x38;
	[tilespmem:$0x2C80] =	vst v63  }
0x34: {  	s26 =	ssub.s32 $0x2, s25;
	s21 =	smul.u32 $0x500, s21;
	_ =	swait.ge @!p0 [sflag:s19], $0x50  }
0x35: {  	s28 =	sshrl.u32 s26, $0x1;
	[sflag:s19] =	ssyncset.done @!p0 $0x0  }
0x36: {  	s20 =	sadd.s32 s20, s21;
	s21 =	simm.s32 @!p0 $0x80;
	[sflag:s19] =	ssyncadd.s32 @!p0 $0xFFFFFFB0  }
0x37: {  	[tilespmem:s21], [sflag:$0x2] =	stream.linear.gather @!p0 [hbm4b:s20+s18], $0x2800, $0x38;
	[tilespmem:$0x2C80] =	vst v63  }
0x38: {  	s26 =	ssub.s32 s26, s28;
	_ =	swait.ge @!p0 [sflag:s19], $0x2800  }
0x39: {  	s25 =	sshll.u32 s25, $0xB;
	s31 =	smax.u32 s26, $0x1;
	[sflag:s19] =	ssyncset.done @!p0 $0x0  }
0x3a: {  	s22 =	simm.s32 @!p0 $0x50;
	s23 =	simm.s32 @!p0 $0x1;
	[sflag:s19] =	ssyncadd.s32 @!p0 $0xFFFFD800  }
0x3b: {  	[spmem:s2] =	stream.indirect.scatter.add.f32 @!p0 [tilespmem:s21], [sflag:$0x1], $0x80, s18, s22, $0xb8;
	[tilespmem:$0x2C80] =	vst v63  }
0x3c: {  	s24 =	sadd.s32 s25, s24;
	s25 =	sadd.s32 $0xFFFFFFFF, s31;
	_ =	swait.ge @!p0 [sflag:s23], $0x2800  }
0x3d: {  	p1 =	sne.s32 s25, $0x0;
	[sflag:s23] =	ssyncset.done @!p0 $0x0  }
.Ltmp0:
0x3e: {  	[sflag:s23] =	ssyncadd.s32 @!p0 $0xFFFFD800;
	(pc) =	sbr.rel @!p1 .LBB2_2-.Ltmp0, $4  }
0x3f: {  	s24 =	sadd.s32 $0x4A00, s24;
	[bflag:$0x0] =	sbarrier.arrive $0xFFFF  }
0x40: {  	[hbm:s24], [sflag:s5] =	dma.local [spmem:s7], $0x80  }
0x41: {  	_ =	swait.ge [sflag:s6], $0x80  }
0x42: {  	[sflag:s6] =	ssyncset.done $0x0  }
.LBB2_1:
0x43: {  	s25 =	sadd.s32 $0xFFFFFFFF, s25;
	[sflag:s6] =	ssyncadd.s32 $0xFFFFFF80  }
0x44: {  	[spmem:s7], [sflag:s5] =	dma.local [hbm:s4], $0x80  }
0x45: {  	p1 =	sne.s32 s25, $0x0;
	_ =	swait.ge [sflag:s6], $0x80  }
0x46: {  	[sflag:s6] =	ssyncset.done $0x0  }
0x47: {  	[sflag:s6] =	ssyncadd.s32 $0xFFFFFF80  }
0x48: {  	[bflag:$0x0] =	sbarrier.arrive $0xFFFF  }
0x49: {  	[tilespmem:s3], [sflag:$0x2] =	stream.linear.gather [hbm4b:s8+s3], $0x50, $0x38;
	[tilespmem:$0x2C80] =	vst v63  }
0x4a: {  	_ =	swait.ge [sflag:s9], $0x50  }
0x4b: {  	[sflag:s9] =	ssyncset.done $0x0  }
0x4c: {  	[sflag:s9] =	ssyncadd.s32 $0xFFFFFFB0  }
0x4d: {  	[tilespmem:s11], [sflag:$0x2] =	stream.linear.gather [hbm4b:s10+s3], $0x2800, $0x38;
	[tilespmem:$0x2C80] =	vst v63  }
0x4e: {  	_ =	swait.ge [sflag:s9], $0x2800  }
0x4f: {  	[sflag:s9] =	ssyncset.done $0x0  }
0x50: {  	[sflag:s9] =	ssyncadd.s32 $0xFFFFD800  }
0x51: {  	[spmem:s2] =	stream.indirect.scatter.add.f32 [tilespmem:s11], [sflag:$0x1], $0x80, s3, s12, $0xb8;
	[tilespmem:$0x2C80] =	vst v63  }
0x52: {  	_ =	swait.ge [sflag:s6], $0x2800  }
0x53: {  	[sflag:s6] =	ssyncset.done $0x0  }
0x54: {  	[sflag:s6] =	ssyncadd.s32 $0xFFFFD800  }
0x55: {  	[tilespmem:s3], [sflag:$0x2] =	stream.linear.gather [hbm4b:s13+s3], $0x50, $0x38;
	[tilespmem:$0x2C80] =	vst v63  }
0x56: {  	_ =	swait.ge [sflag:s9], $0x50  }
0x57: {  	[sflag:s9] =	ssyncset.done $0x0  }
0x58: {  	[sflag:s9] =	ssyncadd.s32 $0xFFFFFFB0  }
0x59: {  	[tilespmem:s11], [sflag:$0x2] =	stream.linear.gather [hbm4b:s14+s3], $0x2800, $0x38;
	[tilespmem:$0x2C80] =	vst v63  }
0x5a: {  	_ =	swait.ge [sflag:s9], $0x2800  }
0x5b: {  	[sflag:s9] =	ssyncset.done $0x0  }
0x5c: {  	[sflag:s9] =	ssyncadd.s32 $0xFFFFD800  }
0x5d: {  	[spmem:s2] =	stream.indirect.scatter.add.f32 [tilespmem:s11], [sflag:$0x1], $0x80, s3, s12, $0xb8;
	[tilespmem:$0x2C80] =	vst v63  }
0x5e: {  	_ =	swait.ge [sflag:s6], $0x2800  }
0x5f: {  	[sflag:s6] =	ssyncset.done $0x0  }
0x60: {  	[sflag:s6] =	ssyncadd.s32 $0xFFFFD800  }
0x61: {  	[tilespmem:s3], [sflag:$0x2] =	stream.linear.gather [hbm4b:s15+s3], $0x50, $0x38;
	[tilespmem:$0x2C80] =	vst v63  }
0x62: {  	_ =	swait.ge [sflag:s9], $0x50  }
0x63: {  	[sflag:s9] =	ssyncset.done $0x0  }
0x64: {  	[sflag:s9] =	ssyncadd.s32 $0xFFFFFFB0  }
0x65: {  	[tilespmem:s11], [sflag:$0x2] =	stream.linear.gather [hbm4b:s16+s3], $0x2800, $0x38;
	[tilespmem:$0x2C80] =	vst v63  }
0x66: {  	_ =	swait.ge [sflag:s9], $0x2800  }
0x67: {  	[sflag:s9] =	ssyncset.done $0x0  }
0x68: {  	[sflag:s9] =	ssyncadd.s32 $0xFFFFD800  }
0x69: {  	[spmem:s2] =	stream.indirect.scatter.add.f32 [tilespmem:s11], [sflag:$0x1], $0x80, s3, s12, $0xb8;
	[tilespmem:$0x2C80] =	vst v63  }
0x6a: {  	_ =	swait.ge [sflag:s6], $0x2800  }
0x6b: {  	[sflag:s6] =	ssyncset.done $0x0  }
0x6c: {  	[sflag:s6] =	ssyncadd.s32 $0xFFFFD800  }
0x6d: {  	[tilespmem:s18], [sflag:$0x2] =	stream.linear.gather @!p0 [hbm4b:s17+s18], $0x50, $0x38;
	[tilespmem:$0x2C80] =	vst v63  }
0x6e: {  	_ =	swait.ge @!p0 [sflag:s19], $0x50  }
0x6f: {  	[sflag:s19] =	ssyncset.done @!p0 $0x0  }
0x70: {  	[sflag:s19] =	ssyncadd.s32 @!p0 $0xFFFFFFB0  }
0x71: {  	[tilespmem:s21], [sflag:$0x2] =	stream.linear.gather @!p0 [hbm4b:s20+s18], $0x2800, $0x38;
	[tilespmem:$0x2C80] =	vst v63  }
0x72: {  	_ =	swait.ge @!p0 [sflag:s19], $0x2800  }
0x73: {  	[sflag:s19] =	ssyncset.done @!p0 $0x0  }
0x74: {  	[sflag:s19] =	ssyncadd.s32 @!p0 $0xFFFFD800  }
0x75: {  	[spmem:s2] =	stream.indirect.scatter.add.f32 @!p0 [tilespmem:s21], [sflag:$0x1], $0x80, s18, s22, $0xb8;
	[tilespmem:$0x2C80] =	vst v63  }
0x76: {  	_ =	swait.ge @!p0 [sflag:s23], $0x2800  }
0x77: {  	[sflag:s23] =	ssyncset.done @!p0 $0x0  }
.Ltmp1:
0x78: {  	[sflag:s23] =	ssyncadd.s32 @!p0 $0xFFFFD800;
	(pc) =	sbr.rel @p1 .LBB2_1-.Ltmp1, $4  }
0x79: {  	[bflag:$0x0] =	sbarrier.arrive $0xFFFF  }
0x7a: {  	[hbm:s24], [sflag:s5] =	dma.local [spmem:s7], $0x80  }
0x7b: {  	_ =	swait.ge [sflag:s6], $0x80  }
0x7c: {  	[sflag:s6] =	ssyncset.done $0x0  }
.LBB2_2:
0x7d: {  	[sflag:s6] =	ssyncadd.s32 $0xFFFFFF80  }
0x7e: {  	_ =	sfence.sel $0x180000  }
0x7f: {  	[bflag:$0x0] =	sbarrier.arrive $0xFFFF  }
0x80: {  	p0 =	sne.s32 s1, $0x0;
	_ =	strace $0x90000053  }
0x81: {  	s0 =	sadd.s32 @!p0 $0x100000, s0;
	[bflag:$0x2] =	sbarrier.arrive $0xFFFF  }
0x82: {  	[sflag:s0] =	ssyncadd.tile.s32 @!p0 $0x1;
	_ =	shalt  }
.Lfunc_end2:
_tile_overlayer_lowered:
.L_overlay_start_2:
0x83: {  	(tag) =	ssettag $0x2  }
0x84: {  	s0 =	rddreg [dreg:$0x0];
	s2 =	stileid.u32  }
0x85: {  	s1 =	rddreg [dreg:$0x1];
	p0 =	sne.s32 s2, $0x0  }
0x86: {  	s3 =	rddreg [dreg:$0x2];
	[bflag:$0x3] =	sbarrier.arrive $0xFFFF;
	s2 =	simm.s32 @!p0 $0x1C01  }
0x87: {  	[timem:s3], [sflag:s2] =	dma.local @!p0 [hbm:s0], s1  }
0x88: {  	s0 =	simm.s32 @!p0 $0x1  }
0x89: {  	_ =	swait.ge @!p0 [sflag:s0], s1  }
0x8a: {  	s1 =	ssub.s32 @!p0 $0x0, s1;
	[sflag:s0] =	ssyncset.done @!p0 $0x0  }
0x8b: {  	[sflag:s0] =	ssyncadd.s32 @!p0 s1  }
0x8c: {  	[bflag:$0x3] =	sbarrier.arrive $0xFFFF  }
0x8d: {  	_ =	shalt  }

</sc_bundles>
